<compile_context>
chip_gen: v7x
topology: tpu7x:2x2x1
jax: 0.10.2.dev20260603
libtpu: 0.0.44.dev20260713+nightly
codegen_flags: <defaults>
</compile_context>

<pallas_src>
import jax
import jax.numpy as jnp
import numpy as np
from jax import lax
from jax.experimental import pallas as pl
from jax.experimental.pallas import tpu as pltpu
from jax.experimental.pallas import tpu_sc as plsc

KTOP = 64
NQ = 64
V = 1000000
DIM = 32

BLK = 16384
NBLK = (V + BLK - 1) // BLK
SEG = 128
SPB = BLK // SEG
NSEG = NBLK * SPB
NSEGP = 8192
NCAND = KTOP * SEG
NEG = float("-inf")
IBIG = 1 << 24



def _tc_body(ctx_ref, enc_ref, sims_ref, l1_ref):
    b = pl.program_id(0)
    ctx = ctx_ref[...].astype(jnp.bfloat16)
    blk = enc_ref[...].astype(jnp.bfloat16)
    s = jax.lax.dot_general(ctx, blk, (((1,), (0,)), ((), ())),
                            preferred_element_type=jnp.float32)
    s3 = s.reshape(NQ, SPB, SEG)
    sims_ref[...] = s3
    l1_ref[...] = jnp.max(s3, axis=2)

    @pl.when(b == NBLK - 1)
    def _():
        lim = V - (NBLK - 1) * BLK
        col = jax.lax.broadcasted_iota(jnp.int32, (NQ, BLK), 1)
        sm = jnp.where(col < lim, s, NEG)
        l1_ref[...] = jnp.max(sm.reshape(NQ, SPB, SEG), axis=2)


def _tc_pass(queries, enc):
    return pl.pallas_call(
        _tc_body,
        grid=(NBLK,),
        in_specs=[pl.BlockSpec((NQ, DIM), lambda b: (0, 0)),
                  pl.BlockSpec((DIM, BLK), lambda b: (0, b))],
        out_specs=[pl.BlockSpec((NQ, SPB, SEG), lambda b: (0, b, 0)),
                   pl.BlockSpec((NQ, SPB), lambda b: (0, b))],
        out_shape=[jax.ShapeDtypeStruct((NQ, NSEG, SEG), jnp.float32),
                   jax.ShapeDtypeStruct((NQ, NSEG), jnp.float32)],
    )(queries, enc)



def _i16():
    return lax.iota(jnp.int32, 16)


def _build(src, dst, ngroups):
    def g_body(g, c):
        def j_body(j, acc):
            return jnp.maximum(acc, src[pl.ds((g * 16 + j) * 16, 16)])
        acc = lax.fori_loop(0, 16, j_body,
                            jnp.full((16,), NEG, jnp.float32))
        dst[pl.ds(g * 16, 16)] = acc
        return c
    lax.fori_loop(0, ngroups, g_body, 0)


def _rebuild(src, dst, g):
    def j_body(j, acc):
        return jnp.maximum(acc, src[pl.ds((g * 16 + j) * 16, 16)])
    acc = lax.fori_loop(0, 16, j_body, jnp.full((16,), NEG, jnp.float32))
    dst[pl.ds(g * 16, 16)] = acc


def _find_elem(ref, nvregs, v):
    def body(g, best):
        vr = ref[pl.ds(g * 16, 16)]
        enc = jnp.where(vr == v, g * 16 + _i16(), IBIG)
        return jnp.minimum(best, jnp.min(enc))
    return lax.fori_loop(0, nvregs, body, np.int32(IBIG))


def _find_at_lane(ref, base, v, lane):
    def body(j, best):
        vr = ref[pl.ds((base + j) * 16, 16)]
        enc = jnp.where((vr == v) & (_i16() == lane), j, IBIG)
        return jnp.minimum(best, jnp.min(enc))
    return lax.fori_loop(0, 16, body, np.int32(IBIG))


def _kill(ref, vreg, lane):
    off = vreg * 16
    vr = ref[pl.ds(off, 16)]
    ref[pl.ds(off, 16)] = jnp.where(_i16() == lane, NEG, vr)


def _put_i32(ref, p, val):
    off = (p // 16) * 16
    vr = ref[pl.ds(off, 16)]
    ref[pl.ds(off, 16)] = jnp.where(_i16() == (p % 16), val, vr)


def _get_i32(ref, p):
    vr = ref[pl.ds((p // 16) * 16, 16)]
    return jnp.max(jnp.where(_i16() == (p % 16), vr, np.int32(-(1 << 30))))


def _pop(l0, m1, m2, n2):
    def top_body(h, acc):
        return jnp.maximum(acc, m2[pl.ds(h * 16, 16)])
    top = lax.fori_loop(0, n2, top_body, jnp.full((16,), NEG, jnp.float32))
    v = jnp.max(top)
    p2 = _find_elem(m2, n2, v)
    h, lane = p2 // 16, p2 % 16
    j = h * 16 + _find_at_lane(m1, h * 16, v, lane)
    i = j * 16 + _find_at_lane(l0, j * 16, v, lane)
    p = i * 16 + lane
    _kill(l0, i, lane)
    _rebuild(l0, m1, j)
    _rebuild(m1, m2, h)
    return v, p


def _ld2(ref, x):
    return ref[x // 8, pl.ds((x % 8) * 16, 16)]


def _build2(src2, dst, ngroups):
    def g_body(g, c):
        def j_body(j, acc):
            return jnp.maximum(acc, _ld2(src2, g * 16 + j))
        acc = lax.fori_loop(0, 16, j_body,
                            jnp.full((16,), NEG, jnp.float32))
        dst[pl.ds(g * 16, 16)] = acc
        return c
    lax.fori_loop(0, ngroups, g_body, 0)


def _rebuild2(src2, dst, g):
    def j_body(j, acc):
        return jnp.maximum(acc, _ld2(src2, g * 16 + j))
    acc = lax.fori_loop(0, 16, j_body, jnp.full((16,), NEG, jnp.float32))
    dst[pl.ds(g * 16, 16)] = acc


def _find_at_lane2(ref2, base, v, lane):
    def body(j, best):
        vr = _ld2(ref2, base + j)
        enc = jnp.where((vr == v) & (_i16() == lane), j, IBIG)
        return jnp.minimum(best, jnp.min(enc))
    return lax.fori_loop(0, 16, body, np.int32(IBIG))


def _pop_b(c0, c1, c2, n2):
    def top_body(h, acc):
        return jnp.maximum(acc, c2[pl.ds(h * 16, 16)])
    top = lax.fori_loop(0, n2, top_body, jnp.full((16,), NEG, jnp.float32))
    v = jnp.max(top)
    p2 = _find_elem(c2, n2, v)
    h, lane = p2 // 16, p2 % 16
    j = h * 16 + _find_at_lane(c1, h * 16, v, lane)
    i = j * 16 + _find_at_lane2(c0, j * 16, v, lane)
    p = i * 16 + lane
    vr = _ld2(c0, i)
    c0[i // 8, pl.ds((i % 8) * 16, 16)] = jnp.where(_i16() == lane, NEG, vr)
    _rebuild2(c0, c1, j)
    _rebuild(c1, c2, h)
    return v, p


def _select_row(r, l1_ref, sims_ref, l0, m1, m2, cidx, sidx, cval2, c1, c2,
                winq, sem):
    roff = pl.multiple_of(r * NSEG, 8)
    pltpu.sync_copy(l1_ref.at[pl.ds(roff, NSEG)], l0.at[pl.ds(0, NSEG)])

    def fill_body(i, c):
        l0[pl.ds(NSEG + i * 16, 16)] = jnp.full((16,), NEG, jnp.float32)
        return c
    lax.fori_loop(0, (NSEGP - NSEG) // 16, fill_body, 0)

    _build(l0, m1, NSEGP // 256)
    _build(m1, m2, NSEGP // 4096)

    def a_body(t, c):
        _v, p = _pop(l0, m1, m2, NSEGP // 4096)
        base = p * SEG
        _put_i32(sidx, t, r * NSEG + p)

        def c_body(cc, c2_):
            col = base + cc * 16 + _i16()
            cidx[pl.ds(t * SEG + cc * 16, 16)] = jnp.where(col < V, col, -1)
            return c2_
        lax.fori_loop(0, SEG // 16, c_body, 0)
        return c
    lax.fori_loop(0, KTOP, a_body, 0)

    pltpu.async_copy(sims_ref.at[sidx], cval2, sem).wait()

    def mask_body(i, c):
        cc = cidx[pl.ds(i * 16, 16)]
        vv = _ld2(cval2, i)
        cval2[i // 8, pl.ds((i % 8) * 16, 16)] = jnp.where(cc >= 0, vv, NEG)
        return c
    lax.fori_loop(0, NCAND // 16, mask_body, 0)

    _build2(cval2, c1, NCAND // 256)
    _build(c1, c2, NCAND // 4096)

    def b_body(t, c):
        _v, p = _pop_b(cval2, c1, c2, NCAND // 4096)
        _put_i32(winq, t, _get_i32(cidx, p))
        return c
    lax.fori_loop(0, KTOP, b_body, 0)


def _sc_hop1_body(l1_ref, sims_ref, enc_ref, out_ref, l0, m1, m2, cidx,
                  sidx, cval, c1, c2, winq, bande, ncb, sem):
    wid = lax.axis_index("s") * 2 + lax.axis_index("c")

    def row_body(q, c):
        r = wid * 2 + q
        _select_row(r, l1_ref, sims_ref, l0, m1, m2, cidx, sidx, cval,
                    c1, c2, winq, sem)

        def fetch_body(t, c2_):
            col = _get_i32(winq, t)
            colb = pl.multiple_of(8 * (col // 8), 8)
            pltpu.async_copy(enc_ref.at[pl.ds(colb, 8)], bande.at[t], sem)
            return c2_
        lax.fori_loop(0, KTOP, fetch_body, 0)

        def drain_body(t, c2_):
            pltpu.make_async_copy(enc_ref.at[pl.ds(0, 8)],
                                  bande.at[t], sem).wait()
            return c2_
        lax.fori_loop(0, KTOP, drain_body, 0)

        def acc_body(k, accs):
            a0, a1 = accs
            rm = _get_i32(winq, k) % 8
            return (a0 + bande[k, rm, pl.ds(0, 16)],
                    a1 + bande[k, rm, pl.ds(16, 16)])
        z = jnp.zeros((16,), jnp.float32)
        a0, a1 = lax.fori_loop(0, KTOP, acc_body, (z, z))
        ncb[pl.ds(0, 16)] = a0 * (1.0 / KTOP)
        ncb[pl.ds(16, 16)] = a1 * (1.0 / KTOP)
        pltpu.sync_copy(ncb, out_ref.at[pl.ds(pl.multiple_of(r * DIM, 8),
                                              DIM)])
        return c
    lax.fori_loop(0, 2, row_body, 0)


def _sc_hop2_body(l1_ref, sims_ref, out_ref, l0, m1, m2, cidx, sidx,
                  cval, c1, c2, winq, sem):
    wid = lax.axis_index("s") * 2 + lax.axis_index("c")

    def row_body(q, c):
        r = wid * 2 + q
        _select_row(r, l1_ref, sims_ref, l0, m1, m2, cidx, sidx, cval,
                    c1, c2, winq, sem)
        pltpu.sync_copy(winq, out_ref.at[pl.ds(pl.multiple_of(r * KTOP, 8),
                                               KTOP)])
        return c
    lax.fori_loop(0, 2, row_body, 0)


_MESH = plsc.VectorSubcoreMesh(core_axis_name="c", subcore_axis_name="s")

_SC_PARAMS = pltpu.CompilerParams(needs_layout_passes=False,
                                 use_tc_tiling_on_sc=True)

_COMMON_SCRATCH = [
    pltpu.VMEM((NSEGP,), jnp.float32),
    pltpu.VMEM((NSEGP // 16,), jnp.float32),
    pltpu.VMEM((NSEGP // 256,), jnp.float32),
    pltpu.VMEM((NCAND,), jnp.int32),
    pltpu.VMEM((KTOP,), jnp.int32),
    pltpu.VMEM((KTOP, SEG), jnp.float32),
    pltpu.VMEM((NCAND // 16,), jnp.float32),
    pltpu.VMEM((NCAND // 256,), jnp.float32),
    pltpu.VMEM((KTOP,), jnp.int32),
]

_sc_hop1 = pl.kernel(
    _sc_hop1_body, mesh=_MESH,
    compiler_params=_SC_PARAMS,
    out_type=jax.ShapeDtypeStruct((NQ * DIM,), jnp.float32),
    scratch_types=_COMMON_SCRATCH + [
        pltpu.VMEM((KTOP, 8, DIM), jnp.float32),
        pltpu.VMEM((DIM,), jnp.float32),
        pltpu.SemaphoreType.DMA,
    ],
)

_sc_hop2 = pl.kernel(
    _sc_hop2_body, mesh=_MESH,
    compiler_params=_SC_PARAMS,
    out_type=jax.ShapeDtypeStruct((NQ * KTOP,), jnp.int32),
    scratch_types=_COMMON_SCRATCH + [pltpu.SemaphoreType.DMA],
)


def kernel(contexts, enc_ans, enc_ctx):
    sims2, l1a = _tc_pass(contexts, enc_ctx.T)
    nc_flat = _sc_hop1(l1a.reshape(-1), sims2.reshape(NQ * NSEG, SEG),
                       enc_ctx)
    new_contexts = nc_flat.reshape(NQ, DIM)
    sims1, l1b = _tc_pass(new_contexts, enc_ans.T)
    ixs_flat = _sc_hop2(l1b.reshape(-1), sims1.reshape(NQ * NSEG, SEG))
    return ixs_flat.reshape(NQ, KTOP)

# --- scband reference (transcript-rebuilt; emitter-appended) ---
"""Pipeline reference for scband-one-hop-ranker-69020124447184 (READ-ONLY COPY).

The authoritative reference and input builder live on the scoring server;
editing this copy changes nothing except your own understanding.
"""

import jax, jax.numpy as jnp
import numpy as np

K = 64
NC = 64
VOCAB = 1000000
DIM = 32

def setup_inputs(seed: int = 0) -> dict:
    key = jax.random.key(seed)
    k1, k2, k3 = jax.random.split(key, 3)
    contexts = jax.random.normal(k1, (NC, DIM), dtype=jnp.float32)
    enc_ans = jax.random.normal(k2, (VOCAB, DIM), dtype=jnp.float32)
    enc_ctx = jax.random.normal(k3, (VOCAB, DIM), dtype=jnp.float32)
    return {"contexts": contexts, "enc_ans": enc_ans, "enc_ctx": enc_ctx}

def reference(contexts, enc_ans, enc_ctx):
    # ranker2: similarity of queries against context encodings, top-k context ids
    sims2 = contexts @ enc_ctx.T                      # [NC, VOCAB]
    _, c_ixs = jax.lax.top_k(sims2, K)                # [NC, K] int32
    # one-hop: average the k most similar context encodings per query
    gathered = jnp.take(enc_ctx, c_ixs, axis=0)       # [NC, K, DIM] (gather)
    new_contexts = gathered.mean(axis=1)              # [NC, DIM]
    # ranker1: top-k answers for the hopped queries
    sims1 = new_contexts @ enc_ans.T                  # [NC, VOCAB]
    _, ixs = jax.lax.top_k(sims1, K)                  # [NC, K]
    return ixs

if __name__ == "__main__":
    import jax
    _d = setup_inputs()
    print(jax.jit(kernel)(*tuple(_d.values())))

</pallas_src>

<mosaic_0001>
#map = affine_map<(d0, d1) -> (0)>
#map1 = affine_map<(d0, d1) -> (0, 0)>
module attributes {stable_mosaic.version = 14 : i64} {
  func.func @_sc_hop1_body(%arg0: i32, %arg1: i32, %arg2: memref<507904xf32, #tpu.memory_space<hbm>>, %arg3: memref<507904x128xf32, #tpu.memory_space<hbm>>, %arg4: memref<1000000x32xf32, #tpu.memory_space<hbm>>, %arg5: memref<2048xf32, #tpu.memory_space<hbm>>, %arg6: memref<8192xf32, #tpu.memory_space<vmem>>, %arg7: memref<512xf32, #tpu.memory_space<vmem>>, %arg8: memref<32xf32, #tpu.memory_space<vmem>>, %arg9: memref<8192xi32, #tpu.memory_space<vmem>>, %arg10: memref<64xi32, #tpu.memory_space<vmem>>, %arg11: memref<64x128xf32, #tpu.memory_space<vmem>>, %arg12: memref<512xf32, #tpu.memory_space<vmem>>, %arg13: memref<32xf32, #tpu.memory_space<vmem>>, %arg14: memref<64xi32, #tpu.memory_space<vmem>>, %arg15: memref<64x8x32xf32, #tpu.memory_space<vmem>>, %arg16: memref<32xf32, #tpu.memory_space<vmem>>, %arg17: memref<!tpu.dma_semaphore, #tpu.memory_space<semaphore_mem>>) attributes {dimension_semantics = [#tpu.dimension_semantics<core_parallel>, #tpu.dimension_semantics<subcore_parallel>], iteration_bounds = array<i64: 2, 16>, scalar_prefetch = 0 : i64, scratch_operands = 12 : i64, tpu.core_type = #tpu.core_type<sc_vector_subcore>, window_params = [{transform_indices = #map}, {transform_indices = #map1}, {transform_indices = #map1}, {transform_indices = #map}]} {
    %mul3A = arith.constant 2 : i32
    %mul3A_0 = arith.muli %arg1, %mul3A : i32
    %add3A = arith.addi %mul3A_0, %arg0 : i32
    %scan3A = arith.constant 0 : i32
    %scan3A_1 = arith.constant 0 : i32
    %scan3A_2 = arith.constant 2 : i32
    %scan3A_3 = arith.addi %scan3A_1, %scan3A_2 : i32
    %scan3A_4 = arith.constant 1 : i32
    scf.for %scan3A_6 = %scan3A_1 to %scan3A_3 step %scan3A_4  : i32 {
      %mul3A_7 = arith.constant 2 : i32
      %mul3A_8 = arith.muli %add3A, %mul3A_7 : i32
      %add3A_9 = arith.addi %mul3A_8, %scan3A_6 : i32
      %mul3A_10 = arith.constant 7936 : i32
      %mul3A_11 = arith.muli %add3A_9, %mul3A_10 : i32
      %multiple_of3A = tpu.assume_multiple %mul3A_11, 8 : i32
      "tpu.region"() ({
        %run_scoped3A = tpu.sem_alloc : memref<!tpu.dma_semaphore, #tpu.memory_space<semaphore_mem>>
        %dma_start3A_95 = arith.constant 0 : i32
        %dma_start3A_96 = tpu.memref_slice %arg6[%dma_start3A_95] : memref<8192xf32, #tpu.memory_space<vmem>> -> memref<7936xf32, #tpu.memory_space<vmem>>
        %dma_start3A_97 = tpu.memref_slice %arg2[%multiple_of3A] : memref<507904xf32, #tpu.memory_space<hbm>> -> memref<7936xf32, #tpu.memory_space<hbm>>
        %dma_start3A_98 = arith.constant 0 : i32
        %dma_start3A_99 = tpu.memref_slice %arg6[%dma_start3A_98] : memref<8192xf32, #tpu.memory_space<vmem>> -> memref<7936xf32, #tpu.memory_space<vmem>>
        %dma_start3A_100 = tpu.memref_slice %arg2[%multiple_of3A] : memref<507904xf32, #tpu.memory_space<hbm>> -> memref<7936xf32, #tpu.memory_space<hbm>>
        tpu.enqueue_dma source(%dma_start3A_100 : memref<7936xf32, #tpu.memory_space<hbm>>) target(%dma_start3A_99 : memref<7936xf32, #tpu.memory_space<vmem>>) target_semaphore(%run_scoped3A : memref<!tpu.dma_semaphore, #tpu.memory_space<semaphore_mem>>)
        %dma_wait3A_101 = arith.constant 0 : i32
        %dma_wait3A_102 = tpu.memref_slice %arg6[%dma_wait3A_101] : memref<8192xf32, #tpu.memory_space<vmem>> -> memref<7936xf32, #tpu.memory_space<vmem>>
        %dma_wait3A_103 = tpu.memref_slice %arg2[%multiple_of3A] : memref<507904xf32, #tpu.memory_space<hbm>> -> memref<7936xf32, #tpu.memory_space<hbm>>
        %dma_wait3A_104 = arith.constant 0 : i32
        %dma_wait3A_105 = tpu.memref_slice %arg6[%dma_wait3A_104] : memref<8192xf32, #tpu.memory_space<vmem>> -> memref<7936xf32, #tpu.memory_space<vmem>>
        %dma_wait3A_106 = tpu.memref_slice %arg2[%multiple_of3A] : memref<507904xf32, #tpu.memory_space<hbm>> -> memref<7936xf32, #tpu.memory_space<hbm>>
        tpu.wait_dma2 semaphore(%run_scoped3A : memref<!tpu.dma_semaphore, #tpu.memory_space<semaphore_mem>>) src(%dma_wait3A_106 : memref<7936xf32, #tpu.memory_space<hbm>>) dst(%dma_wait3A_105 : memref<7936xf32, #tpu.memory_space<vmem>>)
        tpu.yield
      }) : () -> ()
      %scan3A_12 = arith.constant 0 : i32
      %scan3A_13 = arith.constant 0 : i32
      %scan3A_14 = arith.constant 16 : i32
      %scan3A_15 = arith.addi %scan3A_13, %scan3A_14 : i32
      %scan3A_16 = arith.constant 1 : i32
      scf.for %scan3A_95 = %scan3A_13 to %scan3A_15 step %scan3A_16  : i32 {
        %broadcast_in_dim3A_96 = arith.constant 0xFF800000 : f32
        %broadcast_in_dim3A_97 = vector.broadcast %broadcast_in_dim3A_96 : f32 to vector<16xf32>
        %mul3A_98 = arith.constant 16 : i32
        %mul3A_99 = arith.muli %scan3A_95, %mul3A_98 : i32
        %add3A_100 = arith.constant 7936 : i32
        %add3A_101 = arith.addi %add3A_100, %mul3A_99 : i32
        %swap3A_102 = arith.index_cast %add3A_101 : i32 to index
        %swap3A_103 = tpu.vector_load %arg6[%swap3A_102] {strides = array<i32>} : memref<8192xf32, #tpu.memory_space<vmem>>, vector<16xf32>,
        tpu.vector_store %arg6[%swap3A_102], %broadcast_in_dim3A_97 {strides = array<i32>} : memref<8192xf32, #tpu.memory_space<vmem>>, vector<16xf32>,
      }
      %scan3A_17 = arith.constant 16 : i32
      %scan3A_18 = arith.constant 0 : i32
      %scan3A_19 = arith.constant 0 : i32
      %scan3A_20 = arith.constant 32 : i32
      %scan3A_21 = arith.addi %scan3A_19, %scan3A_20 : i32
      %scan3A_22 = arith.constant 1 : i32
      scf.for %scan3A_95 = %scan3A_19 to %scan3A_21 step %scan3A_22  : i32 {
        %broadcast_in_dim3A_96 = arith.constant 0xFF800000 : f32
        %broadcast_in_dim3A_97 = vector.broadcast %broadcast_in_dim3A_96 : f32 to vector<16xf32>
        %scan3A_98 = arith.constant 0 : i32
        %scan3A_99 = arith.constant 16 : i32
        %scan3A_100 = arith.addi %scan3A_98, %scan3A_99 : i32
        %scan3A_101 = arith.constant 1 : i32
        %scan3A_102 = scf.for %scan3A_108 = %scan3A_98 to %scan3A_100 step %scan3A_101 iter_args(%scan3A_109 = %broadcast_in_dim3A_97) -> (vector<16xf32>)  : i32 {
          %mul3A_110 = arith.constant 16 : i32
          %mul3A_111 = arith.muli %scan3A_95, %mul3A_110 : i32
          %add3A_112 = arith.addi %mul3A_111, %scan3A_108 : i32
          %mul3A_113 = arith.constant 16 : i32
          %mul3A_114 = arith.muli %add3A_112, %mul3A_113 : i32
          %get3A = arith.index_cast %mul3A_114 : i32 to index
          %get3A_115 = tpu.vector_load %arg6[%get3A] {strides = array<i32>} : memref<8192xf32, #tpu.memory_space<vmem>>, vector<16xf32>,
          %max3A = arith.maximumf %scan3A_109, %get3A_115 : vector<16xf32>
          scf.yield %max3A : vector<16xf32>
        }
        %scan3A_103 = arith.constant 16 : i32
        %mul3A_104 = arith.constant 16 : i32
        %mul3A_105 = arith.muli %scan3A_95, %mul3A_104 : i32
        %swap3A_106 = arith.index_cast %mul3A_105 : i32 to index
        %swap3A_107 = tpu.vector_load %arg7[%swap3A_106] {strides = array<i32>} : memref<512xf32, #tpu.memory_space<vmem>>, vector<16xf32>,
        tpu.vector_store %arg7[%swap3A_106], %scan3A_102 {strides = array<i32>} : memref<512xf32, #tpu.memory_space<vmem>>, vector<16xf32>,
      }
      %scan3A_23 = arith.constant 32 : i32
      %scan3A_24 = arith.constant 0 : i32
      %scan3A_25 = arith.constant 0 : i32
      %scan3A_26 = arith.constant 2 : i32
      %scan3A_27 = arith.addi %scan3A_25, %scan3A_26 : i32
      %scan3A_28 = arith.constant 1 : i32
      scf.for %scan3A_95 = %scan3A_25 to %scan3A_27 step %scan3A_28  : i32 {
        %broadcast_in_dim3A_96 = arith.constant 0xFF800000 : f32
        %broadcast_in_dim3A_97 = vector.broadcast %broadcast_in_dim3A_96 : f32 to vector<16xf32>
        %scan3A_98 = arith.constant 0 : i32
        %scan3A_99 = arith.constant 16 : i32
        %scan3A_100 = arith.addi %scan3A_98, %scan3A_99 : i32
        %scan3A_101 = arith.constant 1 : i32
        %scan3A_102 = scf.for %scan3A_108 = %scan3A_98 to %scan3A_100 step %scan3A_101 iter_args(%scan3A_109 = %broadcast_in_dim3A_97) -> (vector<16xf32>)  : i32 {
          %mul3A_110 = arith.constant 16 : i32
          %mul3A_111 = arith.muli %scan3A_95, %mul3A_110 : i32
          %add3A_112 = arith.addi %mul3A_111, %scan3A_108 : i32
          %mul3A_113 = arith.constant 16 : i32
          %mul3A_114 = arith.muli %add3A_112, %mul3A_113 : i32
          %get3A = arith.index_cast %mul3A_114 : i32 to index
          %get3A_115 = tpu.vector_load %arg7[%get3A] {strides = array<i32>} : memref<512xf32, #tpu.memory_space<vmem>>, vector<16xf32>,
          %max3A = arith.maximumf %scan3A_109, %get3A_115 : vector<16xf32>
          scf.yield %max3A : vector<16xf32>
        }
        %scan3A_103 = arith.constant 16 : i32
        %mul3A_104 = arith.constant 16 : i32
        %mul3A_105 = arith.muli %scan3A_95, %mul3A_104 : i32
        %swap3A_106 = arith.index_cast %mul3A_105 : i32 to index
        %swap3A_107 = tpu.vector_load %arg8[%swap3A_106] {strides = array<i32>} : memref<32xf32, #tpu.memory_space<vmem>>, vector<16xf32>,
        tpu.vector_store %arg8[%swap3A_106], %scan3A_102 {strides = array<i32>} : memref<32xf32, #tpu.memory_space<vmem>>, vector<16xf32>,
      }
      %scan3A_29 = arith.constant 2 : i32
      %scan3A_30 = arith.constant 0 : i32
      %scan3A_31 = arith.constant 0 : i32
      %scan3A_32 = arith.constant 64 : i32
      %scan3A_33 = arith.addi %scan3A_31, %scan3A_32 : i32
      %scan3A_34 = arith.constant 1 : i32
      scf.for %scan3A_95 = %scan3A_31 to %scan3A_33 step %scan3A_34  : i32 {
        %broadcast_in_dim3A_96 = arith.constant 0xFF800000 : f32
        %broadcast_in_dim3A_97 = vector.broadcast %broadcast_in_dim3A_96 : f32 to vector<16xf32>
        %scan3A_98 = arith.constant 0 : i32
        %scan3A_99 = arith.constant 2 : i32
        %scan3A_100 = arith.addi %scan3A_98, %scan3A_99 : i32
        %scan3A_101 = arith.constant 1 : i32
        %scan3A_102 = scf.for %scan3A_267 = %scan3A_98 to %scan3A_100 step %scan3A_101 iter_args(%scan3A_268 = %broadcast_in_dim3A_97) -> (vector<16xf32>)  : i32 {
          %mul3A_269 = arith.constant 16 : i32
          %mul3A_270 = arith.muli %scan3A_267, %mul3A_269 : i32
          %get3A_271 = arith.index_cast %mul3A_270 : i32 to index
          %get3A_272 = tpu.vector_load %arg8[%get3A_271] {strides = array<i32>} : memref<32xf32, #tpu.memory_space<vmem>>, vector<16xf32>,
          %max3A = arith.maximumf %scan3A_268, %get3A_272 : vector<16xf32>
          scf.yield %max3A : vector<16xf32>
        }
        %scan3A_103 = arith.constant 2 : i32
        %reduce_max3A = arith.constant true
        %reduce_max3A_104 = vector.broadcast %reduce_max3A : i1 to vector<16xi1>
        %reduce_max3A_105 = tpu.scan <max>, %scan3A_102 masked %reduce_max3A_104 : vector<16xf32>, vector<16xi1> -> vector<16xf32>
        %reduce_max3A_106 = vector.extract %reduce_max3A_105[15] : f32 from vector<16xf32>
        %scan3A_107 = arith.constant 16777216 : i32
        %scan3A_108 = arith.constant 0 : i32
        %scan3A_109 = arith.constant 2 : i32
        %scan3A_110 = arith.addi %scan3A_108, %scan3A_109 : i32
        %scan3A_111 = arith.constant 1 : i32
        %scan3A_112 = scf.for %scan3A_267 = %scan3A_108 to %scan3A_110 step %scan3A_111 iter_args(%scan3A_268 = %scan3A_107) -> (i32)  : i32 {
          %mul3A_269 = arith.constant 16 : i32
          %mul3A_270 = arith.muli %scan3A_267, %mul3A_269 : i32
          %get3A_271 = arith.index_cast %mul3A_270 : i32 to index
          %get3A_272 = tpu.vector_load %arg8[%get3A_271] {strides = array<i32>} : memref<32xf32, #tpu.memory_space<vmem>>, vector<16xf32>,
          %eq3A_273 = vector.broadcast %reduce_max3A_106 : f32 to vector<16xf32>
          %eq3A_274 = arith.cmpf oeq, %get3A_272, %eq3A_273 : vector<16xf32>
          %mul3A_275 = arith.constant 16 : i32
          %mul3A_276 = arith.muli %scan3A_267, %mul3A_275 : i32
          %iota3A_277 = tpu.iota {dimensions = array<i32: 0>} : vector<16xi32>
          %add3A_278 = vector.broadcast %mul3A_276 : i32 to vector<16xi32>
          %add3A_279 = arith.addi %add3A_278, %iota3A_277 : vector<16xi32>
          %jit3A_280 = arith.constant 16777216 : i32
          %broadcast_in_dim3A_281 = vector.broadcast %jit3A_280 : i32 to vector<16xi32>
          %select_n3A_282 = arith.select %eq3A_274, %add3A_279, %broadcast_in_dim3A_281 : vector<16xi1>, vector<16xi32>
          %reduce_min3A = arith.constant true
          %reduce_min3A_283 = vector.broadcast %reduce_min3A : i1 to vector<16xi1>
          %reduce_min3A_284 = arith.constant -2147483648 : i32
          %reduce_min3A_285 = vector.broadcast %reduce_min3A_284 : i32 to vector<16xi32>
          %reduce_min3A_286 = arith.xori %select_n3A_282, %reduce_min3A_285 : vector<16xi32>
          %reduce_min3A_287 = tpu.scan <min>, %reduce_min3A_286 masked %reduce_min3A_283 : vector<16xi32>, vector<16xi1> -> vector<16xi32>
          %reduce_min3A_288 = arith.xori %reduce_min3A_287, %reduce_min3A_285 : vector<16xi32>
          %reduce_min3A_289 = vector.extract %reduce_min3A_288[15] : i32 from vector<16xi32>
          %min3A = arith.minsi %scan3A_268, %reduce_min3A_289 : i32
          scf.yield %min3A : i32
        }
        %scan3A_113 = arith.constant 2 : i32
        %jit3A = arith.constant 16 : i32
        %div3A = arith.divsi %scan3A_112, %jit3A : i32
        %sign3A = arith.constant 0 : i32
        %sign3A_114 = arith.cmpi sgt, %scan3A_112, %sign3A : i32
        %sign3A_115 = arith.extui %sign3A_114 : i1 to i32
        %sign3A_116 = arith.constant 0 : i32
        %sign3A_117 = arith.cmpi slt, %scan3A_112, %sign3A_116 : i32
        %sign3A_118 = arith.extui %sign3A_117 : i1 to i32
        %sign3A_119 = arith.subi %sign3A_115, %sign3A_118 : i32
        %sign3A_120 = arith.constant 0 : i32
        %sign3A_121 = arith.cmpi sgt, %jit3A, %sign3A_120 : i32
        %sign3A_122 = arith.extui %sign3A_121 : i1 to i32
        %sign3A_123 = arith.constant 0 : i32
        %sign3A_124 = arith.cmpi slt, %jit3A, %sign3A_123 : i32
        %sign3A_125 = arith.extui %sign3A_124 : i1 to i32
        %sign3A_126 = arith.subi %sign3A_122, %sign3A_125 : i32
        %ne3A = arith.cmpi ne, %sign3A_119, %sign3A_126 : i32
        %rem3A = arith.remsi %scan3A_112, %jit3A : i32
        %ne3A_127 = arith.constant 0 : i32
        %ne3A_128 = arith.cmpi ne, %rem3A, %ne3A_127 : i32
        %and3A = arith.andi %ne3A, %ne3A_128 : i1
        %sub3A = arith.constant 1 : i32
        %sub3A_129 = arith.subi %div3A, %sub3A : i32
        %select_n3A = arith.select %and3A, %sub3A_129, %div3A : i32
        %jit3A_130 = arith.constant 16 : i32
        %eq3A = arith.constant 0 : i32
        %eq3A_131 = arith.cmpi eq, %jit3A_130, %eq3A : i32
        %jit3A_132 = arith.constant 1 : i32
        %select_n3A_133 = arith.select %eq3A_131, %jit3A_132, %jit3A_130 : i32
        %rem3A_134 = arith.remsi %scan3A_112, %select_n3A_133 : i32
        %ne3A_135 = arith.constant 0 : i32
        %ne3A_136 = arith.cmpi ne, %rem3A_134, %ne3A_135 : i32
        %lt3A = arith.constant 0 : i32
        %lt3A_137 = arith.cmpi slt, %rem3A_134, %lt3A : i32
        %lt3A_138 = arith.constant 0 : i32
        %lt3A_139 = arith.cmpi slt, %select_n3A_133, %lt3A_138 : i32
        %ne3A_140 = arith.xori %lt3A_137, %lt3A_139 : i1
        %and3A_141 = arith.andi %ne3A_140, %ne3A_136 : i1
        %add3A_142 = arith.addi %rem3A_134, %select_n3A_133 : i32
        %select_n3A_143 = arith.select %and3A_141, %add3A_142, %rem3A_134 : i32
        %mul3A_144 = arith.constant 16 : i32
        %mul3A_145 = arith.muli %select_n3A, %mul3A_144 : i32
        %mul3A_146 = arith.constant 16 : i32
        %mul3A_147 = arith.muli %select_n3A, %mul3A_146 : i32
        %scan3A_148 = arith.constant 16777216 : i32
        %scan3A_149 = arith.constant 0 : i32
        %scan3A_150 = arith.constant 16 : i32
        %scan3A_151 = arith.addi %scan3A_149, %scan3A_150 : i32
        %scan3A_152 = arith.constant 1 : i32
        %scan3A_153 = scf.for %scan3A_267 = %scan3A_149 to %scan3A_151 step %scan3A_152 iter_args(%scan3A_268 = %scan3A_148) -> (i32)  : i32 {
          %add3A_269 = arith.addi %mul3A_147, %scan3A_267 : i32
          %mul3A_270 = arith.constant 16 : i32
          %mul3A_271 = arith.muli %add3A_269, %mul3A_270 : i32
          %get3A_272 = arith.index_cast %mul3A_271 : i32 to index
          %get3A_273 = tpu.vector_load %arg7[%get3A_272] {strides = array<i32>} : memref<512xf32, #tpu.memory_space<vmem>>, vector<16xf32>,
          %eq3A_274 = vector.broadcast %reduce_max3A_106 : f32 to vector<16xf32>
          %eq3A_275 = arith.cmpf oeq, %get3A_273, %eq3A_274 : vector<16xf32>
          %iota3A_276 = tpu.iota {dimensions = array<i32: 0>} : vector<16xi32>
          %eq3A_277 = vector.broadcast %select_n3A_143 : i32 to vector<16xi32>
          %eq3A_278 = arith.cmpi eq, %iota3A_276, %eq3A_277 : vector<16xi32>
          %and3A_279 = arith.andi %eq3A_275, %eq3A_278 : vector<16xi1>
          %jit3A_280 = arith.constant 16777216 : i32
          %broadcast_in_dim3A_281 = vector.broadcast %scan3A_267 : i32 to vector<16xi32>
          %broadcast_in_dim3A_282 = vector.broadcast %jit3A_280 : i32 to vector<16xi32>
          %select_n3A_283 = arith.select %and3A_279, %broadcast_in_dim3A_281, %broadcast_in_dim3A_282 : vector<16xi1>, vector<16xi32>
          %reduce_min3A = arith.constant true
          %reduce_min3A_284 = vector.broadcast %reduce_min3A : i1 to vector<16xi1>
          %reduce_min3A_285 = arith.constant -2147483648 : i32
          %reduce_min3A_286 = vector.broadcast %reduce_min3A_285 : i32 to vector<16xi32>
          %reduce_min3A_287 = arith.xori %select_n3A_283, %reduce_min3A_286 : vector<16xi32>
          %reduce_min3A_288 = tpu.scan <min>, %reduce_min3A_287 masked %reduce_min3A_284 : vector<16xi32>, vector<16xi1> -> vector<16xi32>
          %reduce_min3A_289 = arith.xori %reduce_min3A_288, %reduce_min3A_286 : vector<16xi32>
          %reduce_min3A_290 = vector.extract %reduce_min3A_289[15] : i32 from vector<16xi32>
          %min3A = arith.minsi %scan3A_268, %reduce_min3A_290 : i32
          scf.yield %min3A : i32
        }
        %scan3A_154 = arith.constant 16 : i32
        %add3A_155 = arith.addi %mul3A_145, %scan3A_153 : i32
        %mul3A_156 = arith.constant 16 : i32
        %mul3A_157 = arith.muli %add3A_155, %mul3A_156 : i32
        %mul3A_158 = arith.constant 16 : i32
        %mul3A_159 = arith.muli %add3A_155, %mul3A_158 : i32
        %scan3A_160 = arith.constant 16777216 : i32
        %scan3A_161 = arith.constant 0 : i32
        %scan3A_162 = arith.constant 16 : i32
        %scan3A_163 = arith.addi %scan3A_161, %scan3A_162 : i32
        %scan3A_164 = arith.constant 1 : i32
        %scan3A_165 = scf.for %scan3A_267 = %scan3A_161 to %scan3A_163 step %scan3A_164 iter_args(%scan3A_268 = %scan3A_160) -> (i32)  : i32 {
          %add3A_269 = arith.addi %mul3A_159, %scan3A_267 : i32
          %mul3A_270 = arith.constant 16 : i32
          %mul3A_271 = arith.muli %add3A_269, %mul3A_270 : i32
          %get3A_272 = arith.index_cast %mul3A_271 : i32 to index
          %get3A_273 = tpu.vector_load %arg6[%get3A_272] {strides = array<i32>} : memref<8192xf32, #tpu.memory_space<vmem>>, vector<16xf32>,
          %eq3A_274 = vector.broadcast %reduce_max3A_106 : f32 to vector<16xf32>
          %eq3A_275 = arith.cmpf oeq, %get3A_273, %eq3A_274 : vector<16xf32>
          %iota3A_276 = tpu.iota {dimensions = array<i32: 0>} : vector<16xi32>
          %eq3A_277 = vector.broadcast %select_n3A_143 : i32 to vector<16xi32>
          %eq3A_278 = arith.cmpi eq, %iota3A_276, %eq3A_277 : vector<16xi32>
          %and3A_279 = arith.andi %eq3A_275, %eq3A_278 : vector<16xi1>
          %jit3A_280 = arith.constant 16777216 : i32
          %broadcast_in_dim3A_281 = vector.broadcast %scan3A_267 : i32 to vector<16xi32>
          %broadcast_in_dim3A_282 = vector.broadcast %jit3A_280 : i32 to vector<16xi32>
          %select_n3A_283 = arith.select %and3A_279, %broadcast_in_dim3A_281, %broadcast_in_dim3A_282 : vector<16xi1>, vector<16xi32>
          %reduce_min3A = arith.constant true
          %reduce_min3A_284 = vector.broadcast %reduce_min3A : i1 to vector<16xi1>
          %reduce_min3A_285 = arith.constant -2147483648 : i32
          %reduce_min3A_286 = vector.broadcast %reduce_min3A_285 : i32 to vector<16xi32>
          %reduce_min3A_287 = arith.xori %select_n3A_283, %reduce_min3A_286 : vector<16xi32>
          %reduce_min3A_288 = tpu.scan <min>, %reduce_min3A_287 masked %reduce_min3A_284 : vector<16xi32>, vector<16xi1> -> vector<16xi32>
          %reduce_min3A_289 = arith.xori %reduce_min3A_288, %reduce_min3A_286 : vector<16xi32>
          %reduce_min3A_290 = vector.extract %reduce_min3A_289[15] : i32 from vector<16xi32>
          %min3A = arith.minsi %scan3A_268, %reduce_min3A_290 : i32
          scf.yield %min3A : i32
        }
        %scan3A_166 = arith.constant 16 : i32
        %add3A_167 = arith.addi %mul3A_157, %scan3A_165 : i32
        %mul3A_168 = arith.constant 16 : i32
        %mul3A_169 = arith.muli %add3A_167, %mul3A_168 : i32
        %add3A_170 = arith.addi %mul3A_169, %select_n3A_143 : i32
        %mul3A_171 = arith.constant 16 : i32
        %mul3A_172 = arith.muli %add3A_167, %mul3A_171 : i32
        %get3A = arith.index_cast %mul3A_172 : i32 to index
        %get3A_173 = tpu.vector_load %arg6[%get3A] {strides = array<i32>} : memref<8192xf32, #tpu.memory_space<vmem>>, vector<16xf32>,
        %iota3A = tpu.iota {dimensions = array<i32: 0>} : vector<16xi32>
        %eq3A_174 = vector.broadcast %select_n3A_143 : i32 to vector<16xi32>
        %eq3A_175 = arith.cmpi eq, %iota3A, %eq3A_174 : vector<16xi32>
        %jit3A_176 = arith.constant 0xFF800000 : f32
        %broadcast_in_dim3A_177 = vector.broadcast %jit3A_176 : f32 to vector<16xf32>
        %select_n3A_178 = arith.select %eq3A_175, %broadcast_in_dim3A_177, %get3A_173 : vector<16xi1>, vector<16xf32>
        %swap3A_179 = arith.index_cast %mul3A_172 : i32 to index
        %swap3A_180 = tpu.vector_load %arg6[%swap3A_179] {strides = array<i32>} : memref<8192xf32, #tpu.memory_space<vmem>>, vector<16xf32>,
        tpu.vector_store %arg6[%swap3A_179], %select_n3A_178 {strides = array<i32>} : memref<8192xf32, #tpu.memory_space<vmem>>, vector<16xf32>,
        %broadcast_in_dim3A_181 = arith.constant 0xFF800000 : f32
        %broadcast_in_dim3A_182 = vector.broadcast %broadcast_in_dim3A_181 : f32 to vector<16xf32>
        %scan3A_183 = arith.constant 0 : i32
        %scan3A_184 = arith.constant 16 : i32
        %scan3A_185 = arith.addi %scan3A_183, %scan3A_184 : i32
        %scan3A_186 = arith.constant 1 : i32
        %scan3A_187 = scf.for %scan3A_267 = %scan3A_183 to %scan3A_185 step %scan3A_186 iter_args(%scan3A_268 = %broadcast_in_dim3A_182) -> (vector<16xf32>)  : i32 {
          %mul3A_269 = arith.constant 16 : i32
          %mul3A_270 = arith.muli %add3A_155, %mul3A_269 : i32
          %add3A_271 = arith.addi %mul3A_270, %scan3A_267 : i32
          %mul3A_272 = arith.constant 16 : i32
          %mul3A_273 = arith.muli %add3A_271, %mul3A_272 : i32
          %get3A_274 = arith.index_cast %mul3A_273 : i32 to index
          %get3A_275 = tpu.vector_load %arg6[%get3A_274] {strides = array<i32>} : memref<8192xf32, #tpu.memory_space<vmem>>, vector<16xf32>,
          %max3A = arith.maximumf %scan3A_268, %get3A_275 : vector<16xf32>
          scf.yield %max3A : vector<16xf32>
        }
        %scan3A_188 = arith.constant 16 : i32
        %mul3A_189 = arith.constant 16 : i32
        %mul3A_190 = arith.muli %add3A_155, %mul3A_189 : i32
        %swap3A_191 = arith.index_cast %mul3A_190 : i32 to index
        %swap3A_192 = tpu.vector_load %arg7[%swap3A_191] {strides = array<i32>} : memref<512xf32, #tpu.memory_space<vmem>>, vector<16xf32>,
        tpu.vector_store %arg7[%swap3A_191], %scan3A_187 {strides = array<i32>} : memref<512xf32, #tpu.memory_space<vmem>>, vector<16xf32>,
        %broadcast_in_dim3A_193 = arith.constant 0xFF800000 : f32
        %broadcast_in_dim3A_194 = vector.broadcast %broadcast_in_dim3A_193 : f32 to vector<16xf32>
        %scan3A_195 = arith.constant 0 : i32
        %scan3A_196 = arith.constant 16 : i32
        %scan3A_197 = arith.addi %scan3A_195, %scan3A_196 : i32
        %scan3A_198 = arith.constant 1 : i32
        %scan3A_199 = scf.for %scan3A_267 = %scan3A_195 to %scan3A_197 step %scan3A_198 iter_args(%scan3A_268 = %broadcast_in_dim3A_194) -> (vector<16xf32>)  : i32 {
          %mul3A_269 = arith.constant 16 : i32
          %mul3A_270 = arith.muli %select_n3A, %mul3A_269 : i32
          %add3A_271 = arith.addi %mul3A_270, %scan3A_267 : i32
          %mul3A_272 = arith.constant 16 : i32
          %mul3A_273 = arith.muli %add3A_271, %mul3A_272 : i32
          %get3A_274 = arith.index_cast %mul3A_273 : i32 to index
          %get3A_275 = tpu.vector_load %arg7[%get3A_274] {strides = array<i32>} : memref<512xf32, #tpu.memory_space<vmem>>, vector<16xf32>,
          %max3A = arith.maximumf %scan3A_268, %get3A_275 : vector<16xf32>
          scf.yield %max3A : vector<16xf32>
        }
        %scan3A_200 = arith.constant 16 : i32
        %mul3A_201 = arith.constant 16 : i32
        %mul3A_202 = arith.muli %select_n3A, %mul3A_201 : i32
        %swap3A_203 = arith.index_cast %mul3A_202 : i32 to index
        %swap3A_204 = tpu.vector_load %arg8[%swap3A_203] {strides = array<i32>} : memref<32xf32, #tpu.memory_space<vmem>>, vector<16xf32>,
        tpu.vector_store %arg8[%swap3A_203], %scan3A_199 {strides = array<i32>} : memref<32xf32, #tpu.memory_space<vmem>>, vector<16xf32>,
        %mul3A_205 = arith.constant 128 : i32
        %mul3A_206 = arith.muli %add3A_170, %mul3A_205 : i32
        %mul3A_207 = arith.constant 7936 : i32
        %mul3A_208 = arith.muli %add3A_9, %mul3A_207 : i32
        %add3A_209 = arith.addi %mul3A_208, %add3A_170 : i32
        %jit3A_210 = arith.constant 16 : i32
        %div3A_211 = arith.divsi %scan3A_95, %jit3A_210 : i32
        %sign3A_212 = arith.constant 0 : i32
        %sign3A_213 = arith.cmpi sgt, %scan3A_95, %sign3A_212 : i32
        %sign3A_214 = arith.extui %sign3A_213 : i1 to i32
        %sign3A_215 = arith.constant 0 : i32
        %sign3A_216 = arith.cmpi slt, %scan3A_95, %sign3A_215 : i32
        %sign3A_217 = arith.extui %sign3A_216 : i1 to i32
        %sign3A_218 = arith.subi %sign3A_214, %sign3A_217 : i32
        %sign3A_219 = arith.constant 0 : i32
        %sign3A_220 = arith.cmpi sgt, %jit3A_210, %sign3A_219 : i32
        %sign3A_221 = arith.extui %sign3A_220 : i1 to i32
        %sign3A_222 = arith.constant 0 : i32
        %sign3A_223 = arith.cmpi slt, %jit3A_210, %sign3A_222 : i32
        %sign3A_224 = arith.extui %sign3A_223 : i1 to i32
        %sign3A_225 = arith.subi %sign3A_221, %sign3A_224 : i32
        %ne3A_226 = arith.cmpi ne, %sign3A_218, %sign3A_225 : i32
        %rem3A_227 = arith.remsi %scan3A_95, %jit3A_210 : i32
        %ne3A_228 = arith.constant 0 : i32
        %ne3A_229 = arith.cmpi ne, %rem3A_227, %ne3A_228 : i32
        %and3A_230 = arith.andi %ne3A_226, %ne3A_229 : i1
        %sub3A_231 = arith.constant 1 : i32
        %sub3A_232 = arith.subi %div3A_211, %sub3A_231 : i32
        %select_n3A_233 = arith.select %and3A_230, %sub3A_232, %div3A_211 : i32
        %mul3A_234 = arith.constant 16 : i32
        %mul3A_235 = arith.muli %select_n3A_233, %mul3A_234 : i32
        %get3A_236 = arith.index_cast %mul3A_235 : i32 to index
        %get3A_237 = tpu.vector_load %arg10[%get3A_236] {strides = array<i32>} : memref<64xi32, #tpu.memory_space<vmem>>, vector<16xi32>,
        %iota3A_238 = tpu.iota {dimensions = array<i32: 0>} : vector<16xi32>
        %jit3A_239 = arith.constant 16 : i32
        %eq3A_240 = arith.constant 0 : i32
        %eq3A_241 = arith.cmpi eq, %jit3A_239, %eq3A_240 : i32
        %jit3A_242 = arith.constant 1 : i32
        %select_n3A_243 = arith.select %eq3A_241, %jit3A_242, %jit3A_239 : i32
        %rem3A_244 = arith.remsi %scan3A_95, %select_n3A_243 : i32
        %ne3A_245 = arith.constant 0 : i32
        %ne3A_246 = arith.cmpi ne, %rem3A_244, %ne3A_245 : i32
        %lt3A_247 = arith.constant 0 : i32
        %lt3A_248 = arith.cmpi slt, %rem3A_244, %lt3A_247 : i32
        %lt3A_249 = arith.constant 0 : i32
        %lt3A_250 = arith.cmpi slt, %select_n3A_243, %lt3A_249 : i32
        %ne3A_251 = arith.xori %lt3A_248, %lt3A_250 : i1
        %and3A_252 = arith.andi %ne3A_251, %ne3A_246 : i1
        %add3A_253 = arith.addi %rem3A_244, %select_n3A_243 : i32
        %select_n3A_254 = arith.select %and3A_252, %add3A_253, %rem3A_244 : i32
        %eq3A_255 = vector.broadcast %select_n3A_254 : i32 to vector<16xi32>
        %eq3A_256 = arith.cmpi eq, %iota3A_238, %eq3A_255 : vector<16xi32>
        %broadcast_in_dim3A_257 = vector.broadcast %add3A_209 : i32 to vector<16xi32>
        %select_n3A_258 = arith.select %eq3A_256, %broadcast_in_dim3A_257, %get3A_237 : vector<16xi1>, vector<16xi32>
        %swap3A_259 = arith.index_cast %mul3A_235 : i32 to index
        %swap3A_260 = tpu.vector_load %arg10[%swap3A_259] {strides = array<i32>} : memref<64xi32, #tpu.memory_space<vmem>>, vector<16xi32>,
        tpu.vector_store %arg10[%swap3A_259], %select_n3A_258 {strides = array<i32>} : memref<64xi32, #tpu.memory_space<vmem>>, vector<16xi32>,
        %scan3A_261 = arith.constant 0 : i32
        %scan3A_262 = arith.constant 0 : i32
        %scan3A_263 = arith.constant 8 : i32
        %scan3A_264 = arith.addi %scan3A_262, %scan3A_263 : i32
        %scan3A_265 = arith.constant 1 : i32
        scf.for %scan3A_267 = %scan3A_262 to %scan3A_264 step %scan3A_265  : i32 {
          %mul3A_268 = arith.constant 16 : i32
          %mul3A_269 = arith.muli %scan3A_267, %mul3A_268 : i32
          %add3A_270 = arith.addi %mul3A_206, %mul3A_269 : i32
          %iota3A_271 = tpu.iota {dimensions = array<i32: 0>} : vector<16xi32>
          %add3A_272 = vector.broadcast %add3A_270 : i32 to vector<16xi32>
          %add3A_273 = arith.addi %add3A_272, %iota3A_271 : vector<16xi32>
          %lt3A_274 = arith.constant 1000000 : i32
          %lt3A_275 = vector.broadcast %lt3A_274 : i32 to vector<16xi32>
          %lt3A_276 = arith.cmpi slt, %add3A_273, %lt3A_275 : vector<16xi32>
          %jit3A_277 = arith.constant -1 : i32
          %broadcast_in_dim3A_278 = vector.broadcast %jit3A_277 : i32 to vector<16xi32>
          %select_n3A_279 = arith.select %lt3A_276, %add3A_273, %broadcast_in_dim3A_278 : vector<16xi1>, vector<16xi32>
          %mul3A_280 = arith.constant 128 : i32
          %mul3A_281 = arith.muli %scan3A_95, %mul3A_280 : i32
          %mul3A_282 = arith.constant 16 : i32
          %mul3A_283 = arith.muli %scan3A_267, %mul3A_282 : i32
          %add3A_284 = arith.addi %mul3A_281, %mul3A_283 : i32
          %swap3A_285 = arith.index_cast %add3A_284 : i32 to index
          %swap3A_286 = tpu.vector_load %arg9[%swap3A_285] {strides = array<i32>} : memref<8192xi32, #tpu.memory_space<vmem>>, vector<16xi32>,
          tpu.vector_store %arg9[%swap3A_285], %select_n3A_279 {strides = array<i32>} : memref<8192xi32, #tpu.memory_space<vmem>>, vector<16xi32>,
        }
        %scan3A_266 = arith.constant 8 : i32
      }
      %scan3A_35 = arith.constant 64 : i32
      %dma_start3A = arith.constant 0 : i32
      %dma_start3A_36 = arith.constant 0 : i32
      %dma_start3A_37 = tpu.memref_slice %arg3[%dma_start3A, %dma_start3A_36] : memref<507904x128xf32, #tpu.memory_space<hbm>> -> memref<507904x128xf32, #tpu.memory_space<hbm>>
      tpu.enqueue_indirect_dma source(%dma_start3A_37 : memref<507904x128xf32, #tpu.memory_space<hbm>>) target(%arg11 : memref<64x128xf32, #tpu.memory_space<vmem>>) offsets(%arg10 : memref<64xi32, #tpu.memory_space<vmem>>) semaphore(%arg17 : memref<!tpu.dma_semaphore, #tpu.memory_space<semaphore_mem>>)
      %dma_wait3A = arith.constant 0 : i32
      %dma_wait3A_38 = arith.constant 0 : i32
      %dma_wait3A_39 = tpu.memref_slice %arg3[%dma_wait3A, %dma_wait3A_38] : memref<507904x128xf32, #tpu.memory_space<hbm>> -> memref<507904x128xf32, #tpu.memory_space<hbm>>
      tpu.wait_indirect_dma semaphore(%arg17 : memref<!tpu.dma_semaphore, #tpu.memory_space<semaphore_mem>>) src(%dma_wait3A_39 : memref<507904x128xf32, #tpu.memory_space<hbm>>) dst(%arg11 : memref<64x128xf32, #tpu.memory_space<vmem>>)
      %scan3A_40 = arith.constant 0 : i32
      %scan3A_41 = arith.constant 0 : i32
      %scan3A_42 = arith.constant 512 : i32
      %scan3A_43 = arith.addi %scan3A_41, %scan3A_42 : i32
      %scan3A_44 = arith.constant 1 : i32
      scf.for %scan3A_95 = %scan3A_41 to %scan3A_43 step %scan3A_44  : i32 {
        %mul3A_96 = arith.constant 16 : i32
        %mul3A_97 = arith.muli %scan3A_95, %mul3A_96 : i32
        %get3A = arith.index_cast %mul3A_97 : i32 to index
        %get3A_98 = tpu.vector_load %arg9[%get3A] {strides = array<i32>} : memref<8192xi32, #tpu.memory_space<vmem>>, vector<16xi32>,
        %jit3A = arith.constant 8 : i32
        %div3A = arith.divsi %scan3A_95, %jit3A : i32
        %sign3A = arith.constant 0 : i32
        %sign3A_99 = arith.cmpi sgt, %scan3A_95, %sign3A : i32
        %sign3A_100 = arith.extui %sign3A_99 : i1 to i32
        %sign3A_101 = arith.constant 0 : i32
        %sign3A_102 = arith.cmpi slt, %scan3A_95, %sign3A_101 : i32
        %sign3A_103 = arith.extui %sign3A_102 : i1 to i32
        %sign3A_104 = arith.subi %sign3A_100, %sign3A_103 : i32
        %sign3A_105 = arith.constant 0 : i32
        %sign3A_106 = arith.cmpi sgt, %jit3A, %sign3A_105 : i32
        %sign3A_107 = arith.extui %sign3A_106 : i1 to i32
        %sign3A_108 = arith.constant 0 : i32
        %sign3A_109 = arith.cmpi slt, %jit3A, %sign3A_108 : i32
        %sign3A_110 = arith.extui %sign3A_109 : i1 to i32
        %sign3A_111 = arith.subi %sign3A_107, %sign3A_110 : i32
        %ne3A = arith.cmpi ne, %sign3A_104, %sign3A_111 : i32
        %rem3A = arith.remsi %scan3A_95, %jit3A : i32
        %ne3A_112 = arith.constant 0 : i32
        %ne3A_113 = arith.cmpi ne, %rem3A, %ne3A_112 : i32
        %and3A = arith.andi %ne3A, %ne3A_113 : i1
        %sub3A = arith.constant 1 : i32
        %sub3A_114 = arith.subi %div3A, %sub3A : i32
        %select_n3A = arith.select %and3A, %sub3A_114, %div3A : i32
        %jit3A_115 = arith.constant 8 : i32
        %eq3A = arith.constant 0 : i32
        %eq3A_116 = arith.cmpi eq, %jit3A_115, %eq3A : i32
        %jit3A_117 = arith.constant 1 : i32
        %select_n3A_118 = arith.select %eq3A_116, %jit3A_117, %jit3A_115 : i32
        %rem3A_119 = arith.remsi %scan3A_95, %select_n3A_118 : i32
        %ne3A_120 = arith.constant 0 : i32
        %ne3A_121 = arith.cmpi ne, %rem3A_119, %ne3A_120 : i32
        %lt3A = arith.constant 0 : i32
        %lt3A_122 = arith.cmpi slt, %rem3A_119, %lt3A : i32
        %lt3A_123 = arith.constant 0 : i32
        %lt3A_124 = arith.cmpi slt, %select_n3A_118, %lt3A_123 : i32
        %ne3A_125 = arith.xori %lt3A_122, %lt3A_124 : i1
        %and3A_126 = arith.andi %ne3A_125, %ne3A_121 : i1
        %add3A_127 = arith.addi %rem3A_119, %select_n3A_118 : i32
        %select_n3A_128 = arith.select %and3A_126, %add3A_127, %rem3A_119 : i32
        %mul3A_129 = arith.constant 16 : i32
        %mul3A_130 = arith.muli %select_n3A_128, %mul3A_129 : i32
        %get3A_131 = arith.index_cast %select_n3A : i32 to index
        %get3A_132 = arith.index_cast %mul3A_130 : i32 to index
        %get3A_133 = tpu.vector_load %arg11[%get3A_131, %get3A_132] {strides = array<i32>} : memref<64x128xf32, #tpu.memory_space<vmem>>, vector<16xf32>,
        %ge3A = arith.constant 0 : i32
        %ge3A_134 = vector.broadcast %ge3A : i32 to vector<16xi32>
        %ge3A_135 = arith.cmpi sge, %get3A_98, %ge3A_134 : vector<16xi32>
        %jit3A_136 = arith.constant 0xFF800000 : f32
        %broadcast_in_dim3A_137 = vector.broadcast %jit3A_136 : f32 to vector<16xf32>
        %select_n3A_138 = arith.select %ge3A_135, %get3A_133, %broadcast_in_dim3A_137 : vector<16xi1>, vector<16xf32>
        %jit3A_139 = arith.constant 8 : i32
        %div3A_140 = arith.divsi %scan3A_95, %jit3A_139 : i32
        %sign3A_141 = arith.constant 0 : i32
        %sign3A_142 = arith.cmpi sgt, %scan3A_95, %sign3A_141 : i32
        %sign3A_143 = arith.extui %sign3A_142 : i1 to i32
        %sign3A_144 = arith.constant 0 : i32
        %sign3A_145 = arith.cmpi slt, %scan3A_95, %sign3A_144 : i32
        %sign3A_146 = arith.extui %sign3A_145 : i1 to i32
        %sign3A_147 = arith.subi %sign3A_143, %sign3A_146 : i32
        %sign3A_148 = arith.constant 0 : i32
        %sign3A_149 = arith.cmpi sgt, %jit3A_139, %sign3A_148 : i32
        %sign3A_150 = arith.extui %sign3A_149 : i1 to i32
        %sign3A_151 = arith.constant 0 : i32
        %sign3A_152 = arith.cmpi slt, %jit3A_139, %sign3A_151 : i32
        %sign3A_153 = arith.extui %sign3A_152 : i1 to i32
        %sign3A_154 = arith.subi %sign3A_150, %sign3A_153 : i32
        %ne3A_155 = arith.cmpi ne, %sign3A_147, %sign3A_154 : i32
        %rem3A_156 = arith.remsi %scan3A_95, %jit3A_139 : i32
        %ne3A_157 = arith.constant 0 : i32
        %ne3A_158 = arith.cmpi ne, %rem3A_156, %ne3A_157 : i32
        %and3A_159 = arith.andi %ne3A_155, %ne3A_158 : i1
        %sub3A_160 = arith.constant 1 : i32
        %sub3A_161 = arith.subi %div3A_140, %sub3A_160 : i32
        %select_n3A_162 = arith.select %and3A_159, %sub3A_161, %div3A_140 : i32
        %jit3A_163 = arith.constant 8 : i32
        %eq3A_164 = arith.constant 0 : i32
        %eq3A_165 = arith.cmpi eq, %jit3A_163, %eq3A_164 : i32
        %jit3A_166 = arith.constant 1 : i32
        %select_n3A_167 = arith.select %eq3A_165, %jit3A_166, %jit3A_163 : i32
        %rem3A_168 = arith.remsi %scan3A_95, %select_n3A_167 : i32
        %ne3A_169 = arith.constant 0 : i32
        %ne3A_170 = arith.cmpi ne, %rem3A_168, %ne3A_169 : i32
        %lt3A_171 = arith.constant 0 : i32
        %lt3A_172 = arith.cmpi slt, %rem3A_168, %lt3A_171 : i32
        %lt3A_173 = arith.constant 0 : i32
        %lt3A_174 = arith.cmpi slt, %select_n3A_167, %lt3A_173 : i32
        %ne3A_175 = arith.xori %lt3A_172, %lt3A_174 : i1
        %and3A_176 = arith.andi %ne3A_175, %ne3A_170 : i1
        %add3A_177 = arith.addi %rem3A_168, %select_n3A_167 : i32
        %select_n3A_178 = arith.select %and3A_176, %add3A_177, %rem3A_168 : i32
        %mul3A_179 = arith.constant 16 : i32
        %mul3A_180 = arith.muli %select_n3A_178, %mul3A_179 : i32
        %swap3A_181 = arith.index_cast %select_n3A_162 : i32 to index
        %swap3A_182 = arith.index_cast %mul3A_180 : i32 to index
        %swap3A_183 = tpu.vector_load %arg11[%swap3A_181, %swap3A_182] {strides = array<i32>} : memref<64x128xf32, #tpu.memory_space<vmem>>, vector<16xf32>,
        tpu.vector_store %arg11[%swap3A_181, %swap3A_182], %select_n3A_138 {strides = array<i32>} : memref<64x128xf32, #tpu.memory_space<vmem>>, vector<16xf32>,
      }
      %scan3A_45 = arith.constant 512 : i32
      %scan3A_46 = arith.constant 0 : i32
      %scan3A_47 = arith.constant 0 : i32
      %scan3A_48 = arith.constant 32 : i32
      %scan3A_49 = arith.addi %scan3A_47, %scan3A_48 : i32
      %scan3A_50 = arith.constant 1 : i32
      scf.for %scan3A_95 = %scan3A_47 to %scan3A_49 step %scan3A_50  : i32 {
        %broadcast_in_dim3A_96 = arith.constant 0xFF800000 : f32
        %broadcast_in_dim3A_97 = vector.broadcast %broadcast_in_dim3A_96 : f32 to vector<16xf32>
        %scan3A_98 = arith.constant 0 : i32
        %scan3A_99 = arith.constant 16 : i32
        %scan3A_100 = arith.addi %scan3A_98, %scan3A_99 : i32
        %scan3A_101 = arith.constant 1 : i32
        %scan3A_102 = scf.for %scan3A_108 = %scan3A_98 to %scan3A_100 step %scan3A_101 iter_args(%scan3A_109 = %broadcast_in_dim3A_97) -> (vector<16xf32>)  : i32 {
          %mul3A_110 = arith.constant 16 : i32
          %mul3A_111 = arith.muli %scan3A_95, %mul3A_110 : i32
          %add3A_112 = arith.addi %mul3A_111, %scan3A_108 : i32
          %jit3A = arith.constant 8 : i32
          %div3A = arith.divsi %add3A_112, %jit3A : i32
          %sign3A = arith.constant 0 : i32
          %sign3A_113 = arith.cmpi sgt, %add3A_112, %sign3A : i32
          %sign3A_114 = arith.extui %sign3A_113 : i1 to i32
          %sign3A_115 = arith.constant 0 : i32
          %sign3A_116 = arith.cmpi slt, %add3A_112, %sign3A_115 : i32
          %sign3A_117 = arith.extui %sign3A_116 : i1 to i32
          %sign3A_118 = arith.subi %sign3A_114, %sign3A_117 : i32
          %sign3A_119 = arith.constant 0 : i32
          %sign3A_120 = arith.cmpi sgt, %jit3A, %sign3A_119 : i32
          %sign3A_121 = arith.extui %sign3A_120 : i1 to i32
          %sign3A_122 = arith.constant 0 : i32
          %sign3A_123 = arith.cmpi slt, %jit3A, %sign3A_122 : i32
          %sign3A_124 = arith.extui %sign3A_123 : i1 to i32
          %sign3A_125 = arith.subi %sign3A_121, %sign3A_124 : i32
          %ne3A = arith.cmpi ne, %sign3A_118, %sign3A_125 : i32
          %rem3A = arith.remsi %add3A_112, %jit3A : i32
          %ne3A_126 = arith.constant 0 : i32
          %ne3A_127 = arith.cmpi ne, %rem3A, %ne3A_126 : i32
          %and3A = arith.andi %ne3A, %ne3A_127 : i1
          %sub3A = arith.constant 1 : i32
          %sub3A_128 = arith.subi %div3A, %sub3A : i32
          %select_n3A = arith.select %and3A, %sub3A_128, %div3A : i32
          %jit3A_129 = arith.constant 8 : i32
          %eq3A = arith.constant 0 : i32
          %eq3A_130 = arith.cmpi eq, %jit3A_129, %eq3A : i32
          %jit3A_131 = arith.constant 1 : i32
          %select_n3A_132 = arith.select %eq3A_130, %jit3A_131, %jit3A_129 : i32
          %rem3A_133 = arith.remsi %add3A_112, %select_n3A_132 : i32
          %ne3A_134 = arith.constant 0 : i32
          %ne3A_135 = arith.cmpi ne, %rem3A_133, %ne3A_134 : i32
          %lt3A = arith.constant 0 : i32
          %lt3A_136 = arith.cmpi slt, %rem3A_133, %lt3A : i32
          %lt3A_137 = arith.constant 0 : i32
          %lt3A_138 = arith.cmpi slt, %select_n3A_132, %lt3A_137 : i32
          %ne3A_139 = arith.xori %lt3A_136, %lt3A_138 : i1
          %and3A_140 = arith.andi %ne3A_139, %ne3A_135 : i1
          %add3A_141 = arith.addi %rem3A_133, %select_n3A_132 : i32
          %select_n3A_142 = arith.select %and3A_140, %add3A_141, %rem3A_133 : i32
          %mul3A_143 = arith.constant 16 : i32
          %mul3A_144 = arith.muli %select_n3A_142, %mul3A_143 : i32
          %get3A = arith.index_cast %select_n3A : i32 to index
          %get3A_145 = arith.index_cast %mul3A_144 : i32 to index
          %get3A_146 = tpu.vector_load %arg11[%get3A, %get3A_145] {strides = array<i32>} : memref<64x128xf32, #tpu.memory_space<vmem>>, vector<16xf32>,
          %max3A = arith.maximumf %scan3A_109, %get3A_146 : vector<16xf32>
          scf.yield %max3A : vector<16xf32>
        }
        %scan3A_103 = arith.constant 16 : i32
        %mul3A_104 = arith.constant 16 : i32
        %mul3A_105 = arith.muli %scan3A_95, %mul3A_104 : i32
        %swap3A_106 = arith.index_cast %mul3A_105 : i32 to index
        %swap3A_107 = tpu.vector_load %arg12[%swap3A_106] {strides = array<i32>} : memref<512xf32, #tpu.memory_space<vmem>>, vector<16xf32>,
        tpu.vector_store %arg12[%swap3A_106], %scan3A_102 {strides = array<i32>} : memref<512xf32, #tpu.memory_space<vmem>>, vector<16xf32>,
      }
      %scan3A_51 = arith.constant 32 : i32
      %scan3A_52 = arith.constant 0 : i32
      %scan3A_53 = arith.constant 0 : i32
      %scan3A_54 = arith.constant 2 : i32
      %scan3A_55 = arith.addi %scan3A_53, %scan3A_54 : i32
      %scan3A_56 = arith.constant 1 : i32
      scf.for %scan3A_95 = %scan3A_53 to %scan3A_55 step %scan3A_56  : i32 {
        %broadcast_in_dim3A_96 = arith.constant 0xFF800000 : f32
        %broadcast_in_dim3A_97 = vector.broadcast %broadcast_in_dim3A_96 : f32 to vector<16xf32>
        %scan3A_98 = arith.constant 0 : i32
        %scan3A_99 = arith.constant 16 : i32
        %scan3A_100 = arith.addi %scan3A_98, %scan3A_99 : i32
        %scan3A_101 = arith.constant 1 : i32
        %scan3A_102 = scf.for %scan3A_108 = %scan3A_98 to %scan3A_100 step %scan3A_101 iter_args(%scan3A_109 = %broadcast_in_dim3A_97) -> (vector<16xf32>)  : i32 {
          %mul3A_110 = arith.constant 16 : i32
          %mul3A_111 = arith.muli %scan3A_95, %mul3A_110 : i32
          %add3A_112 = arith.addi %mul3A_111, %scan3A_108 : i32
          %mul3A_113 = arith.constant 16 : i32
          %mul3A_114 = arith.muli %add3A_112, %mul3A_113 : i32
          %get3A = arith.index_cast %mul3A_114 : i32 to index
          %get3A_115 = tpu.vector_load %arg12[%get3A] {strides = array<i32>} : memref<512xf32, #tpu.memory_space<vmem>>, vector<16xf32>,
          %max3A = arith.maximumf %scan3A_109, %get3A_115 : vector<16xf32>
          scf.yield %max3A : vector<16xf32>
        }
        %scan3A_103 = arith.constant 16 : i32
        %mul3A_104 = arith.constant 16 : i32
        %mul3A_105 = arith.muli %scan3A_95, %mul3A_104 : i32
        %swap3A_106 = arith.index_cast %mul3A_105 : i32 to index
        %swap3A_107 = tpu.vector_load %arg13[%swap3A_106] {strides = array<i32>} : memref<32xf32, #tpu.memory_space<vmem>>, vector<16xf32>,
        tpu.vector_store %arg13[%swap3A_106], %scan3A_102 {strides = array<i32>} : memref<32xf32, #tpu.memory_space<vmem>>, vector<16xf32>,
      }
      %scan3A_57 = arith.constant 2 : i32
      %scan3A_58 = arith.constant 0 : i32
      %scan3A_59 = arith.constant 0 : i32
      %scan3A_60 = arith.constant 64 : i32
      %scan3A_61 = arith.addi %scan3A_59, %scan3A_60 : i32
      %scan3A_62 = arith.constant 1 : i32
      scf.for %scan3A_95 = %scan3A_59 to %scan3A_61 step %scan3A_62  : i32 {
        %broadcast_in_dim3A_96 = arith.constant 0xFF800000 : f32
        %broadcast_in_dim3A_97 = vector.broadcast %broadcast_in_dim3A_96 : f32 to vector<16xf32>
        %scan3A_98 = arith.constant 0 : i32
        %scan3A_99 = arith.constant 2 : i32
        %scan3A_100 = arith.addi %scan3A_98, %scan3A_99 : i32
        %scan3A_101 = arith.constant 1 : i32
        %scan3A_102 = scf.for %scan3A_398 = %scan3A_98 to %scan3A_100 step %scan3A_101 iter_args(%scan3A_399 = %broadcast_in_dim3A_97) -> (vector<16xf32>)  : i32 {
          %mul3A_400 = arith.constant 16 : i32
          %mul3A_401 = arith.muli %scan3A_398, %mul3A_400 : i32
          %get3A_402 = arith.index_cast %mul3A_401 : i32 to index
          %get3A_403 = tpu.vector_load %arg13[%get3A_402] {strides = array<i32>} : memref<32xf32, #tpu.memory_space<vmem>>, vector<16xf32>,
          %max3A = arith.maximumf %scan3A_399, %get3A_403 : vector<16xf32>
          scf.yield %max3A : vector<16xf32>
        }
        %scan3A_103 = arith.constant 2 : i32
        %reduce_max3A = arith.constant true
        %reduce_max3A_104 = vector.broadcast %reduce_max3A : i1 to vector<16xi1>
        %reduce_max3A_105 = tpu.scan <max>, %scan3A_102 masked %reduce_max3A_104 : vector<16xf32>, vector<16xi1> -> vector<16xf32>
        %reduce_max3A_106 = vector.extract %reduce_max3A_105[15] : f32 from vector<16xf32>
        %scan3A_107 = arith.constant 16777216 : i32
        %scan3A_108 = arith.constant 0 : i32
        %scan3A_109 = arith.constant 2 : i32
        %scan3A_110 = arith.addi %scan3A_108, %scan3A_109 : i32
        %scan3A_111 = arith.constant 1 : i32
        %scan3A_112 = scf.for %scan3A_398 = %scan3A_108 to %scan3A_110 step %scan3A_111 iter_args(%scan3A_399 = %scan3A_107) -> (i32)  : i32 {
          %mul3A_400 = arith.constant 16 : i32
          %mul3A_401 = arith.muli %scan3A_398, %mul3A_400 : i32
          %get3A_402 = arith.index_cast %mul3A_401 : i32 to index
          %get3A_403 = tpu.vector_load %arg13[%get3A_402] {strides = array<i32>} : memref<32xf32, #tpu.memory_space<vmem>>, vector<16xf32>,
          %eq3A_404 = vector.broadcast %reduce_max3A_106 : f32 to vector<16xf32>
          %eq3A_405 = arith.cmpf oeq, %get3A_403, %eq3A_404 : vector<16xf32>
          %mul3A_406 = arith.constant 16 : i32
          %mul3A_407 = arith.muli %scan3A_398, %mul3A_406 : i32
          %iota3A_408 = tpu.iota {dimensions = array<i32: 0>} : vector<16xi32>
          %add3A_409 = vector.broadcast %mul3A_407 : i32 to vector<16xi32>
          %add3A_410 = arith.addi %add3A_409, %iota3A_408 : vector<16xi32>
          %jit3A_411 = arith.constant 16777216 : i32
          %broadcast_in_dim3A_412 = vector.broadcast %jit3A_411 : i32 to vector<16xi32>
          %select_n3A_413 = arith.select %eq3A_405, %add3A_410, %broadcast_in_dim3A_412 : vector<16xi1>, vector<16xi32>
          %reduce_min3A = arith.constant true
          %reduce_min3A_414 = vector.broadcast %reduce_min3A : i1 to vector<16xi1>
          %reduce_min3A_415 = arith.constant -2147483648 : i32
          %reduce_min3A_416 = vector.broadcast %reduce_min3A_415 : i32 to vector<16xi32>
          %reduce_min3A_417 = arith.xori %select_n3A_413, %reduce_min3A_416 : vector<16xi32>
          %reduce_min3A_418 = tpu.scan <min>, %reduce_min3A_417 masked %reduce_min3A_414 : vector<16xi32>, vector<16xi1> -> vector<16xi32>
          %reduce_min3A_419 = arith.xori %reduce_min3A_418, %reduce_min3A_416 : vector<16xi32>
          %reduce_min3A_420 = vector.extract %reduce_min3A_419[15] : i32 from vector<16xi32>
          %min3A = arith.minsi %scan3A_399, %reduce_min3A_420 : i32
          scf.yield %min3A : i32
        }
        %scan3A_113 = arith.constant 2 : i32
        %jit3A = arith.constant 16 : i32
        %div3A = arith.divsi %scan3A_112, %jit3A : i32
        %sign3A = arith.constant 0 : i32
        %sign3A_114 = arith.cmpi sgt, %scan3A_112, %sign3A : i32
        %sign3A_115 = arith.extui %sign3A_114 : i1 to i32
        %sign3A_116 = arith.constant 0 : i32
        %sign3A_117 = arith.cmpi slt, %scan3A_112, %sign3A_116 : i32
        %sign3A_118 = arith.extui %sign3A_117 : i1 to i32
        %sign3A_119 = arith.subi %sign3A_115, %sign3A_118 : i32
        %sign3A_120 = arith.constant 0 : i32
        %sign3A_121 = arith.cmpi sgt, %jit3A, %sign3A_120 : i32
        %sign3A_122 = arith.extui %sign3A_121 : i1 to i32
        %sign3A_123 = arith.constant 0 : i32
        %sign3A_124 = arith.cmpi slt, %jit3A, %sign3A_123 : i32
        %sign3A_125 = arith.extui %sign3A_124 : i1 to i32
        %sign3A_126 = arith.subi %sign3A_122, %sign3A_125 : i32
        %ne3A = arith.cmpi ne, %sign3A_119, %sign3A_126 : i32
        %rem3A = arith.remsi %scan3A_112, %jit3A : i32
        %ne3A_127 = arith.constant 0 : i32
        %ne3A_128 = arith.cmpi ne, %rem3A, %ne3A_127 : i32
        %and3A = arith.andi %ne3A, %ne3A_128 : i1
        %sub3A = arith.constant 1 : i32
        %sub3A_129 = arith.subi %div3A, %sub3A : i32
        %select_n3A = arith.select %and3A, %sub3A_129, %div3A : i32
        %jit3A_130 = arith.constant 16 : i32
        %eq3A = arith.constant 0 : i32
        %eq3A_131 = arith.cmpi eq, %jit3A_130, %eq3A : i32
        %jit3A_132 = arith.constant 1 : i32
        %select_n3A_133 = arith.select %eq3A_131, %jit3A_132, %jit3A_130 : i32
        %rem3A_134 = arith.remsi %scan3A_112, %select_n3A_133 : i32
        %ne3A_135 = arith.constant 0 : i32
        %ne3A_136 = arith.cmpi ne, %rem3A_134, %ne3A_135 : i32
        %lt3A = arith.constant 0 : i32
        %lt3A_137 = arith.cmpi slt, %rem3A_134, %lt3A : i32
        %lt3A_138 = arith.constant 0 : i32
        %lt3A_139 = arith.cmpi slt, %select_n3A_133, %lt3A_138 : i32
        %ne3A_140 = arith.xori %lt3A_137, %lt3A_139 : i1
        %and3A_141 = arith.andi %ne3A_140, %ne3A_136 : i1
        %add3A_142 = arith.addi %rem3A_134, %select_n3A_133 : i32
        %select_n3A_143 = arith.select %and3A_141, %add3A_142, %rem3A_134 : i32
        %mul3A_144 = arith.constant 16 : i32
        %mul3A_145 = arith.muli %select_n3A, %mul3A_144 : i32
        %mul3A_146 = arith.constant 16 : i32
        %mul3A_147 = arith.muli %select_n3A, %mul3A_146 : i32
        %scan3A_148 = arith.constant 16777216 : i32
        %scan3A_149 = arith.constant 0 : i32
        %scan3A_150 = arith.constant 16 : i32
        %scan3A_151 = arith.addi %scan3A_149, %scan3A_150 : i32
        %scan3A_152 = arith.constant 1 : i32
        %scan3A_153 = scf.for %scan3A_398 = %scan3A_149 to %scan3A_151 step %scan3A_152 iter_args(%scan3A_399 = %scan3A_148) -> (i32)  : i32 {
          %add3A_400 = arith.addi %mul3A_147, %scan3A_398 : i32
          %mul3A_401 = arith.constant 16 : i32
          %mul3A_402 = arith.muli %add3A_400, %mul3A_401 : i32
          %get3A_403 = arith.index_cast %mul3A_402 : i32 to index
          %get3A_404 = tpu.vector_load %arg12[%get3A_403] {strides = array<i32>} : memref<512xf32, #tpu.memory_space<vmem>>, vector<16xf32>,
          %eq3A_405 = vector.broadcast %reduce_max3A_106 : f32 to vector<16xf32>
          %eq3A_406 = arith.cmpf oeq, %get3A_404, %eq3A_405 : vector<16xf32>
          %iota3A_407 = tpu.iota {dimensions = array<i32: 0>} : vector<16xi32>
          %eq3A_408 = vector.broadcast %select_n3A_143 : i32 to vector<16xi32>
          %eq3A_409 = arith.cmpi eq, %iota3A_407, %eq3A_408 : vector<16xi32>
          %and3A_410 = arith.andi %eq3A_406, %eq3A_409 : vector<16xi1>
          %jit3A_411 = arith.constant 16777216 : i32
          %broadcast_in_dim3A_412 = vector.broadcast %scan3A_398 : i32 to vector<16xi32>
          %broadcast_in_dim3A_413 = vector.broadcast %jit3A_411 : i32 to vector<16xi32>
          %select_n3A_414 = arith.select %and3A_410, %broadcast_in_dim3A_412, %broadcast_in_dim3A_413 : vector<16xi1>, vector<16xi32>
          %reduce_min3A = arith.constant true
          %reduce_min3A_415 = vector.broadcast %reduce_min3A : i1 to vector<16xi1>
          %reduce_min3A_416 = arith.constant -2147483648 : i32
          %reduce_min3A_417 = vector.broadcast %reduce_min3A_416 : i32 to vector<16xi32>
          %reduce_min3A_418 = arith.xori %select_n3A_414, %reduce_min3A_417 : vector<16xi32>
          %reduce_min3A_419 = tpu.scan <min>, %reduce_min3A_418 masked %reduce_min3A_415 : vector<16xi32>, vector<16xi1> -> vector<16xi32>
          %reduce_min3A_420 = arith.xori %reduce_min3A_419, %reduce_min3A_417 : vector<16xi32>
          %reduce_min3A_421 = vector.extract %reduce_min3A_420[15] : i32 from vector<16xi32>
          %min3A = arith.minsi %scan3A_399, %reduce_min3A_421 : i32
          scf.yield %min3A : i32
        }
        %scan3A_154 = arith.constant 16 : i32
        %add3A_155 = arith.addi %mul3A_145, %scan3A_153 : i32
        %mul3A_156 = arith.constant 16 : i32
        %mul3A_157 = arith.muli %add3A_155, %mul3A_156 : i32
        %mul3A_158 = arith.constant 16 : i32
        %mul3A_159 = arith.muli %add3A_155, %mul3A_158 : i32
        %scan3A_160 = arith.constant 16777216 : i32
        %scan3A_161 = arith.constant 0 : i32
        %scan3A_162 = arith.constant 16 : i32
        %scan3A_163 = arith.addi %scan3A_161, %scan3A_162 : i32
        %scan3A_164 = arith.constant 1 : i32
        %scan3A_165 = scf.for %scan3A_398 = %scan3A_161 to %scan3A_163 step %scan3A_164 iter_args(%scan3A_399 = %scan3A_160) -> (i32)  : i32 {
          %add3A_400 = arith.addi %mul3A_159, %scan3A_398 : i32
          %jit3A_401 = arith.constant 8 : i32
          %div3A_402 = arith.divsi %add3A_400, %jit3A_401 : i32
          %sign3A_403 = arith.constant 0 : i32
          %sign3A_404 = arith.cmpi sgt, %add3A_400, %sign3A_403 : i32
          %sign3A_405 = arith.extui %sign3A_404 : i1 to i32
          %sign3A_406 = arith.constant 0 : i32
          %sign3A_407 = arith.cmpi slt, %add3A_400, %sign3A_406 : i32
          %sign3A_408 = arith.extui %sign3A_407 : i1 to i32
          %sign3A_409 = arith.subi %sign3A_405, %sign3A_408 : i32
          %sign3A_410 = arith.constant 0 : i32
          %sign3A_411 = arith.cmpi sgt, %jit3A_401, %sign3A_410 : i32
          %sign3A_412 = arith.extui %sign3A_411 : i1 to i32
          %sign3A_413 = arith.constant 0 : i32
          %sign3A_414 = arith.cmpi slt, %jit3A_401, %sign3A_413 : i32
          %sign3A_415 = arith.extui %sign3A_414 : i1 to i32
          %sign3A_416 = arith.subi %sign3A_412, %sign3A_415 : i32
          %ne3A_417 = arith.cmpi ne, %sign3A_409, %sign3A_416 : i32
          %rem3A_418 = arith.remsi %add3A_400, %jit3A_401 : i32
          %ne3A_419 = arith.constant 0 : i32
          %ne3A_420 = arith.cmpi ne, %rem3A_418, %ne3A_419 : i32
          %and3A_421 = arith.andi %ne3A_417, %ne3A_420 : i1
          %sub3A_422 = arith.constant 1 : i32
          %sub3A_423 = arith.subi %div3A_402, %sub3A_422 : i32
          %select_n3A_424 = arith.select %and3A_421, %sub3A_423, %div3A_402 : i32
          %jit3A_425 = arith.constant 8 : i32
          %eq3A_426 = arith.constant 0 : i32
          %eq3A_427 = arith.cmpi eq, %jit3A_425, %eq3A_426 : i32
          %jit3A_428 = arith.constant 1 : i32
          %select_n3A_429 = arith.select %eq3A_427, %jit3A_428, %jit3A_425 : i32
          %rem3A_430 = arith.remsi %add3A_400, %select_n3A_429 : i32
          %ne3A_431 = arith.constant 0 : i32
          %ne3A_432 = arith.cmpi ne, %rem3A_430, %ne3A_431 : i32
          %lt3A_433 = arith.constant 0 : i32
          %lt3A_434 = arith.cmpi slt, %rem3A_430, %lt3A_433 : i32
          %lt3A_435 = arith.constant 0 : i32
          %lt3A_436 = arith.cmpi slt, %select_n3A_429, %lt3A_435 : i32
          %ne3A_437 = arith.xori %lt3A_434, %lt3A_436 : i1
          %and3A_438 = arith.andi %ne3A_437, %ne3A_432 : i1
          %add3A_439 = arith.addi %rem3A_430, %select_n3A_429 : i32
          %select_n3A_440 = arith.select %and3A_438, %add3A_439, %rem3A_430 : i32
          %mul3A_441 = arith.constant 16 : i32
          %mul3A_442 = arith.muli %select_n3A_440, %mul3A_441 : i32
          %get3A_443 = arith.index_cast %select_n3A_424 : i32 to index
          %get3A_444 = arith.index_cast %mul3A_442 : i32 to index
          %get3A_445 = tpu.vector_load %arg11[%get3A_443, %get3A_444] {strides = array<i32>} : memref<64x128xf32, #tpu.memory_space<vmem>>, vector<16xf32>,
          %eq3A_446 = vector.broadcast %reduce_max3A_106 : f32 to vector<16xf32>
          %eq3A_447 = arith.cmpf oeq, %get3A_445, %eq3A_446 : vector<16xf32>
          %iota3A_448 = tpu.iota {dimensions = array<i32: 0>} : vector<16xi32>
          %eq3A_449 = vector.broadcast %select_n3A_143 : i32 to vector<16xi32>
          %eq3A_450 = arith.cmpi eq, %iota3A_448, %eq3A_449 : vector<16xi32>
          %and3A_451 = arith.andi %eq3A_447, %eq3A_450 : vector<16xi1>
          %jit3A_452 = arith.constant 16777216 : i32
          %broadcast_in_dim3A_453 = vector.broadcast %scan3A_398 : i32 to vector<16xi32>
          %broadcast_in_dim3A_454 = vector.broadcast %jit3A_452 : i32 to vector<16xi32>
          %select_n3A_455 = arith.select %and3A_451, %broadcast_in_dim3A_453, %broadcast_in_dim3A_454 : vector<16xi1>, vector<16xi32>
          %reduce_min3A = arith.constant true
          %reduce_min3A_456 = vector.broadcast %reduce_min3A : i1 to vector<16xi1>
          %reduce_min3A_457 = arith.constant -2147483648 : i32
          %reduce_min3A_458 = vector.broadcast %reduce_min3A_457 : i32 to vector<16xi32>
          %reduce_min3A_459 = arith.xori %select_n3A_455, %reduce_min3A_458 : vector<16xi32>
          %reduce_min3A_460 = tpu.scan <min>, %reduce_min3A_459 masked %reduce_min3A_456 : vector<16xi32>, vector<16xi1> -> vector<16xi32>
          %reduce_min3A_461 = arith.xori %reduce_min3A_460, %reduce_min3A_458 : vector<16xi32>
          %reduce_min3A_462 = vector.extract %reduce_min3A_461[15] : i32 from vector<16xi32>
          %min3A = arith.minsi %scan3A_399, %reduce_min3A_462 : i32
          scf.yield %min3A : i32
        }
        %scan3A_166 = arith.constant 16 : i32
        %add3A_167 = arith.addi %mul3A_157, %scan3A_165 : i32
        %mul3A_168 = arith.constant 16 : i32
        %mul3A_169 = arith.muli %add3A_167, %mul3A_168 : i32
        %add3A_170 = arith.addi %mul3A_169, %select_n3A_143 : i32
        %jit3A_171 = arith.constant 8 : i32
        %div3A_172 = arith.divsi %add3A_167, %jit3A_171 : i32
        %sign3A_173 = arith.constant 0 : i32
        %sign3A_174 = arith.cmpi sgt, %add3A_167, %sign3A_173 : i32
        %sign3A_175 = arith.extui %sign3A_174 : i1 to i32
        %sign3A_176 = arith.constant 0 : i32
        %sign3A_177 = arith.cmpi slt, %add3A_167, %sign3A_176 : i32
        %sign3A_178 = arith.extui %sign3A_177 : i1 to i32
        %sign3A_179 = arith.subi %sign3A_175, %sign3A_178 : i32
        %sign3A_180 = arith.constant 0 : i32
        %sign3A_181 = arith.cmpi sgt, %jit3A_171, %sign3A_180 : i32
        %sign3A_182 = arith.extui %sign3A_181 : i1 to i32
        %sign3A_183 = arith.constant 0 : i32
        %sign3A_184 = arith.cmpi slt, %jit3A_171, %sign3A_183 : i32
        %sign3A_185 = arith.extui %sign3A_184 : i1 to i32
        %sign3A_186 = arith.subi %sign3A_182, %sign3A_185 : i32
        %ne3A_187 = arith.cmpi ne, %sign3A_179, %sign3A_186 : i32
        %rem3A_188 = arith.remsi %add3A_167, %jit3A_171 : i32
        %ne3A_189 = arith.constant 0 : i32
        %ne3A_190 = arith.cmpi ne, %rem3A_188, %ne3A_189 : i32
        %and3A_191 = arith.andi %ne3A_187, %ne3A_190 : i1
        %sub3A_192 = arith.constant 1 : i32
        %sub3A_193 = arith.subi %div3A_172, %sub3A_192 : i32
        %select_n3A_194 = arith.select %and3A_191, %sub3A_193, %div3A_172 : i32
        %jit3A_195 = arith.constant 8 : i32
        %eq3A_196 = arith.constant 0 : i32
        %eq3A_197 = arith.cmpi eq, %jit3A_195, %eq3A_196 : i32
        %jit3A_198 = arith.constant 1 : i32
        %select_n3A_199 = arith.select %eq3A_197, %jit3A_198, %jit3A_195 : i32
        %rem3A_200 = arith.remsi %add3A_167, %select_n3A_199 : i32
        %ne3A_201 = arith.constant 0 : i32
        %ne3A_202 = arith.cmpi ne, %rem3A_200, %ne3A_201 : i32
        %lt3A_203 = arith.constant 0 : i32
        %lt3A_204 = arith.cmpi slt, %rem3A_200, %lt3A_203 : i32
        %lt3A_205 = arith.constant 0 : i32
        %lt3A_206 = arith.cmpi slt, %select_n3A_199, %lt3A_205 : i32
        %ne3A_207 = arith.xori %lt3A_204, %lt3A_206 : i1
        %and3A_208 = arith.andi %ne3A_207, %ne3A_202 : i1
        %add3A_209 = arith.addi %rem3A_200, %select_n3A_199 : i32
        %select_n3A_210 = arith.select %and3A_208, %add3A_209, %rem3A_200 : i32
        %mul3A_211 = arith.constant 16 : i32
        %mul3A_212 = arith.muli %select_n3A_210, %mul3A_211 : i32
        %get3A = arith.index_cast %select_n3A_194 : i32 to index
        %get3A_213 = arith.index_cast %mul3A_212 : i32 to index
        %get3A_214 = tpu.vector_load %arg11[%get3A, %get3A_213] {strides = array<i32>} : memref<64x128xf32, #tpu.memory_space<vmem>>, vector<16xf32>,
        %iota3A = tpu.iota {dimensions = array<i32: 0>} : vector<16xi32>
        %eq3A_215 = vector.broadcast %select_n3A_143 : i32 to vector<16xi32>
        %eq3A_216 = arith.cmpi eq, %iota3A, %eq3A_215 : vector<16xi32>
        %jit3A_217 = arith.constant 0xFF800000 : f32
        %broadcast_in_dim3A_218 = vector.broadcast %jit3A_217 : f32 to vector<16xf32>
        %select_n3A_219 = arith.select %eq3A_216, %broadcast_in_dim3A_218, %get3A_214 : vector<16xi1>, vector<16xf32>
        %jit3A_220 = arith.constant 8 : i32
        %div3A_221 = arith.divsi %add3A_167, %jit3A_220 : i32
        %sign3A_222 = arith.constant 0 : i32
        %sign3A_223 = arith.cmpi sgt, %add3A_167, %sign3A_222 : i32
        %sign3A_224 = arith.extui %sign3A_223 : i1 to i32
        %sign3A_225 = arith.constant 0 : i32
        %sign3A_226 = arith.cmpi slt, %add3A_167, %sign3A_225 : i32
        %sign3A_227 = arith.extui %sign3A_226 : i1 to i32
        %sign3A_228 = arith.subi %sign3A_224, %sign3A_227 : i32
        %sign3A_229 = arith.constant 0 : i32
        %sign3A_230 = arith.cmpi sgt, %jit3A_220, %sign3A_229 : i32
        %sign3A_231 = arith.extui %sign3A_230 : i1 to i32
        %sign3A_232 = arith.constant 0 : i32
        %sign3A_233 = arith.cmpi slt, %jit3A_220, %sign3A_232 : i32
        %sign3A_234 = arith.extui %sign3A_233 : i1 to i32
        %sign3A_235 = arith.subi %sign3A_231, %sign3A_234 : i32
        %ne3A_236 = arith.cmpi ne, %sign3A_228, %sign3A_235 : i32
        %rem3A_237 = arith.remsi %add3A_167, %jit3A_220 : i32
        %ne3A_238 = arith.constant 0 : i32
        %ne3A_239 = arith.cmpi ne, %rem3A_237, %ne3A_238 : i32
        %and3A_240 = arith.andi %ne3A_236, %ne3A_239 : i1
        %sub3A_241 = arith.constant 1 : i32
        %sub3A_242 = arith.subi %div3A_221, %sub3A_241 : i32
        %select_n3A_243 = arith.select %and3A_240, %sub3A_242, %div3A_221 : i32
        %jit3A_244 = arith.constant 8 : i32
        %eq3A_245 = arith.constant 0 : i32
        %eq3A_246 = arith.cmpi eq, %jit3A_244, %eq3A_245 : i32
        %jit3A_247 = arith.constant 1 : i32
        %select_n3A_248 = arith.select %eq3A_246, %jit3A_247, %jit3A_244 : i32
        %rem3A_249 = arith.remsi %add3A_167, %select_n3A_248 : i32
        %ne3A_250 = arith.constant 0 : i32
        %ne3A_251 = arith.cmpi ne, %rem3A_249, %ne3A_250 : i32
        %lt3A_252 = arith.constant 0 : i32
        %lt3A_253 = arith.cmpi slt, %rem3A_249, %lt3A_252 : i32
        %lt3A_254 = arith.constant 0 : i32
        %lt3A_255 = arith.cmpi slt, %select_n3A_248, %lt3A_254 : i32
        %ne3A_256 = arith.xori %lt3A_253, %lt3A_255 : i1
        %and3A_257 = arith.andi %ne3A_256, %ne3A_251 : i1
        %add3A_258 = arith.addi %rem3A_249, %select_n3A_248 : i32
        %select_n3A_259 = arith.select %and3A_257, %add3A_258, %rem3A_249 : i32
        %mul3A_260 = arith.constant 16 : i32
        %mul3A_261 = arith.muli %select_n3A_259, %mul3A_260 : i32
        %swap3A_262 = arith.index_cast %select_n3A_243 : i32 to index
        %swap3A_263 = arith.index_cast %mul3A_261 : i32 to index
        %swap3A_264 = tpu.vector_load %arg11[%swap3A_262, %swap3A_263] {strides = array<i32>} : memref<64x128xf32, #tpu.memory_space<vmem>>, vector<16xf32>,
        tpu.vector_store %arg11[%swap3A_262, %swap3A_263], %select_n3A_219 {strides = array<i32>} : memref<64x128xf32, #tpu.memory_space<vmem>>, vector<16xf32>,
        %broadcast_in_dim3A_265 = arith.constant 0xFF800000 : f32
        %broadcast_in_dim3A_266 = vector.broadcast %broadcast_in_dim3A_265 : f32 to vector<16xf32>
        %scan3A_267 = arith.constant 0 : i32
        %scan3A_268 = arith.constant 16 : i32
        %scan3A_269 = arith.addi %scan3A_267, %scan3A_268 : i32
        %scan3A_270 = arith.constant 1 : i32
        %scan3A_271 = scf.for %scan3A_398 = %scan3A_267 to %scan3A_269 step %scan3A_270 iter_args(%scan3A_399 = %broadcast_in_dim3A_266) -> (vector<16xf32>)  : i32 {
          %mul3A_400 = arith.constant 16 : i32
          %mul3A_401 = arith.muli %add3A_155, %mul3A_400 : i32
          %add3A_402 = arith.addi %mul3A_401, %scan3A_398 : i32
          %jit3A_403 = arith.constant 8 : i32
          %div3A_404 = arith.divsi %add3A_402, %jit3A_403 : i32
          %sign3A_405 = arith.constant 0 : i32
          %sign3A_406 = arith.cmpi sgt, %add3A_402, %sign3A_405 : i32
          %sign3A_407 = arith.extui %sign3A_406 : i1 to i32
          %sign3A_408 = arith.constant 0 : i32
          %sign3A_409 = arith.cmpi slt, %add3A_402, %sign3A_408 : i32
          %sign3A_410 = arith.extui %sign3A_409 : i1 to i32
          %sign3A_411 = arith.subi %sign3A_407, %sign3A_410 : i32
          %sign3A_412 = arith.constant 0 : i32
          %sign3A_413 = arith.cmpi sgt, %jit3A_403, %sign3A_412 : i32
          %sign3A_414 = arith.extui %sign3A_413 : i1 to i32
          %sign3A_415 = arith.constant 0 : i32
          %sign3A_416 = arith.cmpi slt, %jit3A_403, %sign3A_415 : i32
          %sign3A_417 = arith.extui %sign3A_416 : i1 to i32
          %sign3A_418 = arith.subi %sign3A_414, %sign3A_417 : i32
          %ne3A_419 = arith.cmpi ne, %sign3A_411, %sign3A_418 : i32
          %rem3A_420 = arith.remsi %add3A_402, %jit3A_403 : i32
          %ne3A_421 = arith.constant 0 : i32
          %ne3A_422 = arith.cmpi ne, %rem3A_420, %ne3A_421 : i32
          %and3A_423 = arith.andi %ne3A_419, %ne3A_422 : i1
          %sub3A_424 = arith.constant 1 : i32
          %sub3A_425 = arith.subi %div3A_404, %sub3A_424 : i32
          %select_n3A_426 = arith.select %and3A_423, %sub3A_425, %div3A_404 : i32
          %jit3A_427 = arith.constant 8 : i32
          %eq3A_428 = arith.constant 0 : i32
          %eq3A_429 = arith.cmpi eq, %jit3A_427, %eq3A_428 : i32
          %jit3A_430 = arith.constant 1 : i32
          %select_n3A_431 = arith.select %eq3A_429, %jit3A_430, %jit3A_427 : i32
          %rem3A_432 = arith.remsi %add3A_402, %select_n3A_431 : i32
          %ne3A_433 = arith.constant 0 : i32
          %ne3A_434 = arith.cmpi ne, %rem3A_432, %ne3A_433 : i32
          %lt3A_435 = arith.constant 0 : i32
          %lt3A_436 = arith.cmpi slt, %rem3A_432, %lt3A_435 : i32
          %lt3A_437 = arith.constant 0 : i32
          %lt3A_438 = arith.cmpi slt, %select_n3A_431, %lt3A_437 : i32
          %ne3A_439 = arith.xori %lt3A_436, %lt3A_438 : i1
          %and3A_440 = arith.andi %ne3A_439, %ne3A_434 : i1
          %add3A_441 = arith.addi %rem3A_432, %select_n3A_431 : i32
          %select_n3A_442 = arith.select %and3A_440, %add3A_441, %rem3A_432 : i32
          %mul3A_443 = arith.constant 16 : i32
          %mul3A_444 = arith.muli %select_n3A_442, %mul3A_443 : i32
          %get3A_445 = arith.index_cast %select_n3A_426 : i32 to index
          %get3A_446 = arith.index_cast %mul3A_444 : i32 to index
          %get3A_447 = tpu.vector_load %arg11[%get3A_445, %get3A_446] {strides = array<i32>} : memref<64x128xf32, #tpu.memory_space<vmem>>, vector<16xf32>,
          %max3A = arith.maximumf %scan3A_399, %get3A_447 : vector<16xf32>
          scf.yield %max3A : vector<16xf32>
        }
        %scan3A_272 = arith.constant 16 : i32
        %mul3A_273 = arith.constant 16 : i32
        %mul3A_274 = arith.muli %add3A_155, %mul3A_273 : i32
        %swap3A_275 = arith.index_cast %mul3A_274 : i32 to index
        %swap3A_276 = tpu.vector_load %arg12[%swap3A_275] {strides = array<i32>} : memref<512xf32, #tpu.memory_space<vmem>>, vector<16xf32>,
        tpu.vector_store %arg12[%swap3A_275], %scan3A_271 {strides = array<i32>} : memref<512xf32, #tpu.memory_space<vmem>>, vector<16xf32>,
        %broadcast_in_dim3A_277 = arith.constant 0xFF800000 : f32
        %broadcast_in_dim3A_278 = vector.broadcast %broadcast_in_dim3A_277 : f32 to vector<16xf32>
        %scan3A_279 = arith.constant 0 : i32
        %scan3A_280 = arith.constant 16 : i32
        %scan3A_281 = arith.addi %scan3A_279, %scan3A_280 : i32
        %scan3A_282 = arith.constant 1 : i32
        %scan3A_283 = scf.for %scan3A_398 = %scan3A_279 to %scan3A_281 step %scan3A_282 iter_args(%scan3A_399 = %broadcast_in_dim3A_278) -> (vector<16xf32>)  : i32 {
          %mul3A_400 = arith.constant 16 : i32
          %mul3A_401 = arith.muli %select_n3A, %mul3A_400 : i32
          %add3A_402 = arith.addi %mul3A_401, %scan3A_398 : i32
          %mul3A_403 = arith.constant 16 : i32
          %mul3A_404 = arith.muli %add3A_402, %mul3A_403 : i32
          %get3A_405 = arith.index_cast %mul3A_404 : i32 to index
          %get3A_406 = tpu.vector_load %arg12[%get3A_405] {strides = array<i32>} : memref<512xf32, #tpu.memory_space<vmem>>, vector<16xf32>,
          %max3A = arith.maximumf %scan3A_399, %get3A_406 : vector<16xf32>
          scf.yield %max3A : vector<16xf32>
        }
        %scan3A_284 = arith.constant 16 : i32
        %mul3A_285 = arith.constant 16 : i32
        %mul3A_286 = arith.muli %select_n3A, %mul3A_285 : i32
        %swap3A_287 = arith.index_cast %mul3A_286 : i32 to index
        %swap3A_288 = tpu.vector_load %arg13[%swap3A_287] {strides = array<i32>} : memref<32xf32, #tpu.memory_space<vmem>>, vector<16xf32>,
        tpu.vector_store %arg13[%swap3A_287], %scan3A_283 {strides = array<i32>} : memref<32xf32, #tpu.memory_space<vmem>>, vector<16xf32>,
        %jit3A_289 = arith.constant 16 : i32
        %div3A_290 = arith.divsi %add3A_170, %jit3A_289 : i32
        %sign3A_291 = arith.constant 0 : i32
        %sign3A_292 = arith.cmpi sgt, %add3A_170, %sign3A_291 : i32
        %sign3A_293 = arith.extui %sign3A_292 : i1 to i32
        %sign3A_294 = arith.constant 0 : i32
        %sign3A_295 = arith.cmpi slt, %add3A_170, %sign3A_294 : i32
        %sign3A_296 = arith.extui %sign3A_295 : i1 to i32
        %sign3A_297 = arith.subi %sign3A_293, %sign3A_296 : i32
        %sign3A_298 = arith.constant 0 : i32
        %sign3A_299 = arith.cmpi sgt, %jit3A_289, %sign3A_298 : i32
        %sign3A_300 = arith.extui %sign3A_299 : i1 to i32
        %sign3A_301 = arith.constant 0 : i32
        %sign3A_302 = arith.cmpi slt, %jit3A_289, %sign3A_301 : i32
        %sign3A_303 = arith.extui %sign3A_302 : i1 to i32
        %sign3A_304 = arith.subi %sign3A_300, %sign3A_303 : i32
        %ne3A_305 = arith.cmpi ne, %sign3A_297, %sign3A_304 : i32
        %rem3A_306 = arith.remsi %add3A_170, %jit3A_289 : i32
        %ne3A_307 = arith.constant 0 : i32
        %ne3A_308 = arith.cmpi ne, %rem3A_306, %ne3A_307 : i32
        %and3A_309 = arith.andi %ne3A_305, %ne3A_308 : i1
        %sub3A_310 = arith.constant 1 : i32
        %sub3A_311 = arith.subi %div3A_290, %sub3A_310 : i32
        %select_n3A_312 = arith.select %and3A_309, %sub3A_311, %div3A_290 : i32
        %mul3A_313 = arith.constant 16 : i32
        %mul3A_314 = arith.muli %select_n3A_312, %mul3A_313 : i32
        %get3A_315 = arith.index_cast %mul3A_314 : i32 to index
        %get3A_316 = tpu.vector_load %arg9[%get3A_315] {strides = array<i32>} : memref<8192xi32, #tpu.memory_space<vmem>>, vector<16xi32>,
        %iota3A_317 = tpu.iota {dimensions = array<i32: 0>} : vector<16xi32>
        %jit3A_318 = arith.constant 16 : i32
        %eq3A_319 = arith.constant 0 : i32
        %eq3A_320 = arith.cmpi eq, %jit3A_318, %eq3A_319 : i32
        %jit3A_321 = arith.constant 1 : i32
        %select_n3A_322 = arith.select %eq3A_320, %jit3A_321, %jit3A_318 : i32
        %rem3A_323 = arith.remsi %add3A_170, %select_n3A_322 : i32
        %ne3A_324 = arith.constant 0 : i32
        %ne3A_325 = arith.cmpi ne, %rem3A_323, %ne3A_324 : i32
        %lt3A_326 = arith.constant 0 : i32
        %lt3A_327 = arith.cmpi slt, %rem3A_323, %lt3A_326 : i32
        %lt3A_328 = arith.constant 0 : i32
        %lt3A_329 = arith.cmpi slt, %select_n3A_322, %lt3A_328 : i32
        %ne3A_330 = arith.xori %lt3A_327, %lt3A_329 : i1
        %and3A_331 = arith.andi %ne3A_330, %ne3A_325 : i1
        %add3A_332 = arith.addi %rem3A_323, %select_n3A_322 : i32
        %select_n3A_333 = arith.select %and3A_331, %add3A_332, %rem3A_323 : i32
        %eq3A_334 = vector.broadcast %select_n3A_333 : i32 to vector<16xi32>
        %eq3A_335 = arith.cmpi eq, %iota3A_317, %eq3A_334 : vector<16xi32>
        %jit3A_336 = arith.constant -1073741824 : i32
        %broadcast_in_dim3A_337 = vector.broadcast %jit3A_336 : i32 to vector<16xi32>
        %select_n3A_338 = arith.select %eq3A_335, %get3A_316, %broadcast_in_dim3A_337 : vector<16xi1>, vector<16xi32>
        %reduce_max3A_339 = arith.constant true
        %reduce_max3A_340 = vector.broadcast %reduce_max3A_339 : i1 to vector<16xi1>
        %reduce_max3A_341 = arith.constant -2147483648 : i32
        %reduce_max3A_342 = vector.broadcast %reduce_max3A_341 : i32 to vector<16xi32>
        %reduce_max3A_343 = arith.xori %select_n3A_338, %reduce_max3A_342 : vector<16xi32>
        %reduce_max3A_344 = tpu.scan <max>, %reduce_max3A_343 masked %reduce_max3A_340 : vector<16xi32>, vector<16xi1> -> vector<16xi32>
        %reduce_max3A_345 = arith.xori %reduce_max3A_344, %reduce_max3A_342 : vector<16xi32>
        %reduce_max3A_346 = vector.extract %reduce_max3A_345[15] : i32 from vector<16xi32>
        %jit3A_347 = arith.constant 16 : i32
        %div3A_348 = arith.divsi %scan3A_95, %jit3A_347 : i32
        %sign3A_349 = arith.constant 0 : i32
        %sign3A_350 = arith.cmpi sgt, %scan3A_95, %sign3A_349 : i32
        %sign3A_351 = arith.extui %sign3A_350 : i1 to i32
        %sign3A_352 = arith.constant 0 : i32
        %sign3A_353 = arith.cmpi slt, %scan3A_95, %sign3A_352 : i32
        %sign3A_354 = arith.extui %sign3A_353 : i1 to i32
        %sign3A_355 = arith.subi %sign3A_351, %sign3A_354 : i32
        %sign3A_356 = arith.constant 0 : i32
        %sign3A_357 = arith.cmpi sgt, %jit3A_347, %sign3A_356 : i32
        %sign3A_358 = arith.extui %sign3A_357 : i1 to i32
        %sign3A_359 = arith.constant 0 : i32
        %sign3A_360 = arith.cmpi slt, %jit3A_347, %sign3A_359 : i32
        %sign3A_361 = arith.extui %sign3A_360 : i1 to i32
        %sign3A_362 = arith.subi %sign3A_358, %sign3A_361 : i32
        %ne3A_363 = arith.cmpi ne, %sign3A_355, %sign3A_362 : i32
        %rem3A_364 = arith.remsi %scan3A_95, %jit3A_347 : i32
        %ne3A_365 = arith.constant 0 : i32
        %ne3A_366 = arith.cmpi ne, %rem3A_364, %ne3A_365 : i32
        %and3A_367 = arith.andi %ne3A_363, %ne3A_366 : i1
        %sub3A_368 = arith.constant 1 : i32
        %sub3A_369 = arith.subi %div3A_348, %sub3A_368 : i32
        %select_n3A_370 = arith.select %and3A_367, %sub3A_369, %div3A_348 : i32
        %mul3A_371 = arith.constant 16 : i32
        %mul3A_372 = arith.muli %select_n3A_370, %mul3A_371 : i32
        %get3A_373 = arith.index_cast %mul3A_372 : i32 to index
        %get3A_374 = tpu.vector_load %arg14[%get3A_373] {strides = array<i32>} : memref<64xi32, #tpu.memory_space<vmem>>, vector<16xi32>,
        %iota3A_375 = tpu.iota {dimensions = array<i32: 0>} : vector<16xi32>
        %jit3A_376 = arith.constant 16 : i32
        %eq3A_377 = arith.constant 0 : i32
        %eq3A_378 = arith.cmpi eq, %jit3A_376, %eq3A_377 : i32
        %jit3A_379 = arith.constant 1 : i32
        %select_n3A_380 = arith.select %eq3A_378, %jit3A_379, %jit3A_376 : i32
        %rem3A_381 = arith.remsi %scan3A_95, %select_n3A_380 : i32
        %ne3A_382 = arith.constant 0 : i32
        %ne3A_383 = arith.cmpi ne, %rem3A_381, %ne3A_382 : i32
        %lt3A_384 = arith.constant 0 : i32
        %lt3A_385 = arith.cmpi slt, %rem3A_381, %lt3A_384 : i32
        %lt3A_386 = arith.constant 0 : i32
        %lt3A_387 = arith.cmpi slt, %select_n3A_380, %lt3A_386 : i32
        %ne3A_388 = arith.xori %lt3A_385, %lt3A_387 : i1
        %and3A_389 = arith.andi %ne3A_388, %ne3A_383 : i1
        %add3A_390 = arith.addi %rem3A_381, %select_n3A_380 : i32
        %select_n3A_391 = arith.select %and3A_389, %add3A_390, %rem3A_381 : i32
        %eq3A_392 = vector.broadcast %select_n3A_391 : i32 to vector<16xi32>
        %eq3A_393 = arith.cmpi eq, %iota3A_375, %eq3A_392 : vector<16xi32>
        %broadcast_in_dim3A_394 = vector.broadcast %reduce_max3A_346 : i32 to vector<16xi32>
        %select_n3A_395 = arith.select %eq3A_393, %broadcast_in_dim3A_394, %get3A_374 : vector<16xi1>, vector<16xi32>
        %swap3A_396 = arith.index_cast %mul3A_372 : i32 to index
        %swap3A_397 = tpu.vector_load %arg14[%swap3A_396] {strides = array<i32>} : memref<64xi32, #tpu.memory_space<vmem>>, vector<16xi32>,
        tpu.vector_store %arg14[%swap3A_396], %select_n3A_395 {strides = array<i32>} : memref<64xi32, #tpu.memory_space<vmem>>, vector<16xi32>,
      }
      %scan3A_63 = arith.constant 64 : i32
      %scan3A_64 = arith.constant 0 : i32
      %scan3A_65 = arith.constant 0 : i32
      %scan3A_66 = arith.constant 64 : i32
      %scan3A_67 = arith.addi %scan3A_65, %scan3A_66 : i32
      %scan3A_68 = arith.constant 1 : i32
      scf.for %scan3A_95 = %scan3A_65 to %scan3A_67 step %scan3A_68  : i32 {
        %jit3A = arith.constant 16 : i32
        %div3A = arith.divsi %scan3A_95, %jit3A : i32
        %sign3A = arith.constant 0 : i32
        %sign3A_96 = arith.cmpi sgt, %scan3A_95, %sign3A : i32
        %sign3A_97 = arith.extui %sign3A_96 : i1 to i32
        %sign3A_98 = arith.constant 0 : i32
        %sign3A_99 = arith.cmpi slt, %scan3A_95, %sign3A_98 : i32
        %sign3A_100 = arith.extui %sign3A_99 : i1 to i32
        %sign3A_101 = arith.subi %sign3A_97, %sign3A_100 : i32
        %sign3A_102 = arith.constant 0 : i32
        %sign3A_103 = arith.cmpi sgt, %jit3A, %sign3A_102 : i32
        %sign3A_104 = arith.extui %sign3A_103 : i1 to i32
        %sign3A_105 = arith.constant 0 : i32
        %sign3A_106 = arith.cmpi slt, %jit3A, %sign3A_105 : i32
        %sign3A_107 = arith.extui %sign3A_106 : i1 to i32
        %sign3A_108 = arith.subi %sign3A_104, %sign3A_107 : i32
        %ne3A = arith.cmpi ne, %sign3A_101, %sign3A_108 : i32
        %rem3A = arith.remsi %scan3A_95, %jit3A : i32
        %ne3A_109 = arith.constant 0 : i32
        %ne3A_110 = arith.cmpi ne, %rem3A, %ne3A_109 : i32
        %and3A = arith.andi %ne3A, %ne3A_110 : i1
        %sub3A = arith.constant 1 : i32
        %sub3A_111 = arith.subi %div3A, %sub3A : i32
        %select_n3A = arith.select %and3A, %sub3A_111, %div3A : i32
        %mul3A_112 = arith.constant 16 : i32
        %mul3A_113 = arith.muli %select_n3A, %mul3A_112 : i32
        %get3A = arith.index_cast %mul3A_113 : i32 to index
        %get3A_114 = tpu.vector_load %arg14[%get3A] {strides = array<i32>} : memref<64xi32, #tpu.memory_space<vmem>>, vector<16xi32>,
        %iota3A = tpu.iota {dimensions = array<i32: 0>} : vector<16xi32>
        %jit3A_115 = arith.constant 16 : i32
        %eq3A = arith.constant 0 : i32
        %eq3A_116 = arith.cmpi eq, %jit3A_115, %eq3A : i32
        %jit3A_117 = arith.constant 1 : i32
        %select_n3A_118 = arith.select %eq3A_116, %jit3A_117, %jit3A_115 : i32
        %rem3A_119 = arith.remsi %scan3A_95, %select_n3A_118 : i32
        %ne3A_120 = arith.constant 0 : i32
        %ne3A_121 = arith.cmpi ne, %rem3A_119, %ne3A_120 : i32
        %lt3A = arith.constant 0 : i32
        %lt3A_122 = arith.cmpi slt, %rem3A_119, %lt3A : i32
        %lt3A_123 = arith.constant 0 : i32
        %lt3A_124 = arith.cmpi slt, %select_n3A_118, %lt3A_123 : i32
        %ne3A_125 = arith.xori %lt3A_122, %lt3A_124 : i1
        %and3A_126 = arith.andi %ne3A_125, %ne3A_121 : i1
        %add3A_127 = arith.addi %rem3A_119, %select_n3A_118 : i32
        %select_n3A_128 = arith.select %and3A_126, %add3A_127, %rem3A_119 : i32
        %eq3A_129 = vector.broadcast %select_n3A_128 : i32 to vector<16xi32>
        %eq3A_130 = arith.cmpi eq, %iota3A, %eq3A_129 : vector<16xi32>
        %jit3A_131 = arith.constant -1073741824 : i32
        %broadcast_in_dim3A_132 = vector.broadcast %jit3A_131 : i32 to vector<16xi32>
        %select_n3A_133 = arith.select %eq3A_130, %get3A_114, %broadcast_in_dim3A_132 : vector<16xi1>, vector<16xi32>
        %reduce_max3A = arith.constant true
        %reduce_max3A_134 = vector.broadcast %reduce_max3A : i1 to vector<16xi1>
        %reduce_max3A_135 = arith.constant -2147483648 : i32
        %reduce_max3A_136 = vector.broadcast %reduce_max3A_135 : i32 to vector<16xi32>
        %reduce_max3A_137 = arith.xori %select_n3A_133, %reduce_max3A_136 : vector<16xi32>
        %reduce_max3A_138 = tpu.scan <max>, %reduce_max3A_137 masked %reduce_max3A_134 : vector<16xi32>, vector<16xi1> -> vector<16xi32>
        %reduce_max3A_139 = arith.xori %reduce_max3A_138, %reduce_max3A_136 : vector<16xi32>
        %reduce_max3A_140 = vector.extract %reduce_max3A_139[15] : i32 from vector<16xi32>
        %jit3A_141 = arith.constant 8 : i32
        %div3A_142 = arith.divsi %reduce_max3A_140, %jit3A_141 : i32
        %sign3A_143 = arith.constant 0 : i32
        %sign3A_144 = arith.cmpi sgt, %reduce_max3A_140, %sign3A_143 : i32
        %sign3A_145 = arith.extui %sign3A_144 : i1 to i32
        %sign3A_146 = arith.constant 0 : i32
        %sign3A_147 = arith.cmpi slt, %reduce_max3A_140, %sign3A_146 : i32
        %sign3A_148 = arith.extui %sign3A_147 : i1 to i32
        %sign3A_149 = arith.subi %sign3A_145, %sign3A_148 : i32
        %sign3A_150 = arith.constant 0 : i32
        %sign3A_151 = arith.cmpi sgt, %jit3A_141, %sign3A_150 : i32
        %sign3A_152 = arith.extui %sign3A_151 : i1 to i32
        %sign3A_153 = arith.constant 0 : i32
        %sign3A_154 = arith.cmpi slt, %jit3A_141, %sign3A_153 : i32
        %sign3A_155 = arith.extui %sign3A_154 : i1 to i32
        %sign3A_156 = arith.subi %sign3A_152, %sign3A_155 : i32
        %ne3A_157 = arith.cmpi ne, %sign3A_149, %sign3A_156 : i32
        %rem3A_158 = arith.remsi %reduce_max3A_140, %jit3A_141 : i32
        %ne3A_159 = arith.constant 0 : i32
        %ne3A_160 = arith.cmpi ne, %rem3A_158, %ne3A_159 : i32
        %and3A_161 = arith.andi %ne3A_157, %ne3A_160 : i1
        %sub3A_162 = arith.constant 1 : i32
        %sub3A_163 = arith.subi %div3A_142, %sub3A_162 : i32
        %select_n3A_164 = arith.select %and3A_161, %sub3A_163, %div3A_142 : i32
        %mul3A_165 = arith.constant 8 : i32
        %mul3A_166 = arith.muli %mul3A_165, %select_n3A_164 : i32
        %multiple_of3A_167 = tpu.assume_multiple %mul3A_166, 8 : i32
        %dma_start3A_168 = arith.constant 0 : i32
        %dma_start3A_169 = arith.constant 0 : i32
        %dma_start3A_170 = tpu.memref_slice %arg15[%scan3A_95, %dma_start3A_168, %dma_start3A_169] : memref<64x8x32xf32, #tpu.memory_space<vmem>> -> memref<1x8x32xf32, #tpu.memory_space<vmem>>
        %dma_start3A_171 = tpu.memref_squeeze %dma_start3A_170 : memref<1x8x32xf32, #tpu.memory_space<vmem>> -> memref<8x32xf32, #tpu.memory_space<vmem>>
        %dma_start3A_172 = arith.constant 0 : i32
        %dma_start3A_173 = tpu.memref_slice %arg4[%multiple_of3A_167, %dma_start3A_172] : memref<1000000x32xf32, #tpu.memory_space<hbm>> -> memref<8x32xf32, #tpu.memory_space<hbm>>
        %dma_start3A_174 = arith.constant 0 : i32
        %dma_start3A_175 = arith.constant 0 : i32
        %dma_start3A_176 = tpu.memref_slice %arg15[%scan3A_95, %dma_start3A_174, %dma_start3A_175] : memref<64x8x32xf32, #tpu.memory_space<vmem>> -> memref<1x8x32xf32, #tpu.memory_space<vmem>>
        %dma_start3A_177 = tpu.memref_squeeze %dma_start3A_176 : memref<1x8x32xf32, #tpu.memory_space<vmem>> -> memref<8x32xf32, #tpu.memory_space<vmem>>
        %dma_start3A_178 = arith.constant 0 : i32
        %dma_start3A_179 = tpu.memref_slice %arg4[%multiple_of3A_167, %dma_start3A_178] : memref<1000000x32xf32, #tpu.memory_space<hbm>> -> memref<8x32xf32, #tpu.memory_space<hbm>>
        tpu.enqueue_dma source(%dma_start3A_179 : memref<8x32xf32, #tpu.memory_space<hbm>>) target(%dma_start3A_177 : memref<8x32xf32, #tpu.memory_space<vmem>>) target_semaphore(%arg17 : memref<!tpu.dma_semaphore, #tpu.memory_space<semaphore_mem>>)
      }
      %scan3A_69 = arith.constant 64 : i32
      %scan3A_70 = arith.constant 0 : i32
      %scan3A_71 = arith.constant 0 : i32
      %scan3A_72 = arith.constant 64 : i32
      %scan3A_73 = arith.addi %scan3A_71, %scan3A_72 : i32
      %scan3A_74 = arith.constant 1 : i32
      scf.for %scan3A_95 = %scan3A_71 to %scan3A_73 step %scan3A_74  : i32 {
        %dma_wait3A_96 = arith.constant 0 : i32
        %dma_wait3A_97 = arith.constant 0 : i32
        %dma_wait3A_98 = tpu.memref_slice %arg15[%scan3A_95, %dma_wait3A_96, %dma_wait3A_97] : memref<64x8x32xf32, #tpu.memory_space<vmem>> -> memref<1x8x32xf32, #tpu.memory_space<vmem>>
        %dma_wait3A_99 = tpu.memref_squeeze %dma_wait3A_98 : memref<1x8x32xf32, #tpu.memory_space<vmem>> -> memref<8x32xf32, #tpu.memory_space<vmem>>
        %dma_wait3A_100 = arith.constant 0 : i32
        %dma_wait3A_101 = arith.constant 0 : i32
        %dma_wait3A_102 = tpu.memref_slice %arg4[%dma_wait3A_100, %dma_wait3A_101] : memref<1000000x32xf32, #tpu.memory_space<hbm>> -> memref<8x32xf32, #tpu.memory_space<hbm>>
        %dma_wait3A_103 = arith.constant 0 : i32
        %dma_wait3A_104 = arith.constant 0 : i32
        %dma_wait3A_105 = tpu.memref_slice %arg15[%scan3A_95, %dma_wait3A_103, %dma_wait3A_104] : memref<64x8x32xf32, #tpu.memory_space<vmem>> -> memref<1x8x32xf32, #tpu.memory_space<vmem>>
        %dma_wait3A_106 = tpu.memref_squeeze %dma_wait3A_105 : memref<1x8x32xf32, #tpu.memory_space<vmem>> -> memref<8x32xf32, #tpu.memory_space<vmem>>
        %dma_wait3A_107 = arith.constant 0 : i32
        %dma_wait3A_108 = arith.constant 0 : i32
        %dma_wait3A_109 = tpu.memref_slice %arg4[%dma_wait3A_107, %dma_wait3A_108] : memref<1000000x32xf32, #tpu.memory_space<hbm>> -> memref<8x32xf32, #tpu.memory_space<hbm>>
        tpu.wait_dma2 semaphore(%arg17 : memref<!tpu.dma_semaphore, #tpu.memory_space<semaphore_mem>>) src(%dma_wait3A_109 : memref<8x32xf32, #tpu.memory_space<hbm>>) dst(%dma_wait3A_106 : memref<8x32xf32, #tpu.memory_space<vmem>>)
      }
      %scan3A_75 = arith.constant 64 : i32
      %broadcast_in_dim3A = arith.constant 0.000000e+00 : f32
      %broadcast_in_dim3A_76 = vector.broadcast %broadcast_in_dim3A : f32 to vector<16xf32>
      %scan3A_77 = arith.constant 0 : i32
      %scan3A_78 = arith.constant 64 : i32
      %scan3A_79 = arith.addi %scan3A_77, %scan3A_78 : i32
      %scan3A_80 = arith.constant 1 : i32
      %scan3A_81:2 = scf.for %scan3A_95 = %scan3A_77 to %scan3A_79 step %scan3A_80 iter_args(%scan3A_96 = %broadcast_in_dim3A_76, %scan3A_97 = %broadcast_in_dim3A_76) -> (vector<16xf32>, vector<16xf32>)  : i32 {
        %jit3A = arith.constant 16 : i32
        %div3A = arith.divsi %scan3A_95, %jit3A : i32
        %sign3A = arith.constant 0 : i32
        %sign3A_98 = arith.cmpi sgt, %scan3A_95, %sign3A : i32
        %sign3A_99 = arith.extui %sign3A_98 : i1 to i32
        %sign3A_100 = arith.constant 0 : i32
        %sign3A_101 = arith.cmpi slt, %scan3A_95, %sign3A_100 : i32
        %sign3A_102 = arith.extui %sign3A_101 : i1 to i32
        %sign3A_103 = arith.subi %sign3A_99, %sign3A_102 : i32
        %sign3A_104 = arith.constant 0 : i32
        %sign3A_105 = arith.cmpi sgt, %jit3A, %sign3A_104 : i32
        %sign3A_106 = arith.extui %sign3A_105 : i1 to i32
        %sign3A_107 = arith.constant 0 : i32
        %sign3A_108 = arith.cmpi slt, %jit3A, %sign3A_107 : i32
        %sign3A_109 = arith.extui %sign3A_108 : i1 to i32
        %sign3A_110 = arith.subi %sign3A_106, %sign3A_109 : i32
        %ne3A = arith.cmpi ne, %sign3A_103, %sign3A_110 : i32
        %rem3A = arith.remsi %scan3A_95, %jit3A : i32
        %ne3A_111 = arith.constant 0 : i32
        %ne3A_112 = arith.cmpi ne, %rem3A, %ne3A_111 : i32
        %and3A = arith.andi %ne3A, %ne3A_112 : i1
        %sub3A = arith.constant 1 : i32
        %sub3A_113 = arith.subi %div3A, %sub3A : i32
        %select_n3A = arith.select %and3A, %sub3A_113, %div3A : i32
        %mul3A_114 = arith.constant 16 : i32
        %mul3A_115 = arith.muli %select_n3A, %mul3A_114 : i32
        %get3A = arith.index_cast %mul3A_115 : i32 to index
        %get3A_116 = tpu.vector_load %arg14[%get3A] {strides = array<i32>} : memref<64xi32, #tpu.memory_space<vmem>>, vector<16xi32>,
        %iota3A = tpu.iota {dimensions = array<i32: 0>} : vector<16xi32>
        %jit3A_117 = arith.constant 16 : i32
        %eq3A = arith.constant 0 : i32
        %eq3A_118 = arith.cmpi eq, %jit3A_117, %eq3A : i32
        %jit3A_119 = arith.constant 1 : i32
        %select_n3A_120 = arith.select %eq3A_118, %jit3A_119, %jit3A_117 : i32
        %rem3A_121 = arith.remsi %scan3A_95, %select_n3A_120 : i32
        %ne3A_122 = arith.constant 0 : i32
        %ne3A_123 = arith.cmpi ne, %rem3A_121, %ne3A_122 : i32
        %lt3A = arith.constant 0 : i32
        %lt3A_124 = arith.cmpi slt, %rem3A_121, %lt3A : i32
        %lt3A_125 = arith.constant 0 : i32
        %lt3A_126 = arith.cmpi slt, %select_n3A_120, %lt3A_125 : i32
        %ne3A_127 = arith.xori %lt3A_124, %lt3A_126 : i1
        %and3A_128 = arith.andi %ne3A_127, %ne3A_123 : i1
        %add3A_129 = arith.addi %rem3A_121, %select_n3A_120 : i32
        %select_n3A_130 = arith.select %and3A_128, %add3A_129, %rem3A_121 : i32
        %eq3A_131 = vector.broadcast %select_n3A_130 : i32 to vector<16xi32>
        %eq3A_132 = arith.cmpi eq, %iota3A, %eq3A_131 : vector<16xi32>
        %jit3A_133 = arith.constant -1073741824 : i32
        %broadcast_in_dim3A_134 = vector.broadcast %jit3A_133 : i32 to vector<16xi32>
        %select_n3A_135 = arith.select %eq3A_132, %get3A_116, %broadcast_in_dim3A_134 : vector<16xi1>, vector<16xi32>
        %reduce_max3A = arith.constant true
        %reduce_max3A_136 = vector.broadcast %reduce_max3A : i1 to vector<16xi1>
        %reduce_max3A_137 = arith.constant -2147483648 : i32
        %reduce_max3A_138 = vector.broadcast %reduce_max3A_137 : i32 to vector<16xi32>
        %reduce_max3A_139 = arith.xori %select_n3A_135, %reduce_max3A_138 : vector<16xi32>
        %reduce_max3A_140 = tpu.scan <max>, %reduce_max3A_139 masked %reduce_max3A_136 : vector<16xi32>, vector<16xi1> -> vector<16xi32>
        %reduce_max3A_141 = arith.xori %reduce_max3A_140, %reduce_max3A_138 : vector<16xi32>
        %reduce_max3A_142 = vector.extract %reduce_max3A_141[15] : i32 from vector<16xi32>
        %jit3A_143 = arith.constant 8 : i32
        %eq3A_144 = arith.constant 0 : i32
        %eq3A_145 = arith.cmpi eq, %jit3A_143, %eq3A_144 : i32
        %jit3A_146 = arith.constant 1 : i32
        %select_n3A_147 = arith.select %eq3A_145, %jit3A_146, %jit3A_143 : i32
        %rem3A_148 = arith.remsi %reduce_max3A_142, %select_n3A_147 : i32
        %ne3A_149 = arith.constant 0 : i32
        %ne3A_150 = arith.cmpi ne, %rem3A_148, %ne3A_149 : i32
        %lt3A_151 = arith.constant 0 : i32
        %lt3A_152 = arith.cmpi slt, %rem3A_148, %lt3A_151 : i32
        %lt3A_153 = arith.constant 0 : i32
        %lt3A_154 = arith.cmpi slt, %select_n3A_147, %lt3A_153 : i32
        %ne3A_155 = arith.xori %lt3A_152, %lt3A_154 : i1
        %and3A_156 = arith.andi %ne3A_155, %ne3A_150 : i1
        %add3A_157 = arith.addi %rem3A_148, %select_n3A_147 : i32
        %select_n3A_158 = arith.select %and3A_156, %add3A_157, %rem3A_148 : i32
        %get3A_159 = arith.index_cast %scan3A_95 : i32 to index
        %get3A_160 = arith.index_cast %select_n3A_158 : i32 to index
        %get3A_161 = arith.constant 0 : index
        %get3A_162 = tpu.vector_load %arg15[%get3A_159, %get3A_160, %get3A_161] {strides = array<i32>} : memref<64x8x32xf32, #tpu.memory_space<vmem>>, vector<16xf32>,
        %add3A_163 = arith.addf %scan3A_96, %get3A_162 : vector<16xf32>
        %get3A_164 = arith.index_cast %scan3A_95 : i32 to index
        %get3A_165 = arith.index_cast %select_n3A_158 : i32 to index
        %get3A_166 = arith.constant 16 : index
        %get3A_167 = tpu.vector_load %arg15[%get3A_164, %get3A_165, %get3A_166] {strides = array<i32>} : memref<64x8x32xf32, #tpu.memory_space<vmem>>, vector<16xf32>,
        %add3A_168 = arith.addf %scan3A_97, %get3A_167 : vector<16xf32>
        scf.yield %add3A_163, %add3A_168 : vector<16xf32>, vector<16xf32>
      }
      %scan3A_82 = arith.constant 64 : i32
      %mul3A_83 = arith.constant 1.562500e-02 : f32
      %mul3A_84 = vector.broadcast %mul3A_83 : f32 to vector<16xf32>
      %mul3A_85 = arith.mulf %scan3A_81#0, %mul3A_84 : vector<16xf32>
      %swap3A = arith.constant 0 : index
      %swap3A_86 = tpu.vector_load %arg16[%swap3A] {strides = array<i32>} : memref<32xf32, #tpu.memory_space<vmem>>, vector<16xf32>,
      tpu.vector_store %arg16[%swap3A], %mul3A_85 {strides = array<i32>} : memref<32xf32, #tpu.memory_space<vmem>>, vector<16xf32>,
      %mul3A_87 = arith.constant 1.562500e-02 : f32
      %mul3A_88 = vector.broadcast %mul3A_87 : f32 to vector<16xf32>
      %mul3A_89 = arith.mulf %scan3A_81#1, %mul3A_88 : vector<16xf32>
      %swap3A_90 = arith.constant 16 : index
      %swap3A_91 = tpu.vector_load %arg16[%swap3A_90] {strides = array<i32>} : memref<32xf32, #tpu.memory_space<vmem>>, vector<16xf32>,
      tpu.vector_store %arg16[%swap3A_90], %mul3A_89 {strides = array<i32>} : memref<32xf32, #tpu.memory_space<vmem>>, vector<16xf32>,
      %mul3A_92 = arith.constant 32 : i32
      %mul3A_93 = arith.muli %add3A_9, %mul3A_92 : i32
      %multiple_of3A_94 = tpu.assume_multiple %mul3A_93, 8 : i32
      "tpu.region"() ({
        %run_scoped3A = tpu.sem_alloc : memref<!tpu.dma_semaphore, #tpu.memory_space<semaphore_mem>>
        %dma_start3A_95 = tpu.memref_slice %arg5[%multiple_of3A_94] : memref<2048xf32, #tpu.memory_space<hbm>> -> memref<32xf32, #tpu.memory_space<hbm>>
        %dma_start3A_96 = tpu.memref_slice %arg5[%multiple_of3A_94] : memref<2048xf32, #tpu.memory_space<hbm>> -> memref<32xf32, #tpu.memory_space<hbm>>
        tpu.enqueue_dma source(%arg16 : memref<32xf32, #tpu.memory_space<vmem>>) target(%dma_start3A_96 : memref<32xf32, #tpu.memory_space<hbm>>) target_semaphore(%run_scoped3A : memref<!tpu.dma_semaphore, #tpu.memory_space<semaphore_mem>>)
        %dma_wait3A_97 = tpu.memref_slice %arg5[%multiple_of3A_94] : memref<2048xf32, #tpu.memory_space<hbm>> -> memref<32xf32, #tpu.memory_space<hbm>>
        %dma_wait3A_98 = tpu.memref_slice %arg5[%multiple_of3A_94] : memref<2048xf32, #tpu.memory_space<hbm>> -> memref<32xf32, #tpu.memory_space<hbm>>
        tpu.wait_dma2 semaphore(%run_scoped3A : memref<!tpu.dma_semaphore, #tpu.memory_space<semaphore_mem>>) src(%arg16 : memref<32xf32, #tpu.memory_space<vmem>>) dst(%dma_wait3A_98 : memref<32xf32, #tpu.memory_space<hbm>>)
        tpu.yield
      }) : () -> ()
    }
    %scan3A_5 = arith.constant 2 : i32
    return
  }
}

#map = affine_map<(d0, d1) -> (0)>
#map1 = affine_map<(d0, d1) -> (0, 0)>
module attributes {stable_mosaic.version = 14 : i64} {
  func.func @_sc_hop2_body(%arg0: i32, %arg1: i32, %arg2: memref<507904xf32, #tpu.memory_space<hbm>>, %arg3: memref<507904x128xf32, #tpu.memory_space<hbm>>, %arg4: memref<4096xi32, #tpu.memory_space<hbm>>, %arg5: memref<8192xf32, #tpu.memory_space<vmem>>, %arg6: memref<512xf32, #tpu.memory_space<vmem>>, %arg7: memref<32xf32, #tpu.memory_space<vmem>>, %arg8: memref<8192xi32, #tpu.memory_space<vmem>>, %arg9: memref<64xi32, #tpu.memory_space<vmem>>, %arg10: memref<64x128xf32, #tpu.memory_space<vmem>>, %arg11: memref<512xf32, #tpu.memory_space<vmem>>, %arg12: memref<32xf32, #tpu.memory_space<vmem>>, %arg13: memref<64xi32, #tpu.memory_space<vmem>>, %arg14: memref<!tpu.dma_semaphore, #tpu.memory_space<semaphore_mem>>) attributes {dimension_semantics = [#tpu.dimension_semantics<core_parallel>, #tpu.dimension_semantics<subcore_parallel>], iteration_bounds = array<i64: 2, 16>, scalar_prefetch = 0 : i64, scratch_operands = 10 : i64, tpu.core_type = #tpu.core_type<sc_vector_subcore>, window_params = [{transform_indices = #map}, {transform_indices = #map1}, {transform_indices = #map}]} {
    %mul3A = arith.constant 2 : i32
    %mul3A_0 = arith.muli %arg1, %mul3A : i32
    %add3A = arith.addi %mul3A_0, %arg0 : i32
    %scan3A = arith.constant 0 : i32
    %scan3A_1 = arith.constant 0 : i32
    %scan3A_2 = arith.constant 2 : i32
    %scan3A_3 = arith.addi %scan3A_1, %scan3A_2 : i32
    %scan3A_4 = arith.constant 1 : i32
    scf.for %scan3A_6 = %scan3A_1 to %scan3A_3 step %scan3A_4  : i32 {
      %mul3A_7 = arith.constant 2 : i32
      %mul3A_8 = arith.muli %add3A, %mul3A_7 : i32
      %add3A_9 = arith.addi %mul3A_8, %scan3A_6 : i32
      %mul3A_10 = arith.constant 7936 : i32
      %mul3A_11 = arith.muli %add3A_9, %mul3A_10 : i32
      %multiple_of3A = tpu.assume_multiple %mul3A_11, 8 : i32
      "tpu.region"() ({
        %run_scoped3A = tpu.sem_alloc : memref<!tpu.dma_semaphore, #tpu.memory_space<semaphore_mem>>
        %dma_start3A_67 = arith.constant 0 : i32
        %dma_start3A_68 = tpu.memref_slice %arg5[%dma_start3A_67] : memref<8192xf32, #tpu.memory_space<vmem>> -> memref<7936xf32, #tpu.memory_space<vmem>>
        %dma_start3A_69 = tpu.memref_slice %arg2[%multiple_of3A] : memref<507904xf32, #tpu.memory_space<hbm>> -> memref<7936xf32, #tpu.memory_space<hbm>>
        %dma_start3A_70 = arith.constant 0 : i32
        %dma_start3A_71 = tpu.memref_slice %arg5[%dma_start3A_70] : memref<8192xf32, #tpu.memory_space<vmem>> -> memref<7936xf32, #tpu.memory_space<vmem>>
        %dma_start3A_72 = tpu.memref_slice %arg2[%multiple_of3A] : memref<507904xf32, #tpu.memory_space<hbm>> -> memref<7936xf32, #tpu.memory_space<hbm>>
        tpu.enqueue_dma source(%dma_start3A_72 : memref<7936xf32, #tpu.memory_space<hbm>>) target(%dma_start3A_71 : memref<7936xf32, #tpu.memory_space<vmem>>) target_semaphore(%run_scoped3A : memref<!tpu.dma_semaphore, #tpu.memory_space<semaphore_mem>>)
        %dma_wait3A_73 = arith.constant 0 : i32
        %dma_wait3A_74 = tpu.memref_slice %arg5[%dma_wait3A_73] : memref<8192xf32, #tpu.memory_space<vmem>> -> memref<7936xf32, #tpu.memory_space<vmem>>
        %dma_wait3A_75 = tpu.memref_slice %arg2[%multiple_of3A] : memref<507904xf32, #tpu.memory_space<hbm>> -> memref<7936xf32, #tpu.memory_space<hbm>>
        %dma_wait3A_76 = arith.constant 0 : i32
        %dma_wait3A_77 = tpu.memref_slice %arg5[%dma_wait3A_76] : memref<8192xf32, #tpu.memory_space<vmem>> -> memref<7936xf32, #tpu.memory_space<vmem>>
        %dma_wait3A_78 = tpu.memref_slice %arg2[%multiple_of3A] : memref<507904xf32, #tpu.memory_space<hbm>> -> memref<7936xf32, #tpu.memory_space<hbm>>
        tpu.wait_dma2 semaphore(%run_scoped3A : memref<!tpu.dma_semaphore, #tpu.memory_space<semaphore_mem>>) src(%dma_wait3A_78 : memref<7936xf32, #tpu.memory_space<hbm>>) dst(%dma_wait3A_77 : memref<7936xf32, #tpu.memory_space<vmem>>)
        tpu.yield
      }) : () -> ()
      %scan3A_12 = arith.constant 0 : i32
      %scan3A_13 = arith.constant 0 : i32
      %scan3A_14 = arith.constant 16 : i32
      %scan3A_15 = arith.addi %scan3A_13, %scan3A_14 : i32
      %scan3A_16 = arith.constant 1 : i32
      scf.for %scan3A_67 = %scan3A_13 to %scan3A_15 step %scan3A_16  : i32 {
        %broadcast_in_dim3A = arith.constant 0xFF800000 : f32
        %broadcast_in_dim3A_68 = vector.broadcast %broadcast_in_dim3A : f32 to vector<16xf32>
        %mul3A_69 = arith.constant 16 : i32
        %mul3A_70 = arith.muli %scan3A_67, %mul3A_69 : i32
        %add3A_71 = arith.constant 7936 : i32
        %add3A_72 = arith.addi %add3A_71, %mul3A_70 : i32
        %swap3A = arith.index_cast %add3A_72 : i32 to index
        %swap3A_73 = tpu.vector_load %arg5[%swap3A] {strides = array<i32>} : memref<8192xf32, #tpu.memory_space<vmem>>, vector<16xf32>,
        tpu.vector_store %arg5[%swap3A], %broadcast_in_dim3A_68 {strides = array<i32>} : memref<8192xf32, #tpu.memory_space<vmem>>, vector<16xf32>,
      }
      %scan3A_17 = arith.constant 16 : i32
      %scan3A_18 = arith.constant 0 : i32
      %scan3A_19 = arith.constant 0 : i32
      %scan3A_20 = arith.constant 32 : i32
      %scan3A_21 = arith.addi %scan3A_19, %scan3A_20 : i32
      %scan3A_22 = arith.constant 1 : i32
      scf.for %scan3A_67 = %scan3A_19 to %scan3A_21 step %scan3A_22  : i32 {
        %broadcast_in_dim3A = arith.constant 0xFF800000 : f32
        %broadcast_in_dim3A_68 = vector.broadcast %broadcast_in_dim3A : f32 to vector<16xf32>
        %scan3A_69 = arith.constant 0 : i32
        %scan3A_70 = arith.constant 16 : i32
        %scan3A_71 = arith.addi %scan3A_69, %scan3A_70 : i32
        %scan3A_72 = arith.constant 1 : i32
        %scan3A_73 = scf.for %scan3A_78 = %scan3A_69 to %scan3A_71 step %scan3A_72 iter_args(%scan3A_79 = %broadcast_in_dim3A_68) -> (vector<16xf32>)  : i32 {
          %mul3A_80 = arith.constant 16 : i32
          %mul3A_81 = arith.muli %scan3A_67, %mul3A_80 : i32
          %add3A_82 = arith.addi %mul3A_81, %scan3A_78 : i32
          %mul3A_83 = arith.constant 16 : i32
          %mul3A_84 = arith.muli %add3A_82, %mul3A_83 : i32
          %get3A = arith.index_cast %mul3A_84 : i32 to index
          %get3A_85 = tpu.vector_load %arg5[%get3A] {strides = array<i32>} : memref<8192xf32, #tpu.memory_space<vmem>>, vector<16xf32>,
          %max3A = arith.maximumf %scan3A_79, %get3A_85 : vector<16xf32>
          scf.yield %max3A : vector<16xf32>
        }
        %scan3A_74 = arith.constant 16 : i32
        %mul3A_75 = arith.constant 16 : i32
        %mul3A_76 = arith.muli %scan3A_67, %mul3A_75 : i32
        %swap3A = arith.index_cast %mul3A_76 : i32 to index
        %swap3A_77 = tpu.vector_load %arg6[%swap3A] {strides = array<i32>} : memref<512xf32, #tpu.memory_space<vmem>>, vector<16xf32>,
        tpu.vector_store %arg6[%swap3A], %scan3A_73 {strides = array<i32>} : memref<512xf32, #tpu.memory_space<vmem>>, vector<16xf32>,
      }
      %scan3A_23 = arith.constant 32 : i32
      %scan3A_24 = arith.constant 0 : i32
      %scan3A_25 = arith.constant 0 : i32
      %scan3A_26 = arith.constant 2 : i32
      %scan3A_27 = arith.addi %scan3A_25, %scan3A_26 : i32
      %scan3A_28 = arith.constant 1 : i32
      scf.for %scan3A_67 = %scan3A_25 to %scan3A_27 step %scan3A_28  : i32 {
        %broadcast_in_dim3A = arith.constant 0xFF800000 : f32
        %broadcast_in_dim3A_68 = vector.broadcast %broadcast_in_dim3A : f32 to vector<16xf32>
        %scan3A_69 = arith.constant 0 : i32
        %scan3A_70 = arith.constant 16 : i32
        %scan3A_71 = arith.addi %scan3A_69, %scan3A_70 : i32
        %scan3A_72 = arith.constant 1 : i32
        %scan3A_73 = scf.for %scan3A_78 = %scan3A_69 to %scan3A_71 step %scan3A_72 iter_args(%scan3A_79 = %broadcast_in_dim3A_68) -> (vector<16xf32>)  : i32 {
          %mul3A_80 = arith.constant 16 : i32
          %mul3A_81 = arith.muli %scan3A_67, %mul3A_80 : i32
          %add3A_82 = arith.addi %mul3A_81, %scan3A_78 : i32
          %mul3A_83 = arith.constant 16 : i32
          %mul3A_84 = arith.muli %add3A_82, %mul3A_83 : i32
          %get3A = arith.index_cast %mul3A_84 : i32 to index
          %get3A_85 = tpu.vector_load %arg6[%get3A] {strides = array<i32>} : memref<512xf32, #tpu.memory_space<vmem>>, vector<16xf32>,
          %max3A = arith.maximumf %scan3A_79, %get3A_85 : vector<16xf32>
          scf.yield %max3A : vector<16xf32>
        }
        %scan3A_74 = arith.constant 16 : i32
        %mul3A_75 = arith.constant 16 : i32
        %mul3A_76 = arith.muli %scan3A_67, %mul3A_75 : i32
        %swap3A = arith.index_cast %mul3A_76 : i32 to index
        %swap3A_77 = tpu.vector_load %arg7[%swap3A] {strides = array<i32>} : memref<32xf32, #tpu.memory_space<vmem>>, vector<16xf32>,
        tpu.vector_store %arg7[%swap3A], %scan3A_73 {strides = array<i32>} : memref<32xf32, #tpu.memory_space<vmem>>, vector<16xf32>,
      }
      %scan3A_29 = arith.constant 2 : i32
      %scan3A_30 = arith.constant 0 : i32
      %scan3A_31 = arith.constant 0 : i32
      %scan3A_32 = arith.constant 64 : i32
      %scan3A_33 = arith.addi %scan3A_31, %scan3A_32 : i32
      %scan3A_34 = arith.constant 1 : i32
      scf.for %scan3A_67 = %scan3A_31 to %scan3A_33 step %scan3A_34  : i32 {
        %broadcast_in_dim3A = arith.constant 0xFF800000 : f32
        %broadcast_in_dim3A_68 = vector.broadcast %broadcast_in_dim3A : f32 to vector<16xf32>
        %scan3A_69 = arith.constant 0 : i32
        %scan3A_70 = arith.constant 2 : i32
        %scan3A_71 = arith.addi %scan3A_69, %scan3A_70 : i32
        %scan3A_72 = arith.constant 1 : i32
        %scan3A_73 = scf.for %scan3A_237 = %scan3A_69 to %scan3A_71 step %scan3A_72 iter_args(%scan3A_238 = %broadcast_in_dim3A_68) -> (vector<16xf32>)  : i32 {
          %mul3A_239 = arith.constant 16 : i32
          %mul3A_240 = arith.muli %scan3A_237, %mul3A_239 : i32
          %get3A_241 = arith.index_cast %mul3A_240 : i32 to index
          %get3A_242 = tpu.vector_load %arg7[%get3A_241] {strides = array<i32>} : memref<32xf32, #tpu.memory_space<vmem>>, vector<16xf32>,
          %max3A = arith.maximumf %scan3A_238, %get3A_242 : vector<16xf32>
          scf.yield %max3A : vector<16xf32>
        }
        %scan3A_74 = arith.constant 2 : i32
        %reduce_max3A = arith.constant true
        %reduce_max3A_75 = vector.broadcast %reduce_max3A : i1 to vector<16xi1>
        %reduce_max3A_76 = tpu.scan <max>, %scan3A_73 masked %reduce_max3A_75 : vector<16xf32>, vector<16xi1> -> vector<16xf32>
        %reduce_max3A_77 = vector.extract %reduce_max3A_76[15] : f32 from vector<16xf32>
        %scan3A_78 = arith.constant 16777216 : i32
        %scan3A_79 = arith.constant 0 : i32
        %scan3A_80 = arith.constant 2 : i32
        %scan3A_81 = arith.addi %scan3A_79, %scan3A_80 : i32
        %scan3A_82 = arith.constant 1 : i32
        %scan3A_83 = scf.for %scan3A_237 = %scan3A_79 to %scan3A_81 step %scan3A_82 iter_args(%scan3A_238 = %scan3A_78) -> (i32)  : i32 {
          %mul3A_239 = arith.constant 16 : i32
          %mul3A_240 = arith.muli %scan3A_237, %mul3A_239 : i32
          %get3A_241 = arith.index_cast %mul3A_240 : i32 to index
          %get3A_242 = tpu.vector_load %arg7[%get3A_241] {strides = array<i32>} : memref<32xf32, #tpu.memory_space<vmem>>, vector<16xf32>,
          %eq3A_243 = vector.broadcast %reduce_max3A_77 : f32 to vector<16xf32>
          %eq3A_244 = arith.cmpf oeq, %get3A_242, %eq3A_243 : vector<16xf32>
          %mul3A_245 = arith.constant 16 : i32
          %mul3A_246 = arith.muli %scan3A_237, %mul3A_245 : i32
          %iota3A_247 = tpu.iota {dimensions = array<i32: 0>} : vector<16xi32>
          %add3A_248 = vector.broadcast %mul3A_246 : i32 to vector<16xi32>
          %add3A_249 = arith.addi %add3A_248, %iota3A_247 : vector<16xi32>
          %jit3A_250 = arith.constant 16777216 : i32
          %broadcast_in_dim3A_251 = vector.broadcast %jit3A_250 : i32 to vector<16xi32>
          %select_n3A_252 = arith.select %eq3A_244, %add3A_249, %broadcast_in_dim3A_251 : vector<16xi1>, vector<16xi32>
          %reduce_min3A = arith.constant true
          %reduce_min3A_253 = vector.broadcast %reduce_min3A : i1 to vector<16xi1>
          %reduce_min3A_254 = arith.constant -2147483648 : i32
          %reduce_min3A_255 = vector.broadcast %reduce_min3A_254 : i32 to vector<16xi32>
          %reduce_min3A_256 = arith.xori %select_n3A_252, %reduce_min3A_255 : vector<16xi32>
          %reduce_min3A_257 = tpu.scan <min>, %reduce_min3A_256 masked %reduce_min3A_253 : vector<16xi32>, vector<16xi1> -> vector<16xi32>
          %reduce_min3A_258 = arith.xori %reduce_min3A_257, %reduce_min3A_255 : vector<16xi32>
          %reduce_min3A_259 = vector.extract %reduce_min3A_258[15] : i32 from vector<16xi32>
          %min3A = arith.minsi %scan3A_238, %reduce_min3A_259 : i32
          scf.yield %min3A : i32
        }
        %scan3A_84 = arith.constant 2 : i32
        %jit3A = arith.constant 16 : i32
        %div3A = arith.divsi %scan3A_83, %jit3A : i32
        %sign3A = arith.constant 0 : i32
        %sign3A_85 = arith.cmpi sgt, %scan3A_83, %sign3A : i32
        %sign3A_86 = arith.extui %sign3A_85 : i1 to i32
        %sign3A_87 = arith.constant 0 : i32
        %sign3A_88 = arith.cmpi slt, %scan3A_83, %sign3A_87 : i32
        %sign3A_89 = arith.extui %sign3A_88 : i1 to i32
        %sign3A_90 = arith.subi %sign3A_86, %sign3A_89 : i32
        %sign3A_91 = arith.constant 0 : i32
        %sign3A_92 = arith.cmpi sgt, %jit3A, %sign3A_91 : i32
        %sign3A_93 = arith.extui %sign3A_92 : i1 to i32
        %sign3A_94 = arith.constant 0 : i32
        %sign3A_95 = arith.cmpi slt, %jit3A, %sign3A_94 : i32
        %sign3A_96 = arith.extui %sign3A_95 : i1 to i32
        %sign3A_97 = arith.subi %sign3A_93, %sign3A_96 : i32
        %ne3A = arith.cmpi ne, %sign3A_90, %sign3A_97 : i32
        %rem3A = arith.remsi %scan3A_83, %jit3A : i32
        %ne3A_98 = arith.constant 0 : i32
        %ne3A_99 = arith.cmpi ne, %rem3A, %ne3A_98 : i32
        %and3A = arith.andi %ne3A, %ne3A_99 : i1
        %sub3A = arith.constant 1 : i32
        %sub3A_100 = arith.subi %div3A, %sub3A : i32
        %select_n3A = arith.select %and3A, %sub3A_100, %div3A : i32
        %jit3A_101 = arith.constant 16 : i32
        %eq3A = arith.constant 0 : i32
        %eq3A_102 = arith.cmpi eq, %jit3A_101, %eq3A : i32
        %jit3A_103 = arith.constant 1 : i32
        %select_n3A_104 = arith.select %eq3A_102, %jit3A_103, %jit3A_101 : i32
        %rem3A_105 = arith.remsi %scan3A_83, %select_n3A_104 : i32
        %ne3A_106 = arith.constant 0 : i32
        %ne3A_107 = arith.cmpi ne, %rem3A_105, %ne3A_106 : i32
        %lt3A = arith.constant 0 : i32
        %lt3A_108 = arith.cmpi slt, %rem3A_105, %lt3A : i32
        %lt3A_109 = arith.constant 0 : i32
        %lt3A_110 = arith.cmpi slt, %select_n3A_104, %lt3A_109 : i32
        %ne3A_111 = arith.xori %lt3A_108, %lt3A_110 : i1
        %and3A_112 = arith.andi %ne3A_111, %ne3A_107 : i1
        %add3A_113 = arith.addi %rem3A_105, %select_n3A_104 : i32
        %select_n3A_114 = arith.select %and3A_112, %add3A_113, %rem3A_105 : i32
        %mul3A_115 = arith.constant 16 : i32
        %mul3A_116 = arith.muli %select_n3A, %mul3A_115 : i32
        %mul3A_117 = arith.constant 16 : i32
        %mul3A_118 = arith.muli %select_n3A, %mul3A_117 : i32
        %scan3A_119 = arith.constant 16777216 : i32
        %scan3A_120 = arith.constant 0 : i32
        %scan3A_121 = arith.constant 16 : i32
        %scan3A_122 = arith.addi %scan3A_120, %scan3A_121 : i32
        %scan3A_123 = arith.constant 1 : i32
        %scan3A_124 = scf.for %scan3A_237 = %scan3A_120 to %scan3A_122 step %scan3A_123 iter_args(%scan3A_238 = %scan3A_119) -> (i32)  : i32 {
          %add3A_239 = arith.addi %mul3A_118, %scan3A_237 : i32
          %mul3A_240 = arith.constant 16 : i32
          %mul3A_241 = arith.muli %add3A_239, %mul3A_240 : i32
          %get3A_242 = arith.index_cast %mul3A_241 : i32 to index
          %get3A_243 = tpu.vector_load %arg6[%get3A_242] {strides = array<i32>} : memref<512xf32, #tpu.memory_space<vmem>>, vector<16xf32>,
          %eq3A_244 = vector.broadcast %reduce_max3A_77 : f32 to vector<16xf32>
          %eq3A_245 = arith.cmpf oeq, %get3A_243, %eq3A_244 : vector<16xf32>
          %iota3A_246 = tpu.iota {dimensions = array<i32: 0>} : vector<16xi32>
          %eq3A_247 = vector.broadcast %select_n3A_114 : i32 to vector<16xi32>
          %eq3A_248 = arith.cmpi eq, %iota3A_246, %eq3A_247 : vector<16xi32>
          %and3A_249 = arith.andi %eq3A_245, %eq3A_248 : vector<16xi1>
          %jit3A_250 = arith.constant 16777216 : i32
          %broadcast_in_dim3A_251 = vector.broadcast %scan3A_237 : i32 to vector<16xi32>
          %broadcast_in_dim3A_252 = vector.broadcast %jit3A_250 : i32 to vector<16xi32>
          %select_n3A_253 = arith.select %and3A_249, %broadcast_in_dim3A_251, %broadcast_in_dim3A_252 : vector<16xi1>, vector<16xi32>
          %reduce_min3A = arith.constant true
          %reduce_min3A_254 = vector.broadcast %reduce_min3A : i1 to vector<16xi1>
          %reduce_min3A_255 = arith.constant -2147483648 : i32
          %reduce_min3A_256 = vector.broadcast %reduce_min3A_255 : i32 to vector<16xi32>
          %reduce_min3A_257 = arith.xori %select_n3A_253, %reduce_min3A_256 : vector<16xi32>
          %reduce_min3A_258 = tpu.scan <min>, %reduce_min3A_257 masked %reduce_min3A_254 : vector<16xi32>, vector<16xi1> -> vector<16xi32>
          %reduce_min3A_259 = arith.xori %reduce_min3A_258, %reduce_min3A_256 : vector<16xi32>
          %reduce_min3A_260 = vector.extract %reduce_min3A_259[15] : i32 from vector<16xi32>
          %min3A = arith.minsi %scan3A_238, %reduce_min3A_260 : i32
          scf.yield %min3A : i32
        }
        %scan3A_125 = arith.constant 16 : i32
        %add3A_126 = arith.addi %mul3A_116, %scan3A_124 : i32
        %mul3A_127 = arith.constant 16 : i32
        %mul3A_128 = arith.muli %add3A_126, %mul3A_127 : i32
        %mul3A_129 = arith.constant 16 : i32
        %mul3A_130 = arith.muli %add3A_126, %mul3A_129 : i32
        %scan3A_131 = arith.constant 16777216 : i32
        %scan3A_132 = arith.constant 0 : i32
        %scan3A_133 = arith.constant 16 : i32
        %scan3A_134 = arith.addi %scan3A_132, %scan3A_133 : i32
        %scan3A_135 = arith.constant 1 : i32
        %scan3A_136 = scf.for %scan3A_237 = %scan3A_132 to %scan3A_134 step %scan3A_135 iter_args(%scan3A_238 = %scan3A_131) -> (i32)  : i32 {
          %add3A_239 = arith.addi %mul3A_130, %scan3A_237 : i32
          %mul3A_240 = arith.constant 16 : i32
          %mul3A_241 = arith.muli %add3A_239, %mul3A_240 : i32
          %get3A_242 = arith.index_cast %mul3A_241 : i32 to index
          %get3A_243 = tpu.vector_load %arg5[%get3A_242] {strides = array<i32>} : memref<8192xf32, #tpu.memory_space<vmem>>, vector<16xf32>,
          %eq3A_244 = vector.broadcast %reduce_max3A_77 : f32 to vector<16xf32>
          %eq3A_245 = arith.cmpf oeq, %get3A_243, %eq3A_244 : vector<16xf32>
          %iota3A_246 = tpu.iota {dimensions = array<i32: 0>} : vector<16xi32>
          %eq3A_247 = vector.broadcast %select_n3A_114 : i32 to vector<16xi32>
          %eq3A_248 = arith.cmpi eq, %iota3A_246, %eq3A_247 : vector<16xi32>
          %and3A_249 = arith.andi %eq3A_245, %eq3A_248 : vector<16xi1>
          %jit3A_250 = arith.constant 16777216 : i32
          %broadcast_in_dim3A_251 = vector.broadcast %scan3A_237 : i32 to vector<16xi32>
          %broadcast_in_dim3A_252 = vector.broadcast %jit3A_250 : i32 to vector<16xi32>
          %select_n3A_253 = arith.select %and3A_249, %broadcast_in_dim3A_251, %broadcast_in_dim3A_252 : vector<16xi1>, vector<16xi32>
          %reduce_min3A = arith.constant true
          %reduce_min3A_254 = vector.broadcast %reduce_min3A : i1 to vector<16xi1>
          %reduce_min3A_255 = arith.constant -2147483648 : i32
          %reduce_min3A_256 = vector.broadcast %reduce_min3A_255 : i32 to vector<16xi32>
          %reduce_min3A_257 = arith.xori %select_n3A_253, %reduce_min3A_256 : vector<16xi32>
          %reduce_min3A_258 = tpu.scan <min>, %reduce_min3A_257 masked %reduce_min3A_254 : vector<16xi32>, vector<16xi1> -> vector<16xi32>
          %reduce_min3A_259 = arith.xori %reduce_min3A_258, %reduce_min3A_256 : vector<16xi32>
          %reduce_min3A_260 = vector.extract %reduce_min3A_259[15] : i32 from vector<16xi32>
          %min3A = arith.minsi %scan3A_238, %reduce_min3A_260 : i32
          scf.yield %min3A : i32
        }
        %scan3A_137 = arith.constant 16 : i32
        %add3A_138 = arith.addi %mul3A_128, %scan3A_136 : i32
        %mul3A_139 = arith.constant 16 : i32
        %mul3A_140 = arith.muli %add3A_138, %mul3A_139 : i32
        %add3A_141 = arith.addi %mul3A_140, %select_n3A_114 : i32
        %mul3A_142 = arith.constant 16 : i32
        %mul3A_143 = arith.muli %add3A_138, %mul3A_142 : i32
        %get3A = arith.index_cast %mul3A_143 : i32 to index
        %get3A_144 = tpu.vector_load %arg5[%get3A] {strides = array<i32>} : memref<8192xf32, #tpu.memory_space<vmem>>, vector<16xf32>,
        %iota3A = tpu.iota {dimensions = array<i32: 0>} : vector<16xi32>
        %eq3A_145 = vector.broadcast %select_n3A_114 : i32 to vector<16xi32>
        %eq3A_146 = arith.cmpi eq, %iota3A, %eq3A_145 : vector<16xi32>
        %jit3A_147 = arith.constant 0xFF800000 : f32
        %broadcast_in_dim3A_148 = vector.broadcast %jit3A_147 : f32 to vector<16xf32>
        %select_n3A_149 = arith.select %eq3A_146, %broadcast_in_dim3A_148, %get3A_144 : vector<16xi1>, vector<16xf32>
        %swap3A = arith.index_cast %mul3A_143 : i32 to index
        %swap3A_150 = tpu.vector_load %arg5[%swap3A] {strides = array<i32>} : memref<8192xf32, #tpu.memory_space<vmem>>, vector<16xf32>,
        tpu.vector_store %arg5[%swap3A], %select_n3A_149 {strides = array<i32>} : memref<8192xf32, #tpu.memory_space<vmem>>, vector<16xf32>,
        %broadcast_in_dim3A_151 = arith.constant 0xFF800000 : f32
        %broadcast_in_dim3A_152 = vector.broadcast %broadcast_in_dim3A_151 : f32 to vector<16xf32>
        %scan3A_153 = arith.constant 0 : i32
        %scan3A_154 = arith.constant 16 : i32
        %scan3A_155 = arith.addi %scan3A_153, %scan3A_154 : i32
        %scan3A_156 = arith.constant 1 : i32
        %scan3A_157 = scf.for %scan3A_237 = %scan3A_153 to %scan3A_155 step %scan3A_156 iter_args(%scan3A_238 = %broadcast_in_dim3A_152) -> (vector<16xf32>)  : i32 {
          %mul3A_239 = arith.constant 16 : i32
          %mul3A_240 = arith.muli %add3A_126, %mul3A_239 : i32
          %add3A_241 = arith.addi %mul3A_240, %scan3A_237 : i32
          %mul3A_242 = arith.constant 16 : i32
          %mul3A_243 = arith.muli %add3A_241, %mul3A_242 : i32
          %get3A_244 = arith.index_cast %mul3A_243 : i32 to index
          %get3A_245 = tpu.vector_load %arg5[%get3A_244] {strides = array<i32>} : memref<8192xf32, #tpu.memory_space<vmem>>, vector<16xf32>,
          %max3A = arith.maximumf %scan3A_238, %get3A_245 : vector<16xf32>
          scf.yield %max3A : vector<16xf32>
        }
        %scan3A_158 = arith.constant 16 : i32
        %mul3A_159 = arith.constant 16 : i32
        %mul3A_160 = arith.muli %add3A_126, %mul3A_159 : i32
        %swap3A_161 = arith.index_cast %mul3A_160 : i32 to index
        %swap3A_162 = tpu.vector_load %arg6[%swap3A_161] {strides = array<i32>} : memref<512xf32, #tpu.memory_space<vmem>>, vector<16xf32>,
        tpu.vector_store %arg6[%swap3A_161], %scan3A_157 {strides = array<i32>} : memref<512xf32, #tpu.memory_space<vmem>>, vector<16xf32>,
        %broadcast_in_dim3A_163 = arith.constant 0xFF800000 : f32
        %broadcast_in_dim3A_164 = vector.broadcast %broadcast_in_dim3A_163 : f32 to vector<16xf32>
        %scan3A_165 = arith.constant 0 : i32
        %scan3A_166 = arith.constant 16 : i32
        %scan3A_167 = arith.addi %scan3A_165, %scan3A_166 : i32
        %scan3A_168 = arith.constant 1 : i32
        %scan3A_169 = scf.for %scan3A_237 = %scan3A_165 to %scan3A_167 step %scan3A_168 iter_args(%scan3A_238 = %broadcast_in_dim3A_164) -> (vector<16xf32>)  : i32 {
          %mul3A_239 = arith.constant 16 : i32
          %mul3A_240 = arith.muli %select_n3A, %mul3A_239 : i32
          %add3A_241 = arith.addi %mul3A_240, %scan3A_237 : i32
          %mul3A_242 = arith.constant 16 : i32
          %mul3A_243 = arith.muli %add3A_241, %mul3A_242 : i32
          %get3A_244 = arith.index_cast %mul3A_243 : i32 to index
          %get3A_245 = tpu.vector_load %arg6[%get3A_244] {strides = array<i32>} : memref<512xf32, #tpu.memory_space<vmem>>, vector<16xf32>,
          %max3A = arith.maximumf %scan3A_238, %get3A_245 : vector<16xf32>
          scf.yield %max3A : vector<16xf32>
        }
        %scan3A_170 = arith.constant 16 : i32
        %mul3A_171 = arith.constant 16 : i32
        %mul3A_172 = arith.muli %select_n3A, %mul3A_171 : i32
        %swap3A_173 = arith.index_cast %mul3A_172 : i32 to index
        %swap3A_174 = tpu.vector_load %arg7[%swap3A_173] {strides = array<i32>} : memref<32xf32, #tpu.memory_space<vmem>>, vector<16xf32>,
        tpu.vector_store %arg7[%swap3A_173], %scan3A_169 {strides = array<i32>} : memref<32xf32, #tpu.memory_space<vmem>>, vector<16xf32>,
        %mul3A_175 = arith.constant 128 : i32
        %mul3A_176 = arith.muli %add3A_141, %mul3A_175 : i32
        %mul3A_177 = arith.constant 7936 : i32
        %mul3A_178 = arith.muli %add3A_9, %mul3A_177 : i32
        %add3A_179 = arith.addi %mul3A_178, %add3A_141 : i32
        %jit3A_180 = arith.constant 16 : i32
        %div3A_181 = arith.divsi %scan3A_67, %jit3A_180 : i32
        %sign3A_182 = arith.constant 0 : i32
        %sign3A_183 = arith.cmpi sgt, %scan3A_67, %sign3A_182 : i32
        %sign3A_184 = arith.extui %sign3A_183 : i1 to i32
        %sign3A_185 = arith.constant 0 : i32
        %sign3A_186 = arith.cmpi slt, %scan3A_67, %sign3A_185 : i32
        %sign3A_187 = arith.extui %sign3A_186 : i1 to i32
        %sign3A_188 = arith.subi %sign3A_184, %sign3A_187 : i32
        %sign3A_189 = arith.constant 0 : i32
        %sign3A_190 = arith.cmpi sgt, %jit3A_180, %sign3A_189 : i32
        %sign3A_191 = arith.extui %sign3A_190 : i1 to i32
        %sign3A_192 = arith.constant 0 : i32
        %sign3A_193 = arith.cmpi slt, %jit3A_180, %sign3A_192 : i32
        %sign3A_194 = arith.extui %sign3A_193 : i1 to i32
        %sign3A_195 = arith.subi %sign3A_191, %sign3A_194 : i32
        %ne3A_196 = arith.cmpi ne, %sign3A_188, %sign3A_195 : i32
        %rem3A_197 = arith.remsi %scan3A_67, %jit3A_180 : i32
        %ne3A_198 = arith.constant 0 : i32
        %ne3A_199 = arith.cmpi ne, %rem3A_197, %ne3A_198 : i32
        %and3A_200 = arith.andi %ne3A_196, %ne3A_199 : i1
        %sub3A_201 = arith.constant 1 : i32
        %sub3A_202 = arith.subi %div3A_181, %sub3A_201 : i32
        %select_n3A_203 = arith.select %and3A_200, %sub3A_202, %div3A_181 : i32
        %mul3A_204 = arith.constant 16 : i32
        %mul3A_205 = arith.muli %select_n3A_203, %mul3A_204 : i32
        %get3A_206 = arith.index_cast %mul3A_205 : i32 to index
        %get3A_207 = tpu.vector_load %arg9[%get3A_206] {strides = array<i32>} : memref<64xi32, #tpu.memory_space<vmem>>, vector<16xi32>,
        %iota3A_208 = tpu.iota {dimensions = array<i32: 0>} : vector<16xi32>
        %jit3A_209 = arith.constant 16 : i32
        %eq3A_210 = arith.constant 0 : i32
        %eq3A_211 = arith.cmpi eq, %jit3A_209, %eq3A_210 : i32
        %jit3A_212 = arith.constant 1 : i32
        %select_n3A_213 = arith.select %eq3A_211, %jit3A_212, %jit3A_209 : i32
        %rem3A_214 = arith.remsi %scan3A_67, %select_n3A_213 : i32
        %ne3A_215 = arith.constant 0 : i32
        %ne3A_216 = arith.cmpi ne, %rem3A_214, %ne3A_215 : i32
        %lt3A_217 = arith.constant 0 : i32
        %lt3A_218 = arith.cmpi slt, %rem3A_214, %lt3A_217 : i32
        %lt3A_219 = arith.constant 0 : i32
        %lt3A_220 = arith.cmpi slt, %select_n3A_213, %lt3A_219 : i32
        %ne3A_221 = arith.xori %lt3A_218, %lt3A_220 : i1
        %and3A_222 = arith.andi %ne3A_221, %ne3A_216 : i1
        %add3A_223 = arith.addi %rem3A_214, %select_n3A_213 : i32
        %select_n3A_224 = arith.select %and3A_222, %add3A_223, %rem3A_214 : i32
        %eq3A_225 = vector.broadcast %select_n3A_224 : i32 to vector<16xi32>
        %eq3A_226 = arith.cmpi eq, %iota3A_208, %eq3A_225 : vector<16xi32>
        %broadcast_in_dim3A_227 = vector.broadcast %add3A_179 : i32 to vector<16xi32>
        %select_n3A_228 = arith.select %eq3A_226, %broadcast_in_dim3A_227, %get3A_207 : vector<16xi1>, vector<16xi32>
        %swap3A_229 = arith.index_cast %mul3A_205 : i32 to index
        %swap3A_230 = tpu.vector_load %arg9[%swap3A_229] {strides = array<i32>} : memref<64xi32, #tpu.memory_space<vmem>>, vector<16xi32>,
        tpu.vector_store %arg9[%swap3A_229], %select_n3A_228 {strides = array<i32>} : memref<64xi32, #tpu.memory_space<vmem>>, vector<16xi32>,
        %scan3A_231 = arith.constant 0 : i32
        %scan3A_232 = arith.constant 0 : i32
        %scan3A_233 = arith.constant 8 : i32
        %scan3A_234 = arith.addi %scan3A_232, %scan3A_233 : i32
        %scan3A_235 = arith.constant 1 : i32
        scf.for %scan3A_237 = %scan3A_232 to %scan3A_234 step %scan3A_235  : i32 {
          %mul3A_238 = arith.constant 16 : i32
          %mul3A_239 = arith.muli %scan3A_237, %mul3A_238 : i32
          %add3A_240 = arith.addi %mul3A_176, %mul3A_239 : i32
          %iota3A_241 = tpu.iota {dimensions = array<i32: 0>} : vector<16xi32>
          %add3A_242 = vector.broadcast %add3A_240 : i32 to vector<16xi32>
          %add3A_243 = arith.addi %add3A_242, %iota3A_241 : vector<16xi32>
          %lt3A_244 = arith.constant 1000000 : i32
          %lt3A_245 = vector.broadcast %lt3A_244 : i32 to vector<16xi32>
          %lt3A_246 = arith.cmpi slt, %add3A_243, %lt3A_245 : vector<16xi32>
          %jit3A_247 = arith.constant -1 : i32
          %broadcast_in_dim3A_248 = vector.broadcast %jit3A_247 : i32 to vector<16xi32>
          %select_n3A_249 = arith.select %lt3A_246, %add3A_243, %broadcast_in_dim3A_248 : vector<16xi1>, vector<16xi32>
          %mul3A_250 = arith.constant 128 : i32
          %mul3A_251 = arith.muli %scan3A_67, %mul3A_250 : i32
          %mul3A_252 = arith.constant 16 : i32
          %mul3A_253 = arith.muli %scan3A_237, %mul3A_252 : i32
          %add3A_254 = arith.addi %mul3A_251, %mul3A_253 : i32
          %swap3A_255 = arith.index_cast %add3A_254 : i32 to index
          %swap3A_256 = tpu.vector_load %arg8[%swap3A_255] {strides = array<i32>} : memref<8192xi32, #tpu.memory_space<vmem>>, vector<16xi32>,
          tpu.vector_store %arg8[%swap3A_255], %select_n3A_249 {strides = array<i32>} : memref<8192xi32, #tpu.memory_space<vmem>>, vector<16xi32>,
        }
        %scan3A_236 = arith.constant 8 : i32
      }
      %scan3A_35 = arith.constant 64 : i32
      %dma_start3A = arith.constant 0 : i32
      %dma_start3A_36 = arith.constant 0 : i32
      %dma_start3A_37 = tpu.memref_slice %arg3[%dma_start3A, %dma_start3A_36] : memref<507904x128xf32, #tpu.memory_space<hbm>> -> memref<507904x128xf32, #tpu.memory_space<hbm>>
      tpu.enqueue_indirect_dma source(%dma_start3A_37 : memref<507904x128xf32, #tpu.memory_space<hbm>>) target(%arg10 : memref<64x128xf32, #tpu.memory_space<vmem>>) offsets(%arg9 : memref<64xi32, #tpu.memory_space<vmem>>) semaphore(%arg14 : memref<!tpu.dma_semaphore, #tpu.memory_space<semaphore_mem>>)
      %dma_wait3A = arith.constant 0 : i32
      %dma_wait3A_38 = arith.constant 0 : i32
      %dma_wait3A_39 = tpu.memref_slice %arg3[%dma_wait3A, %dma_wait3A_38] : memref<507904x128xf32, #tpu.memory_space<hbm>> -> memref<507904x128xf32, #tpu.memory_space<hbm>>
      tpu.wait_indirect_dma semaphore(%arg14 : memref<!tpu.dma_semaphore, #tpu.memory_space<semaphore_mem>>) src(%dma_wait3A_39 : memref<507904x128xf32, #tpu.memory_space<hbm>>) dst(%arg10 : memref<64x128xf32, #tpu.memory_space<vmem>>)
      %scan3A_40 = arith.constant 0 : i32
      %scan3A_41 = arith.constant 0 : i32
      %scan3A_42 = arith.constant 512 : i32
      %scan3A_43 = arith.addi %scan3A_41, %scan3A_42 : i32
      %scan3A_44 = arith.constant 1 : i32
      scf.for %scan3A_67 = %scan3A_41 to %scan3A_43 step %scan3A_44  : i32 {
        %mul3A_68 = arith.constant 16 : i32
        %mul3A_69 = arith.muli %scan3A_67, %mul3A_68 : i32
        %get3A = arith.index_cast %mul3A_69 : i32 to index
        %get3A_70 = tpu.vector_load %arg8[%get3A] {strides = array<i32>} : memref<8192xi32, #tpu.memory_space<vmem>>, vector<16xi32>,
        %jit3A = arith.constant 8 : i32
        %div3A = arith.divsi %scan3A_67, %jit3A : i32
        %sign3A = arith.constant 0 : i32
        %sign3A_71 = arith.cmpi sgt, %scan3A_67, %sign3A : i32
        %sign3A_72 = arith.extui %sign3A_71 : i1 to i32
        %sign3A_73 = arith.constant 0 : i32
        %sign3A_74 = arith.cmpi slt, %scan3A_67, %sign3A_73 : i32
        %sign3A_75 = arith.extui %sign3A_74 : i1 to i32
        %sign3A_76 = arith.subi %sign3A_72, %sign3A_75 : i32
        %sign3A_77 = arith.constant 0 : i32
        %sign3A_78 = arith.cmpi sgt, %jit3A, %sign3A_77 : i32
        %sign3A_79 = arith.extui %sign3A_78 : i1 to i32
        %sign3A_80 = arith.constant 0 : i32
        %sign3A_81 = arith.cmpi slt, %jit3A, %sign3A_80 : i32
        %sign3A_82 = arith.extui %sign3A_81 : i1 to i32
        %sign3A_83 = arith.subi %sign3A_79, %sign3A_82 : i32
        %ne3A = arith.cmpi ne, %sign3A_76, %sign3A_83 : i32
        %rem3A = arith.remsi %scan3A_67, %jit3A : i32
        %ne3A_84 = arith.constant 0 : i32
        %ne3A_85 = arith.cmpi ne, %rem3A, %ne3A_84 : i32
        %and3A = arith.andi %ne3A, %ne3A_85 : i1
        %sub3A = arith.constant 1 : i32
        %sub3A_86 = arith.subi %div3A, %sub3A : i32
        %select_n3A = arith.select %and3A, %sub3A_86, %div3A : i32
        %jit3A_87 = arith.constant 8 : i32
        %eq3A = arith.constant 0 : i32
        %eq3A_88 = arith.cmpi eq, %jit3A_87, %eq3A : i32
        %jit3A_89 = arith.constant 1 : i32
        %select_n3A_90 = arith.select %eq3A_88, %jit3A_89, %jit3A_87 : i32
        %rem3A_91 = arith.remsi %scan3A_67, %select_n3A_90 : i32
        %ne3A_92 = arith.constant 0 : i32
        %ne3A_93 = arith.cmpi ne, %rem3A_91, %ne3A_92 : i32
        %lt3A = arith.constant 0 : i32
        %lt3A_94 = arith.cmpi slt, %rem3A_91, %lt3A : i32
        %lt3A_95 = arith.constant 0 : i32
        %lt3A_96 = arith.cmpi slt, %select_n3A_90, %lt3A_95 : i32
        %ne3A_97 = arith.xori %lt3A_94, %lt3A_96 : i1
        %and3A_98 = arith.andi %ne3A_97, %ne3A_93 : i1
        %add3A_99 = arith.addi %rem3A_91, %select_n3A_90 : i32
        %select_n3A_100 = arith.select %and3A_98, %add3A_99, %rem3A_91 : i32
        %mul3A_101 = arith.constant 16 : i32
        %mul3A_102 = arith.muli %select_n3A_100, %mul3A_101 : i32
        %get3A_103 = arith.index_cast %select_n3A : i32 to index
        %get3A_104 = arith.index_cast %mul3A_102 : i32 to index
        %get3A_105 = tpu.vector_load %arg10[%get3A_103, %get3A_104] {strides = array<i32>} : memref<64x128xf32, #tpu.memory_space<vmem>>, vector<16xf32>,
        %ge3A = arith.constant 0 : i32
        %ge3A_106 = vector.broadcast %ge3A : i32 to vector<16xi32>
        %ge3A_107 = arith.cmpi sge, %get3A_70, %ge3A_106 : vector<16xi32>
        %jit3A_108 = arith.constant 0xFF800000 : f32
        %broadcast_in_dim3A = vector.broadcast %jit3A_108 : f32 to vector<16xf32>
        %select_n3A_109 = arith.select %ge3A_107, %get3A_105, %broadcast_in_dim3A : vector<16xi1>, vector<16xf32>
        %jit3A_110 = arith.constant 8 : i32
        %div3A_111 = arith.divsi %scan3A_67, %jit3A_110 : i32
        %sign3A_112 = arith.constant 0 : i32
        %sign3A_113 = arith.cmpi sgt, %scan3A_67, %sign3A_112 : i32
        %sign3A_114 = arith.extui %sign3A_113 : i1 to i32
        %sign3A_115 = arith.constant 0 : i32
        %sign3A_116 = arith.cmpi slt, %scan3A_67, %sign3A_115 : i32
        %sign3A_117 = arith.extui %sign3A_116 : i1 to i32
        %sign3A_118 = arith.subi %sign3A_114, %sign3A_117 : i32
        %sign3A_119 = arith.constant 0 : i32
        %sign3A_120 = arith.cmpi sgt, %jit3A_110, %sign3A_119 : i32
        %sign3A_121 = arith.extui %sign3A_120 : i1 to i32
        %sign3A_122 = arith.constant 0 : i32
        %sign3A_123 = arith.cmpi slt, %jit3A_110, %sign3A_122 : i32
        %sign3A_124 = arith.extui %sign3A_123 : i1 to i32
        %sign3A_125 = arith.subi %sign3A_121, %sign3A_124 : i32
        %ne3A_126 = arith.cmpi ne, %sign3A_118, %sign3A_125 : i32
        %rem3A_127 = arith.remsi %scan3A_67, %jit3A_110 : i32
        %ne3A_128 = arith.constant 0 : i32
        %ne3A_129 = arith.cmpi ne, %rem3A_127, %ne3A_128 : i32
        %and3A_130 = arith.andi %ne3A_126, %ne3A_129 : i1
        %sub3A_131 = arith.constant 1 : i32
        %sub3A_132 = arith.subi %div3A_111, %sub3A_131 : i32
        %select_n3A_133 = arith.select %and3A_130, %sub3A_132, %div3A_111 : i32
        %jit3A_134 = arith.constant 8 : i32
        %eq3A_135 = arith.constant 0 : i32
        %eq3A_136 = arith.cmpi eq, %jit3A_134, %eq3A_135 : i32
        %jit3A_137 = arith.constant 1 : i32
        %select_n3A_138 = arith.select %eq3A_136, %jit3A_137, %jit3A_134 : i32
        %rem3A_139 = arith.remsi %scan3A_67, %select_n3A_138 : i32
        %ne3A_140 = arith.constant 0 : i32
        %ne3A_141 = arith.cmpi ne, %rem3A_139, %ne3A_140 : i32
        %lt3A_142 = arith.constant 0 : i32
        %lt3A_143 = arith.cmpi slt, %rem3A_139, %lt3A_142 : i32
        %lt3A_144 = arith.constant 0 : i32
        %lt3A_145 = arith.cmpi slt, %select_n3A_138, %lt3A_144 : i32
        %ne3A_146 = arith.xori %lt3A_143, %lt3A_145 : i1
        %and3A_147 = arith.andi %ne3A_146, %ne3A_141 : i1
        %add3A_148 = arith.addi %rem3A_139, %select_n3A_138 : i32
        %select_n3A_149 = arith.select %and3A_147, %add3A_148, %rem3A_139 : i32
        %mul3A_150 = arith.constant 16 : i32
        %mul3A_151 = arith.muli %select_n3A_149, %mul3A_150 : i32
        %swap3A = arith.index_cast %select_n3A_133 : i32 to index
        %swap3A_152 = arith.index_cast %mul3A_151 : i32 to index
        %swap3A_153 = tpu.vector_load %arg10[%swap3A, %swap3A_152] {strides = array<i32>} : memref<64x128xf32, #tpu.memory_space<vmem>>, vector<16xf32>,
        tpu.vector_store %arg10[%swap3A, %swap3A_152], %select_n3A_109 {strides = array<i32>} : memref<64x128xf32, #tpu.memory_space<vmem>>, vector<16xf32>,
      }
      %scan3A_45 = arith.constant 512 : i32
      %scan3A_46 = arith.constant 0 : i32
      %scan3A_47 = arith.constant 0 : i32
      %scan3A_48 = arith.constant 32 : i32
      %scan3A_49 = arith.addi %scan3A_47, %scan3A_48 : i32
      %scan3A_50 = arith.constant 1 : i32
      scf.for %scan3A_67 = %scan3A_47 to %scan3A_49 step %scan3A_50  : i32 {
        %broadcast_in_dim3A = arith.constant 0xFF800000 : f32
        %broadcast_in_dim3A_68 = vector.broadcast %broadcast_in_dim3A : f32 to vector<16xf32>
        %scan3A_69 = arith.constant 0 : i32
        %scan3A_70 = arith.constant 16 : i32
        %scan3A_71 = arith.addi %scan3A_69, %scan3A_70 : i32
        %scan3A_72 = arith.constant 1 : i32
        %scan3A_73 = scf.for %scan3A_78 = %scan3A_69 to %scan3A_71 step %scan3A_72 iter_args(%scan3A_79 = %broadcast_in_dim3A_68) -> (vector<16xf32>)  : i32 {
          %mul3A_80 = arith.constant 16 : i32
          %mul3A_81 = arith.muli %scan3A_67, %mul3A_80 : i32
          %add3A_82 = arith.addi %mul3A_81, %scan3A_78 : i32
          %jit3A = arith.constant 8 : i32
          %div3A = arith.divsi %add3A_82, %jit3A : i32
          %sign3A = arith.constant 0 : i32
          %sign3A_83 = arith.cmpi sgt, %add3A_82, %sign3A : i32
          %sign3A_84 = arith.extui %sign3A_83 : i1 to i32
          %sign3A_85 = arith.constant 0 : i32
          %sign3A_86 = arith.cmpi slt, %add3A_82, %sign3A_85 : i32
          %sign3A_87 = arith.extui %sign3A_86 : i1 to i32
          %sign3A_88 = arith.subi %sign3A_84, %sign3A_87 : i32
          %sign3A_89 = arith.constant 0 : i32
          %sign3A_90 = arith.cmpi sgt, %jit3A, %sign3A_89 : i32
          %sign3A_91 = arith.extui %sign3A_90 : i1 to i32
          %sign3A_92 = arith.constant 0 : i32
          %sign3A_93 = arith.cmpi slt, %jit3A, %sign3A_92 : i32
          %sign3A_94 = arith.extui %sign3A_93 : i1 to i32
          %sign3A_95 = arith.subi %sign3A_91, %sign3A_94 : i32
          %ne3A = arith.cmpi ne, %sign3A_88, %sign3A_95 : i32
          %rem3A = arith.remsi %add3A_82, %jit3A : i32
          %ne3A_96 = arith.constant 0 : i32
          %ne3A_97 = arith.cmpi ne, %rem3A, %ne3A_96 : i32
          %and3A = arith.andi %ne3A, %ne3A_97 : i1
          %sub3A = arith.constant 1 : i32
          %sub3A_98 = arith.subi %div3A, %sub3A : i32
          %select_n3A = arith.select %and3A, %sub3A_98, %div3A : i32
          %jit3A_99 = arith.constant 8 : i32
          %eq3A = arith.constant 0 : i32
          %eq3A_100 = arith.cmpi eq, %jit3A_99, %eq3A : i32
          %jit3A_101 = arith.constant 1 : i32
          %select_n3A_102 = arith.select %eq3A_100, %jit3A_101, %jit3A_99 : i32
          %rem3A_103 = arith.remsi %add3A_82, %select_n3A_102 : i32
          %ne3A_104 = arith.constant 0 : i32
          %ne3A_105 = arith.cmpi ne, %rem3A_103, %ne3A_104 : i32
          %lt3A = arith.constant 0 : i32
          %lt3A_106 = arith.cmpi slt, %rem3A_103, %lt3A : i32
          %lt3A_107 = arith.constant 0 : i32
          %lt3A_108 = arith.cmpi slt, %select_n3A_102, %lt3A_107 : i32
          %ne3A_109 = arith.xori %lt3A_106, %lt3A_108 : i1
          %and3A_110 = arith.andi %ne3A_109, %ne3A_105 : i1
          %add3A_111 = arith.addi %rem3A_103, %select_n3A_102 : i32
          %select_n3A_112 = arith.select %and3A_110, %add3A_111, %rem3A_103 : i32
          %mul3A_113 = arith.constant 16 : i32
          %mul3A_114 = arith.muli %select_n3A_112, %mul3A_113 : i32
          %get3A = arith.index_cast %select_n3A : i32 to index
          %get3A_115 = arith.index_cast %mul3A_114 : i32 to index
          %get3A_116 = tpu.vector_load %arg10[%get3A, %get3A_115] {strides = array<i32>} : memref<64x128xf32, #tpu.memory_space<vmem>>, vector<16xf32>,
          %max3A = arith.maximumf %scan3A_79, %get3A_116 : vector<16xf32>
          scf.yield %max3A : vector<16xf32>
        }
        %scan3A_74 = arith.constant 16 : i32
        %mul3A_75 = arith.constant 16 : i32
        %mul3A_76 = arith.muli %scan3A_67, %mul3A_75 : i32
        %swap3A = arith.index_cast %mul3A_76 : i32 to index
        %swap3A_77 = tpu.vector_load %arg11[%swap3A] {strides = array<i32>} : memref<512xf32, #tpu.memory_space<vmem>>, vector<16xf32>,
        tpu.vector_store %arg11[%swap3A], %scan3A_73 {strides = array<i32>} : memref<512xf32, #tpu.memory_space<vmem>>, vector<16xf32>,
      }
      %scan3A_51 = arith.constant 32 : i32
      %scan3A_52 = arith.constant 0 : i32
      %scan3A_53 = arith.constant 0 : i32
      %scan3A_54 = arith.constant 2 : i32
      %scan3A_55 = arith.addi %scan3A_53, %scan3A_54 : i32
      %scan3A_56 = arith.constant 1 : i32
      scf.for %scan3A_67 = %scan3A_53 to %scan3A_55 step %scan3A_56  : i32 {
        %broadcast_in_dim3A = arith.constant 0xFF800000 : f32
        %broadcast_in_dim3A_68 = vector.broadcast %broadcast_in_dim3A : f32 to vector<16xf32>
        %scan3A_69 = arith.constant 0 : i32
        %scan3A_70 = arith.constant 16 : i32
        %scan3A_71 = arith.addi %scan3A_69, %scan3A_70 : i32
        %scan3A_72 = arith.constant 1 : i32
        %scan3A_73 = scf.for %scan3A_78 = %scan3A_69 to %scan3A_71 step %scan3A_72 iter_args(%scan3A_79 = %broadcast_in_dim3A_68) -> (vector<16xf32>)  : i32 {
          %mul3A_80 = arith.constant 16 : i32
          %mul3A_81 = arith.muli %scan3A_67, %mul3A_80 : i32
          %add3A_82 = arith.addi %mul3A_81, %scan3A_78 : i32
          %mul3A_83 = arith.constant 16 : i32
          %mul3A_84 = arith.muli %add3A_82, %mul3A_83 : i32
          %get3A = arith.index_cast %mul3A_84 : i32 to index
          %get3A_85 = tpu.vector_load %arg11[%get3A] {strides = array<i32>} : memref<512xf32, #tpu.memory_space<vmem>>, vector<16xf32>,
          %max3A = arith.maximumf %scan3A_79, %get3A_85 : vector<16xf32>
          scf.yield %max3A : vector<16xf32>
        }
        %scan3A_74 = arith.constant 16 : i32
        %mul3A_75 = arith.constant 16 : i32
        %mul3A_76 = arith.muli %scan3A_67, %mul3A_75 : i32
        %swap3A = arith.index_cast %mul3A_76 : i32 to index
        %swap3A_77 = tpu.vector_load %arg12[%swap3A] {strides = array<i32>} : memref<32xf32, #tpu.memory_space<vmem>>, vector<16xf32>,
        tpu.vector_store %arg12[%swap3A], %scan3A_73 {strides = array<i32>} : memref<32xf32, #tpu.memory_space<vmem>>, vector<16xf32>,
      }
      %scan3A_57 = arith.constant 2 : i32
      %scan3A_58 = arith.constant 0 : i32
      %scan3A_59 = arith.constant 0 : i32
      %scan3A_60 = arith.constant 64 : i32
      %scan3A_61 = arith.addi %scan3A_59, %scan3A_60 : i32
      %scan3A_62 = arith.constant 1 : i32
      scf.for %scan3A_67 = %scan3A_59 to %scan3A_61 step %scan3A_62  : i32 {
        %broadcast_in_dim3A = arith.constant 0xFF800000 : f32
        %broadcast_in_dim3A_68 = vector.broadcast %broadcast_in_dim3A : f32 to vector<16xf32>
        %scan3A_69 = arith.constant 0 : i32
        %scan3A_70 = arith.constant 2 : i32
        %scan3A_71 = arith.addi %scan3A_69, %scan3A_70 : i32
        %scan3A_72 = arith.constant 1 : i32
        %scan3A_73 = scf.for %scan3A_368 = %scan3A_69 to %scan3A_71 step %scan3A_72 iter_args(%scan3A_369 = %broadcast_in_dim3A_68) -> (vector<16xf32>)  : i32 {
          %mul3A_370 = arith.constant 16 : i32
          %mul3A_371 = arith.muli %scan3A_368, %mul3A_370 : i32
          %get3A_372 = arith.index_cast %mul3A_371 : i32 to index
          %get3A_373 = tpu.vector_load %arg12[%get3A_372] {strides = array<i32>} : memref<32xf32, #tpu.memory_space<vmem>>, vector<16xf32>,
          %max3A = arith.maximumf %scan3A_369, %get3A_373 : vector<16xf32>
          scf.yield %max3A : vector<16xf32>
        }
        %scan3A_74 = arith.constant 2 : i32
        %reduce_max3A = arith.constant true
        %reduce_max3A_75 = vector.broadcast %reduce_max3A : i1 to vector<16xi1>
        %reduce_max3A_76 = tpu.scan <max>, %scan3A_73 masked %reduce_max3A_75 : vector<16xf32>, vector<16xi1> -> vector<16xf32>
        %reduce_max3A_77 = vector.extract %reduce_max3A_76[15] : f32 from vector<16xf32>
        %scan3A_78 = arith.constant 16777216 : i32
        %scan3A_79 = arith.constant 0 : i32
        %scan3A_80 = arith.constant 2 : i32
        %scan3A_81 = arith.addi %scan3A_79, %scan3A_80 : i32
        %scan3A_82 = arith.constant 1 : i32
        %scan3A_83 = scf.for %scan3A_368 = %scan3A_79 to %scan3A_81 step %scan3A_82 iter_args(%scan3A_369 = %scan3A_78) -> (i32)  : i32 {
          %mul3A_370 = arith.constant 16 : i32
          %mul3A_371 = arith.muli %scan3A_368, %mul3A_370 : i32
          %get3A_372 = arith.index_cast %mul3A_371 : i32 to index
          %get3A_373 = tpu.vector_load %arg12[%get3A_372] {strides = array<i32>} : memref<32xf32, #tpu.memory_space<vmem>>, vector<16xf32>,
          %eq3A_374 = vector.broadcast %reduce_max3A_77 : f32 to vector<16xf32>
          %eq3A_375 = arith.cmpf oeq, %get3A_373, %eq3A_374 : vector<16xf32>
          %mul3A_376 = arith.constant 16 : i32
          %mul3A_377 = arith.muli %scan3A_368, %mul3A_376 : i32
          %iota3A_378 = tpu.iota {dimensions = array<i32: 0>} : vector<16xi32>
          %add3A_379 = vector.broadcast %mul3A_377 : i32 to vector<16xi32>
          %add3A_380 = arith.addi %add3A_379, %iota3A_378 : vector<16xi32>
          %jit3A_381 = arith.constant 16777216 : i32
          %broadcast_in_dim3A_382 = vector.broadcast %jit3A_381 : i32 to vector<16xi32>
          %select_n3A_383 = arith.select %eq3A_375, %add3A_380, %broadcast_in_dim3A_382 : vector<16xi1>, vector<16xi32>
          %reduce_min3A = arith.constant true
          %reduce_min3A_384 = vector.broadcast %reduce_min3A : i1 to vector<16xi1>
          %reduce_min3A_385 = arith.constant -2147483648 : i32
          %reduce_min3A_386 = vector.broadcast %reduce_min3A_385 : i32 to vector<16xi32>
          %reduce_min3A_387 = arith.xori %select_n3A_383, %reduce_min3A_386 : vector<16xi32>
          %reduce_min3A_388 = tpu.scan <min>, %reduce_min3A_387 masked %reduce_min3A_384 : vector<16xi32>, vector<16xi1> -> vector<16xi32>
          %reduce_min3A_389 = arith.xori %reduce_min3A_388, %reduce_min3A_386 : vector<16xi32>
          %reduce_min3A_390 = vector.extract %reduce_min3A_389[15] : i32 from vector<16xi32>
          %min3A = arith.minsi %scan3A_369, %reduce_min3A_390 : i32
          scf.yield %min3A : i32
        }
        %scan3A_84 = arith.constant 2 : i32
        %jit3A = arith.constant 16 : i32
        %div3A = arith.divsi %scan3A_83, %jit3A : i32
        %sign3A = arith.constant 0 : i32
        %sign3A_85 = arith.cmpi sgt, %scan3A_83, %sign3A : i32
        %sign3A_86 = arith.extui %sign3A_85 : i1 to i32
        %sign3A_87 = arith.constant 0 : i32
        %sign3A_88 = arith.cmpi slt, %scan3A_83, %sign3A_87 : i32
        %sign3A_89 = arith.extui %sign3A_88 : i1 to i32
        %sign3A_90 = arith.subi %sign3A_86, %sign3A_89 : i32
        %sign3A_91 = arith.constant 0 : i32
        %sign3A_92 = arith.cmpi sgt, %jit3A, %sign3A_91 : i32
        %sign3A_93 = arith.extui %sign3A_92 : i1 to i32
        %sign3A_94 = arith.constant 0 : i32
        %sign3A_95 = arith.cmpi slt, %jit3A, %sign3A_94 : i32
        %sign3A_96 = arith.extui %sign3A_95 : i1 to i32
        %sign3A_97 = arith.subi %sign3A_93, %sign3A_96 : i32
        %ne3A = arith.cmpi ne, %sign3A_90, %sign3A_97 : i32
        %rem3A = arith.remsi %scan3A_83, %jit3A : i32
        %ne3A_98 = arith.constant 0 : i32
        %ne3A_99 = arith.cmpi ne, %rem3A, %ne3A_98 : i32
        %and3A = arith.andi %ne3A, %ne3A_99 : i1
        %sub3A = arith.constant 1 : i32
        %sub3A_100 = arith.subi %div3A, %sub3A : i32
        %select_n3A = arith.select %and3A, %sub3A_100, %div3A : i32
        %jit3A_101 = arith.constant 16 : i32
        %eq3A = arith.constant 0 : i32
        %eq3A_102 = arith.cmpi eq, %jit3A_101, %eq3A : i32
        %jit3A_103 = arith.constant 1 : i32
        %select_n3A_104 = arith.select %eq3A_102, %jit3A_103, %jit3A_101 : i32
        %rem3A_105 = arith.remsi %scan3A_83, %select_n3A_104 : i32
        %ne3A_106 = arith.constant 0 : i32
        %ne3A_107 = arith.cmpi ne, %rem3A_105, %ne3A_106 : i32
        %lt3A = arith.constant 0 : i32
        %lt3A_108 = arith.cmpi slt, %rem3A_105, %lt3A : i32
        %lt3A_109 = arith.constant 0 : i32
        %lt3A_110 = arith.cmpi slt, %select_n3A_104, %lt3A_109 : i32
        %ne3A_111 = arith.xori %lt3A_108, %lt3A_110 : i1
        %and3A_112 = arith.andi %ne3A_111, %ne3A_107 : i1
        %add3A_113 = arith.addi %rem3A_105, %select_n3A_104 : i32
        %select_n3A_114 = arith.select %and3A_112, %add3A_113, %rem3A_105 : i32
        %mul3A_115 = arith.constant 16 : i32
        %mul3A_116 = arith.muli %select_n3A, %mul3A_115 : i32
        %mul3A_117 = arith.constant 16 : i32
        %mul3A_118 = arith.muli %select_n3A, %mul3A_117 : i32
        %scan3A_119 = arith.constant 16777216 : i32
        %scan3A_120 = arith.constant 0 : i32
        %scan3A_121 = arith.constant 16 : i32
        %scan3A_122 = arith.addi %scan3A_120, %scan3A_121 : i32
        %scan3A_123 = arith.constant 1 : i32
        %scan3A_124 = scf.for %scan3A_368 = %scan3A_120 to %scan3A_122 step %scan3A_123 iter_args(%scan3A_369 = %scan3A_119) -> (i32)  : i32 {
          %add3A_370 = arith.addi %mul3A_118, %scan3A_368 : i32
          %mul3A_371 = arith.constant 16 : i32
          %mul3A_372 = arith.muli %add3A_370, %mul3A_371 : i32
          %get3A_373 = arith.index_cast %mul3A_372 : i32 to index
          %get3A_374 = tpu.vector_load %arg11[%get3A_373] {strides = array<i32>} : memref<512xf32, #tpu.memory_space<vmem>>, vector<16xf32>,
          %eq3A_375 = vector.broadcast %reduce_max3A_77 : f32 to vector<16xf32>
          %eq3A_376 = arith.cmpf oeq, %get3A_374, %eq3A_375 : vector<16xf32>
          %iota3A_377 = tpu.iota {dimensions = array<i32: 0>} : vector<16xi32>
          %eq3A_378 = vector.broadcast %select_n3A_114 : i32 to vector<16xi32>
          %eq3A_379 = arith.cmpi eq, %iota3A_377, %eq3A_378 : vector<16xi32>
          %and3A_380 = arith.andi %eq3A_376, %eq3A_379 : vector<16xi1>
          %jit3A_381 = arith.constant 16777216 : i32
          %broadcast_in_dim3A_382 = vector.broadcast %scan3A_368 : i32 to vector<16xi32>
          %broadcast_in_dim3A_383 = vector.broadcast %jit3A_381 : i32 to vector<16xi32>
          %select_n3A_384 = arith.select %and3A_380, %broadcast_in_dim3A_382, %broadcast_in_dim3A_383 : vector<16xi1>, vector<16xi32>
          %reduce_min3A = arith.constant true
          %reduce_min3A_385 = vector.broadcast %reduce_min3A : i1 to vector<16xi1>
          %reduce_min3A_386 = arith.constant -2147483648 : i32
          %reduce_min3A_387 = vector.broadcast %reduce_min3A_386 : i32 to vector<16xi32>
          %reduce_min3A_388 = arith.xori %select_n3A_384, %reduce_min3A_387 : vector<16xi32>
          %reduce_min3A_389 = tpu.scan <min>, %reduce_min3A_388 masked %reduce_min3A_385 : vector<16xi32>, vector<16xi1> -> vector<16xi32>
          %reduce_min3A_390 = arith.xori %reduce_min3A_389, %reduce_min3A_387 : vector<16xi32>
          %reduce_min3A_391 = vector.extract %reduce_min3A_390[15] : i32 from vector<16xi32>
          %min3A = arith.minsi %scan3A_369, %reduce_min3A_391 : i32
          scf.yield %min3A : i32
        }
        %scan3A_125 = arith.constant 16 : i32
        %add3A_126 = arith.addi %mul3A_116, %scan3A_124 : i32
        %mul3A_127 = arith.constant 16 : i32
        %mul3A_128 = arith.muli %add3A_126, %mul3A_127 : i32
        %mul3A_129 = arith.constant 16 : i32
        %mul3A_130 = arith.muli %add3A_126, %mul3A_129 : i32
        %scan3A_131 = arith.constant 16777216 : i32
        %scan3A_132 = arith.constant 0 : i32
        %scan3A_133 = arith.constant 16 : i32
        %scan3A_134 = arith.addi %scan3A_132, %scan3A_133 : i32
        %scan3A_135 = arith.constant 1 : i32
        %scan3A_136 = scf.for %scan3A_368 = %scan3A_132 to %scan3A_134 step %scan3A_135 iter_args(%scan3A_369 = %scan3A_131) -> (i32)  : i32 {
          %add3A_370 = arith.addi %mul3A_130, %scan3A_368 : i32
          %jit3A_371 = arith.constant 8 : i32
          %div3A_372 = arith.divsi %add3A_370, %jit3A_371 : i32
          %sign3A_373 = arith.constant 0 : i32
          %sign3A_374 = arith.cmpi sgt, %add3A_370, %sign3A_373 : i32
          %sign3A_375 = arith.extui %sign3A_374 : i1 to i32
          %sign3A_376 = arith.constant 0 : i32
          %sign3A_377 = arith.cmpi slt, %add3A_370, %sign3A_376 : i32
          %sign3A_378 = arith.extui %sign3A_377 : i1 to i32
          %sign3A_379 = arith.subi %sign3A_375, %sign3A_378 : i32
          %sign3A_380 = arith.constant 0 : i32
          %sign3A_381 = arith.cmpi sgt, %jit3A_371, %sign3A_380 : i32
          %sign3A_382 = arith.extui %sign3A_381 : i1 to i32
          %sign3A_383 = arith.constant 0 : i32
          %sign3A_384 = arith.cmpi slt, %jit3A_371, %sign3A_383 : i32
          %sign3A_385 = arith.extui %sign3A_384 : i1 to i32
          %sign3A_386 = arith.subi %sign3A_382, %sign3A_385 : i32
          %ne3A_387 = arith.cmpi ne, %sign3A_379, %sign3A_386 : i32
          %rem3A_388 = arith.remsi %add3A_370, %jit3A_371 : i32
          %ne3A_389 = arith.constant 0 : i32
          %ne3A_390 = arith.cmpi ne, %rem3A_388, %ne3A_389 : i32
          %and3A_391 = arith.andi %ne3A_387, %ne3A_390 : i1
          %sub3A_392 = arith.constant 1 : i32
          %sub3A_393 = arith.subi %div3A_372, %sub3A_392 : i32
          %select_n3A_394 = arith.select %and3A_391, %sub3A_393, %div3A_372 : i32
          %jit3A_395 = arith.constant 8 : i32
          %eq3A_396 = arith.constant 0 : i32
          %eq3A_397 = arith.cmpi eq, %jit3A_395, %eq3A_396 : i32
          %jit3A_398 = arith.constant 1 : i32
          %select_n3A_399 = arith.select %eq3A_397, %jit3A_398, %jit3A_395 : i32
          %rem3A_400 = arith.remsi %add3A_370, %select_n3A_399 : i32
          %ne3A_401 = arith.constant 0 : i32
          %ne3A_402 = arith.cmpi ne, %rem3A_400, %ne3A_401 : i32
          %lt3A_403 = arith.constant 0 : i32
          %lt3A_404 = arith.cmpi slt, %rem3A_400, %lt3A_403 : i32
          %lt3A_405 = arith.constant 0 : i32
          %lt3A_406 = arith.cmpi slt, %select_n3A_399, %lt3A_405 : i32
          %ne3A_407 = arith.xori %lt3A_404, %lt3A_406 : i1
          %and3A_408 = arith.andi %ne3A_407, %ne3A_402 : i1
          %add3A_409 = arith.addi %rem3A_400, %select_n3A_399 : i32
          %select_n3A_410 = arith.select %and3A_408, %add3A_409, %rem3A_400 : i32
          %mul3A_411 = arith.constant 16 : i32
          %mul3A_412 = arith.muli %select_n3A_410, %mul3A_411 : i32
          %get3A_413 = arith.index_cast %select_n3A_394 : i32 to index
          %get3A_414 = arith.index_cast %mul3A_412 : i32 to index
          %get3A_415 = tpu.vector_load %arg10[%get3A_413, %get3A_414] {strides = array<i32>} : memref<64x128xf32, #tpu.memory_space<vmem>>, vector<16xf32>,
          %eq3A_416 = vector.broadcast %reduce_max3A_77 : f32 to vector<16xf32>
          %eq3A_417 = arith.cmpf oeq, %get3A_415, %eq3A_416 : vector<16xf32>
          %iota3A_418 = tpu.iota {dimensions = array<i32: 0>} : vector<16xi32>
          %eq3A_419 = vector.broadcast %select_n3A_114 : i32 to vector<16xi32>
          %eq3A_420 = arith.cmpi eq, %iota3A_418, %eq3A_419 : vector<16xi32>
          %and3A_421 = arith.andi %eq3A_417, %eq3A_420 : vector<16xi1>
          %jit3A_422 = arith.constant 16777216 : i32
          %broadcast_in_dim3A_423 = vector.broadcast %scan3A_368 : i32 to vector<16xi32>
          %broadcast_in_dim3A_424 = vector.broadcast %jit3A_422 : i32 to vector<16xi32>
          %select_n3A_425 = arith.select %and3A_421, %broadcast_in_dim3A_423, %broadcast_in_dim3A_424 : vector<16xi1>, vector<16xi32>
          %reduce_min3A = arith.constant true
          %reduce_min3A_426 = vector.broadcast %reduce_min3A : i1 to vector<16xi1>
          %reduce_min3A_427 = arith.constant -2147483648 : i32
          %reduce_min3A_428 = vector.broadcast %reduce_min3A_427 : i32 to vector<16xi32>
          %reduce_min3A_429 = arith.xori %select_n3A_425, %reduce_min3A_428 : vector<16xi32>
          %reduce_min3A_430 = tpu.scan <min>, %reduce_min3A_429 masked %reduce_min3A_426 : vector<16xi32>, vector<16xi1> -> vector<16xi32>
          %reduce_min3A_431 = arith.xori %reduce_min3A_430, %reduce_min3A_428 : vector<16xi32>
          %reduce_min3A_432 = vector.extract %reduce_min3A_431[15] : i32 from vector<16xi32>
          %min3A = arith.minsi %scan3A_369, %reduce_min3A_432 : i32
          scf.yield %min3A : i32
        }
        %scan3A_137 = arith.constant 16 : i32
        %add3A_138 = arith.addi %mul3A_128, %scan3A_136 : i32
        %mul3A_139 = arith.constant 16 : i32
        %mul3A_140 = arith.muli %add3A_138, %mul3A_139 : i32
        %add3A_141 = arith.addi %mul3A_140, %select_n3A_114 : i32
        %jit3A_142 = arith.constant 8 : i32
        %div3A_143 = arith.divsi %add3A_138, %jit3A_142 : i32
        %sign3A_144 = arith.constant 0 : i32
        %sign3A_145 = arith.cmpi sgt, %add3A_138, %sign3A_144 : i32
        %sign3A_146 = arith.extui %sign3A_145 : i1 to i32
        %sign3A_147 = arith.constant 0 : i32
        %sign3A_148 = arith.cmpi slt, %add3A_138, %sign3A_147 : i32
        %sign3A_149 = arith.extui %sign3A_148 : i1 to i32
        %sign3A_150 = arith.subi %sign3A_146, %sign3A_149 : i32
        %sign3A_151 = arith.constant 0 : i32
        %sign3A_152 = arith.cmpi sgt, %jit3A_142, %sign3A_151 : i32
        %sign3A_153 = arith.extui %sign3A_152 : i1 to i32
        %sign3A_154 = arith.constant 0 : i32
        %sign3A_155 = arith.cmpi slt, %jit3A_142, %sign3A_154 : i32
        %sign3A_156 = arith.extui %sign3A_155 : i1 to i32
        %sign3A_157 = arith.subi %sign3A_153, %sign3A_156 : i32
        %ne3A_158 = arith.cmpi ne, %sign3A_150, %sign3A_157 : i32
        %rem3A_159 = arith.remsi %add3A_138, %jit3A_142 : i32
        %ne3A_160 = arith.constant 0 : i32
        %ne3A_161 = arith.cmpi ne, %rem3A_159, %ne3A_160 : i32
        %and3A_162 = arith.andi %ne3A_158, %ne3A_161 : i1
        %sub3A_163 = arith.constant 1 : i32
        %sub3A_164 = arith.subi %div3A_143, %sub3A_163 : i32
        %select_n3A_165 = arith.select %and3A_162, %sub3A_164, %div3A_143 : i32
        %jit3A_166 = arith.constant 8 : i32
        %eq3A_167 = arith.constant 0 : i32
        %eq3A_168 = arith.cmpi eq, %jit3A_166, %eq3A_167 : i32
        %jit3A_169 = arith.constant 1 : i32
        %select_n3A_170 = arith.select %eq3A_168, %jit3A_169, %jit3A_166 : i32
        %rem3A_171 = arith.remsi %add3A_138, %select_n3A_170 : i32
        %ne3A_172 = arith.constant 0 : i32
        %ne3A_173 = arith.cmpi ne, %rem3A_171, %ne3A_172 : i32
        %lt3A_174 = arith.constant 0 : i32
        %lt3A_175 = arith.cmpi slt, %rem3A_171, %lt3A_174 : i32
        %lt3A_176 = arith.constant 0 : i32
        %lt3A_177 = arith.cmpi slt, %select_n3A_170, %lt3A_176 : i32
        %ne3A_178 = arith.xori %lt3A_175, %lt3A_177 : i1
        %and3A_179 = arith.andi %ne3A_178, %ne3A_173 : i1
        %add3A_180 = arith.addi %rem3A_171, %select_n3A_170 : i32
        %select_n3A_181 = arith.select %and3A_179, %add3A_180, %rem3A_171 : i32
        %mul3A_182 = arith.constant 16 : i32
        %mul3A_183 = arith.muli %select_n3A_181, %mul3A_182 : i32
        %get3A = arith.index_cast %select_n3A_165 : i32 to index
        %get3A_184 = arith.index_cast %mul3A_183 : i32 to index
        %get3A_185 = tpu.vector_load %arg10[%get3A, %get3A_184] {strides = array<i32>} : memref<64x128xf32, #tpu.memory_space<vmem>>, vector<16xf32>,
        %iota3A = tpu.iota {dimensions = array<i32: 0>} : vector<16xi32>
        %eq3A_186 = vector.broadcast %select_n3A_114 : i32 to vector<16xi32>
        %eq3A_187 = arith.cmpi eq, %iota3A, %eq3A_186 : vector<16xi32>
        %jit3A_188 = arith.constant 0xFF800000 : f32
        %broadcast_in_dim3A_189 = vector.broadcast %jit3A_188 : f32 to vector<16xf32>
        %select_n3A_190 = arith.select %eq3A_187, %broadcast_in_dim3A_189, %get3A_185 : vector<16xi1>, vector<16xf32>
        %jit3A_191 = arith.constant 8 : i32
        %div3A_192 = arith.divsi %add3A_138, %jit3A_191 : i32
        %sign3A_193 = arith.constant 0 : i32
        %sign3A_194 = arith.cmpi sgt, %add3A_138, %sign3A_193 : i32
        %sign3A_195 = arith.extui %sign3A_194 : i1 to i32
        %sign3A_196 = arith.constant 0 : i32
        %sign3A_197 = arith.cmpi slt, %add3A_138, %sign3A_196 : i32
        %sign3A_198 = arith.extui %sign3A_197 : i1 to i32
        %sign3A_199 = arith.subi %sign3A_195, %sign3A_198 : i32
        %sign3A_200 = arith.constant 0 : i32
        %sign3A_201 = arith.cmpi sgt, %jit3A_191, %sign3A_200 : i32
        %sign3A_202 = arith.extui %sign3A_201 : i1 to i32
        %sign3A_203 = arith.constant 0 : i32
        %sign3A_204 = arith.cmpi slt, %jit3A_191, %sign3A_203 : i32
        %sign3A_205 = arith.extui %sign3A_204 : i1 to i32
        %sign3A_206 = arith.subi %sign3A_202, %sign3A_205 : i32
        %ne3A_207 = arith.cmpi ne, %sign3A_199, %sign3A_206 : i32
        %rem3A_208 = arith.remsi %add3A_138, %jit3A_191 : i32
        %ne3A_209 = arith.constant 0 : i32
        %ne3A_210 = arith.cmpi ne, %rem3A_208, %ne3A_209 : i32
        %and3A_211 = arith.andi %ne3A_207, %ne3A_210 : i1
        %sub3A_212 = arith.constant 1 : i32
        %sub3A_213 = arith.subi %div3A_192, %sub3A_212 : i32
        %select_n3A_214 = arith.select %and3A_211, %sub3A_213, %div3A_192 : i32
        %jit3A_215 = arith.constant 8 : i32
        %eq3A_216 = arith.constant 0 : i32
        %eq3A_217 = arith.cmpi eq, %jit3A_215, %eq3A_216 : i32
        %jit3A_218 = arith.constant 1 : i32
        %select_n3A_219 = arith.select %eq3A_217, %jit3A_218, %jit3A_215 : i32
        %rem3A_220 = arith.remsi %add3A_138, %select_n3A_219 : i32
        %ne3A_221 = arith.constant 0 : i32
        %ne3A_222 = arith.cmpi ne, %rem3A_220, %ne3A_221 : i32
        %lt3A_223 = arith.constant 0 : i32
        %lt3A_224 = arith.cmpi slt, %rem3A_220, %lt3A_223 : i32
        %lt3A_225 = arith.constant 0 : i32
        %lt3A_226 = arith.cmpi slt, %select_n3A_219, %lt3A_225 : i32
        %ne3A_227 = arith.xori %lt3A_224, %lt3A_226 : i1
        %and3A_228 = arith.andi %ne3A_227, %ne3A_222 : i1
        %add3A_229 = arith.addi %rem3A_220, %select_n3A_219 : i32
        %select_n3A_230 = arith.select %and3A_228, %add3A_229, %rem3A_220 : i32
        %mul3A_231 = arith.constant 16 : i32
        %mul3A_232 = arith.muli %select_n3A_230, %mul3A_231 : i32
        %swap3A = arith.index_cast %select_n3A_214 : i32 to index
        %swap3A_233 = arith.index_cast %mul3A_232 : i32 to index
        %swap3A_234 = tpu.vector_load %arg10[%swap3A, %swap3A_233] {strides = array<i32>} : memref<64x128xf32, #tpu.memory_space<vmem>>, vector<16xf32>,
        tpu.vector_store %arg10[%swap3A, %swap3A_233], %select_n3A_190 {strides = array<i32>} : memref<64x128xf32, #tpu.memory_space<vmem>>, vector<16xf32>,
        %broadcast_in_dim3A_235 = arith.constant 0xFF800000 : f32
        %broadcast_in_dim3A_236 = vector.broadcast %broadcast_in_dim3A_235 : f32 to vector<16xf32>
        %scan3A_237 = arith.constant 0 : i32
        %scan3A_238 = arith.constant 16 : i32
        %scan3A_239 = arith.addi %scan3A_237, %scan3A_238 : i32
        %scan3A_240 = arith.constant 1 : i32
        %scan3A_241 = scf.for %scan3A_368 = %scan3A_237 to %scan3A_239 step %scan3A_240 iter_args(%scan3A_369 = %broadcast_in_dim3A_236) -> (vector<16xf32>)  : i32 {
          %mul3A_370 = arith.constant 16 : i32
          %mul3A_371 = arith.muli %add3A_126, %mul3A_370 : i32
          %add3A_372 = arith.addi %mul3A_371, %scan3A_368 : i32
          %jit3A_373 = arith.constant 8 : i32
          %div3A_374 = arith.divsi %add3A_372, %jit3A_373 : i32
          %sign3A_375 = arith.constant 0 : i32
          %sign3A_376 = arith.cmpi sgt, %add3A_372, %sign3A_375 : i32
          %sign3A_377 = arith.extui %sign3A_376 : i1 to i32
          %sign3A_378 = arith.constant 0 : i32
          %sign3A_379 = arith.cmpi slt, %add3A_372, %sign3A_378 : i32
          %sign3A_380 = arith.extui %sign3A_379 : i1 to i32
          %sign3A_381 = arith.subi %sign3A_377, %sign3A_380 : i32
          %sign3A_382 = arith.constant 0 : i32
          %sign3A_383 = arith.cmpi sgt, %jit3A_373, %sign3A_382 : i32
          %sign3A_384 = arith.extui %sign3A_383 : i1 to i32
          %sign3A_385 = arith.constant 0 : i32
          %sign3A_386 = arith.cmpi slt, %jit3A_373, %sign3A_385 : i32
          %sign3A_387 = arith.extui %sign3A_386 : i1 to i32
          %sign3A_388 = arith.subi %sign3A_384, %sign3A_387 : i32
          %ne3A_389 = arith.cmpi ne, %sign3A_381, %sign3A_388 : i32
          %rem3A_390 = arith.remsi %add3A_372, %jit3A_373 : i32
          %ne3A_391 = arith.constant 0 : i32
          %ne3A_392 = arith.cmpi ne, %rem3A_390, %ne3A_391 : i32
          %and3A_393 = arith.andi %ne3A_389, %ne3A_392 : i1
          %sub3A_394 = arith.constant 1 : i32
          %sub3A_395 = arith.subi %div3A_374, %sub3A_394 : i32
          %select_n3A_396 = arith.select %and3A_393, %sub3A_395, %div3A_374 : i32
          %jit3A_397 = arith.constant 8 : i32
          %eq3A_398 = arith.constant 0 : i32
          %eq3A_399 = arith.cmpi eq, %jit3A_397, %eq3A_398 : i32
          %jit3A_400 = arith.constant 1 : i32
          %select_n3A_401 = arith.select %eq3A_399, %jit3A_400, %jit3A_397 : i32
          %rem3A_402 = arith.remsi %add3A_372, %select_n3A_401 : i32
          %ne3A_403 = arith.constant 0 : i32
          %ne3A_404 = arith.cmpi ne, %rem3A_402, %ne3A_403 : i32
          %lt3A_405 = arith.constant 0 : i32
          %lt3A_406 = arith.cmpi slt, %rem3A_402, %lt3A_405 : i32
          %lt3A_407 = arith.constant 0 : i32
          %lt3A_408 = arith.cmpi slt, %select_n3A_401, %lt3A_407 : i32
          %ne3A_409 = arith.xori %lt3A_406, %lt3A_408 : i1
          %and3A_410 = arith.andi %ne3A_409, %ne3A_404 : i1
          %add3A_411 = arith.addi %rem3A_402, %select_n3A_401 : i32
          %select_n3A_412 = arith.select %and3A_410, %add3A_411, %rem3A_402 : i32
          %mul3A_413 = arith.constant 16 : i32
          %mul3A_414 = arith.muli %select_n3A_412, %mul3A_413 : i32
          %get3A_415 = arith.index_cast %select_n3A_396 : i32 to index
          %get3A_416 = arith.index_cast %mul3A_414 : i32 to index
          %get3A_417 = tpu.vector_load %arg10[%get3A_415, %get3A_416] {strides = array<i32>} : memref<64x128xf32, #tpu.memory_space<vmem>>, vector<16xf32>,
          %max3A = arith.maximumf %scan3A_369, %get3A_417 : vector<16xf32>
          scf.yield %max3A : vector<16xf32>
        }
        %scan3A_242 = arith.constant 16 : i32
        %mul3A_243 = arith.constant 16 : i32
        %mul3A_244 = arith.muli %add3A_126, %mul3A_243 : i32
        %swap3A_245 = arith.index_cast %mul3A_244 : i32 to index
        %swap3A_246 = tpu.vector_load %arg11[%swap3A_245] {strides = array<i32>} : memref<512xf32, #tpu.memory_space<vmem>>, vector<16xf32>,
        tpu.vector_store %arg11[%swap3A_245], %scan3A_241 {strides = array<i32>} : memref<512xf32, #tpu.memory_space<vmem>>, vector<16xf32>,
        %broadcast_in_dim3A_247 = arith.constant 0xFF800000 : f32
        %broadcast_in_dim3A_248 = vector.broadcast %broadcast_in_dim3A_247 : f32 to vector<16xf32>
        %scan3A_249 = arith.constant 0 : i32
        %scan3A_250 = arith.constant 16 : i32
        %scan3A_251 = arith.addi %scan3A_249, %scan3A_250 : i32
        %scan3A_252 = arith.constant 1 : i32
        %scan3A_253 = scf.for %scan3A_368 = %scan3A_249 to %scan3A_251 step %scan3A_252 iter_args(%scan3A_369 = %broadcast_in_dim3A_248) -> (vector<16xf32>)  : i32 {
          %mul3A_370 = arith.constant 16 : i32
          %mul3A_371 = arith.muli %select_n3A, %mul3A_370 : i32
          %add3A_372 = arith.addi %mul3A_371, %scan3A_368 : i32
          %mul3A_373 = arith.constant 16 : i32
          %mul3A_374 = arith.muli %add3A_372, %mul3A_373 : i32
          %get3A_375 = arith.index_cast %mul3A_374 : i32 to index
          %get3A_376 = tpu.vector_load %arg11[%get3A_375] {strides = array<i32>} : memref<512xf32, #tpu.memory_space<vmem>>, vector<16xf32>,
          %max3A = arith.maximumf %scan3A_369, %get3A_376 : vector<16xf32>
          scf.yield %max3A : vector<16xf32>
        }
        %scan3A_254 = arith.constant 16 : i32
        %mul3A_255 = arith.constant 16 : i32
        %mul3A_256 = arith.muli %select_n3A, %mul3A_255 : i32
        %swap3A_257 = arith.index_cast %mul3A_256 : i32 to index
        %swap3A_258 = tpu.vector_load %arg12[%swap3A_257] {strides = array<i32>} : memref<32xf32, #tpu.memory_space<vmem>>, vector<16xf32>,
        tpu.vector_store %arg12[%swap3A_257], %scan3A_253 {strides = array<i32>} : memref<32xf32, #tpu.memory_space<vmem>>, vector<16xf32>,
        %jit3A_259 = arith.constant 16 : i32
        %div3A_260 = arith.divsi %add3A_141, %jit3A_259 : i32
        %sign3A_261 = arith.constant 0 : i32
        %sign3A_262 = arith.cmpi sgt, %add3A_141, %sign3A_261 : i32
        %sign3A_263 = arith.extui %sign3A_262 : i1 to i32
        %sign3A_264 = arith.constant 0 : i32
        %sign3A_265 = arith.cmpi slt, %add3A_141, %sign3A_264 : i32
        %sign3A_266 = arith.extui %sign3A_265 : i1 to i32
        %sign3A_267 = arith.subi %sign3A_263, %sign3A_266 : i32
        %sign3A_268 = arith.constant 0 : i32
        %sign3A_269 = arith.cmpi sgt, %jit3A_259, %sign3A_268 : i32
        %sign3A_270 = arith.extui %sign3A_269 : i1 to i32
        %sign3A_271 = arith.constant 0 : i32
        %sign3A_272 = arith.cmpi slt, %jit3A_259, %sign3A_271 : i32
        %sign3A_273 = arith.extui %sign3A_272 : i1 to i32
        %sign3A_274 = arith.subi %sign3A_270, %sign3A_273 : i32
        %ne3A_275 = arith.cmpi ne, %sign3A_267, %sign3A_274 : i32
        %rem3A_276 = arith.remsi %add3A_141, %jit3A_259 : i32
        %ne3A_277 = arith.constant 0 : i32
        %ne3A_278 = arith.cmpi ne, %rem3A_276, %ne3A_277 : i32
        %and3A_279 = arith.andi %ne3A_275, %ne3A_278 : i1
        %sub3A_280 = arith.constant 1 : i32
        %sub3A_281 = arith.subi %div3A_260, %sub3A_280 : i32
        %select_n3A_282 = arith.select %and3A_279, %sub3A_281, %div3A_260 : i32
        %mul3A_283 = arith.constant 16 : i32
        %mul3A_284 = arith.muli %select_n3A_282, %mul3A_283 : i32
        %get3A_285 = arith.index_cast %mul3A_284 : i32 to index
        %get3A_286 = tpu.vector_load %arg8[%get3A_285] {strides = array<i32>} : memref<8192xi32, #tpu.memory_space<vmem>>, vector<16xi32>,
        %iota3A_287 = tpu.iota {dimensions = array<i32: 0>} : vector<16xi32>
        %jit3A_288 = arith.constant 16 : i32
        %eq3A_289 = arith.constant 0 : i32
        %eq3A_290 = arith.cmpi eq, %jit3A_288, %eq3A_289 : i32
        %jit3A_291 = arith.constant 1 : i32
        %select_n3A_292 = arith.select %eq3A_290, %jit3A_291, %jit3A_288 : i32
        %rem3A_293 = arith.remsi %add3A_141, %select_n3A_292 : i32
        %ne3A_294 = arith.constant 0 : i32
        %ne3A_295 = arith.cmpi ne, %rem3A_293, %ne3A_294 : i32
        %lt3A_296 = arith.constant 0 : i32
        %lt3A_297 = arith.cmpi slt, %rem3A_293, %lt3A_296 : i32
        %lt3A_298 = arith.constant 0 : i32
        %lt3A_299 = arith.cmpi slt, %select_n3A_292, %lt3A_298 : i32
        %ne3A_300 = arith.xori %lt3A_297, %lt3A_299 : i1
        %and3A_301 = arith.andi %ne3A_300, %ne3A_295 : i1
        %add3A_302 = arith.addi %rem3A_293, %select_n3A_292 : i32
        %select_n3A_303 = arith.select %and3A_301, %add3A_302, %rem3A_293 : i32
        %eq3A_304 = vector.broadcast %select_n3A_303 : i32 to vector<16xi32>
        %eq3A_305 = arith.cmpi eq, %iota3A_287, %eq3A_304 : vector<16xi32>
        %jit3A_306 = arith.constant -1073741824 : i32
        %broadcast_in_dim3A_307 = vector.broadcast %jit3A_306 : i32 to vector<16xi32>
        %select_n3A_308 = arith.select %eq3A_305, %get3A_286, %broadcast_in_dim3A_307 : vector<16xi1>, vector<16xi32>
        %reduce_max3A_309 = arith.constant true
        %reduce_max3A_310 = vector.broadcast %reduce_max3A_309 : i1 to vector<16xi1>
        %reduce_max3A_311 = arith.constant -2147483648 : i32
        %reduce_max3A_312 = vector.broadcast %reduce_max3A_311 : i32 to vector<16xi32>
        %reduce_max3A_313 = arith.xori %select_n3A_308, %reduce_max3A_312 : vector<16xi32>
        %reduce_max3A_314 = tpu.scan <max>, %reduce_max3A_313 masked %reduce_max3A_310 : vector<16xi32>, vector<16xi1> -> vector<16xi32>
        %reduce_max3A_315 = arith.xori %reduce_max3A_314, %reduce_max3A_312 : vector<16xi32>
        %reduce_max3A_316 = vector.extract %reduce_max3A_315[15] : i32 from vector<16xi32>
        %jit3A_317 = arith.constant 16 : i32
        %div3A_318 = arith.divsi %scan3A_67, %jit3A_317 : i32
        %sign3A_319 = arith.constant 0 : i32
        %sign3A_320 = arith.cmpi sgt, %scan3A_67, %sign3A_319 : i32
        %sign3A_321 = arith.extui %sign3A_320 : i1 to i32
        %sign3A_322 = arith.constant 0 : i32
        %sign3A_323 = arith.cmpi slt, %scan3A_67, %sign3A_322 : i32
        %sign3A_324 = arith.extui %sign3A_323 : i1 to i32
        %sign3A_325 = arith.subi %sign3A_321, %sign3A_324 : i32
        %sign3A_326 = arith.constant 0 : i32
        %sign3A_327 = arith.cmpi sgt, %jit3A_317, %sign3A_326 : i32
        %sign3A_328 = arith.extui %sign3A_327 : i1 to i32
        %sign3A_329 = arith.constant 0 : i32
        %sign3A_330 = arith.cmpi slt, %jit3A_317, %sign3A_329 : i32
        %sign3A_331 = arith.extui %sign3A_330 : i1 to i32
        %sign3A_332 = arith.subi %sign3A_328, %sign3A_331 : i32
        %ne3A_333 = arith.cmpi ne, %sign3A_325, %sign3A_332 : i32
        %rem3A_334 = arith.remsi %scan3A_67, %jit3A_317 : i32
        %ne3A_335 = arith.constant 0 : i32
        %ne3A_336 = arith.cmpi ne, %rem3A_334, %ne3A_335 : i32
        %and3A_337 = arith.andi %ne3A_333, %ne3A_336 : i1
        %sub3A_338 = arith.constant 1 : i32
        %sub3A_339 = arith.subi %div3A_318, %sub3A_338 : i32
        %select_n3A_340 = arith.select %and3A_337, %sub3A_339, %div3A_318 : i32
        %mul3A_341 = arith.constant 16 : i32
        %mul3A_342 = arith.muli %select_n3A_340, %mul3A_341 : i32
        %get3A_343 = arith.index_cast %mul3A_342 : i32 to index
        %get3A_344 = tpu.vector_load %arg13[%get3A_343] {strides = array<i32>} : memref<64xi32, #tpu.memory_space<vmem>>, vector<16xi32>,
        %iota3A_345 = tpu.iota {dimensions = array<i32: 0>} : vector<16xi32>
        %jit3A_346 = arith.constant 16 : i32
        %eq3A_347 = arith.constant 0 : i32
        %eq3A_348 = arith.cmpi eq, %jit3A_346, %eq3A_347 : i32
        %jit3A_349 = arith.constant 1 : i32
        %select_n3A_350 = arith.select %eq3A_348, %jit3A_349, %jit3A_346 : i32
        %rem3A_351 = arith.remsi %scan3A_67, %select_n3A_350 : i32
        %ne3A_352 = arith.constant 0 : i32
        %ne3A_353 = arith.cmpi ne, %rem3A_351, %ne3A_352 : i32
        %lt3A_354 = arith.constant 0 : i32
        %lt3A_355 = arith.cmpi slt, %rem3A_351, %lt3A_354 : i32
        %lt3A_356 = arith.constant 0 : i32
        %lt3A_357 = arith.cmpi slt, %select_n3A_350, %lt3A_356 : i32
        %ne3A_358 = arith.xori %lt3A_355, %lt3A_357 : i1
        %and3A_359 = arith.andi %ne3A_358, %ne3A_353 : i1
        %add3A_360 = arith.addi %rem3A_351, %select_n3A_350 : i32
        %select_n3A_361 = arith.select %and3A_359, %add3A_360, %rem3A_351 : i32
        %eq3A_362 = vector.broadcast %select_n3A_361 : i32 to vector<16xi32>
        %eq3A_363 = arith.cmpi eq, %iota3A_345, %eq3A_362 : vector<16xi32>
        %broadcast_in_dim3A_364 = vector.broadcast %reduce_max3A_316 : i32 to vector<16xi32>
        %select_n3A_365 = arith.select %eq3A_363, %broadcast_in_dim3A_364, %get3A_344 : vector<16xi1>, vector<16xi32>
        %swap3A_366 = arith.index_cast %mul3A_342 : i32 to index
        %swap3A_367 = tpu.vector_load %arg13[%swap3A_366] {strides = array<i32>} : memref<64xi32, #tpu.memory_space<vmem>>, vector<16xi32>,
        tpu.vector_store %arg13[%swap3A_366], %select_n3A_365 {strides = array<i32>} : memref<64xi32, #tpu.memory_space<vmem>>, vector<16xi32>,
      }
      %scan3A_63 = arith.constant 64 : i32
      %mul3A_64 = arith.constant 64 : i32
      %mul3A_65 = arith.muli %add3A_9, %mul3A_64 : i32
      %multiple_of3A_66 = tpu.assume_multiple %mul3A_65, 8 : i32
      "tpu.region"() ({
        %run_scoped3A = tpu.sem_alloc : memref<!tpu.dma_semaphore, #tpu.memory_space<semaphore_mem>>
        %dma_start3A_67 = tpu.memref_slice %arg4[%multiple_of3A_66] : memref<4096xi32, #tpu.memory_space<hbm>> -> memref<64xi32, #tpu.memory_space<hbm>>
        %dma_start3A_68 = tpu.memref_slice %arg4[%multiple_of3A_66] : memref<4096xi32, #tpu.memory_space<hbm>> -> memref<64xi32, #tpu.memory_space<hbm>>
        tpu.enqueue_dma source(%arg13 : memref<64xi32, #tpu.memory_space<vmem>>) target(%dma_start3A_68 : memref<64xi32, #tpu.memory_space<hbm>>) target_semaphore(%run_scoped3A : memref<!tpu.dma_semaphore, #tpu.memory_space<semaphore_mem>>)
        %dma_wait3A_69 = tpu.memref_slice %arg4[%multiple_of3A_66] : memref<4096xi32, #tpu.memory_space<hbm>> -> memref<64xi32, #tpu.memory_space<hbm>>
        %dma_wait3A_70 = tpu.memref_slice %arg4[%multiple_of3A_66] : memref<4096xi32, #tpu.memory_space<hbm>> -> memref<64xi32, #tpu.memory_space<hbm>>
        tpu.wait_dma2 semaphore(%run_scoped3A : memref<!tpu.dma_semaphore, #tpu.memory_space<semaphore_mem>>) src(%arg13 : memref<64xi32, #tpu.memory_space<vmem>>) dst(%dma_wait3A_70 : memref<64xi32, #tpu.memory_space<hbm>>)
        tpu.yield
      }) : () -> ()
    }
    %scan3A_5 = arith.constant 2 : i32
    return
  }
}

module attributes {stable_mosaic.version = 14 : i64} {
  func.func @_tc_body(%arg0: i32, %arg1: memref<64x32xf32, #tpu.memory_space<vmem>>, %arg2: memref<32x16384xf32, #tpu.memory_space<vmem>>, %arg3: memref<64x128x128xf32, #tpu.memory_space<vmem>>, %arg4: memref<64x128xf32, #tpu.memory_space<vmem>>) attributes {dimension_semantics = [#tpu.dimension_semantics<arbitrary>], iteration_bounds = array<i64: 62>, scalar_prefetch = 0 : i64, scratch_operands = 0 : i64, tpu.core_type = #tpu.core_type<tc>, window_params = [{pipeline_mode = #tpu.pipeline_mode<synchronous>, transform_indices = @transform_0, window_bounds = array<i64: 64, 32>}, {transform_indices = @transform_1, window_bounds = array<i64: 32, 16384>}, {transform_indices = @transform_2, window_bounds = array<i64: 64, 128, 128>}, {transform_indices = @transform_3, window_bounds = array<i64: 64, 128>}]} {
    %get3A = arith.constant 0 : index
    %get3A_0 = arith.constant 0 : index
    %get3A_1 = vector.load %arg1[%get3A, %get3A_0] : memref<64x32xf32, #tpu.memory_space<vmem>>, vector<64x32xf32>
    %convert_element_type3A = arith.truncf %get3A_1 : vector<64x32xf32> to vector<64x32xbf16>
    %get3A_2 = arith.constant 0 : index
    %get3A_3 = arith.constant 0 : index
    %get3A_4 = vector.load %arg2[%get3A_2, %get3A_3] : memref<32x16384xf32, #tpu.memory_space<vmem>>, vector<32x16384xf32>
    %convert_element_type3A_5 = arith.truncf %get3A_4 : vector<32x16384xf32> to vector<32x16384xbf16>
    %dot_general3A = arith.constant dense<0.000000e+00> : vector<64x16384xf32>
    %dot_general3A_6 = tpu.matmul %convert_element_type3A, %convert_element_type3A_5, %dot_general3A {dimension_numbers = #tpu.dot_dimension_numbers<[1], [0], [0], [1], [0, 0, 1, 1], [], []>, transpose_lhs_hint = false} : vector<64x32xbf16>, vector<32x16384xbf16>, vector<64x16384xf32> -> vector<64x16384xf32>
    %reshape3A = vector.shape_cast %dot_general3A_6 : vector<64x16384xf32> to vector<64x128x128xf32>
    %swap3A = arith.constant 0 : index
    %swap3A_7 = arith.constant 0 : index
    %swap3A_8 = arith.constant 0 : index
    %swap3A_9 = vector.load %arg3[%swap3A, %swap3A_7, %swap3A_8] : memref<64x128x128xf32, #tpu.memory_space<vmem>>, vector<64x128x128xf32>
    tpu.vector_store %arg3[%swap3A, %swap3A_7, %swap3A_8], %reshape3A {strides = array<i32>} : memref<64x128x128xf32, #tpu.memory_space<vmem>>, vector<64x128x128xf32>,
    %reduce_max3A = arith.constant dense<0xFF800000> : vector<64x128xf32>
    %reduce_max3A_10 = vector.multi_reduction <maximumf>, %reshape3A, %reduce_max3A [2] : vector<64x128x128xf32> to vector<64x128xf32>
    %swap3A_11 = arith.constant 0 : index
    %swap3A_12 = arith.constant 0 : index
    %swap3A_13 = vector.load %arg4[%swap3A_11, %swap3A_12] : memref<64x128xf32, #tpu.memory_space<vmem>>, vector<64x128xf32>
    tpu.vector_store %arg4[%swap3A_11, %swap3A_12], %reduce_max3A_10 {strides = array<i32>} : memref<64x128xf32, #tpu.memory_space<vmem>>, vector<64x128xf32>,
    %eq3A = arith.constant 61 : i32
    %eq3A_14 = arith.cmpi eq, %arg0, %eq3A : i32
    %convert_element_type3A_15 = arith.extui %eq3A_14 : i1 to i32
    %cond3A = arith.constant 0 : i32
    %cond3A_16 = arith.cmpi ne, %convert_element_type3A_15, %cond3A : i32
    scf.if %cond3A_16 {
      %iota3A = tpu.iota {dimensions = array<i32: 1>} : vector<64x16384xi32>
      %lt3A = arith.constant 576 : i32
      %lt3A_17 = vector.broadcast %lt3A : i32 to vector<64x16384xi32>
      %lt3A_18 = arith.cmpi slt, %iota3A, %lt3A_17 : vector<64x16384xi32>
      %jit3A = arith.constant 0xFF800000 : f32
      %broadcast_in_dim3A = vector.broadcast %jit3A : f32 to vector<64x16384xf32>
      %select_n3A = arith.select %lt3A_18, %dot_general3A_6, %broadcast_in_dim3A : vector<64x16384xi1>, vector<64x16384xf32>
      %reshape3A_19 = vector.shape_cast %select_n3A : vector<64x16384xf32> to vector<64x128x128xf32>
      %reduce_max3A_20 = arith.constant dense<0xFF800000> : vector<64x128xf32>
      %reduce_max3A_21 = vector.multi_reduction <maximumf>, %reshape3A_19, %reduce_max3A_20 [2] : vector<64x128x128xf32> to vector<64x128xf32>
      %swap3A_22 = arith.constant 0 : index
      %swap3A_23 = arith.constant 0 : index
      %swap3A_24 = vector.load %arg4[%swap3A_22, %swap3A_23] : memref<64x128xf32, #tpu.memory_space<vmem>>, vector<64x128xf32>
      tpu.vector_store %arg4[%swap3A_22, %swap3A_23], %reduce_max3A_21 {strides = array<i32>} : memref<64x128xf32, #tpu.memory_space<vmem>>, vector<64x128xf32>,
    } else {
    }
    return
  }
  func.func @transform_0(%arg0: i32) -> (i32, i32) {
    %c0_i32 = arith.constant 0 : i32
    %c0_i32_0 = arith.constant 0 : i32
    %c0_i32_1 = arith.constant 0 : i32
    return %c0_i32, %c0_i32_0 : i32, i32
  }
  func.func @transform_1(%arg0: i32) -> (i32, i32) {
    %c0_i32 = arith.constant 0 : i32
    %c0_i32_0 = arith.constant 0 : i32
    return %c0_i32, %arg0 : i32, i32
  }
  func.func @transform_2(%arg0: i32) -> (i32, i32, i32) {
    %c0_i32 = arith.constant 0 : i32
    %c0_i32_0 = arith.constant 0 : i32
    %c0_i32_1 = arith.constant 0 : i32
    return %c0_i32, %arg0, %c0_i32_0 : i32, i32, i32
  }
  func.func @transform_3(%arg0: i32) -> (i32, i32) {
    %c0_i32 = arith.constant 0 : i32
    %c0_i32_0 = arith.constant 0 : i32
    return %c0_i32, %arg0 : i32, i32
  }
}

</mosaic_0001>

<sc_bundles>
// kernel: kernel.6.cloned.1.call-start
scs
__scs_entry_jumppad:
0x0: {  	(pc) =	sbr.rel $0x88, $3  }
0x1: {  	(tag) =	ssettag $0x0;
	lr =	simm.s32 $0x1  }
0x2: {  	[smem:$0x3F9E] =	sst lr;
	_ =	strace $0xD0000000  }
0x3: {  	_ = 	snop  }
0x4: {  	_ = 	snop  }
0x5: {  	_ = 	snop  }
0x6: {  	_ = 	snop  }
0x7: {  	_ = 	snop  }
__scs_overlays_trampoline_lowered:
0x8: {  	[smem:$0x3FAD] =	sst s0  }
0x9: {  	[smem:$0x3FAE] =	sst s1  }
0xa: {  	[smem:$0x3FAF] =	sst s2  }
0xb: {  	[smem:$0x3FB0] =	sst s3  }
0xc: {  	[smem:$0x3FB1] =	sst s4  }
0xd: {  	[smem:$0x3FB2] =	sst s5  }
0xe: {  	[smem:$0x3FB3] =	sst s6  }
0xf: {  	[smem:$0x3FB4] =	sst s7  }
0x10: {  	[smem:$0x3FB5] =	sst s8  }
0x11: {  	[smem:$0x3FB6] =	sst s9;
	s0 =	simm.s32 @!p0 $0x0  }
0x12: {  	s1 =	sld [smem:$0x3F9C];
	s0 =	simm.s32 @p0 $0x1  }
0x13: {  	[smem:$0x3FB7] =	sst s0;
	s0 =	simm.s32 @!p1 $0x0  }
0x14: {  	s2 =	sld [smem:$0x3F9B];
	s0 =	simm.s32 @p1 $0x1  }
0x15: {  	[smem:$0x3FB8] =	sst s0;
	s0 =	simm.s32 @!p2 $0x0  }
0x16: {  	s3 =	sld [smem:$0x3FDB];
	s0 =	simm.s32 @p2 $0x1  }
0x17: {  	s4 =	simm.s32 $0x1BF5;
	[smem:$0x3FBA] =	sst s0  }
0x18: {  	s0 =	sld [smem:$0x3F9D];
	_ =	swait.ge [sflag:s4], $0x0  }
0x19: {  	s7 =	sld [smem:$0x3F9E]  }
0x1a: {  	s8 =	sadd.s32 $0xFFFFE003, lr  }
0x1b: {  	s9 =	sadd.s32 $0xFFFFFEF7, lr;
	s5 =	simm.s32 $0xFFFFFFFF;
	p2 =	slt.u32 s8, $0xFFFFF086  }
0x1c: {  	p1 =	slt.u32 s9, $0xF7A;
	s5 =	simm.s32 @!p2 $0x0  }
0x1d: {  	s5 =	simm.s32 @p1 $0x1;
	p0 =	seq.s32 s7, s2  }
0x1e: {  	s7 =	smul.u32 @!p0 $0xF7A, s2;
	p2 =	seq.s32 @!p0 s5, $0x0  }
0x1f: {  	s9 =	smul.u32 $0xF7A, s1;
	s8 =	simm.s32 @!p0 $0x1BF5;
	p2 =	por !p2, p0  }
0x20: {  	[sflag:s8] =	ssyncset.s32 @!p0 $0xFFFFF086;
	s6 =	sadd.s32 @!p0 s3, s7;
	s7 =	simm.s32 @!p0 $0x108  }
0x21: {  	s3 =	sadd.s32 s3, s9;
	s6 =	sadd.s32 @!p0 $0x88, s6;
	s7 =	simm.s32 @p2 $0x1082  }
0x22: {  	[simem:s7], [sflag:s8] =	dma.local @!p0 [hbm:s6], $0xF7A  }
0x23: {  	s9 =	sor.u32 $0xD0000000, s2;
	s6 =	simm.s32 $0x108;
	_ =	swait.ge @!p0 [sflag:s8], $0x0  }
0x24: {  	s3 =	sadd.s32 $0x88, s3;
	s6 =	simm.s32 @!p1 $0x1082;
	[sflag:s4] =	ssyncset.s32 $0xFFFFF086  }
0x25: {  	[simem:s6], [sflag:s4] =	dma.local [hbm:s3], $0xF7A  }
0x26: {  	[smem:$0x3F9E] =	sst s1;
	(tag) =	ssettag s2;
	_ =	strace s9  }
0x27: {  	s1 =	sld [smem:$0x3FAE]  }
0x28: {  	s2 =	sld [smem:$0x3FAF]  }
0x29: {  	s4 =	sld [smem:$0x3FB1]  }
0x2a: {  	p0 =	seq.s32 s5, $0x0;
	s5 =	sld [smem:$0x3FB2]  }
0x2b: {  	s6 =	sld [smem:$0x3FB3]  }
0x2c: {  	s7 =	sld [smem:$0x3FB4]  }
0x2d: {  	s3 =	simm.s32 $0x108;
	s8 =	sld [smem:$0x3FB5]  }
0x2e: {  	s3 =	simm.s32 @!p0 $0x1082;
	s9 =	sld [smem:$0x3FB6]  }
0x2f: {  	lr =	sadd.s32 s0, s3;
	s0 =	sld [smem:$0x3FAD]  }
0x30: {  	s3 =	sld [smem:$0x3FB0]  }
0x31: {  	[smem:$0x3FB9] =	sst s10  }
0x32: {  	s10 =	sld [smem:$0x3FB7];
	_ =	sdelay $0x3  }
0x33: {  	p0 =	seq.s32 s10, $0x1;
	s10 =	sld [smem:$0x3FB9];
	_ =	sdelay $0x3  }
0x34: {  	[smem:$0x3FB9] =	sst s10  }
0x35: {  	s10 =	sld [smem:$0x3FB8];
	_ =	sdelay $0x3  }
0x36: {  	p1 =	seq.s32 s10, $0x1;
	s10 =	sld [smem:$0x3FB9];
	_ =	sdelay $0x3  }
0x37: {  	[smem:$0x3FB9] =	sst s10  }
0x38: {  	s10 =	sld [smem:$0x3FBA]  }
0x39: {  	_ = 	snop;
	(pc) =	sbr.ind lr, $3  }
0x3a: {  	_ = 	snop  }
0x3b: {  	_ = 	snop  }
0x3c: {  	p2 =	seq.s32 s10, $0x1;
	s10 =	sld [smem:$0x3FB9]  }
0x3d: {  	_ =	shalt  }
0x3e: {  	_ =	shalt  }
0x3f: {  	_ =	shalt  }
0x40: {  	_ =	shalt  }
0x41: {  	_ =	shalt  }
0x42: {  	_ =	shalt  }
0x43: {  	_ =	shalt  }
0x44: {  	_ =	shalt  }
0x45: {  	_ =	shalt  }
0x46: {  	_ =	shalt  }
0x47: {  	_ =	shalt  }
0x48: {  	_ =	shalt  }
0x49: {  	_ =	shalt  }
0x4a: {  	_ =	shalt  }
0x4b: {  	_ =	shalt  }
0x4c: {  	_ =	shalt  }
0x4d: {  	_ =	shalt  }
0x4e: {  	_ =	shalt  }
0x4f: {  	_ =	shalt  }
0x50: {  	_ =	shalt  }
0x51: {  	_ =	shalt  }
0x52: {  	_ =	shalt  }
0x53: {  	_ =	shalt  }
0x54: {  	_ =	shalt  }
0x55: {  	_ =	shalt  }
0x56: {  	_ =	shalt  }
0x57: {  	_ =	shalt  }
0x58: {  	_ =	shalt  }
0x59: {  	_ =	shalt  }
0x5a: {  	_ =	shalt  }
0x5b: {  	_ =	shalt  }
0x5c: {  	_ =	shalt  }
0x5d: {  	_ =	shalt  }
0x5e: {  	_ =	shalt  }
0x5f: {  	_ =	shalt  }
0x60: {  	_ =	shalt  }
0x61: {  	_ =	shalt  }
0x62: {  	_ =	shalt  }
0x63: {  	_ =	shalt  }
0x64: {  	_ =	shalt  }
0x65: {  	_ =	shalt  }
0x66: {  	_ =	shalt  }
0x67: {  	_ =	shalt  }
0x68: {  	_ =	shalt  }
0x69: {  	_ =	shalt  }
0x6a: {  	_ =	shalt  }
0x6b: {  	_ =	shalt  }
0x6c: {  	_ =	shalt  }
0x6d: {  	_ =	shalt  }
0x6e: {  	_ =	shalt  }
0x6f: {  	_ =	shalt  }
0x70: {  	_ =	shalt  }
0x71: {  	_ =	shalt  }
0x72: {  	_ =	shalt  }
0x73: {  	_ =	shalt  }
0x74: {  	_ =	shalt  }
0x75: {  	_ =	shalt  }
0x76: {  	_ =	shalt  }
0x77: {  	_ =	shalt  }
0x78: {  	_ =	shalt  }
0x79: {  	_ =	shalt  }
0x7a: {  	_ =	shalt  }
0x7b: {  	_ =	shalt  }
0x7c: {  	_ =	shalt  }
0x7d: {  	_ =	shalt  }
0x7e: {  	_ =	shalt  }
0x7f: {  	_ =	shalt  }
0x80: {  	_ =	shalt  }
0x81: {  	_ =	shalt  }
0x82: {  	_ =	shalt  }
0x83: {  	_ =	shalt  }
0x84: {  	_ =	shalt  }
0x85: {  	_ =	shalt  }
0x86: {  	_ =	shalt  }
0x87: {  	_ =	shalt  }
.Lfunc_end0:
.L_simem_size_0:
called_computation_lowered:
.L_overlay_start_0:
0x88: {  	s2 =	sld [smem:$0x3FD9]  }
0x89: {  	s3 =	sld [smem:$0x3FFE];
	_ =	sdelay $0x1  }
0x8a: {  	s1 =	srdreg.scid  }
0x8b: {  	s0 =	sand.u32 $0x1, s1  }
0x8c: {  	s17 =	sshll.u32 s0, $0xA;
	s2 =	sadd.s32 s3, s2  }
0x8d: {  	s2 =	sadd.s32 s2, s17  }
0x8e: {  	[smem:$0x3FC5] =	sst s2  }
0x8f: {  	_ = 	snop  }
0x90: {  	s2 =	sld [smem:$0x3FD0];
	(tm) =	ssettm $0x1  }
0x91: {  	s18 =	sld [smem:$0x3FFB];
	_ =	sdelay $0x3  }
0x92: {  	_ =	strace s18  }
0x93: {  	s3 =	sld [smem:$0x3FFC];
	_ =	sdelay $0x3  }
0x94: {  	_ =	strace s3  }
0x95: {  	s3 =	sld [smem:$0x3FFD];
	_ =	sdelay $0x3  }
0x96: {  	_ =	strace s3  }
0x97: {  	_ =	strace $0x8FFFFFFF  }
0x98: {  	s19 =	sld [smem:$0x3FDB];
	_ =	sdelay $0x1  }
0x99: {  	s4 =	simm.s32 $_scs_section_size  }
0x9a: {  	s5 =	simm.s32 $_size__tile_overlayer_lowered;
	s6 =	simm.s32 $_tile_overlayer_lowered  }
0x9b: {  	s22 =	simm.s32 $0x1BFF;
	s21 =	sshll.u32 s6, $0x1;
	s3 =	sadd.s32 s4, s19  }
0x9c: {  	s7 =	simm.s32 $0x0;
	s20 =	sshll.u32 s5, $0x1;
	s5 =	sadd.s32 s21, s3  }
0x9d: {  	[timem:s7], [sflag:s22] =	dma.local [hbm:s5], s20  }
0x9e: {  	_ =	swait.ge [sflag:s22], s20  }
0x9f: {  	s4 =	ssub.s32 $0x0, s20;
	[sflag:s22] =	ssyncset.done $0x0  }
0xa0: {  	[sflag:s22] =	ssyncadd.s32 s4;
	_ =	sdelay $0x1  }
0xa1: {  	s23 =	simm.s32 $0x1B8B  }
0xa2: {  	_ =	swait.ge [sflag:s23], $0x1  }
0xa3: {  	[sflag:s23] =	ssyncset.done $0x0  }
0xa4: {  	s25 =	simm.s32 $0x1B8E;
	s24 =	sld [smem:$0x3FFE];
	[sflag:s23] =	ssyncadd.s32 $0xFFFFFFFF  }
0xa5: {  	s26 =	simm.s32 $execute0_lowered;
	[smem:$0x3FD2] =	sst s25  }
0xa6: {  	s5 =	sshll.u32 s26, $0x1;
	_ =	strace $0x80000046;
	[dreg:$0x1] =	wrdreg $0xFFFFFFFF  }
0xa7: {  	s28 =	simm.s32 $_size_execute0_lowered;
	s3 =	sadd.s32 s3, s5;
	[dreg:$0x0] =	wrdreg $0x0  }
0xa8: {  	s5 =	sshll.u32 s28, $0x1;
	[dreg:$0x2] =	wrdreg s3  }
0xa9: {  	[dreg:$0x3] =	wrdreg s5  }
0xaa: {  	[dreg:$0x4] =	wrdreg $0xC0  }
0xab: {  	_ =	task [dreg:s7], $0x5FFFF  }
0xac: {  	[dreg:$0x1] =	wrdreg $0xFFFFFFFF  }
0xad: {  	[dreg:$0x0] =	wrdreg $0x60  }
0xae: {  	[dreg:$0x2] =	wrdreg s24  }
0xaf: {  	[dreg:$0x3] =	wrdreg s2  }
0xb0: {  	[dreg:$0x4] =	wrdreg $0x9  }
0xb1: {  	_ =	task.clear_ibuf [dreg:s7], $0x5FFFF;
	_ =	strace $0x90000046  }
0xb2: {  	s29 =	simm.s32 $0x9;
	_ =	strace $0x80000048  }
0xb3: {  	_ =	swait.ge [sflag:s29], $0x1  }
0xb4: {  	[sflag:s29] =	ssyncadd.s32 $0xFFFFFFFF  }
0xb5: {  	_ =	strace $0x90000048  }
0xb6: {  	_ =	sfence  }
0xb7: {  	s30 =	sld [smem:$0x0];
	_ =	sdelay $0x2  }
0xb8: {  	s31 =	sshll.u32 s1, $0xD;
	s1 =	sshrl.u32 s1, $0x2  }
0xb9: {  	s3 =	sand.u32 $0x4000, s31;
	s1 =	sadd.s32 s1, s30  }
0xba: {  	s0 =	sor.u32 s3, s0;
	s1 =	sshll.u32 s1, $0x11  }
0xbb: {  	s0 =	sor.u32 s1, s0  }
0xbc: {  	s0 =	sadd.s32 $0x8F2B, s0  }
0xbd: {  	[sflag:s0] =	ssyncadd.remote.s32 $0x1  }
0xbe: {  	_ =	sfence.sel $0xFFFF  }
0xbf: {  	[dreg:$0x0] =	wrdreg $0xFFFFFFFF;
	(pc) =	sbr.abs _section_cstart, $3  }
0xc0: {  	[dreg:$0x1] =	wrdreg $0xFFFFFFFF  }
0xc1: {  	_ =	task.clear_ibuf [dreg:s7], $0x2FFFF;
	_ =	strace $0x9FFFFFFF  }
0xc2: {  	(tm) =	ssettm $0x7FFFFFFF  }
0xc3: {  	_ =	shalt  }
tec
execute0_lowered:
.L_overlay_start_1:
0x0: {  	(tag) =	ssettag $0x1  }
0x1: {  	s0 =	rddreg [dreg:$0x0]  }
0x2: {  	s1 =	rddreg [dreg:$0x1]  }
0x3: {  	s2 =	simm.s32 $0x0;
	s3 =	srdreg.scid;
	s8 =	stileid.u32  }
0x4: {  	s9 =	simm.s32 $0x2;
	s10 =	simm.s32 $0x1;
	s11 =	simm.s32 $0x40  }
0x5: {  	s12 =	simm.s32 $0x4280;
	s13 =	simm.s32 $0x4300;
	s3 =	sand.u32 $0x1, s3  }
0x6: {  	s14 =	simm.s32 $0x16600;
	[smem:$0x7FF] =	sst s2;
	s7 =	ssub.s32 $0x2, s3  }
0x7: {  	s4 =	sadd.s32 $0x1703200, s0;
	s5 =	sadd.s32 $0xF43200, s0;
	s30 =	sshrl.u32 s7, $0x1  }
0x8: {  	s6 =	sadd.s32 $0xE00, s0;
	s31 =	sshll.u32 s8, $0x2;
	s0 =	ssub.s32 s7, s30  }
0x9: {  	v0 =	vlaneseq.u32;
	_ =	strace $0x80000047;
	s3 =	sshll.u32 s3, $0x1;
	s0 =	smax.u32 s0, $0x1  }
0xa: {  	v1 =	vimm.f32 $-Inf;
	v2 =	vor.u32 $0x80000000, v0;
	v3 =	vor.u32 $0x80000010, v0;
	s7 =	sor.u32 s3, s31;
	s3 =	simm.s32 $0x0;
	[dreg:$0x3] =	wrdreg s0  }
.LBB2_1:
0xb: {  	[dreg:$0x4] =	wrdreg s3;
	p1 =	por $0x1, $0x1;
	s0 =	simm.s32 $0x0  }
.LBB2_2:
0xc: {  	s16 =	sor.u32 s7, s0  }
0xd: {  	s17 =	smul.u32 $0x1F00, s16;
	_ =	sdelay $0x1  }
0xe: {  	s31 =	sshrl.u32 s17, $0x3  }
0xf: {  	s18 =	simm.s32 $0x0;
	s0 =	sadd.s32 s4, s31  }
0x10: {  	[tilespmem:s18], [sflag:$0x2] =	stream.linear.gather [hbm4b:s0+s18], $0x1F00, $0x38;
	[tilespmem:$0x16680] =	vst v63  }
0x11: {  	_ =	swait.ge [sflag:s9], $0x1F00  }
0x12: {  	[sflag:s9] =	ssyncset.done $0x0  }
0x13: {  	[sflag:s9] =	ssyncadd.s32 $0xFFFFE100  }
0x14: {  	[tilespmem:$0x1F00] =	vst v1  }
0x15: {  	[tilespmem:$0x1F10] =	vst v1  }
0x16: {  	[tilespmem:$0x1F20] =	vst v1  }
0x17: {  	[tilespmem:$0x1F30] =	vst v1  }
0x18: {  	[tilespmem:$0x1F40] =	vst v1  }
0x19: {  	[tilespmem:$0x1F50] =	vst v1  }
0x1a: {  	[tilespmem:$0x1F60] =	vst v1  }
0x1b: {  	[tilespmem:$0x1F70] =	vst v1  }
0x1c: {  	[tilespmem:$0x1F80] =	vst v1  }
0x1d: {  	[tilespmem:$0x1F90] =	vst v1  }
0x1e: {  	[tilespmem:$0x1FA0] =	vst v1  }
0x1f: {  	[tilespmem:$0x1FB0] =	vst v1  }
0x20: {  	[tilespmem:$0x1FC0] =	vst v1  }
0x21: {  	[tilespmem:$0x1FD0] =	vst v1  }
0x22: {  	[tilespmem:$0x1FE0] =	vst v1  }
0x23: {  	s19 =	simm.s32 $0x80;
	[tilespmem:$0x1FF0] =	vst v1  }
0x24: {  	v4 =	vld [tilespmem:s19+$0xFFFFFF90]  }
0x25: {  	p0 =	por p1, p1;
	s20 =	simm.s32 $0x40;
	v5 =	vld [tilespmem:s19+$0xFFFFFF80]  }
.LBB2_3:
0x26: {  	p1 =	sne.s32 s20, $0x7C0;
	v6 =	vld [tilespmem:s19+$0xFFFFFFA0]  }
0x27: {  	v7 =	vld [tilespmem:s19+$0xFFFFFFB0]  }
0x28: {  	v8 =	vld [tilespmem:s19+$0xFFFFFFC0]  }
0x29: {  	v9 =	vld [tilespmem:s19+$0xFFFFFFD0]  }
0x2a: {  	v4 =	vmax.f32 v5, v4;
	v5 =	vld [tilespmem:s19+$0xFFFFFFE0]  }
0x2b: {  	v4 =	vmax.f32 v4, v6;
	v6 =	vld [tilespmem:s19+$0xFFFFFFF0]  }
0x2c: {  	v4 =	vmax.f32 v4, v7;
	v7 =	vld [tilespmem:s19+$0x0]  }
0x2d: {  	v4 =	vmax.f32 v4, v8;
	v8 =	vld [tilespmem:s19+$0x10]  }
0x2e: {  	v4 =	vmax.f32 v4, v9;
	v9 =	vld [tilespmem:s19+$0x20]  }
0x2f: {  	v4 =	vmax.f32 v4, v5;
	v5 =	vld [tilespmem:s19+$0x30]  }
0x30: {  	v4 =	vmax.f32 v4, v6;
	v6 =	vld [tilespmem:s19+$0x40]  }
0x31: {  	v4 =	vmax.f32 v4, v7;
	v7 =	vld [tilespmem:s19+$0x50]  }
0x32: {  	v4 =	vmax.f32 v4, v8;
	v8 =	vld [tilespmem:s19+$0x60]  }
0x33: {  	v4 =	vmax.f32 v4, v9;
	v9 =	vld [tilespmem:s19+$0x70]  }
0x34: {  	v4 =	vmax.f32 v4, v5  }
0x35: {  	v4 =	vmax.f32 v4, v6  }
0x36: {  	v4 =	vmax.f32 v4, v7  }
.Ltmp0:
0x37: {  	v4 =	vmax.f32 v4, v8;
	(pc) =	sbr.rel @p1 .LBB2_3-.Ltmp0, $4  }
0x38: {  	s0 =	sshra.s32 s18, $0x2;
	s18 =	smov.u32 s20;
	v4 =	vmax.f32 v4, v9  }
0x39: {  	s19 =	sadd.s32 $0x100, s19;
	[tilespmem:s0+$0x2000] =	vst v4  }
0x3a: {  	v4 =	vld [tilespmem:s19+$0xFFFFFF90]  }
0x3b: {  	s20 =	sadd.s32 $0x40, s20;
	v5 =	vld [tilespmem:s19+$0xFFFFFF80]  }
0x3c: {  	v6 =	vld [tilespmem:s19+$0xFFFFFFA0]  }
0x3d: {  	v7 =	vld [tilespmem:s19+$0xFFFFFFB0]  }
0x3e: {  	v8 =	vld [tilespmem:s19+$0xFFFFFFC0]  }
0x3f: {  	v9 =	vld [tilespmem:s19+$0xFFFFFFD0]  }
0x40: {  	v4 =	vmax.f32 v5, v4;
	v5 =	vld [tilespmem:s19+$0xFFFFFFE0]  }
0x41: {  	v41 =	vld [tilespmem:s19+$0xFFFFFFF0];
	v4 =	vmax.f32 v4, v6  }
0x42: {  	v42 =	vld [tilespmem:s19+$0x0];
	v4 =	vmax.f32 v4, v7  }
0x43: {  	v43 =	vld [tilespmem:s19+$0x10];
	v4 =	vmax.f32 v4, v8  }
0x44: {  	v44 =	vld [tilespmem:s19+$0x20];
	v4 =	vmax.f32 v4, v9  }
0x45: {  	v4 =	vmax.f32 v4, v5;
	v5 =	vld [tilespmem:s19+$0x30]  }
0x46: {  	v45 =	vld [tilespmem:s19+$0x40];
	v4 =	vmax.f32 v4, v41  }
0x47: {  	v46 =	vld [tilespmem:s19+$0x50];
	v4 =	vmax.f32 v4, v42  }
0x48: {  	v47 =	vld [tilespmem:s19+$0x60];
	v4 =	vmax.f32 v4, v43  }
0x49: {  	v48 =	vld [tilespmem:s19+$0x70];
	v4 =	vmax.f32 v4, v44  }
0x4a: {  	v4 =	vmax.f32 v4, v5  }
0x4b: {  	v4 =	vmax.f32 v4, v45  }
0x4c: {  	v4 =	vmax.f32 v4, v46  }
0x4d: {  	v4 =	vmax.f32 v4, v47  }
0x4e: {  	s0 =	sshra.s32 s18, $0x2;
	v4 =	vmax.f32 v4, v48  }
0x4f: {  	[tilespmem:s0+$0x2000] =	vst v4  }
0x50: {  	v4 =	vld [tilespmem:$0x2000]  }
0x51: {  	v5 =	vld [tilespmem:$0x2010]  }
0x52: {  	v49 =	vld [tilespmem:$0x2020]  }
0x53: {  	v50 =	vld [tilespmem:$0x2030]  }
0x54: {  	v51 =	vld [tilespmem:$0x2040]  }
0x55: {  	v52 =	vld [tilespmem:$0x2050]  }
0x56: {  	v10 =	vld [tilespmem:$0x2060]  }
0x57: {  	v11 =	vld [tilespmem:$0x2070]  }
0x58: {  	v12 =	vld [tilespmem:$0x2080]  }
0x59: {  	v13 =	vld [tilespmem:$0x2090]  }
0x5a: {  	v14 =	vld [tilespmem:$0x20A0]  }
0x5b: {  	v15 =	vld [tilespmem:$0x20B0]  }
0x5c: {  	v16 =	vld [tilespmem:$0x20C0]  }
0x5d: {  	v17 =	vld [tilespmem:$0x20D0]  }
0x5e: {  	v18 =	vld [tilespmem:$0x20E0]  }
0x5f: {  	v19 =	vld [tilespmem:$0x20F0]  }
0x60: {  	v20 =	vld [tilespmem:$0x2100]  }
0x61: {  	v21 =	vld [tilespmem:$0x2110]  }
0x62: {  	v22 =	vld [tilespmem:$0x2120]  }
0x63: {  	v23 =	vld [tilespmem:$0x2130]  }
0x64: {  	v24 =	vld [tilespmem:$0x2140]  }
0x65: {  	v4 =	vmax.f32 v4, v5;
	v5 =	vld [tilespmem:$0x2150]  }
0x66: {  	v54 =	vld [tilespmem:$0x2160];
	v53 =	vmax.f32 v20, v21;
	v4 =	vmax.f32 v4, v49  }
0x67: {  	v55 =	vld [tilespmem:$0x2170];
	v6 =	vmax.f32 v53, v22;
	v4 =	vmax.f32 v4, v50  }
0x68: {  	v56 =	vld [tilespmem:$0x2180];
	v6 =	vmax.f32 v6, v23;
	v4 =	vmax.f32 v4, v51  }
0x69: {  	v57 =	vld [tilespmem:$0x2190];
	v6 =	vmax.f32 v6, v24;
	v4 =	vmax.f32 v4, v52  }
0x6a: {  	v58 =	vld [tilespmem:$0x21A0];
	v4 =	vmax.f32 v4, v10;
	v5 =	vmax.f32 v6, v5  }
0x6b: {  	v59 =	vld [tilespmem:$0x21B0];
	v4 =	vmax.f32 v4, v11;
	v5 =	vmax.f32 v5, v54  }
0x6c: {  	v60 =	vld [tilespmem:$0x21C0];
	v4 =	vmax.f32 v4, v12;
	v5 =	vmax.f32 v5, v55  }
0x6d: {  	v61 =	vld [tilespmem:$0x21D0];
	v4 =	vmax.f32 v4, v13;
	v5 =	vmax.f32 v5, v56  }
0x6e: {  	v62 =	vld [tilespmem:$0x21E0];
	v4 =	vmax.f32 v4, v14;
	v5 =	vmax.f32 v5, v57  }
0x6f: {  	v63 =	vld [tilespmem:$0x21F0];
	v4 =	vmax.f32 v4, v15;
	v5 =	vmax.f32 v5, v58  }
0x70: {  	v4 =	vmax.f32 v4, v16;
	v5 =	vmax.f32 v5, v59  }
0x71: {  	v4 =	vmax.f32 v4, v17;
	v5 =	vmax.f32 v5, v60  }
0x72: {  	v4 =	vmax.f32 v4, v18;
	v5 =	vmax.f32 v5, v61  }
0x73: {  	v4 =	vmax.f32 v4, v19;
	v5 =	vmax.f32 v5, v62  }
0x74: {  	[tilespmem:$0x2200] =	vst v4;
	v4 =	vmax.f32 v5, v63  }
0x75: {  	s18 =	simm.s32 $0x0;
	s20 =	simm.s32 $0x0;
	s19 =	simm.s32 $0x2280;
	[tilespmem:$0x2210] =	vst v4  }
.LBB2_5:
0x76: {  	v5 =	vld [tilespmem:$0x2200]  }
0x77: {  	v6 =	vld [tilespmem:$0x2210];
	_ =	sdelay $0x4  }
0x78: {  	v4 =	vmax.f32 v5, v6  }
0x79: {  	(xrf0) =	vmax.scan.msk.f32 $0xffff, v4;
	_ =	sdelay $0x5  }
0x7a: {  	v4, _, _ =	vpop (xrf0)  }
0x7b: {  	v4 =	vbroadcast v4, $0xF;
	_ =	sdelay $0x1  }
0x7c: {  	vm0 =	veq.f32 v5, v4  }
0x7d: {  	v5 =	vnsel vm0, $0x81000000, v2;
	vm0 =	veq.f32 v6, v4  }
0x7e: {  	(xrf0) =	vmin.scan.msk.u32 $0xffff, v5;
	v5 =	vnsel vm0, $0x81000000, v3  }
0x7f: {  	(xrf0) =	vmin.scan.msk.u32 $0xffff, v5;
	_ =	sdelay $0x4  }
0x80: {  	v5, _, _ =	vpop (xrf0)  }
0x81: {  	(v2sf) =	vpush v5, $0xF;
	v5, _, _ =	vpop (xrf0)  }
0x82: {  	(v2sf) =	vpush v5, $0xF;
	_ =	sdelay $0xd  }
0x83: {  	s0 =	spop (v2sf)  }
0x84: {  	s3 =	spop (v2sf)  }
0x85: {  	s0 =	sxor.u32 $0x80000000, s0;
	s3 =	sxor.u32 $0x80000000, s3  }
0x86: {  	p1 =	slt.s32 s0, s3  }
0x87: {  	s3 =	smov.u32 @p1 s0  }
0x88: {  	p1 =	slt.s32 s3, $0x1000000  }
0x89: {  	p2 =	slt.s32 s3, $0x1;
	s3 =	simm.s32 @!p1 $0x1000000  }
0x8a: {  	s28 =	sshra.s32 s3, $0x1F  }
0x8b: {  	s0 =	sshrl.u32 s28, $0x1C  }
0x8c: {  	s0 =	sadd.s32 s0, s3  }
0x8d: {  	s21 =	sand.u32 $0xFFFFFFF0, s0  }
0x8e: {  	p1 =	sne.s32 s3, s21  }
0x8f: {  	p1 =	por !p2, !p1  }
0x90: {  	s21 =	simm.s32 $0x1;
	p1 =	por !p1, !p1  }
0x91: {  	s0 =	sshra.s32 s0, $0x4;
	s21 =	simm.s32 @!p1 $0x0  }
0x92: {  	s24 =	ssub.s32 s0, s21  }
0x93: {  	s0 =	sshll.u32 s24, $0xA  }
0x94: {  	s22 =	sshra.s32 s0, $0x2  }
0x95: {  	s0 =	sadd.s32 $0x2000, s22  }
0x96: {  	v5 =	vld [tilespmem:s0+$0x0];
	_ =	sdelay $0x1  }
0x97: {  	s21 =	sand.u32 $0xF, s3;
	s0 =	sadd.s32 $0x10, s0  }
0x98: {  	v8 =	vmov s18;
	v7 =	vmov s21;
	v6 =	vld [tilespmem:s0+$0x0]  }
0x99: {  	vm0 =	veq.s32 v7, v0;
	v7 =	vxor.u32 $0x80000000, v8;
	s0 =	sadd.s32 $0x10, s0  }
0x9a: {  	v9 =	vld [tilespmem:s0+$0x0];
	vm1 =	veq.f32 v5, v4;
	v5 =	vbroadcast v7, $0x0  }
0x9b: {  	s29 =	simm.s32 $0x1;
	vm1 =	vmand vm0, vm1  }
0x9c: {  	s23 =	simm.s32 $0x2;
	v7 =	vmov s29;
	v5 =	vnsel vm1, $0x81000000, v5  }
0x9d: {  	v7 =	vxor.u32 $0x80000000, v7;
	vm2 =	veq.f32 v6, v4;
	v6 =	vmov s23;
	(xrf0) =	vmin.scan.msk.u32 $0xffff, v5  }
0x9e: {  	v7 =	vbroadcast v7, $0x0;
	v6 =	vxor.u32 $0x80000000, v6  }
0x9f: {  	vm1 =	vmand vm0, vm2;
	vm2 =	veq.f32 v9, v4;
	v6 =	vbroadcast v6, $0x0  }
0xa0: {  	v7 =	vnsel vm1, $0x81000000, v7;
	vm1 =	vmand vm0, vm2  }
0xa1: {  	s0 =	sadd.s32 $0x10, s0;
	(xrf0) =	vmin.scan.msk.u32 $0xffff, v7;
	v6 =	vnsel vm1, $0x81000000, v6  }
0xa2: {  	s30 =	simm.s32 $0x3;
	v5 =	vld [tilespmem:s0+$0x0];
	(xrf0) =	vmin.scan.msk.u32 $0xffff, v6  }
0xa3: {  	v6 =	vmov s30;
	v62, _, _ =	vpop (xrf0)  }
0xa4: {  	v6 =	vxor.u32 $0x80000000, v6;
	(v2sf) =	vpush v62, $0xF;
	_ =	sdelay $0x2  }
0xa5: {  	vm1 =	veq.f32 v5, v4;
	v5 =	vbroadcast v6, $0x0;
	v6, _, _ =	vpop (xrf0)  }
0xa6: {  	(v2sf) =	vpush v6, $0xF;
	v6, _, _ =	vpop (xrf0)  }
0xa7: {  	(v2sf) =	vpush v6, $0xF;
	_ =	sdelay $0x1  }
0xa8: {  	s26 =	sadd.s32 $0x10, s0  }
0xa9: {  	v7 =	vld [tilespmem:s26+$0x0]  }
0xaa: {  	vm1 =	vmand vm0, vm1  }
0xab: {  	s31 =	simm.s32 $0x4;
	v5 =	vnsel vm1, $0x81000000, v5  }
0xac: {  	v63 =	vmov s31;
	(xrf0) =	vmin.scan.msk.u32 $0xffff, v5  }
0xad: {  	s25 =	simm.s32 $0x1000000;
	v8 =	vxor.u32 $0x80000000, v63  }
0xae: {  	s23 =	sshll.u32 s24, $0x4;
	s0 =	simm.s32 $0x5;
	s26 =	sadd.s32 $0x10, s26;
	vm1 =	veq.f32 v7, v4;
	v5 =	vbroadcast v8, $0x0  }
.LBB2_6:
0xaf: {  	s3 =	smov.u32 s25;
	p1 =	sne.s32 s0, $0xF  }
0xb0: {  	vm1 =	vmand vm0, vm1;
	s28 =	smov.u32 s0;
	s0 =	sadd.s32 $0x1, s0;
	v6 =	vld [tilespmem:s26+$0x0];
	s25 =	spop (v2sf)  }
.Ltmp1:
0xb1: {  	v7 =	vnsel vm1, $0x81000000, v5;
	s25 =	sxor.u32 $0x80000000, s25;
	(pc) =	sbr.rel @p1 .LBB2_6-.Ltmp1, $4  }
0xb2: {  	(xrf0) =	vmin.scan.msk.u32 $0xffff, v7;
	v5, _, _ =	vpop (xrf0);
	p2 =	slt.s32 s3, s25  }
0xb3: {  	v7 =	vmov s28;
	(v2sf) =	vpush v5, $0xF;
	s25 =	smov.u32 @p2 s3  }
0xb4: {  	v5 =	vxor.u32 $0x80000000, v7  }
0xb5: {  	s26 =	sadd.s32 $0x10, s26;
	v5 =	vbroadcast v5, $0x0;
	vm1 =	veq.f32 v6, v4  }
0xb6: {  	vm1 =	vmand vm0, vm1  }
0xb7: {  	v5 =	vnsel vm1, $0x81000000, v5  }
0xb8: {  	(xrf0) =	vmin.scan.msk.u32 $0xffff, v5;
	_ =	sdelay $0x3  }
0xb9: {  	v5, _, _ =	vpop (xrf0)  }
0xba: {  	(v2sf) =	vpush v5, $0xF  }
0xbb: {  	v5, _, _ =	vpop (xrf0)  }
0xbc: {  	(v2sf) =	vpush v5, $0xF;
	_ =	sdelay $0x6  }
0xbd: {  	s0 =	spop (v2sf)  }
0xbe: {  	s0 =	sxor.u32 $0x80000000, s0  }
0xbf: {  	s3 =	spop (v2sf);
	p1 =	slt.s32 s25, s0  }
0xc0: {  	s3 =	sxor.u32 $0x80000000, s3;
	s0 =	smov.u32 @p1 s25  }
0xc1: {  	p1 =	slt.s32 s0, s3;
	s31 =	spop (v2sf)  }
0xc2: {  	s3 =	smov.u32 @p1 s0;
	s0 =	sxor.u32 $0x80000000, s31  }
0xc3: {  	p1 =	slt.s32 s3, s0;
	s8 =	spop (v2sf)  }
0xc4: {  	s0 =	smov.u32 @p1 s3;
	s3 =	sxor.u32 $0x80000000, s8  }
0xc5: {  	p1 =	slt.s32 s0, s3;
	s15 =	spop (v2sf)  }
0xc6: {  	s3 =	smov.u32 @p1 s0;
	s0 =	sadd.s32 $0x80000000, s15  }
0xc7: {  	p1 =	slt.s32 s3, s0  }
0xc8: {  	s0 =	smov.u32 @p1 s3  }
0xc9: {  	s24 =	sshll.u32 s24, $0xE;
	s0 =	sshll.u32 s0, $0xA  }
0xca: {  	s24 =	sshra.s32 s24, $0x2;
	s0 =	sshra.s32 s0, $0x2  }
0xcb: {  	s0 =	sadd.s32 s0, s24  }
0xcc: {  	v5 =	vld [tilespmem:s0+$0x0];
	_ =	sdelay $0x1  }
0xcd: {  	s26 =	simm.s32 $0x0;
	s0 =	sadd.s32 $0x10, s0  }
0xce: {  	v7 =	vmov s26;
	v6 =	vld [tilespmem:s0+$0x0]  }
0xcf: {  	v7 =	vxor.u32 $0x80000000, v7;
	s0 =	sadd.s32 $0x10, s0  }
0xd0: {  	v8 =	vld [tilespmem:s0+$0x0];
	vm1 =	veq.f32 v5, v4;
	v5 =	vbroadcast v7, $0x0  }
0xd1: {  	s29 =	simm.s32 $0x1;
	vm1 =	vmand vm0, vm1  }
0xd2: {  	s26 =	simm.s32 $0x2;
	v7 =	vmov s29;
	v5 =	vnsel vm1, $0x81000000, v5  }
0xd3: {  	v7 =	vxor.u32 $0x80000000, v7;
	vm2 =	veq.f32 v6, v4;
	v6 =	vmov s26;
	(xrf0) =	vmin.scan.msk.u32 $0xffff, v5  }
0xd4: {  	v7 =	vbroadcast v7, $0x0;
	v6 =	vxor.u32 $0x80000000, v6  }
0xd5: {  	vm1 =	vmand vm0, vm2;
	vm2 =	veq.f32 v8, v4;
	v6 =	vbroadcast v6, $0x0  }
0xd6: {  	v7 =	vnsel vm1, $0x81000000, v7;
	vm1 =	vmand vm0, vm2  }
0xd7: {  	s0 =	sadd.s32 $0x10, s0;
	(xrf0) =	vmin.scan.msk.u32 $0xffff, v7;
	v6 =	vnsel vm1, $0x81000000, v6  }
0xd8: {  	s30 =	simm.s32 $0x3;
	v5 =	vld [tilespmem:s0+$0x0];
	(xrf0) =	vmin.scan.msk.u32 $0xffff, v6  }
0xd9: {  	v6 =	vmov s30;
	v62, _, _ =	vpop (xrf0)  }
0xda: {  	v6 =	vxor.u32 $0x80000000, v6;
	(v2sf) =	vpush v62, $0xF;
	_ =	sdelay $0x2  }
0xdb: {  	vm1 =	veq.f32 v5, v4;
	v5 =	vbroadcast v6, $0x0;
	v6, _, _ =	vpop (xrf0)  }
0xdc: {  	(v2sf) =	vpush v6, $0xF;
	v6, _, _ =	vpop (xrf0)  }
0xdd: {  	(v2sf) =	vpush v6, $0xF;
	_ =	sdelay $0x1  }
0xde: {  	s28 =	sadd.s32 $0x10, s0  }
0xdf: {  	v7 =	vld [tilespmem:s28+$0x0]  }
0xe0: {  	s0 =	sxor.u32 $0x80000000, s15;
	vm1 =	vmand vm0, vm1  }
0xe1: {  	s31 =	simm.s32 $0x4;
	p1 =	slt.s32 s3, s0;
	v5 =	vnsel vm1, $0x81000000, v5  }
0xe2: {  	v63 =	vmov s31;
	s0 =	smov.u32 @p1 s3;
	(xrf0) =	vmin.scan.msk.u32 $0xffff, v5  }
0xe3: {  	s26 =	simm.s32 $0x1000000;
	v8 =	vxor.u32 $0x80000000, v63;
	s25 =	sadd.s32 s23, s0  }
0xe4: {  	s28 =	sadd.s32 $0x10, s28;
	s0 =	simm.s32 $0x5;
	s24 =	sshll.u32 s25, $0x4;
	vm1 =	veq.f32 v7, v4;
	v5 =	vbroadcast v8, $0x0  }
.LBB2_8:
0xe5: {  	s3 =	smov.u32 s26;
	p1 =	sne.s32 s0, $0xF  }
0xe6: {  	vm1 =	vmand vm0, vm1;
	s29 =	smov.u32 s0;
	s0 =	sadd.s32 $0x1, s0;
	v6 =	vld [tilespmem:s28+$0x0];
	s26 =	spop (v2sf)  }
.Ltmp2:
0xe7: {  	v7 =	vnsel vm1, $0x81000000, v5;
	s26 =	sxor.u32 $0x80000000, s26;
	(pc) =	sbr.rel @p1 .LBB2_8-.Ltmp2, $4  }
0xe8: {  	(xrf0) =	vmin.scan.msk.u32 $0xffff, v7;
	v5, _, _ =	vpop (xrf0);
	p2 =	slt.s32 s3, s26  }
0xe9: {  	v7 =	vmov s29;
	(v2sf) =	vpush v5, $0xF;
	s26 =	smov.u32 @p2 s3  }
0xea: {  	v5 =	vxor.u32 $0x80000000, v7  }
0xeb: {  	s28 =	sadd.s32 $0x10, s28;
	v5 =	vbroadcast v5, $0x0;
	vm1 =	veq.f32 v6, v4  }
0xec: {  	vm1 =	vmand vm0, vm1  }
0xed: {  	v4 =	vnsel vm1, $0x81000000, v5  }
0xee: {  	(xrf0) =	vmin.scan.msk.u32 $0xffff, v4;
	_ =	sdelay $0x3  }
0xef: {  	v4, _, _ =	vpop (xrf0)  }
0xf0: {  	(v2sf) =	vpush v4, $0xF  }
0xf1: {  	v4, _, _ =	vpop (xrf0)  }
0xf2: {  	(v2sf) =	vpush v4, $0xF;
	_ =	sdelay $0x6  }
0xf3: {  	s0 =	spop (v2sf)  }
0xf4: {  	s0 =	sxor.u32 $0x80000000, s0  }
0xf5: {  	s3 =	spop (v2sf);
	p1 =	slt.s32 s26, s0  }
0xf6: {  	s3 =	sxor.u32 $0x80000000, s3;
	s0 =	smov.u32 @p1 s26  }
0xf7: {  	p1 =	slt.s32 s0, s3;
	s29 =	spop (v2sf)  }
0xf8: {  	s3 =	smov.u32 @p1 s0;
	s0 =	sxor.u32 $0x80000000, s29  }
0xf9: {  	p1 =	slt.s32 s3, s0;
	s30 =	spop (v2sf)  }
0xfa: {  	s0 =	smov.u32 @p1 s3;
	s3 =	sxor.u32 $0x80000000, s30  }
0xfb: {  	p1 =	slt.s32 s0, s3;
	s31 =	spop (v2sf)  }
0xfc: {  	s3 =	smov.u32 @p1 s0;
	s0 =	sxor.u32 $0x80000000, s31  }
0xfd: {  	p1 =	slt.s32 s3, s0  }
0xfe: {  	s0 =	smov.u32 @p1 s3  }
0xff: {  	s8 =	sadd.s32 s24, s0  }
0x100: {  	s28 =	sshll.u32 s8, $0x4  }
0x101: {  	v4 =	vld [tilespmem:s28+$0x0];
	_ =	sdelay $0x4  }
0x102: {  	s15 =	sshll.u32 s25, $0xA;
	v4 =	vsel vm0, $0xFF800000, v4  }
0x103: {  	s0 =	sshra.s32 s15, $0x2;
	[tilespmem:s28+$0x0] =	vst v4  }
0x104: {  	v4 =	vld [tilespmem:s0+$0x0]  }
0x105: {  	v5 =	vld [tilespmem:s0+$0x10]  }
0x106: {  	v6 =	vld [tilespmem:s0+$0x20]  }
0x107: {  	v7 =	vld [tilespmem:s0+$0x30]  }
0x108: {  	v8 =	vld [tilespmem:s0+$0x40]  }
0x109: {  	v9 =	vld [tilespmem:s0+$0x50]  }
0x10a: {  	v4 =	vmax.f32 v4, v5;
	v5 =	vld [tilespmem:s0+$0x60]  }
0x10b: {  	v4 =	vmax.f32 v4, v6;
	v6 =	vld [tilespmem:s0+$0x70]  }
0x10c: {  	v4 =	vmax.f32 v4, v7;
	v7 =	vld [tilespmem:s0+$0x80]  }
0x10d: {  	v54 =	vld [tilespmem:s0+$0x90];
	v4 =	vmax.f32 v4, v8  }
0x10e: {  	v55 =	vld [tilespmem:s0+$0xA0];
	v4 =	vmax.f32 v4, v9  }
0x10f: {  	v4 =	vmax.f32 v4, v5;
	v5 =	vld [tilespmem:s0+$0xB0]  }
0x110: {  	v4 =	vmax.f32 v4, v6;
	v6 =	vld [tilespmem:s0+$0xC0]  }
0x111: {  	v4 =	vmax.f32 v4, v7;
	v7 =	vld [tilespmem:s0+$0xD0]  }
0x112: {  	v56 =	vld [tilespmem:s0+$0xE0];
	v4 =	vmax.f32 v4, v54  }
0x113: {  	v57 =	vld [tilespmem:s0+$0xF0];
	v4 =	vmax.f32 v4, v55  }
0x114: {  	v4 =	vmax.f32 v4, v5  }
0x115: {  	v4 =	vmax.f32 v4, v6  }
0x116: {  	v4 =	vmax.f32 v4, v7  }
0x117: {  	v4 =	vmax.f32 v4, v56  }
0x118: {  	v4 =	vmax.f32 v4, v57  }
0x119: {  	[tilespmem:s24+$0x2000] =	vst v4  }
0x11a: {  	v4 =	vld [tilespmem:s22+$0x2000]  }
0x11b: {  	v5 =	vld [tilespmem:s22+$0x2010]  }
0x11c: {  	v6 =	vld [tilespmem:s22+$0x2020]  }
0x11d: {  	v7 =	vld [tilespmem:s22+$0x2030]  }
0x11e: {  	v58 =	vld [tilespmem:s22+$0x2040]  }
0x11f: {  	v59 =	vld [tilespmem:s22+$0x2050]  }
0x120: {  	v4 =	vmax.f32 v4, v5;
	v5 =	vld [tilespmem:s22+$0x2060]  }
0x121: {  	v4 =	vmax.f32 v4, v6;
	v6 =	vld [tilespmem:s22+$0x2070]  }
0x122: {  	v4 =	vmax.f32 v4, v7;
	v7 =	vld [tilespmem:s22+$0x2080]  }
0x123: {  	v60 =	vld [tilespmem:s22+$0x2090];
	v4 =	vmax.f32 v4, v58  }
0x124: {  	v61 =	vld [tilespmem:s22+$0x20A0];
	v4 =	vmax.f32 v4, v59  }
0x125: {  	v4 =	vmax.f32 v4, v5;
	v5 =	vld [tilespmem:s22+$0x20B0]  }
0x126: {  	v4 =	vmax.f32 v4, v6;
	v6 =	vld [tilespmem:s22+$0x20C0]  }
0x127: {  	v4 =	vmax.f32 v4, v7;
	v7 =	vld [tilespmem:s22+$0x20D0]  }
0x128: {  	v62 =	vld [tilespmem:s22+$0x20E0];
	v4 =	vmax.f32 v4, v60  }
0x129: {  	v63 =	vld [tilespmem:s22+$0x20F0];
	v4 =	vmax.f32 v4, v61  }
0x12a: {  	v4 =	vmax.f32 v4, v5  }
0x12b: {  	v4 =	vmax.f32 v4, v6  }
0x12c: {  	v4 =	vmax.f32 v4, v7  }
0x12d: {  	v4 =	vmax.f32 v4, v62  }
0x12e: {  	v4 =	vmax.f32 v4, v63  }
0x12f: {  	s24 =	sand.u32 $0x30, s20;
	[tilespmem:s23+$0x2200] =	vst v4  }
0x130: {  	v4 =	vld [tilespmem:s24+$0x4280];
	_ =	sdelay $0x1  }
0x131: {  	s25 =	sand.u32 $0xF, s20  }
0x132: {  	s31 =	sor.u32 s21, s28;
	v5 =	vmov s25  }
0x133: {  	s29 =	sshll.u32 s21, $0x7;
	s21 =	sadd.s32 s17, s31;
	vm14 =	veq.s32 v5, v0  }
0x134: {  	s30 =	sshll.u32 s8, $0xB;
	v4 =	vsel vm14, s21, v4  }
0x135: {  	s0 =	sor.u32 s30, s29;
	[tilespmem:s24+$0x4280] =	vst v4;
	v4 =	vmov s19  }
0x136: {  	v5 =	vor.u32 s0, v0  }
0x137: {  	vm15 =	vlt.s32 v5, $0xF4240  }
0x138: {  	s3 =	simm.s32 $0x40;
	v5 =	vnsel vm15, $0xFFFFFFFF, v5;
	s21 =	simm.s32 $0x0  }
.LBB2_10:
0x139: {  	p1 =	sne.s32 s3, $0x1C0  }
0x13a: {  	[tilespmem:v4+s21+$0x0 ss:$0x1] =	vst.idx.msk $0xffff, v5;
	s0 =	sadd.s32 $0x10, s0;
	s21 =	smov.u32 s3;
	s3 =	sadd.s32 $0x40, s3  }
.Ltmp3:
0x13b: {  	(pc) =	sbr.rel @p1 .LBB2_10-.Ltmp3, $4  }
0x13c: {  	_ = 	snop  }
0x13d: {  	v5 =	vor.u32 s0, v0  }
0x13e: {  	vm0 =	vlt.s32 v5, $0xF4240  }
0x13f: {  	s21 =	sshra.s32 s21, $0x2;
	v5 =	vnsel vm0, $0xFFFFFFFF, v5  }
0x140: {  	s20 =	sadd.s32 $0x1, s20  }
0x141: {  	p1 =	sne.s32 s20, $0x40  }
.Ltmp4:
0x142: {  	_ = 	snop;
	(pc) =	sbr.rel @p1 .LBB2_5-.Ltmp4, $2  }
0x143: {  	_ =	sdelay $0x2  }
0x144: {  	[tilespmem:v4+s21+$0x0 ss:$0x1] =	vst.idx.msk $0xffff, v5;
	s19 =	sadd.s32 $0x80, s19  }
0x145: {  	[tilespmem:s13], [sflag:$0x1] =	stream.indirect.gather [hbm4b:s5+s11], $0x80, s12, s11, $0xb8;
	[tilespmem:$0x16680] =	vst v63  }
0x146: {  	s17 =	simm.s32 $0x0;
	_ =	swait.ge [sflag:s10], $0x2000  }
0x147: {  	s18 =	simm.s32 $0x0;
	s0 =	sand.u32 $0x7E00, s17;
	[sflag:s10] =	ssyncset.done $0x0  }
0x148: {  	s3 =	sand.u32 $0x70, s17;
	s0 =	sshrl.u32 s0, $0x2;
	[sflag:s10] =	ssyncadd.s32 $0xFFFFE000  }
0x149: {  	s0 =	sor.u32 s3, s0;
	v4 =	vld [tilespmem:s18+$0x2280]  }
0x14a: {  	v5 =	vld [tilespmem:s0+$0x4300];
	_ =	sdelay $0x3  }
0x14b: {  	s31 =	simm.s32 $0x10;
	s18 =	simm.s32 $0x40;
	vm0 =	vgt.s32 v4, $0xFFFFFFFF  }
0x14c: {  	s19 =	sand.u32 $0x70, s31;
	s3 =	simm.s32 $0x20;
	s20 =	sand.u32 $0x7E00, s18;
	v4 =	vnsel vm0, $0xFF800000, v5  }
.LBB2_13:
0x14d: {  	p1 =	sne.s32 s3, $0x1FF0;
	s21 =	sshra.s32 s18, $0x2;
	s20 =	sshrl.u32 s20, $0x2;
	[tilespmem:s0+$0x4300] =	vst v4  }
0x14e: {  	v4 =	vld [tilespmem:s21+$0x2280];
	s0 =	sor.u32 s19, s20  }
0x14f: {  	v5 =	vld [tilespmem:s0+$0x4300]  }
.Ltmp5:
0x150: {  	(pc) =	sbr.rel @p1 .LBB2_13-.Ltmp5, $3  }
0x151: {  	_ =	sdelay $0x1  }
0x152: {  	s18 =	sadd.s32 $0x40, s18;
	vm0 =	vgt.s32 v4, $0xFFFFFFFF  }
0x153: {  	s19 =	sand.u32 $0x70, s3;
	s20 =	sand.u32 $0x7E00, s18;
	s3 =	sadd.s32 $0x10, s3;
	v4 =	vnsel vm0, $0xFF800000, v5  }
0x154: {  	s3 =	sshra.s32 s18, $0x2;
	s30 =	sshrl.u32 s20, $0x2;
	[tilespmem:s0+$0x4300] =	vst v4  }
0x155: {  	v4 =	vld [tilespmem:s3+$0x2280];
	s31 =	sor.u32 s19, s30  }
0x156: {  	v5 =	vld [tilespmem:s31+$0x4300];
	_ =	sdelay $0x3  }
0x157: {  	vm0 =	vgt.s32 v4, $0xFFFFFFFF  }
0x158: {  	v4 =	vnsel vm0, $0xFF800000, v5  }
0x159: {  	s18 =	simm.s32 $0x0;
	[tilespmem:s31+$0x4300] =	vst v4  }
.LBB2_15:
0x15a: {  	s0 =	simm.s32 $0x0  }
0x15b: {  	s3 =	sadd.s32 $0x0, s17;
	s19 =	sand.u32 $0x7, s0  }
0x15c: {  	p1 =	seq.s32 s3, $0x0;
	p2 =	sne.s32 s19, $0x0  }
0x15d: {  	s22 =	simm.s32 $0x10;
	s20 =	simm.s32 $0x1;
	p1 =	por !p1, !p2  }
0x15e: {  	s29 =	sadd.s32 $0x1, s17;
	s19 =	simm.s32 $0x1;
	p1 =	por !p1, !p1  }
0x15f: {  	s3 =	sshrl.u32 s3, $0x3;
	s30 =	sand.u32 $0x7, s20;
	s19 =	simm.s32 @!p1 $0x0  }
0x160: {  	p5 =	seq.s32 s29, $0x0;
	p6 =	sne.s32 s30, $0x0;
	s28 =	ssub.s32 s3, s19  }
0x161: {  	s21 =	sand.u32 $0x70, s0;
	p1 =	por !p5, !p6;
	s0 =	sshll.u32 s28, $0x9  }
0x162: {  	s20 =	simm.s32 $0x1;
	p1 =	por !p1, !p1;
	s31 =	sshra.s32 s0, $0x2  }
0x163: {  	s19 =	simm.s32 $0x2;
	s3 =	sand.u32 $0x70, s22;
	s21 =	sor.u32 s21, s31  }
0x164: {  	v4 =	vimm.f32 $-Inf;
	s20 =	simm.s32 @!p1 $0x0;
	s0 =	simm.s32 $0x20;
	v5 =	vld [tilespmem:s21+$0x4300];
	s21 =	sshrl.u32 s29, $0x3  }
.LBB2_16:
0x165: {  	s22 =	sadd.s32 s19, s17;
	s23 =	sand.u32 $0x7, s19  }
0x166: {  	s20 =	ssub.s32 s21, s20;
	s24 =	smov.u32 s0;
	p1 =	sne.s32 s0, $0xF0  }
.Ltmp6:
0x167: {  	s0 =	sadd.s32 $0x10, s0;
	s20 =	sshll.u32 s20, $0x9;
	(pc) =	sbr.rel @p1 .LBB2_16-.Ltmp6, $4  }
0x168: {  	p2 =	seq.s32 s22, $0x0;
	p3 =	sne.s32 s23, $0x0;
	s20 =	sshra.s32 s20, $0x2  }
0x169: {  	p2 =	por !p2, !p3;
	s3 =	sor.u32 s3, s20;
	v4 =	vmax.f32 v4, v5  }
0x16a: {  	s19 =	sadd.s32 $0x1, s19;
	p2 =	por !p2, !p2;
	s20 =	simm.s32 $0x1;
	v5 =	vld [tilespmem:s3+$0x4300]  }
0x16b: {  	s21 =	sshrl.u32 s22, $0x3;
	s20 =	simm.s32 @!p2 $0x0;
	s3 =	sand.u32 $0x70, s24  }
0x16c: {  	s0 =	ssub.s32 s21, s20  }
0x16d: {  	s0 =	sshll.u32 s0, $0x9  }
0x16e: {  	s0 =	sshra.s32 s0, $0x2  }
0x16f: {  	s0 =	sor.u32 s3, s0  }
0x170: {  	s31 =	sshll.u32 s18, $0x4;
	s18 =	sadd.s32 $0x1, s18;
	v6 =	vld [tilespmem:s0+$0x4300]  }
0x171: {  	p1 =	sne.s32 s18, $0x20  }
.Ltmp7:
0x172: {  	_ = 	snop;
	(pc) =	sbr.rel @p1 .LBB2_15-.Ltmp7, $4  }
0x173: {  	_ = 	snop  }
0x174: {  	v4 =	vmax.f32 v4, v5  }
0x175: {  	s0 =	sand.u32 $0x3FFFFFF0, s31;
	v4 =	vmax.f32 v4, v6  }
0x176: {  	s17 =	sadd.s32 $0x10, s17;
	[tilespmem:s0+$0x6300] =	vst v4  }
0x177: {  	v4 =	vld [tilespmem:$0x6300]  }
0x178: {  	v5 =	vld [tilespmem:$0x6310]  }
0x179: {  	v6 =	vld [tilespmem:$0x6320]  }
0x17a: {  	v7 =	vld [tilespmem:$0x6330]  }
0x17b: {  	v8 =	vld [tilespmem:$0x6340]  }
0x17c: {  	v9 =	vld [tilespmem:$0x6350]  }
0x17d: {  	v10 =	vld [tilespmem:$0x6360]  }
0x17e: {  	v11 =	vld [tilespmem:$0x6370]  }
0x17f: {  	v12 =	vld [tilespmem:$0x6380]  }
0x180: {  	v13 =	vld [tilespmem:$0x6390]  }
0x181: {  	v14 =	vld [tilespmem:$0x63A0]  }
0x182: {  	v15 =	vld [tilespmem:$0x63B0]  }
0x183: {  	v16 =	vld [tilespmem:$0x63C0]  }
0x184: {  	v17 =	vld [tilespmem:$0x63D0]  }
0x185: {  	v18 =	vld [tilespmem:$0x63E0]  }
0x186: {  	v19 =	vld [tilespmem:$0x63F0]  }
0x187: {  	v20 =	vld [tilespmem:$0x6400]  }
0x188: {  	v21 =	vld [tilespmem:$0x6410]  }
0x189: {  	v22 =	vld [tilespmem:$0x6420]  }
0x18a: {  	v23 =	vld [tilespmem:$0x6430]  }
0x18b: {  	v24 =	vld [tilespmem:$0x6440]  }
0x18c: {  	v4 =	vmax.f32 v4, v5;
	v5 =	vld [tilespmem:$0x6450]  }
0x18d: {  	v54 =	vld [tilespmem:$0x6460];
	v53 =	vmax.f32 v20, v21;
	v4 =	vmax.f32 v4, v6  }
0x18e: {  	v55 =	vld [tilespmem:$0x6470];
	v6 =	vmax.f32 v53, v22;
	v4 =	vmax.f32 v4, v7  }
0x18f: {  	v56 =	vld [tilespmem:$0x6480];
	v6 =	vmax.f32 v6, v23;
	v4 =	vmax.f32 v4, v8  }
0x190: {  	v57 =	vld [tilespmem:$0x6490];
	v6 =	vmax.f32 v6, v24;
	v4 =	vmax.f32 v4, v9  }
0x191: {  	v58 =	vld [tilespmem:$0x64A0];
	v4 =	vmax.f32 v4, v10;
	v5 =	vmax.f32 v6, v5  }
0x192: {  	v59 =	vld [tilespmem:$0x64B0];
	v4 =	vmax.f32 v4, v11;
	v5 =	vmax.f32 v5, v54  }
0x193: {  	v60 =	vld [tilespmem:$0x64C0];
	v4 =	vmax.f32 v4, v12;
	v5 =	vmax.f32 v5, v55  }
0x194: {  	v61 =	vld [tilespmem:$0x64D0];
	v4 =	vmax.f32 v4, v13;
	v5 =	vmax.f32 v5, v56  }
0x195: {  	v62 =	vld [tilespmem:$0x64E0];
	v4 =	vmax.f32 v4, v14;
	v5 =	vmax.f32 v5, v57  }
0x196: {  	v63 =	vld [tilespmem:$0x64F0];
	v4 =	vmax.f32 v4, v15;
	v5 =	vmax.f32 v5, v58  }
0x197: {  	v4 =	vmax.f32 v4, v16;
	v5 =	vmax.f32 v5, v59  }
0x198: {  	v4 =	vmax.f32 v4, v17;
	v5 =	vmax.f32 v5, v60  }
0x199: {  	v4 =	vmax.f32 v4, v18;
	v5 =	vmax.f32 v5, v61  }
0x19a: {  	v4 =	vmax.f32 v4, v19;
	v5 =	vmax.f32 v5, v62  }
0x19b: {  	[tilespmem:$0x6500] =	vst v4;
	v4 =	vmax.f32 v5, v63  }
0x19c: {  	s17 =	simm.s32 $0x0;
	s18 =	simm.s32 $0x0;
	[tilespmem:$0x6510] =	vst v4  }
.LBB2_19:
0x19d: {  	v5 =	vld [tilespmem:$0x6500]  }
0x19e: {  	v6 =	vld [tilespmem:$0x6510];
	_ =	sdelay $0x4  }
0x19f: {  	v4 =	vmax.f32 v5, v6  }
0x1a0: {  	(xrf0) =	vmax.scan.msk.f32 $0xffff, v4;
	_ =	sdelay $0x5  }
0x1a1: {  	v4, _, _ =	vpop (xrf0)  }
0x1a2: {  	v4 =	vbroadcast v4, $0xF;
	_ =	sdelay $0x1  }
0x1a3: {  	vm0 =	veq.f32 v5, v4  }
0x1a4: {  	v5 =	vnsel vm0, $0x81000000, v2;
	vm0 =	veq.f32 v6, v4  }
0x1a5: {  	(xrf0) =	vmin.scan.msk.u32 $0xffff, v5;
	v5 =	vnsel vm0, $0x81000000, v3  }
0x1a6: {  	(xrf0) =	vmin.scan.msk.u32 $0xffff, v5;
	_ =	sdelay $0x4  }
0x1a7: {  	v5, _, _ =	vpop (xrf0)  }
0x1a8: {  	(v2sf) =	vpush v5, $0xF;
	v5, _, _ =	vpop (xrf0)  }
0x1a9: {  	(v2sf) =	vpush v5, $0xF;
	_ =	sdelay $0xd  }
0x1aa: {  	s0 =	spop (v2sf)  }
0x1ab: {  	s3 =	spop (v2sf)  }
0x1ac: {  	s0 =	sxor.u32 $0x80000000, s0;
	s3 =	sxor.u32 $0x80000000, s3  }
0x1ad: {  	p1 =	slt.s32 s0, s3  }
0x1ae: {  	s3 =	smov.u32 @p1 s0  }
0x1af: {  	p1 =	slt.s32 s3, $0x1000000  }
0x1b0: {  	p2 =	slt.s32 s3, $0x1;
	s3 =	simm.s32 @!p1 $0x1000000  }
0x1b1: {  	s26 =	sshra.s32 s3, $0x1F  }
0x1b2: {  	s0 =	sshrl.u32 s26, $0x1C  }
0x1b3: {  	s0 =	sadd.s32 s0, s3  }
0x1b4: {  	s19 =	sand.u32 $0xFFFFFFF0, s0  }
0x1b5: {  	p1 =	sne.s32 s3, s19  }
0x1b6: {  	p1 =	por !p2, !p1  }
0x1b7: {  	s19 =	simm.s32 $0x1;
	p1 =	por !p1, !p1  }
0x1b8: {  	s22 =	sshra.s32 s0, $0x4;
	s19 =	simm.s32 @!p1 $0x0  }
0x1b9: {  	s0 =	ssub.s32 s22, s19  }
0x1ba: {  	s19 =	sshll.u32 s0, $0xA  }
0x1bb: {  	s19 =	sshra.s32 s19, $0x2  }
0x1bc: {  	s20 =	sadd.s32 $0x6300, s19  }
0x1bd: {  	v5 =	vld [tilespmem:s20+$0x0];
	_ =	sdelay $0x1  }
0x1be: {  	s21 =	sadd.s32 $0x10, s20;
	s20 =	sand.u32 $0xF, s3  }
0x1bf: {  	v8 =	vmov s17;
	v6 =	vld [tilespmem:s21+$0x0];
	v7 =	vmov s20  }
0x1c0: {  	s28 =	sadd.s32 $0x10, s21;
	vm0 =	veq.s32 v7, v0;
	v7 =	vxor.u32 $0x80000000, v8  }
0x1c1: {  	v9 =	vld [tilespmem:s28+$0x0];
	vm1 =	veq.f32 v5, v4;
	v5 =	vbroadcast v7, $0x0  }
0x1c2: {  	s29 =	simm.s32 $0x1;
	vm1 =	vmand vm0, vm1  }
0x1c3: {  	s23 =	simm.s32 $0x2;
	v7 =	vmov s29;
	v5 =	vnsel vm1, $0x81000000, v5  }
0x1c4: {  	v7 =	vxor.u32 $0x80000000, v7;
	vm2 =	veq.f32 v6, v4;
	v6 =	vmov s23;
	(xrf0) =	vmin.scan.msk.u32 $0xffff, v5  }
0x1c5: {  	v7 =	vbroadcast v7, $0x0;
	v6 =	vxor.u32 $0x80000000, v6  }
0x1c6: {  	vm1 =	vmand vm0, vm2;
	vm2 =	veq.f32 v9, v4;
	v6 =	vbroadcast v6, $0x0  }
0x1c7: {  	v7 =	vnsel vm1, $0x81000000, v7;
	vm1 =	vmand vm0, vm2  }
0x1c8: {  	s3 =	sadd.s32 $0x10, s28;
	(xrf0) =	vmin.scan.msk.u32 $0xffff, v7;
	v6 =	vnsel vm1, $0x81000000, v6  }
0x1c9: {  	s30 =	simm.s32 $0x3;
	v5 =	vld [tilespmem:s3+$0x0];
	(xrf0) =	vmin.scan.msk.u32 $0xffff, v6  }
0x1ca: {  	v6 =	vmov s30;
	v62, _, _ =	vpop (xrf0)  }
0x1cb: {  	v6 =	vxor.u32 $0x80000000, v6;
	(v2sf) =	vpush v62, $0xF;
	_ =	sdelay $0x2  }
0x1cc: {  	vm1 =	veq.f32 v5, v4;
	v5 =	vbroadcast v6, $0x0;
	v6, _, _ =	vpop (xrf0)  }
0x1cd: {  	(v2sf) =	vpush v6, $0xF;
	v6, _, _ =	vpop (xrf0)  }
0x1ce: {  	(v2sf) =	vpush v6, $0xF;
	_ =	sdelay $0x1  }
0x1cf: {  	s3 =	sadd.s32 $0x10, s3  }
0x1d0: {  	v7 =	vld [tilespmem:s3+$0x0]  }
0x1d1: {  	vm1 =	vmand vm0, vm1  }
0x1d2: {  	s31 =	simm.s32 $0x4;
	v5 =	vnsel vm1, $0x81000000, v5  }
0x1d3: {  	s24 =	simm.s32 $0xFFFFFFFF;
	v63 =	vmov s31;
	(xrf0) =	vmin.scan.msk.u32 $0xffff, v5  }
0x1d4: {  	s24 =	simm.s32 @!p1 $0x0;
	s21 =	sshll.u32 s0, $0x4;
	v8 =	vxor.u32 $0x80000000, v63  }
0x1d5: {  	s0 =	simm.s32 $0x5;
	s23 =	simm.s32 $0x1000000;
	s25 =	sadd.s32 $0x10, s3;
	vm1 =	veq.f32 v7, v4;
	v5 =	vbroadcast v8, $0x0  }
.LBB2_20:
0x1d6: {  	s3 =	smov.u32 s23;
	p1 =	sne.s32 s0, $0xF  }
0x1d7: {  	vm1 =	vmand vm0, vm1;
	s26 =	smov.u32 s0;
	s0 =	sadd.s32 $0x1, s0;
	v6 =	vld [tilespmem:s25+$0x0];
	s23 =	spop (v2sf)  }
.Ltmp8:
0x1d8: {  	v7 =	vnsel vm1, $0x81000000, v5;
	s23 =	sxor.u32 $0x80000000, s23;
	(pc) =	sbr.rel @p1 .LBB2_20-.Ltmp8, $4  }
0x1d9: {  	(xrf0) =	vmin.scan.msk.u32 $0xffff, v7;
	v5, _, _ =	vpop (xrf0);
	p2 =	slt.s32 s3, s23  }
0x1da: {  	v7 =	vmov s26;
	(v2sf) =	vpush v5, $0xF;
	s23 =	smov.u32 @p2 s3  }
0x1db: {  	v5 =	vxor.u32 $0x80000000, v7  }
0x1dc: {  	s25 =	sadd.s32 $0x10, s25;
	v5 =	vbroadcast v5, $0x0;
	vm1 =	veq.f32 v6, v4  }
0x1dd: {  	vm1 =	vmand vm0, vm1  }
0x1de: {  	v5 =	vnsel vm1, $0x81000000, v5  }
0x1df: {  	(xrf0) =	vmin.scan.msk.u32 $0xffff, v5;
	_ =	sdelay $0x3  }
0x1e0: {  	v5, _, _ =	vpop (xrf0)  }
0x1e1: {  	(v2sf) =	vpush v5, $0xF  }
0x1e2: {  	v5, _, _ =	vpop (xrf0)  }
0x1e3: {  	(v2sf) =	vpush v5, $0xF;
	_ =	sdelay $0x6  }
0x1e4: {  	s0 =	spop (v2sf)  }
0x1e5: {  	s0 =	sxor.u32 $0x80000000, s0  }
0x1e6: {  	s3 =	spop (v2sf);
	p1 =	slt.s32 s23, s0  }
0x1e7: {  	s3 =	sxor.u32 $0x80000000, s3;
	s0 =	smov.u32 @p1 s23  }
0x1e8: {  	p1 =	slt.s32 s0, s3;
	s8 =	spop (v2sf)  }
0x1e9: {  	s3 =	smov.u32 @p1 s0;
	s0 =	sxor.u32 $0x80000000, s8  }
0x1ea: {  	p1 =	slt.s32 s3, s0;
	s15 =	spop (v2sf)  }
0x1eb: {  	s0 =	smov.u32 @p1 s3;
	s23 =	sxor.u32 $0x80000000, s15  }
0x1ec: {  	p1 =	slt.s32 s0, s23;
	s3 =	spop (v2sf)  }
0x1ed: {  	s23 =	smov.u32 @p1 s0;
	s0 =	sadd.s32 $0x80000000, s3  }
0x1ee: {  	p1 =	slt.s32 s23, s0  }
0x1ef: {  	s22 =	sshll.u32 s22, $0x8;
	s24 =	sshll.u32 s24, $0x8;
	s0 =	smov.u32 @p1 s23  }
0x1f0: {  	s22 =	sadd.s32 s24, s22;
	s0 =	sshll.u32 s0, $0x4  }
0x1f1: {  	s22 =	sadd.s32 s0, s22  }
0x1f2: {  	s0 =	sadd.s32 $0x0, s22  }
0x1f3: {  	s25 =	sshra.s32 s0, $0x1F  }
0x1f4: {  	s24 =	sshrl.u32 s25, $0x1D  }
0x1f5: {  	s24 =	sadd.s32 s24, s0  }
0x1f6: {  	s25 =	sand.u32 $0xFFFFFFF8, s24  }
0x1f7: {  	p6 =	slt.s32 s0, $0x1;
	p2 =	sne.s32 s0, s25  }
0x1f8: {  	p1 =	por !p6, !p2  }
0x1f9: {  	s25 =	simm.s32 $0x1;
	p1 =	por !p1, !p1  }
0x1fa: {  	s24 =	sshrl.u32 s24, $0x3;
	s25 =	simm.s32 @!p1 $0x0  }
0x1fb: {  	s0 =	sshll.u32 s0, $0x4;
	s24 =	ssub.s32 s24, s25  }
0x1fc: {  	s0 =	sadd.s32 $0x80, s0;
	s24 =	sshll.u32 s24, $0x9  }
0x1fd: {  	s0 =	sand.u32 $0x70, s0;
	s24 =	sshra.s32 s24, $0x2  }
0x1fe: {  	s0 =	sor.u32 s0, s24  }
0x1ff: {  	v5 =	vld [tilespmem:s0+$0x4300];
	_ =	sdelay $0x1  }
0x200: {  	s8 =	simm.s32 $0x0;
	s24 =	sadd.s32 $0x1, s22  }
0x201: {  	v6 =	vmov s8;
	s26 =	sshra.s32 s24, $0x1F  }
0x202: {  	v6 =	vxor.u32 $0x80000000, v6;
	s0 =	sshrl.u32 s26, $0x1D  }
0x203: {  	s0 =	sadd.s32 s0, s24;
	vm1 =	veq.f32 v5, v4;
	v5 =	vbroadcast v6, $0x0  }
0x204: {  	s15 =	sand.u32 $0xFFFFFFF8, s0;
	vm1 =	vmand vm0, vm1  }
0x205: {  	p3 =	slt.s32 s24, $0x1;
	p4 =	sne.s32 s24, s15;
	v5 =	vnsel vm1, $0x81000000, v5  }
0x206: {  	s28 =	simm.s32 $0x1;
	s26 =	sadd.s32 $0x2, s22;
	p1 =	por !p3, !p4;
	(xrf0) =	vmin.scan.msk.u32 $0xffff, v5  }
0x207: {  	s8 =	sshra.s32 s26, $0x1F;
	p5 =	slt.s32 s26, $0x1;
	p1 =	por !p1, !p1  }
0x208: {  	s25 =	sshrl.u32 s8, $0x1D;
	s0 =	sshrl.u32 s0, $0x3;
	s28 =	simm.s32 @!p1 $0x0  }
0x209: {  	s24 =	sshll.u32 s24, $0x4;
	s25 =	sadd.s32 s25, s26;
	s0 =	ssub.s32 s0, s28  }
0x20a: {  	s29 =	sand.u32 $0xFFFFFFF8, s25;
	s24 =	sadd.s32 $0x80, s24;
	s0 =	sshll.u32 s0, $0x9  }
0x20b: {  	p6 =	sne.s32 s26, s29;
	s24 =	sand.u32 $0x70, s24;
	s0 =	sshra.s32 s0, $0x2  }
0x20c: {  	p2 =	por !p5, !p6;
	s0 =	sor.u32 s24, s0;
	v5, _, _ =	vpop (xrf0)  }
0x20d: {  	p2 =	por !p2, !p2;
	s28 =	simm.s32 $0x1;
	(v2sf) =	vpush v5, $0xF;
	v5 =	vld [tilespmem:s0+$0x4300]  }
0x20e: {  	s15 =	sshrl.u32 s25, $0x3;
	s28 =	simm.s32 @!p2 $0x0  }
0x20f: {  	s24 =	ssub.s32 s15, s28;
	s15 =	simm.s32 $0x1  }
0x210: {  	s25 =	sadd.s32 $0x3, s22;
	s26 =	sshll.u32 s26, $0x4;
	v7 =	vmov s15  }
0x211: {  	s26 =	sadd.s32 $0x80, s26;
	s28 =	sshra.s32 s25, $0x1F;
	s24 =	sshll.u32 s24, $0x9;
	v7 =	vxor.u32 $0x80000000, v7  }
0x212: {  	s26 =	sand.u32 $0x70, s26;
	s28 =	sshrl.u32 s28, $0x1D;
	s24 =	sshra.s32 s24, $0x2;
	vm1 =	veq.f32 v5, v4;
	v5 =	vbroadcast v7, $0x0  }
0x213: {  	s3 =	sxor.u32 $0x80000000, s3;
	s26 =	sor.u32 s26, s24;
	s0 =	sadd.s32 s28, s25;
	vm1 =	vmand vm0, vm1  }
0x214: {  	p3 =	slt.s32 s25, $0x1;
	p1 =	slt.s32 s23, s3;
	v6 =	vld [tilespmem:s26+$0x4300];
	s8 =	sand.u32 $0xFFFFFFF8, s0;
	v5 =	vnsel vm1, $0x81000000, v5  }
0x215: {  	s29 =	sadd.s32 $0x5, s22;
	s3 =	smov.u32 @p1 s23;
	p4 =	sne.s32 s25, s8;
	(xrf0) =	vmin.scan.msk.u32 $0xffff, v5  }
0x216: {  	s3 =	sadd.s32 s21, s3;
	s8 =	simm.s32 $0x2;
	p1 =	por !p3, !p4  }
0x217: {  	s23 =	sshll.u32 s3, $0x4;
	s3 =	simm.s32 $0x1;
	v8 =	vmov s8;
	p1 =	por !p1, !p1  }
0x218: {  	s24 =	simm.s32 $0x1000000;
	s0 =	sshrl.u32 s0, $0x3;
	s3 =	simm.s32 @!p1 $0x0;
	v7 =	vxor.u32 $0x80000000, v8  }
0x219: {  	s28 =	sadd.s32 $0x4, s22;
	s25 =	sshll.u32 s25, $0x4;
	vm2 =	veq.f32 v6, v4;
	s0 =	ssub.s32 s0, s3;
	v6 =	vbroadcast v7, $0x0  }
0x21a: {  	s15 =	sshra.s32 s28, $0x1F;
	s8 =	sadd.s32 $0x80, s25;
	s0 =	sshll.u32 s0, $0x9;
	vm1 =	vmand vm0, vm2  }
0x21b: {  	s15 =	sshrl.u32 s15, $0x1D;
	s3 =	sand.u32 $0x70, s8;
	s0 =	sshra.s32 s0, $0x2;
	v5 =	vnsel vm1, $0x81000000, v6;
	v7, _, _ =	vpop (xrf0)  }
0x21c: {  	s31 =	sadd.s32 s15, s28;
	s0 =	sor.u32 s3, s0;
	(xrf0) =	vmin.scan.msk.u32 $0xffff, v5;
	s3 =	spop (v2sf);
	(v2sf) =	vpush v7, $0xF  }
0x21d: {  	p5 =	slt.s32 s28, $0x1;
	s15 =	sshll.u32 s28, $0x4;
	s26 =	sand.u32 $0xFFFFFFF8, s31;
	v5 =	vld [tilespmem:s0+$0x4300]  }
0x21e: {  	s25 =	simm.s32 $0x4;
	s30 =	sadd.s32 $0x80, s15;
	p6 =	sne.s32 s28, s26  }
0x21f: {  	s15 =	sshrl.u32 s31, $0x3;
	s8 =	simm.s32 $0x3;
	p1 =	por !p5, !p6  }
0x220: {  	s31 =	simm.s32 $0x6;
	p1 =	por !p1, !p1;
	v6 =	vmov s8;
	s8 =	simm.s32 $0x1  }
0x221: {  	s26 =	simm.s32 $0x5;
	s8 =	simm.s32 @!p1 $0x0;
	v6 =	vxor.u32 $0x80000000, v6;
	s28 =	sxor.u32 $0x80000000, s3  }
0x222: {  	s0 =	sshra.s32 s29, $0x1F;
	v6 =	vbroadcast v6, $0x0;
	vm1 =	veq.f32 v5, v4;
	v5, _, _ =	vpop (xrf0);
	s3 =	ssub.s32 s15, s8;
	p1 =	sgt.s32 s28, $0x1000000  }
.LBB2_22:
0x223: {  	s8 =	smov.u32 s24;
	p2 =	sne.s32 s31, $0xF  }
0x224: {  	s3 =	sshll.u32 s3, $0x9;
	s24 =	smov.u32 s28;
	s15 =	smov.u32 s25  }
0x225: {  	vm1 =	vmand vm0, vm1;
	s25 =	smov.u32 s26;
	(v2sf) =	vpush v5, $0xF;
	s24 =	smov.u32 @p1 s8;
	s8 =	smov.u32 s29  }
0x226: {  	s0 =	sshrl.u32 s0, $0x1D;
	s26 =	sand.u32 $0x70, s30;
	s3 =	sshra.s32 s3, $0x2;
	v5 =	vnsel vm1, $0x81000000, v6  }
0x227: {  	s28 =	sadd.s32 s0, s8;
	s0 =	sor.u32 s26, s3;
	s26 =	smov.u32 s31;
	(xrf0) =	vmin.scan.msk.u32 $0xffff, v5  }
0x228: {  	s29 =	sadd.s32 s31, s22;
	v6 =	vmov s15;
	s15 =	simm.s32 $0x1;
	s3 =	sand.u32 $0xFFFFFFF8, s28;
	v5 =	vld [tilespmem:s0+$0x4300]  }
.Ltmp9:
0x229: {  	p1 =	slt.s32 s8, $0x1;
	p3 =	sne.s32 s8, s3;
	(pc) =	sbr.rel @p2 .LBB2_22-.Ltmp9, $4  }
0x22a: {  	s0 =	sshra.s32 s29, $0x1F;
	s3 =	sshll.u32 s8, $0x4;
	p1 =	por !p1, !p3  }
0x22b: {  	s30 =	sadd.s32 $0x80, s3;
	p1 =	por !p1, !p1;
	s3 =	spop (v2sf)  }
0x22c: {  	v6 =	vxor.u32 $0x80000000, v6;
	s8 =	sshrl.u32 s28, $0x3;
	s15 =	simm.s32 @!p1 $0x0;
	s28 =	sxor.u32 $0x80000000, s3  }
0x22d: {  	s31 =	sadd.s32 $0x1, s31;
	v6 =	vbroadcast v6, $0x0;
	s3 =	ssub.s32 s8, s15;
	vm1 =	veq.f32 v5, v4;
	v5, _, _ =	vpop (xrf0);
	p1 =	slt.s32 s24, s28  }
0x22e: {  	s0 =	sshrl.u32 s0, $0x1D  }
0x22f: {  	s0 =	sadd.s32 s0, s29  }
0x230: {  	s8 =	sand.u32 $0xFFFFFFF8, s0  }
0x231: {  	p2 =	slt.s32 s29, $0x1;
	p3 =	sne.s32 s29, s8  }
0x232: {  	p2 =	por !p2, !p3  }
0x233: {  	s3 =	sshll.u32 s3, $0x9;
	s8 =	simm.s32 $0x1;
	p2 =	por !p2, !p2  }
0x234: {  	s30 =	sand.u32 $0x70, s30;
	s0 =	sshrl.u32 s0, $0x3;
	s8 =	simm.s32 @!p2 $0x0  }
0x235: {  	s15 =	sshll.u32 s29, $0x4;
	s3 =	sshra.s32 s3, $0x2;
	s0 =	ssub.s32 s0, s8  }
0x236: {  	s31 =	sadd.s32 $0x80, s15;
	s3 =	sor.u32 s30, s3;
	s0 =	sshll.u32 s0, $0x9  }
0x237: {  	s15 =	sand.u32 $0x70, s31;
	v7 =	vld [tilespmem:s3+$0x4300];
	s0 =	sshra.s32 s0, $0x2  }
0x238: {  	s0 =	sor.u32 s15, s0  }
0x239: {  	v8 =	vld [tilespmem:s0+$0x4300]  }
0x23a: {  	v9 =	vmov s25  }
0x23b: {  	vm1 =	vmand vm0, vm1;
	v63 =	vmov s26;
	v9 =	vxor.u32 $0x80000000, v9  }
0x23c: {  	v6 =	vnsel vm1, $0x81000000, v6;
	vm1 =	veq.f32 v7, v4;
	v7 =	vbroadcast v9, $0x0  }
0x23d: {  	(xrf0) =	vmin.scan.msk.u32 $0xffff, v6;
	v6 =	vxor.u32 $0x80000000, v63;
	vm1 =	vmand vm0, vm1  }
0x23e: {  	v7 =	vnsel vm1, $0x81000000, v7;
	vm1 =	veq.f32 v8, v4;
	v4 =	vbroadcast v6, $0x0  }
0x23f: {  	(xrf0) =	vmin.scan.msk.u32 $0xffff, v7;
	vm1 =	vmand vm0, vm1  }
0x240: {  	v4 =	vnsel vm1, $0x81000000, v4  }
0x241: {  	(xrf0) =	vmin.scan.msk.u32 $0xffff, v4  }
0x242: {  	(v2sf) =	vpush v5, $0xF  }
0x243: {  	v4, _, _ =	vpop (xrf0)  }
0x244: {  	(v2sf) =	vpush v4, $0xF  }
0x245: {  	v4, _, _ =	vpop (xrf0)  }
0x246: {  	(v2sf) =	vpush v4, $0xF  }
0x247: {  	v4, _, _ =	vpop (xrf0)  }
0x248: {  	(v2sf) =	vpush v4, $0xF;
	_ =	sdelay $0x6  }
0x249: {  	s25 =	spop (v2sf)  }
0x24a: {  	s28 =	smov.u32 @p1 s24;
	s0 =	sxor.u32 $0x80000000, s25  }
0x24b: {  	p1 =	slt.s32 s28, s0;
	s26 =	spop (v2sf)  }
0x24c: {  	s0 =	smov.u32 @p1 s28;
	s3 =	sxor.u32 $0x80000000, s26  }
0x24d: {  	p1 =	slt.s32 s0, s3;
	s29 =	spop (v2sf)  }
0x24e: {  	s3 =	smov.u32 @p1 s0;
	s0 =	sxor.u32 $0x80000000, s29  }
0x24f: {  	s30 =	spop (v2sf);
	p1 =	slt.s32 s3, s0  }
0x250: {  	s0 =	smov.u32 @p1 s3;
	s3 =	sxor.u32 $0x80000000, s30  }
0x251: {  	p1 =	slt.s32 s0, s3;
	s31 =	spop (v2sf)  }
0x252: {  	s3 =	smov.u32 @p1 s0;
	s0 =	sxor.u32 $0x80000000, s31  }
0x253: {  	p1 =	slt.s32 s3, s0  }
0x254: {  	s0 =	smov.u32 @p1 s3  }
0x255: {  	s0 =	sadd.s32 s23, s0  }
0x256: {  	s15 =	sshra.s32 s0, $0x1F  }
0x257: {  	s3 =	sshrl.u32 s15, $0x1D  }
0x258: {  	s3 =	sadd.s32 s3, s0  }
0x259: {  	s24 =	sand.u32 $0xFFFFFFF8, s3  }
0x25a: {  	p5 =	slt.s32 s0, $0x1;
	p6 =	sne.s32 s0, s24  }
0x25b: {  	p1 =	por !p5, !p6  }
0x25c: {  	s8 =	simm.s32 $0x1;
	s15 =	sadd.s32 $0x0, s22;
	p1 =	por !p1, !p1  }
0x25d: {  	s26 =	sshra.s32 s15, $0x1F;
	s3 =	sshrl.u32 s3, $0x3;
	s8 =	simm.s32 @!p1 $0x0  }
0x25e: {  	s24 =	sshll.u32 s0, $0x4;
	s25 =	ssub.s32 s3, s8;
	s3 =	sshrl.u32 s26, $0x1D  }
0x25f: {  	s29 =	sadd.s32 $0x80, s24;
	s0 =	sshll.u32 s25, $0x9;
	s3 =	sadd.s32 s3, s15  }
0x260: {  	s8 =	sand.u32 $0x70, s29;
	s0 =	sshra.s32 s0, $0x2;
	s30 =	sand.u32 $0xFFFFFFF8, s3  }
0x261: {  	p3 =	slt.s32 s15, $0x1;
	s8 =	sor.u32 s8, s0;
	p4 =	sne.s32 s15, s30  }
0x262: {  	s26 =	simm.s32 $0x1;
	s0 =	sadd.s32 $0x1, s22;
	v4 =	vld [tilespmem:s8+$0x4300];
	p1 =	por !p3, !p4  }
0x263: {  	s3 =	sshrl.u32 s3, $0x3;
	s31 =	sshra.s32 s0, $0x1F;
	p1 =	por !p1, !p1  }
0x264: {  	s15 =	sshll.u32 s15, $0x4;
	s25 =	sshrl.u32 s31, $0x1D;
	s26 =	simm.s32 @!p1 $0x0  }
0x265: {  	s15 =	sadd.s32 $0x80, s15;
	s3 =	ssub.s32 s3, s26;
	s26 =	sadd.s32 s25, s0  }
0x266: {  	p5 =	slt.s32 s0, $0x1;
	s3 =	sshll.u32 s3, $0x9;
	s25 =	sand.u32 $0xFFFFFFF8, s26  }
0x267: {  	s15 =	sand.u32 $0x70, s15;
	v4 =	vsel vm0, $0xFF800000, v4;
	s3 =	sshra.s32 s3, $0x2;
	p6 =	sne.s32 s0, s25  }
0x268: {  	s25 =	sadd.s32 $0x2, s22;
	[tilespmem:s8+$0x4300] =	vst v4;
	s3 =	sor.u32 s15, s3;
	p1 =	por !p5, !p6  }
0x269: {  	s28 =	simm.s32 $0x3;
	v4 =	vimm.f32 $-Inf;
	v5 =	vld [tilespmem:s3+$0x4300];
	s3 =	sshra.s32 s25, $0x1F;
	p2 =	por !p1, !p1  }
.LBB2_24:
0x26a: {  	p1 =	sne.s32 s28, $0xF;
	s15 =	simm.s32 $0x1  }
0x26b: {  	s8 =	sshrl.u32 s26, $0x3;
	s3 =	sshrl.u32 s3, $0x1D;
	s15 =	simm.s32 @!p2 $0x0  }
0x26c: {  	s0 =	sshll.u32 s0, $0x4;
	s26 =	sadd.s32 s3, s25;
	s8 =	ssub.s32 s8, s15  }
.Ltmp10:
0x26d: {  	s0 =	sadd.s32 $0x80, s0;
	s3 =	sshll.u32 s8, $0x9;
	(pc) =	sbr.rel @p1 .LBB2_24-.Ltmp10, $4  }
0x26e: {  	s0 =	sand.u32 $0x70, s0;
	s8 =	sand.u32 $0xFFFFFFF8, s26;
	v4 =	vmax.f32 v4, v5;
	s3 =	sshra.s32 s3, $0x2  }
0x26f: {  	p2 =	slt.s32 s25, $0x1;
	p3 =	sne.s32 s25, s8;
	s0 =	sor.u32 s0, s3  }
0x270: {  	p2 =	por !p2, !p3;
	v5 =	vld [tilespmem:s0+$0x4300];
	s0 =	smov.u32 s25;
	s25 =	sadd.s32 s28, s22  }
0x271: {  	s28 =	sadd.s32 $0x1, s28;
	p2 =	por !p2, !p2;
	s3 =	sshra.s32 s25, $0x1F  }
0x272: {  	s3 =	sshrl.u32 s3, $0x1D  }
0x273: {  	s3 =	sadd.s32 s3, s25  }
0x274: {  	s15 =	sshrl.u32 s26, $0x3;
	p4 =	slt.s32 s25, $0x1;
	s8 =	sand.u32 $0xFFFFFFF8, s3  }
0x275: {  	s0 =	sshll.u32 s0, $0x4;
	p1 =	sne.s32 s25, s8;
	s8 =	simm.s32 $0x1  }
0x276: {  	s22 =	sshll.u32 s25, $0x4;
	s8 =	simm.s32 @!p2 $0x0;
	p1 =	por !p4, !p1  }
0x277: {  	s8 =	ssub.s32 s15, s8;
	p1 =	por !p1, !p1;
	s15 =	simm.s32 $0x1  }
0x278: {  	s0 =	sadd.s32 $0x80, s0;
	s3 =	sshrl.u32 s3, $0x3;
	s15 =	simm.s32 @!p1 $0x0  }
0x279: {  	s30 =	sadd.s32 $0x80, s22;
	s8 =	sshll.u32 s8, $0x9;
	s3 =	ssub.s32 s3, s15  }
0x27a: {  	s0 =	sand.u32 $0x70, s0;
	s8 =	sshra.s32 s8, $0x2;
	s3 =	sshll.u32 s3, $0x9  }
0x27b: {  	s31 =	sand.u32 $0x70, s30;
	s0 =	sor.u32 s0, s8;
	s3 =	sshra.s32 s3, $0x2  }
0x27c: {  	v6 =	vld [tilespmem:s0+$0x4300];
	s15 =	sor.u32 s31, s3  }
0x27d: {  	v7 =	vld [tilespmem:s15+$0x4300];
	_ =	sdelay $0x2  }
0x27e: {  	v4 =	vmax.f32 v4, v5  }
0x27f: {  	v4 =	vmax.f32 v4, v6  }
0x280: {  	v4 =	vmax.f32 v4, v7  }
0x281: {  	[tilespmem:s23+$0x6300] =	vst v4  }
0x282: {  	v4 =	vld [tilespmem:s19+$0x6300]  }
0x283: {  	v5 =	vld [tilespmem:s19+$0x6310]  }
0x284: {  	v54 =	vld [tilespmem:s19+$0x6320]  }
0x285: {  	v55 =	vld [tilespmem:s19+$0x6330]  }
0x286: {  	v8 =	vld [tilespmem:s19+$0x6340]  }
0x287: {  	v9 =	vld [tilespmem:s19+$0x6350]  }
0x288: {  	v4 =	vmax.f32 v4, v5;
	v5 =	vld [tilespmem:s19+$0x6360]  }
0x289: {  	v56 =	vld [tilespmem:s19+$0x6370];
	v4 =	vmax.f32 v4, v54  }
0x28a: {  	v57 =	vld [tilespmem:s19+$0x6380];
	v4 =	vmax.f32 v4, v55  }
0x28b: {  	v58 =	vld [tilespmem:s19+$0x6390];
	v4 =	vmax.f32 v4, v8  }
0x28c: {  	v59 =	vld [tilespmem:s19+$0x63A0];
	v4 =	vmax.f32 v4, v9  }
0x28d: {  	s22 =	sor.u32 s20, s24;
	s23 =	sshra.s32 s24, $0x1F;
	v4 =	vmax.f32 v4, v5;
	v5 =	vld [tilespmem:s19+$0x63B0]  }
0x28e: {  	p1 =	sgt.s32 s22, $0x0;
	s15 =	simm.s32 $0x1;
	v60 =	vld [tilespmem:s19+$0x63C0];
	s24 =	sshrl.u32 s23, $0x1C;
	v4 =	vmax.f32 v4, v56  }
0x28f: {  	s15 =	simm.s32 @!p1 $0x0;
	v61 =	vld [tilespmem:s19+$0x63D0];
	s8 =	sadd.s32 s24, s22;
	v4 =	vmax.f32 v4, v57  }
0x290: {  	v62 =	vld [tilespmem:s19+$0x63E0];
	s3 =	sadd.s32 s15, s23;
	s25 =	sand.u32 $0xFFFFFFF0, s8;
	v4 =	vmax.f32 v4, v58  }
0x291: {  	v63 =	vld [tilespmem:s19+$0x63F0];
	p5 =	sne.s32 s3, $0x1;
	p6 =	sne.s32 s22, s25;
	v4 =	vmax.f32 v4, v59  }
0x292: {  	p1 =	por !p6, !p5;
	v4 =	vmax.f32 v4, v5  }
0x293: {  	s0 =	simm.s32 $0x1;
	p1 =	por !p1, !p1;
	v4 =	vmax.f32 v4, v60  }
0x294: {  	s26 =	sshrl.u32 s8, $0x4;
	s0 =	simm.s32 @!p1 $0x0;
	v4 =	vmax.f32 v4, v61  }
0x295: {  	s0 =	ssub.s32 s26, s0;
	v4 =	vmax.f32 v4, v62  }
0x296: {  	s0 =	sshll.u32 s0, $0x6;
	v4 =	vmax.f32 v4, v63  }
0x297: {  	s0 =	sshra.s32 s0, $0x2;
	[tilespmem:s21+$0x6500] =	vst v4  }
0x298: {  	v4 =	vld [tilespmem:s0+$0x2280];
	_ =	sdelay $0x4  }
0x299: {  	v4 =	vxor.u32 $0x80000000, v4  }
0x29a: {  	v4 =	vnsel vm0, $0x40000000, v4  }
0x29b: {  	(xrf0) =	vmax.scan.msk.u32 $0xffff, v4;
	_ =	sdelay $0x5  }
0x29c: {  	v4, _, _ =	vpop (xrf0)  }
0x29d: {  	(v2sf) =	vpush v4, $0xF;
	_ =	sdelay $0xa  }
0x29e: {  	s28 =	sand.u32 $0x30, s18  }
0x29f: {  	s29 =	sand.u32 $0xF, s18;
	s18 =	sadd.s32 $0x1, s18;
	v4 =	vld [tilespmem:s28+$0x6580]  }
0x2a0: {  	p1 =	sne.s32 s18, $0x40  }
.Ltmp11:
0x2a1: {  	_ = 	snop;
	(pc) =	sbr.rel @p1 .LBB2_19-.Ltmp11, $4  }
0x2a2: {  	v5 =	vmov s29;
	s30 =	spop (v2sf)  }
0x2a3: {  	vm15 =	veq.s32 v5, v0;
	s31 =	sxor.u32 $0x80000000, s30  }
0x2a4: {  	v4 =	vsel vm15, s31, v4  }
0x2a5: {  	[tilespmem:s28+$0x6580] =	vst v4  }
0x2a6: {  	s0 =	simm.s32 $0x0  }
0x2a7: {  	s3 =	sand.u32 $0xC0, s0  }
0x2a8: {  	s3 =	sshrl.u32 s3, $0x2  }
0x2a9: {  	v4 =	vld [tilespmem:s3+$0x6580];
	_ =	sdelay $0x2  }
0x2aa: {  	s0 =	sand.u32 $0xF, s0  }
0x2ab: {  	v5 =	vmov s0  }
0x2ac: {  	vm0 =	veq.s32 v5, v0;
	v4 =	vxor.u32 $0x80000000, v4  }
0x2ad: {  	v4 =	vnsel vm0, $0x40000000, v4  }
0x2ae: {  	(xrf0) =	vmax.scan.msk.u32 $0xffff, v4;
	_ =	sdelay $0x5  }
0x2af: {  	v4, _, _ =	vpop (xrf0)  }
0x2b0: {  	(v2sf) =	vpush v4, $0xF;
	_ =	sdelay $0xe  }
0x2b1: {  	s28 =	spop (v2sf)  }
0x2b2: {  	s29 =	sxor.u32 $0x80000000, s28  }
0x2b3: {  	p1 =	sgt.s32 s28, $0xFFFFFFFF;
	s8 =	sand.u32 $0x7, s28;
	p2 =	slt.s32 s29, $0x1  }
0x2b4: {  	s3 =	sshra.s32 s29, $0x1F;
	p6 =	sne.s32 s8, $0x0;
	p1 =	por p1, p2  }
0x2b5: {  	s3 =	sshrl.u32 s3, $0x1D;
	p1 =	por !p6, !p1  }
0x2b6: {  	s0 =	sadd.s32 s3, s28;
	s3 =	simm.s32 $0x1;
	p1 =	por !p1, !p1  }
0x2b7: {  	s0 =	sshrl.u32 s0, $0x3;
	s3 =	simm.s32 @!p1 $0x0  }
0x2b8: {  	s0 =	ssub.s32 s0, s3  }
0x2b9: {  	s18 =	simm.s32 $0x4;
	s0 =	sshll.u32 s0, $0x7  }
0x2ba: {  	s30 =	sand.u32 $0xC0, s18;
	s0 =	sand.u32 $0x1FFFFF80, s0  }
0x2bb: {  	s17 =	simm.s32 $0x6600;
	s31 =	sshrl.u32 s30, $0x2;
	s0 =	sadd.s32 s6, s0  }
0x2bc: {  	[tilespmem:s17], [sflag:$0x1] =	stream.linear.gather [hbm4b:s0+s2], $0x400, $0x38;
	[tilespmem:$0x16680] =	vst v63  }
0x2bd: {  	s19 =	simm.s32 $0x1;
	s20 =	simm.s32 $0x2;
	v4 =	vld [tilespmem:s31+$0x6580]  }
.LBB2_27:
0x2be: {  	p1 =	sne.s32 s20, $0x3F;
	_ =	sdelay $0x1  }
0x2bf: {  	s0 =	sand.u32 $0xF, s19;
	s19 =	smov.u32 s20  }
0x2c0: {  	v5 =	vmov s0  }
0x2c1: {  	vm0 =	veq.s32 v5, v0;
	v4 =	vxor.u32 $0x80000000, v4  }
0x2c2: {  	v4 =	vnsel vm0, $0x40000000, v4  }
0x2c3: {  	(xrf0) =	vmax.scan.msk.u32 $0xffff, v4;
	_ =	sdelay $0x5  }
0x2c4: {  	v4, _, _ =	vpop (xrf0)  }
0x2c5: {  	(v2sf) =	vpush v4, $0xF;
	_ =	sdelay $0xe  }
0x2c6: {  	s0 =	spop (v2sf)  }
0x2c7: {  	s3 =	sxor.u32 $0x80000000, s0  }
0x2c8: {  	p2 =	sgt.s32 s0, $0xFFFFFFFF;
	s8 =	sand.u32 $0x7, s0;
	p3 =	slt.s32 s3, $0x1  }
0x2c9: {  	s3 =	sshra.s32 s3, $0x1F;
	p2 =	por p2, p3;
	p3 =	sne.s32 s8, $0x0  }
0x2ca: {  	s3 =	sshrl.u32 s3, $0x1D;
	p2 =	por !p3, !p2  }
0x2cb: {  	s0 =	sadd.s32 s3, s0;
	s3 =	simm.s32 $0x1;
	p2 =	por !p2, !p2  }
0x2cc: {  	s0 =	sshrl.u32 s0, $0x3;
	s3 =	simm.s32 @!p2 $0x0  }
0x2cd: {  	s0 =	ssub.s32 s0, s3  }
.Ltmp12:
0x2ce: {  	s18 =	sadd.s32 $0x4, s18;
	s0 =	sshll.u32 s0, $0x7;
	(pc) =	sbr.rel @p1 .LBB2_27-.Ltmp12, $4  }
0x2cf: {  	s3 =	sand.u32 $0xC0, s18;
	s0 =	sand.u32 $0x1FFFFF80, s0  }
0x2d0: {  	s17 =	sadd.s32 $0x400, s17;
	s3 =	sshrl.u32 s3, $0x2;
	s0 =	sadd.s32 s6, s0  }
0x2d1: {  	[tilespmem:s17], [sflag:$0x1] =	stream.linear.gather [hbm4b:s0+s2], $0x400, $0x38;
	[tilespmem:$0x16680] =	vst v63  }
0x2d2: {  	s20 =	sadd.s32 $0x1, s20;
	v4 =	vld [tilespmem:s3+$0x6580]  }
0x2d3: {  	_ =	sdelay $0x1  }
0x2d4: {  	s0 =	sand.u32 $0xF, s19  }
0x2d5: {  	v5 =	vmov s0  }
0x2d6: {  	vm0 =	veq.s32 v5, v0;
	v4 =	vxor.u32 $0x80000000, v4  }
0x2d7: {  	v4 =	vnsel vm0, $0x40000000, v4  }
0x2d8: {  	(xrf0) =	vmax.scan.msk.u32 $0xffff, v4;
	_ =	sdelay $0x5  }
0x2d9: {  	v4, _, _ =	vpop (xrf0)  }
0x2da: {  	(v2sf) =	vpush v4, $0xF;
	_ =	sdelay $0xe  }
0x2db: {  	s30 =	spop (v2sf)  }
0x2dc: {  	s3 =	sxor.u32 $0x80000000, s30  }
0x2dd: {  	p1 =	sgt.s32 s30, $0xFFFFFFFF;
	s8 =	sand.u32 $0x7, s30;
	p2 =	slt.s32 s3, $0x1  }
0x2de: {  	s3 =	sshra.s32 s3, $0x1F;
	p6 =	sne.s32 s8, $0x0;
	p1 =	por p1, p2  }
0x2df: {  	s3 =	sshrl.u32 s3, $0x1D;
	p1 =	por !p6, !p1  }
0x2e0: {  	s0 =	sadd.s32 s3, s30;
	s3 =	simm.s32 $0x1;
	p1 =	por !p1, !p1  }
0x2e1: {  	s0 =	sshrl.u32 s0, $0x3;
	s3 =	simm.s32 @!p1 $0x0  }
0x2e2: {  	s0 =	ssub.s32 s0, s3  }
0x2e3: {  	s0 =	sshll.u32 s0, $0x7  }
0x2e4: {  	s0 =	sand.u32 $0x1FFFFF80, s0  }
0x2e5: {  	s31 =	sadd.s32 $0x400, s17;
	s0 =	sadd.s32 s6, s0  }
0x2e6: {  	[tilespmem:s31], [sflag:$0x1] =	stream.linear.gather [hbm4b:s0+s2], $0x400, $0x38;
	[tilespmem:$0x16680] =	vst v63  }
0x2e7: {  	s0 =	simm.s32 $0x40  }
.LBB2_29:
0x2e8: {  	p1 =	sne.s32 s0, $0x1  }
.Ltmp13:
0x2e9: {  	_ = 	snop;
	(pc) =	sbr.rel @p1 .LBB2_29-.Ltmp13, $4  }
0x2ea: {  	_ = 	snop  }
0x2eb: {  	_ =	swait.ge [sflag:s10], $0x400  }
0x2ec: {  	[sflag:s10] =	ssyncset.done $0x0  }
0x2ed: {  	s0 =	sadd.s32 $0xFFFFFFFF, s0;
	[sflag:s10] =	ssyncadd.s32 $0xFFFFFC00  }
0x2ee: {  	s0 =	simm.s32 $0x0  }
0x2ef: {  	s3 =	sand.u32 $0xC0, s0  }
0x2f0: {  	s3 =	sshrl.u32 s3, $0x2  }
0x2f1: {  	v4 =	vld [tilespmem:s3+$0x6580];
	_ =	sdelay $0x2  }
0x2f2: {  	s0 =	sand.u32 $0xF, s0  }
0x2f3: {  	v5 =	vmov s0  }
0x2f4: {  	vm0 =	veq.s32 v5, v0;
	v4 =	vxor.u32 $0x80000000, v4  }
0x2f5: {  	v4 =	vnsel vm0, $0x40000000, v4  }
0x2f6: {  	(xrf0) =	vmax.scan.msk.u32 $0xffff, v4;
	_ =	sdelay $0x4  }
0x2f7: {  	s8 =	simm.s32 $0x4  }
0x2f8: {  	s0 =	sand.u32 $0xC0, s8;
	v4, _, _ =	vpop (xrf0)  }
0x2f9: {  	s0 =	sshrl.u32 s0, $0x2;
	(v2sf) =	vpush v4, $0xF  }
0x2fa: {  	s15 =	simm.s32 $0x8;
	v4 =	vld [tilespmem:s0+$0x6580]  }
0x2fb: {  	s18 =	simm.s32 $0xC;
	s17 =	sand.u32 $0xC0, s15  }
0x2fc: {  	s8 =	simm.s32 $0x1;
	s3 =	sand.u32 $0xC0, s18;
	s0 =	sshrl.u32 s17, $0x2  }
0x2fd: {  	s20 =	sand.u32 $0xF, s8;
	s19 =	sshrl.u32 s3, $0x2;
	v5 =	vld [tilespmem:s0+$0x6580]  }
0x2fe: {  	v7 =	vmov s20;
	v6 =	vld [tilespmem:s19+$0x6580]  }
0x2ff: {  	s21 =	simm.s32 $0x2;
	vm12 =	veq.s32 v7, v0;
	v4 =	vxor.u32 $0x80000000, v4  }
0x300: {  	s22 =	simm.s32 $0x3;
	s0 =	sand.u32 $0xF, s21;
	v4 =	vnsel vm12, $0x40000000, v4  }
0x301: {  	s23 =	sand.u32 $0xF, s22;
	v7 =	vmov s0;
	(xrf0) =	vmax.scan.msk.u32 $0xffff, v4  }
0x302: {  	vm13 =	veq.s32 v7, v0;
	v7 =	vmov s23;
	v5 =	vxor.u32 $0x80000000, v5  }
0x303: {  	vm14 =	veq.s32 v7, v0;
	v4 =	vnsel vm13, $0x40000000, v5;
	v5 =	vxor.u32 $0x80000000, v6  }
0x304: {  	s24 =	simm.s32 $0x10;
	(xrf0) =	vmax.scan.msk.u32 $0xffff, v4;
	v4 =	vnsel vm14, $0x40000000, v5  }
0x305: {  	s25 =	sand.u32 $0xC0, s24;
	(xrf0) =	vmax.scan.msk.u32 $0xffff, v4  }
0x306: {  	s26 =	simm.s32 $0x4;
	s0 =	sshrl.u32 s25, $0x2  }
0x307: {  	v5 =	vld [tilespmem:s0+$0x6580];
	s0 =	sand.u32 $0xF, s26;
	v4, _, _ =	vpop (xrf0)  }
0x308: {  	v6 =	vmov s0;
	s29 =	spop (v2sf);
	(v2sf) =	vpush v4, $0xF;
	_ =	sdelay $0x1  }
0x309: {  	v4, _, _ =	vpop (xrf0)  }
0x30a: {  	vm15 =	veq.s32 v6, v0;
	(v2sf) =	vpush v4, $0xF;
	v6, _, _ =	vpop (xrf0)  }
0x30b: {  	(v2sf) =	vpush v6, $0xF;
	_ =	sdelay $0x2  }
0x30c: {  	s28 =	simm.s32 $0x14  }
0x30d: {  	s3 =	sand.u32 $0xC0, s28  }
0x30e: {  	s3 =	sshrl.u32 s3, $0x2;
	v5 =	vxor.u32 $0x80000000, v5;
	s30 =	sand.u32 $0x7, s29  }
0x30f: {  	v7 =	vld [tilespmem:s3+$0x6580];
	v5 =	vnsel vm15, $0x40000000, v5;
	s0 =	sshll.u32 s30, $0x7  }
0x310: {  	s31 =	simm.s32 $0x5;
	s19 =	simm.s32 $0x18;
	(xrf0) =	vmax.scan.msk.u32 $0xffff, v5;
	s18 =	sadd.s32 $0x6600, s0  }
0x311: {  	s17 =	simm.s32 $0x6600;
	s3 =	sand.u32 $0xF, s31;
	v4 =	vimm.f32 $0.0e+00;
	v6 =	vimm.f32 $0.0e+00;
	s0 =	simm.s32 $0x6;
	v5 =	vld [tilespmem:s18+$0x10]  }
.LBB2_31:
0x312: {  	s8 =	sand.u32 $0xC0, s19  }
0x313: {  	p1 =	sne.s32 s0, $0x3F;
	v8 =	vmov s3;
	v9 =	vld [tilespmem:s18+$0x0];
	s3 =	smov.u32 s0;
	s0 =	sadd.s32 $0x1, s0  }
.Ltmp14:
0x314: {  	s8 =	sshrl.u32 s8, $0x2;
	vm0 =	veq.s32 v8, v0;
	v11 =	vxor.u32 $0x80000000, v7;
	s15 =	spop (v2sf);
	(pc) =	sbr.rel @p1 .LBB2_31-.Ltmp14, $4  }
0x315: {  	v7 =	vld [tilespmem:s8+$0x6580];
	v10 =	vnsel vm0, $0x40000000, v11;
	s8 =	sand.u32 $0x7, s15  }
0x316: {  	s17 =	sadd.s32 $0x400, s17;
	(xrf0) =	vmax.scan.msk.u32 $0xffff, v10;
	v8, _, _ =	vpop (xrf0);
	s8 =	sshll.u32 s8, $0x7  }
0x317: {  	(v2sf) =	vpush v8, $0xF;
	s18 =	sadd.s32 s8, s17;
	v4 =	vadd.f32 v5, v4  }
0x318: {  	s19 =	sadd.s32 $0x4, s19;
	s3 =	sand.u32 $0xF, s3;
	v5 =	vld [tilespmem:s18+$0x10];
	v6 =	vadd.f32 v9, v6  }
0x319: {  	v8 =	vmov s3  }
0x31a: {  	vm0 =	veq.s32 v8, v0;
	v7 =	vxor.u32 $0x80000000, v7  }
0x31b: {  	v7 =	vnsel vm0, $0x40000000, v7  }
0x31c: {  	(xrf0) =	vmax.scan.msk.u32 $0xffff, v7;
	_ =	sdelay $0x3  }
0x31d: {  	v55, _, _ =	vpop (xrf0)  }
0x31e: {  	(v2sf) =	vpush v55, $0xF  }
0x31f: {  	v56, _, _ =	vpop (xrf0)  }
0x320: {  	(v2sf) =	vpush v56, $0xF;
	_ =	sdelay $0x6  }
0x321: {  	s0 =	spop (v2sf)  }
0x322: {  	s0 =	sand.u32 $0x7, s0  }
0x323: {  	v57 =	vld [tilespmem:s18+$0x0];
	s8 =	sadd.s32 $0x400, s17;
	s20 =	spop (v2sf);
	s0 =	sshll.u32 s0, $0x7  }
0x324: {  	s3 =	sand.u32 $0x7, s20;
	s0 =	sadd.s32 s0, s8  }
0x325: {  	s3 =	sshll.u32 s3, $0x7;
	s8 =	sadd.s32 $0x400, s8;
	v58 =	vld [tilespmem:s0+$0x0];
	s15 =	spop (v2sf)  }
0x326: {  	v9 =	vld [tilespmem:s0+$0x10];
	s21 =	sadd.s32 s3, s8;
	s22 =	sand.u32 $0x7, s15  }
0x327: {  	s8 =	sadd.s32 $0x400, s8;
	v10 =	vld [tilespmem:s21+$0x0];
	s3 =	sshll.u32 s22, $0x7;
	s23 =	spop (v2sf)  }
0x328: {  	v6 =	vadd.f32 v57, v6;
	v59 =	vld [tilespmem:s21+$0x10];
	s24 =	sadd.s32 s3, s8;
	s25 =	sand.u32 $0x7, s23  }
0x329: {  	v4 =	vadd.f32 v5, v4;
	s8 =	sadd.s32 $0x400, s8;
	v5 =	vld [tilespmem:s24+$0x0];
	s3 =	sshll.u32 s25, $0x7;
	s26 =	spop (v2sf)  }
0x32a: {  	v6 =	vadd.f32 v58, v6;
	v11 =	vld [tilespmem:s24+$0x10];
	s28 =	sadd.s32 s3, s8;
	s29 =	sand.u32 $0x7, s26  }
0x32b: {  	v4 =	vadd.f32 v9, v4;
	s8 =	sadd.s32 $0x400, s8;
	v60 =	vld [tilespmem:s28+$0x0];
	s3 =	sshll.u32 s29, $0x7  }
0x32c: {  	v6 =	vadd.f32 v10, v6;
	v61 =	vld [tilespmem:s28+$0x10];
	s30 =	sadd.s32 s3, s8  }
0x32d: {  	v4 =	vadd.f32 v59, v4;
	v62 =	vld [tilespmem:s30+$0x0]  }
0x32e: {  	v5 =	vadd.f32 v5, v6;
	v63 =	vld [tilespmem:s30+$0x10]  }
0x32f: {  	v4 =	vadd.f32 v11, v4  }
0x330: {  	v5 =	vadd.f32 v60, v5  }
0x331: {  	v4 =	vadd.f32 v61, v4  }
0x332: {  	v5 =	vadd.f32 v62, v5  }
0x333: {  	v4 =	vadd.f32 v63, v4  }
0x334: {  	v5 =	vmul.f32 $1.562500000e-02, v5  }
0x335: {  	v4 =	vmul.f32 $1.562500000e-02, v4  }
0x336: {  	s31 =	sshll.u32 s16, $0x2;
	[tilespmem:$0x16600] =	vst v5  }
.Ltmp15:
0x337: {  	s0 =	sadd.s32 s1, s31;
	[tilespmem:$0x16610] =	vst v4;
	(pc) =	sbr.rel @p0 .LBB2_2-.Ltmp15, $4  }
0x338: {  	[hbm4b:s0+s2] =	stream.linear.scatter [tilespmem:s14], [sflag:$0x2], $0x20, $0x38;
	[tilespmem:$0x16680] =	vst v63  }
0x339: {  	_ =	swait.ge [sflag:s9], $0x20  }
0x33a: {  	[sflag:s9] =	ssyncset.done $0x0  }
0x33b: {  	p1 =	por $0x0, $0x0;
	s0 =	simm.s32 $0x1;
	[sflag:s9] =	ssyncadd.s32 $0xFFFFFFE0  }
0x33c: {  	s3 =	rddreg [dreg:$0x4]  }
0x33d: {  	s0 =	rddreg [dreg:$0x3];
	s3 =	sadd.s32 $0x1, s3  }
0x33e: {  	p0 =	sne.s32 s3, s0  }
.Ltmp16:
0x33f: {  	_ = 	snop;
	(pc) =	sbr.rel @p0 .LBB2_1-.Ltmp16, $1  }
0x340: {  	_ =	sdelay $0x3  }
0x341: {  	_ =	sfence.sel $0x180000  }
0x342: {  	[bflag:$0x0] =	sbarrier.arrive $0xFFFF  }
0x343: {  	_ =	strace $0x90000047  }
0x344: {  	s0 =	stileid.u32;
	[bflag:$0x2] =	sbarrier.arrive $0xFFFF  }
0x345: {  	p0 =	sne.s32 s0, $0x0;
	s0 =	rddreg [dreg:$0x2]  }
0x346: {  	s0 =	sadd.s32 @!p0 $0x100000, s0  }
0x347: {  	[sflag:s0] =	ssyncadd.tile.s32 @!p0 $0x1;
	_ =	shalt  }
.Lfunc_end2:
_tile_overlayer_lowered:
.L_overlay_start_2:
0x348: {  	(tag) =	ssettag $0x2  }
0x349: {  	s0 =	rddreg [dreg:$0x0];
	s2 =	stileid.u32  }
0x34a: {  	s1 =	rddreg [dreg:$0x1];
	p0 =	sne.s32 s2, $0x0  }
0x34b: {  	s3 =	rddreg [dreg:$0x2];
	[bflag:$0x3] =	sbarrier.arrive $0xFFFF;
	s2 =	simm.s32 @!p0 $0x1C02  }
0x34c: {  	[timem:s3], [sflag:s2] =	dma.local @!p0 [hbm:s0], s1  }
0x34d: {  	s0 =	simm.s32 @!p0 $0x2  }
0x34e: {  	_ =	swait.ge @!p0 [sflag:s0], s1  }
0x34f: {  	s1 =	ssub.s32 @!p0 $0x0, s1;
	[sflag:s0] =	ssyncset.done @!p0 $0x0  }
0x350: {  	[sflag:s0] =	ssyncadd.s32 @!p0 s1  }
0x351: {  	[bflag:$0x3] =	sbarrier.arrive $0xFFFF  }
0x352: {  	_ =	shalt  }

// kernel: kernel.9.cloned.1.call-start
scs
__scs_entry_jumppad:
0x0: {  	(pc) =	sbr.rel $0x88, $3  }
0x1: {  	(tag) =	ssettag $0x0;
	lr =	simm.s32 $0x1  }
0x2: {  	[smem:$0x3F9E] =	sst lr;
	_ =	strace $0xD0000000  }
0x3: {  	_ = 	snop  }
0x4: {  	_ = 	snop  }
0x5: {  	_ = 	snop  }
0x6: {  	_ = 	snop  }
0x7: {  	_ = 	snop  }
__scs_overlays_trampoline_lowered:
0x8: {  	[smem:$0x3FAD] =	sst s0  }
0x9: {  	[smem:$0x3FAE] =	sst s1  }
0xa: {  	[smem:$0x3FAF] =	sst s2  }
0xb: {  	[smem:$0x3FB0] =	sst s3  }
0xc: {  	[smem:$0x3FB1] =	sst s4  }
0xd: {  	[smem:$0x3FB2] =	sst s5  }
0xe: {  	[smem:$0x3FB3] =	sst s6  }
0xf: {  	[smem:$0x3FB4] =	sst s7  }
0x10: {  	[smem:$0x3FB5] =	sst s8  }
0x11: {  	[smem:$0x3FB6] =	sst s9;
	s0 =	simm.s32 @!p0 $0x0  }
0x12: {  	s1 =	sld [smem:$0x3F9C];
	s0 =	simm.s32 @p0 $0x1  }
0x13: {  	[smem:$0x3FB7] =	sst s0;
	s0 =	simm.s32 @!p1 $0x0  }
0x14: {  	s2 =	sld [smem:$0x3F9B];
	s0 =	simm.s32 @p1 $0x1  }
0x15: {  	[smem:$0x3FB8] =	sst s0;
	s0 =	simm.s32 @!p2 $0x0  }
0x16: {  	s3 =	sld [smem:$0x3FDB];
	s0 =	simm.s32 @p2 $0x1  }
0x17: {  	s4 =	simm.s32 $0x1BF5;
	[smem:$0x3FBA] =	sst s0  }
0x18: {  	s0 =	sld [smem:$0x3F9D];
	_ =	swait.ge [sflag:s4], $0x0  }
0x19: {  	s7 =	sld [smem:$0x3F9E]  }
0x1a: {  	s8 =	sadd.s32 $0xFFFFE003, lr  }
0x1b: {  	s9 =	sadd.s32 $0xFFFFFEF7, lr;
	s5 =	simm.s32 $0xFFFFFFFF;
	p2 =	slt.u32 s8, $0xFFFFF086  }
0x1c: {  	p1 =	slt.u32 s9, $0xF7A;
	s5 =	simm.s32 @!p2 $0x0  }
0x1d: {  	s5 =	simm.s32 @p1 $0x1;
	p0 =	seq.s32 s7, s2  }
0x1e: {  	s7 =	smul.u32 @!p0 $0xF7A, s2;
	p2 =	seq.s32 @!p0 s5, $0x0  }
0x1f: {  	s9 =	smul.u32 $0xF7A, s1;
	s8 =	simm.s32 @!p0 $0x1BF5;
	p2 =	por !p2, p0  }
0x20: {  	[sflag:s8] =	ssyncset.s32 @!p0 $0xFFFFF086;
	s6 =	sadd.s32 @!p0 s3, s7;
	s7 =	simm.s32 @!p0 $0x108  }
0x21: {  	s3 =	sadd.s32 s3, s9;
	s6 =	sadd.s32 @!p0 $0x88, s6;
	s7 =	simm.s32 @p2 $0x1082  }
0x22: {  	[simem:s7], [sflag:s8] =	dma.local @!p0 [hbm:s6], $0xF7A  }
0x23: {  	s9 =	sor.u32 $0xD0000000, s2;
	s6 =	simm.s32 $0x108;
	_ =	swait.ge @!p0 [sflag:s8], $0x0  }
0x24: {  	s3 =	sadd.s32 $0x88, s3;
	s6 =	simm.s32 @!p1 $0x1082;
	[sflag:s4] =	ssyncset.s32 $0xFFFFF086  }
0x25: {  	[simem:s6], [sflag:s4] =	dma.local [hbm:s3], $0xF7A  }
0x26: {  	[smem:$0x3F9E] =	sst s1;
	(tag) =	ssettag s2;
	_ =	strace s9  }
0x27: {  	s1 =	sld [smem:$0x3FAE]  }
0x28: {  	s2 =	sld [smem:$0x3FAF]  }
0x29: {  	s4 =	sld [smem:$0x3FB1]  }
0x2a: {  	p0 =	seq.s32 s5, $0x0;
	s5 =	sld [smem:$0x3FB2]  }
0x2b: {  	s6 =	sld [smem:$0x3FB3]  }
0x2c: {  	s7 =	sld [smem:$0x3FB4]  }
0x2d: {  	s3 =	simm.s32 $0x108;
	s8 =	sld [smem:$0x3FB5]  }
0x2e: {  	s3 =	simm.s32 @!p0 $0x1082;
	s9 =	sld [smem:$0x3FB6]  }
0x2f: {  	lr =	sadd.s32 s0, s3;
	s0 =	sld [smem:$0x3FAD]  }
0x30: {  	s3 =	sld [smem:$0x3FB0]  }
0x31: {  	[smem:$0x3FB9] =	sst s10  }
0x32: {  	s10 =	sld [smem:$0x3FB7];
	_ =	sdelay $0x3  }
0x33: {  	p0 =	seq.s32 s10, $0x1;
	s10 =	sld [smem:$0x3FB9];
	_ =	sdelay $0x3  }
0x34: {  	[smem:$0x3FB9] =	sst s10  }
0x35: {  	s10 =	sld [smem:$0x3FB8];
	_ =	sdelay $0x3  }
0x36: {  	p1 =	seq.s32 s10, $0x1;
	s10 =	sld [smem:$0x3FB9];
	_ =	sdelay $0x3  }
0x37: {  	[smem:$0x3FB9] =	sst s10  }
0x38: {  	s10 =	sld [smem:$0x3FBA]  }
0x39: {  	_ = 	snop;
	(pc) =	sbr.ind lr, $3  }
0x3a: {  	_ = 	snop  }
0x3b: {  	_ = 	snop  }
0x3c: {  	p2 =	seq.s32 s10, $0x1;
	s10 =	sld [smem:$0x3FB9]  }
0x3d: {  	_ =	shalt  }
0x3e: {  	_ =	shalt  }
0x3f: {  	_ =	shalt  }
0x40: {  	_ =	shalt  }
0x41: {  	_ =	shalt  }
0x42: {  	_ =	shalt  }
0x43: {  	_ =	shalt  }
0x44: {  	_ =	shalt  }
0x45: {  	_ =	shalt  }
0x46: {  	_ =	shalt  }
0x47: {  	_ =	shalt  }
0x48: {  	_ =	shalt  }
0x49: {  	_ =	shalt  }
0x4a: {  	_ =	shalt  }
0x4b: {  	_ =	shalt  }
0x4c: {  	_ =	shalt  }
0x4d: {  	_ =	shalt  }
0x4e: {  	_ =	shalt  }
0x4f: {  	_ =	shalt  }
0x50: {  	_ =	shalt  }
0x51: {  	_ =	shalt  }
0x52: {  	_ =	shalt  }
0x53: {  	_ =	shalt  }
0x54: {  	_ =	shalt  }
0x55: {  	_ =	shalt  }
0x56: {  	_ =	shalt  }
0x57: {  	_ =	shalt  }
0x58: {  	_ =	shalt  }
0x59: {  	_ =	shalt  }
0x5a: {  	_ =	shalt  }
0x5b: {  	_ =	shalt  }
0x5c: {  	_ =	shalt  }
0x5d: {  	_ =	shalt  }
0x5e: {  	_ =	shalt  }
0x5f: {  	_ =	shalt  }
0x60: {  	_ =	shalt  }
0x61: {  	_ =	shalt  }
0x62: {  	_ =	shalt  }
0x63: {  	_ =	shalt  }
0x64: {  	_ =	shalt  }
0x65: {  	_ =	shalt  }
0x66: {  	_ =	shalt  }
0x67: {  	_ =	shalt  }
0x68: {  	_ =	shalt  }
0x69: {  	_ =	shalt  }
0x6a: {  	_ =	shalt  }
0x6b: {  	_ =	shalt  }
0x6c: {  	_ =	shalt  }
0x6d: {  	_ =	shalt  }
0x6e: {  	_ =	shalt  }
0x6f: {  	_ =	shalt  }
0x70: {  	_ =	shalt  }
0x71: {  	_ =	shalt  }
0x72: {  	_ =	shalt  }
0x73: {  	_ =	shalt  }
0x74: {  	_ =	shalt  }
0x75: {  	_ =	shalt  }
0x76: {  	_ =	shalt  }
0x77: {  	_ =	shalt  }
0x78: {  	_ =	shalt  }
0x79: {  	_ =	shalt  }
0x7a: {  	_ =	shalt  }
0x7b: {  	_ =	shalt  }
0x7c: {  	_ =	shalt  }
0x7d: {  	_ =	shalt  }
0x7e: {  	_ =	shalt  }
0x7f: {  	_ =	shalt  }
0x80: {  	_ =	shalt  }
0x81: {  	_ =	shalt  }
0x82: {  	_ =	shalt  }
0x83: {  	_ =	shalt  }
0x84: {  	_ =	shalt  }
0x85: {  	_ =	shalt  }
0x86: {  	_ =	shalt  }
0x87: {  	_ =	shalt  }
.Lfunc_end0:
.L_simem_size_0:
called_computation.1_lowered:
.L_overlay_start_0:
0x88: {  	s2 =	sld [smem:$0x3FD9]  }
0x89: {  	s3 =	sld [smem:$0x3FFE];
	_ =	sdelay $0x1  }
0x8a: {  	s1 =	srdreg.scid  }
0x8b: {  	s0 =	sand.u32 $0x1, s1  }
0x8c: {  	s16 =	sshll.u32 s0, $0xA;
	s2 =	sadd.s32 s3, s2  }
0x8d: {  	s2 =	sadd.s32 s2, s16  }
0x8e: {  	[smem:$0x3FC5] =	sst s2  }
0x8f: {  	_ = 	snop  }
0x90: {  	(tm) =	ssettm $0x1  }
0x91: {  	s17 =	sld [smem:$0x3FFB];
	_ =	sdelay $0x3  }
0x92: {  	_ =	strace s17  }
0x93: {  	s2 =	sld [smem:$0x3FFC];
	_ =	sdelay $0x3  }
0x94: {  	_ =	strace s2  }
0x95: {  	s2 =	sld [smem:$0x3FFD];
	_ =	sdelay $0x3  }
0x96: {  	_ =	strace s2  }
0x97: {  	_ =	strace $0x8FFFFFFF  }
0x98: {  	s18 =	sld [smem:$0x3FDB];
	_ =	sdelay $0x1  }
0x99: {  	s19 =	simm.s32 $_scs_section_size  }
0x9a: {  	s4 =	simm.s32 $_size__tile_overlayer_lowered;
	s5 =	simm.s32 $_tile_overlayer_lowered  }
0x9b: {  	s22 =	simm.s32 $0x1BFF;
	s21 =	sshll.u32 s5, $0x1;
	s2 =	sadd.s32 s19, s18  }
0x9c: {  	s6 =	simm.s32 $0x0;
	s20 =	sshll.u32 s4, $0x1;
	s4 =	sadd.s32 s21, s2  }
0x9d: {  	[timem:s6], [sflag:s22] =	dma.local [hbm:s4], s20  }
0x9e: {  	_ =	swait.ge [sflag:s22], s20  }
0x9f: {  	s3 =	ssub.s32 $0x0, s20;
	[sflag:s22] =	ssyncset.done $0x0  }
0xa0: {  	[sflag:s22] =	ssyncadd.s32 s3;
	_ =	sdelay $0x1  }
0xa1: {  	s23 =	simm.s32 $0x1B8B  }
0xa2: {  	_ =	swait.ge [sflag:s23], $0x1  }
0xa3: {  	[sflag:s23] =	ssyncset.done $0x0  }
0xa4: {  	s25 =	simm.s32 $0x1B8E;
	s24 =	sld [smem:$0x3FFE];
	[sflag:s23] =	ssyncadd.s32 $0xFFFFFFFF  }
0xa5: {  	s26 =	simm.s32 $execute0_lowered;
	[smem:$0x3FD2] =	sst s25  }
0xa6: {  	s4 =	sshll.u32 s26, $0x1;
	_ =	strace $0x80000049;
	[dreg:$0x1] =	wrdreg $0xFFFFFFFF  }
0xa7: {  	s28 =	simm.s32 $_size_execute0_lowered;
	s2 =	sadd.s32 s2, s4;
	[dreg:$0x0] =	wrdreg $0x0  }
0xa8: {  	s4 =	sshll.u32 s28, $0x1;
	[dreg:$0x2] =	wrdreg s2  }
0xa9: {  	[dreg:$0x3] =	wrdreg s4  }
0xaa: {  	[dreg:$0x4] =	wrdreg $0xC0  }
0xab: {  	_ =	task [dreg:s6], $0x5FFFF  }
0xac: {  	[dreg:$0x1] =	wrdreg $0xFFFFFFFF  }
0xad: {  	[dreg:$0x0] =	wrdreg $0x60  }
0xae: {  	[dreg:$0x2] =	wrdreg s24  }
0xaf: {  	[dreg:$0x3] =	wrdreg $0x9  }
0xb0: {  	_ =	task.clear_ibuf [dreg:s6], $0x4FFFF;
	_ =	strace $0x90000049  }
0xb1: {  	s29 =	simm.s32 $0x9;
	_ =	strace $0x8000004B  }
0xb2: {  	_ =	swait.ge [sflag:s29], $0x1  }
0xb3: {  	[sflag:s29] =	ssyncadd.s32 $0xFFFFFFFF  }
0xb4: {  	_ =	strace $0x9000004B  }
0xb5: {  	_ =	sfence  }
0xb6: {  	s30 =	sld [smem:$0x0];
	_ =	sdelay $0x2  }
0xb7: {  	s31 =	sshll.u32 s1, $0xD;
	s1 =	sshrl.u32 s1, $0x2  }
0xb8: {  	s3 =	sand.u32 $0x4000, s31;
	s1 =	sadd.s32 s1, s30  }
0xb9: {  	s0 =	sor.u32 s3, s0;
	s1 =	sshll.u32 s1, $0x11  }
0xba: {  	s0 =	sor.u32 s1, s0  }
0xbb: {  	s0 =	sadd.s32 $0x8F2B, s0  }
0xbc: {  	[sflag:s0] =	ssyncadd.remote.s32 $0x1  }
0xbd: {  	_ =	sfence.sel $0xFFFF  }
0xbe: {  	[dreg:$0x0] =	wrdreg $0xFFFFFFFF;
	(pc) =	sbr.abs _section_cstart, $3  }
0xbf: {  	[dreg:$0x1] =	wrdreg $0xFFFFFFFF  }
0xc0: {  	_ =	task.clear_ibuf [dreg:s6], $0x2FFFF;
	_ =	strace $0x9FFFFFFF  }
0xc1: {  	(tm) =	ssettm $0x7FFFFFFF  }
tec
execute0_lowered:
.L_overlay_start_1:
0x0: {  	(tag) =	ssettag $0x1  }
0x1: {  	s0 =	rddreg [dreg:$0x0]  }
0x2: {  	s1 =	simm.s32 $0x0;
	s2 =	srdreg.scid;
	s29 =	stileid.u32  }
0x3: {  	s8 =	simm.s32 $0x2;
	s9 =	simm.s32 $0x1;
	s10 =	simm.s32 $0x40  }
0x4: {  	s11 =	simm.s32 $0x4280;
	s12 =	simm.s32 $0x4300;
	s6 =	sand.u32 $0x1, s2  }
0x5: {  	s13 =	simm.s32 $0x6580;
	[smem:$0x7FF] =	sst s1;
	s7 =	ssub.s32 $0x2, s6  }
0x6: {  	s3 =	sadd.s32 $0x7C0E00, s0;
	s4 =	sadd.s32 $0xE00, s0;
	s30 =	sshrl.u32 s7, $0x1  }
0x7: {  	s5 =	sadd.s32 $0x7D0600, s0;
	s31 =	sshll.u32 s29, $0x2;
	s0 =	ssub.s32 s7, s30  }
0x8: {  	v0 =	vlaneseq.u32;
	s2 =	simm.s32 $0x0;
	s6 =	sshll.u32 s6, $0x1;
	s0 =	smax.u32 s0, $0x1  }
0x9: {  	v1 =	vimm.f32 $-Inf;
	v2 =	vor.u32 $0x80000000, v0;
	v3 =	vor.u32 $0x80000010, v0;
	_ =	strace $0x8000004A;
	s6 =	sor.u32 s6, s31;
	[dreg:$0x2] =	wrdreg s0  }
.LBB2_1:
0xa: {  	[dreg:$0x3] =	wrdreg s2;
	p1 =	por $0x1, $0x1;
	s0 =	simm.s32 $0x0  }
.LBB2_2:
0xb: {  	s15 =	sor.u32 s6, s0  }
0xc: {  	s16 =	smul.u32 $0x1F00, s15;
	_ =	sdelay $0x1  }
0xd: {  	s31 =	sshrl.u32 s16, $0x3  }
0xe: {  	s17 =	simm.s32 $0x0;
	s0 =	sadd.s32 s3, s31  }
0xf: {  	[tilespmem:s17], [sflag:$0x2] =	stream.linear.gather [hbm4b:s0+s17], $0x1F00, $0x38;
	[tilespmem:$0x6600] =	vst v63  }
0x10: {  	_ =	swait.ge [sflag:s8], $0x1F00  }
0x11: {  	[sflag:s8] =	ssyncset.done $0x0  }
0x12: {  	[sflag:s8] =	ssyncadd.s32 $0xFFFFE100  }
0x13: {  	[tilespmem:$0x1F00] =	vst v1  }
0x14: {  	[tilespmem:$0x1F10] =	vst v1  }
0x15: {  	[tilespmem:$0x1F20] =	vst v1  }
0x16: {  	[tilespmem:$0x1F30] =	vst v1  }
0x17: {  	[tilespmem:$0x1F40] =	vst v1  }
0x18: {  	[tilespmem:$0x1F50] =	vst v1  }
0x19: {  	[tilespmem:$0x1F60] =	vst v1  }
0x1a: {  	[tilespmem:$0x1F70] =	vst v1  }
0x1b: {  	[tilespmem:$0x1F80] =	vst v1  }
0x1c: {  	[tilespmem:$0x1F90] =	vst v1  }
0x1d: {  	[tilespmem:$0x1FA0] =	vst v1  }
0x1e: {  	[tilespmem:$0x1FB0] =	vst v1  }
0x1f: {  	[tilespmem:$0x1FC0] =	vst v1  }
0x20: {  	[tilespmem:$0x1FD0] =	vst v1  }
0x21: {  	[tilespmem:$0x1FE0] =	vst v1  }
0x22: {  	s18 =	simm.s32 $0x80;
	[tilespmem:$0x1FF0] =	vst v1  }
0x23: {  	v4 =	vld [tilespmem:s18+$0xFFFFFF90]  }
0x24: {  	p0 =	por p1, p1;
	s19 =	simm.s32 $0x40;
	v5 =	vld [tilespmem:s18+$0xFFFFFF80]  }
.LBB2_3:
0x25: {  	p1 =	sne.s32 s19, $0x7C0;
	v6 =	vld [tilespmem:s18+$0xFFFFFFA0]  }
0x26: {  	v7 =	vld [tilespmem:s18+$0xFFFFFFB0]  }
0x27: {  	v8 =	vld [tilespmem:s18+$0xFFFFFFC0]  }
0x28: {  	v9 =	vld [tilespmem:s18+$0xFFFFFFD0]  }
0x29: {  	v4 =	vmax.f32 v5, v4;
	v5 =	vld [tilespmem:s18+$0xFFFFFFE0]  }
0x2a: {  	v4 =	vmax.f32 v4, v6;
	v6 =	vld [tilespmem:s18+$0xFFFFFFF0]  }
0x2b: {  	v4 =	vmax.f32 v4, v7;
	v7 =	vld [tilespmem:s18+$0x0]  }
0x2c: {  	v4 =	vmax.f32 v4, v8;
	v8 =	vld [tilespmem:s18+$0x10]  }
0x2d: {  	v4 =	vmax.f32 v4, v9;
	v9 =	vld [tilespmem:s18+$0x20]  }
0x2e: {  	v4 =	vmax.f32 v4, v5;
	v5 =	vld [tilespmem:s18+$0x30]  }
0x2f: {  	v4 =	vmax.f32 v4, v6;
	v6 =	vld [tilespmem:s18+$0x40]  }
0x30: {  	v4 =	vmax.f32 v4, v7;
	v7 =	vld [tilespmem:s18+$0x50]  }
0x31: {  	v4 =	vmax.f32 v4, v8;
	v8 =	vld [tilespmem:s18+$0x60]  }
0x32: {  	v4 =	vmax.f32 v4, v9;
	v9 =	vld [tilespmem:s18+$0x70]  }
0x33: {  	v4 =	vmax.f32 v4, v5  }
0x34: {  	v4 =	vmax.f32 v4, v6  }
0x35: {  	v4 =	vmax.f32 v4, v7  }
.Ltmp0:
0x36: {  	v4 =	vmax.f32 v4, v8;
	(pc) =	sbr.rel @p1 .LBB2_3-.Ltmp0, $4  }
0x37: {  	s0 =	sshra.s32 s17, $0x2;
	s17 =	smov.u32 s19;
	v4 =	vmax.f32 v4, v9  }
0x38: {  	s18 =	sadd.s32 $0x100, s18;
	[tilespmem:s0+$0x2000] =	vst v4  }
0x39: {  	v4 =	vld [tilespmem:s18+$0xFFFFFF90]  }
0x3a: {  	s19 =	sadd.s32 $0x40, s19;
	v5 =	vld [tilespmem:s18+$0xFFFFFF80]  }
0x3b: {  	v6 =	vld [tilespmem:s18+$0xFFFFFFA0]  }
0x3c: {  	v7 =	vld [tilespmem:s18+$0xFFFFFFB0]  }
0x3d: {  	v8 =	vld [tilespmem:s18+$0xFFFFFFC0]  }
0x3e: {  	v9 =	vld [tilespmem:s18+$0xFFFFFFD0]  }
0x3f: {  	v4 =	vmax.f32 v5, v4;
	v5 =	vld [tilespmem:s18+$0xFFFFFFE0]  }
0x40: {  	v41 =	vld [tilespmem:s18+$0xFFFFFFF0];
	v4 =	vmax.f32 v4, v6  }
0x41: {  	v42 =	vld [tilespmem:s18+$0x0];
	v4 =	vmax.f32 v4, v7  }
0x42: {  	v43 =	vld [tilespmem:s18+$0x10];
	v4 =	vmax.f32 v4, v8  }
0x43: {  	v44 =	vld [tilespmem:s18+$0x20];
	v4 =	vmax.f32 v4, v9  }
0x44: {  	v4 =	vmax.f32 v4, v5;
	v5 =	vld [tilespmem:s18+$0x30]  }
0x45: {  	v45 =	vld [tilespmem:s18+$0x40];
	v4 =	vmax.f32 v4, v41  }
0x46: {  	v46 =	vld [tilespmem:s18+$0x50];
	v4 =	vmax.f32 v4, v42  }
0x47: {  	v47 =	vld [tilespmem:s18+$0x60];
	v4 =	vmax.f32 v4, v43  }
0x48: {  	v48 =	vld [tilespmem:s18+$0x70];
	v4 =	vmax.f32 v4, v44  }
0x49: {  	v4 =	vmax.f32 v4, v5  }
0x4a: {  	v4 =	vmax.f32 v4, v45  }
0x4b: {  	v4 =	vmax.f32 v4, v46  }
0x4c: {  	v4 =	vmax.f32 v4, v47  }
0x4d: {  	s0 =	sshra.s32 s17, $0x2;
	v4 =	vmax.f32 v4, v48  }
0x4e: {  	[tilespmem:s0+$0x2000] =	vst v4  }
0x4f: {  	v4 =	vld [tilespmem:$0x2000]  }
0x50: {  	v5 =	vld [tilespmem:$0x2010]  }
0x51: {  	v49 =	vld [tilespmem:$0x2020]  }
0x52: {  	v50 =	vld [tilespmem:$0x2030]  }
0x53: {  	v51 =	vld [tilespmem:$0x2040]  }
0x54: {  	v52 =	vld [tilespmem:$0x2050]  }
0x55: {  	v10 =	vld [tilespmem:$0x2060]  }
0x56: {  	v11 =	vld [tilespmem:$0x2070]  }
0x57: {  	v12 =	vld [tilespmem:$0x2080]  }
0x58: {  	v13 =	vld [tilespmem:$0x2090]  }
0x59: {  	v14 =	vld [tilespmem:$0x20A0]  }
0x5a: {  	v15 =	vld [tilespmem:$0x20B0]  }
0x5b: {  	v16 =	vld [tilespmem:$0x20C0]  }
0x5c: {  	v17 =	vld [tilespmem:$0x20D0]  }
0x5d: {  	v18 =	vld [tilespmem:$0x20E0]  }
0x5e: {  	v19 =	vld [tilespmem:$0x20F0]  }
0x5f: {  	v20 =	vld [tilespmem:$0x2100]  }
0x60: {  	v21 =	vld [tilespmem:$0x2110]  }
0x61: {  	v22 =	vld [tilespmem:$0x2120]  }
0x62: {  	v23 =	vld [tilespmem:$0x2130]  }
0x63: {  	v24 =	vld [tilespmem:$0x2140]  }
0x64: {  	v4 =	vmax.f32 v4, v5;
	v5 =	vld [tilespmem:$0x2150]  }
0x65: {  	v54 =	vld [tilespmem:$0x2160];
	v53 =	vmax.f32 v20, v21;
	v4 =	vmax.f32 v4, v49  }
0x66: {  	v55 =	vld [tilespmem:$0x2170];
	v6 =	vmax.f32 v53, v22;
	v4 =	vmax.f32 v4, v50  }
0x67: {  	v56 =	vld [tilespmem:$0x2180];
	v6 =	vmax.f32 v6, v23;
	v4 =	vmax.f32 v4, v51  }
0x68: {  	v57 =	vld [tilespmem:$0x2190];
	v6 =	vmax.f32 v6, v24;
	v4 =	vmax.f32 v4, v52  }
0x69: {  	v58 =	vld [tilespmem:$0x21A0];
	v4 =	vmax.f32 v4, v10;
	v5 =	vmax.f32 v6, v5  }
0x6a: {  	v59 =	vld [tilespmem:$0x21B0];
	v4 =	vmax.f32 v4, v11;
	v5 =	vmax.f32 v5, v54  }
0x6b: {  	v60 =	vld [tilespmem:$0x21C0];
	v4 =	vmax.f32 v4, v12;
	v5 =	vmax.f32 v5, v55  }
0x6c: {  	v61 =	vld [tilespmem:$0x21D0];
	v4 =	vmax.f32 v4, v13;
	v5 =	vmax.f32 v5, v56  }
0x6d: {  	v62 =	vld [tilespmem:$0x21E0];
	v4 =	vmax.f32 v4, v14;
	v5 =	vmax.f32 v5, v57  }
0x6e: {  	v63 =	vld [tilespmem:$0x21F0];
	v4 =	vmax.f32 v4, v15;
	v5 =	vmax.f32 v5, v58  }
0x6f: {  	v4 =	vmax.f32 v4, v16;
	v5 =	vmax.f32 v5, v59  }
0x70: {  	v4 =	vmax.f32 v4, v17;
	v5 =	vmax.f32 v5, v60  }
0x71: {  	v4 =	vmax.f32 v4, v18;
	v5 =	vmax.f32 v5, v61  }
0x72: {  	v4 =	vmax.f32 v4, v19;
	v5 =	vmax.f32 v5, v62  }
0x73: {  	[tilespmem:$0x2200] =	vst v4;
	v4 =	vmax.f32 v5, v63  }
0x74: {  	s17 =	simm.s32 $0x0;
	s19 =	simm.s32 $0x0;
	s18 =	simm.s32 $0x2280;
	[tilespmem:$0x2210] =	vst v4  }
.LBB2_5:
0x75: {  	v5 =	vld [tilespmem:$0x2200]  }
0x76: {  	v6 =	vld [tilespmem:$0x2210];
	_ =	sdelay $0x4  }
0x77: {  	v4 =	vmax.f32 v5, v6  }
0x78: {  	(xrf0) =	vmax.scan.msk.f32 $0xffff, v4;
	_ =	sdelay $0x5  }
0x79: {  	v4, _, _ =	vpop (xrf0)  }
0x7a: {  	v4 =	vbroadcast v4, $0xF;
	_ =	sdelay $0x1  }
0x7b: {  	vm0 =	veq.f32 v5, v4  }
0x7c: {  	v5 =	vnsel vm0, $0x81000000, v2;
	vm0 =	veq.f32 v6, v4  }
0x7d: {  	(xrf0) =	vmin.scan.msk.u32 $0xffff, v5;
	v5 =	vnsel vm0, $0x81000000, v3  }
0x7e: {  	(xrf0) =	vmin.scan.msk.u32 $0xffff, v5;
	_ =	sdelay $0x4  }
0x7f: {  	v5, _, _ =	vpop (xrf0)  }
0x80: {  	(v2sf) =	vpush v5, $0xF;
	v5, _, _ =	vpop (xrf0)  }
0x81: {  	(v2sf) =	vpush v5, $0xF;
	_ =	sdelay $0xd  }
0x82: {  	s0 =	spop (v2sf)  }
0x83: {  	s20 =	spop (v2sf)  }
0x84: {  	s0 =	sxor.u32 $0x80000000, s0;
	s20 =	sxor.u32 $0x80000000, s20  }
0x85: {  	p1 =	slt.s32 s0, s20  }
0x86: {  	s20 =	smov.u32 @p1 s0  }
0x87: {  	p1 =	slt.s32 s20, $0x1000000  }
0x88: {  	p2 =	slt.s32 s20, $0x1;
	s20 =	simm.s32 @!p1 $0x1000000  }
0x89: {  	s29 =	sshra.s32 s20, $0x1F  }
0x8a: {  	s0 =	sshrl.u32 s29, $0x1C  }
0x8b: {  	s0 =	sadd.s32 s0, s20  }
0x8c: {  	s21 =	sand.u32 $0xFFFFFFF0, s0  }
0x8d: {  	p1 =	sne.s32 s20, s21  }
0x8e: {  	p1 =	por !p2, !p1  }
0x8f: {  	s21 =	simm.s32 $0x1;
	p1 =	por !p1, !p1  }
0x90: {  	s0 =	sshra.s32 s0, $0x4;
	s21 =	simm.s32 @!p1 $0x0  }
0x91: {  	s23 =	ssub.s32 s0, s21  }
0x92: {  	s0 =	sshll.u32 s23, $0xA  }
0x93: {  	s21 =	sshra.s32 s0, $0x2  }
0x94: {  	s0 =	sadd.s32 $0x2000, s21  }
0x95: {  	v5 =	vld [tilespmem:s0+$0x0];
	_ =	sdelay $0x1  }
0x96: {  	s20 =	sand.u32 $0xF, s20;
	s0 =	sadd.s32 $0x10, s0  }
0x97: {  	v8 =	vmov s17;
	v7 =	vmov s20;
	v6 =	vld [tilespmem:s0+$0x0]  }
0x98: {  	vm0 =	veq.s32 v7, v0;
	v7 =	vxor.u32 $0x80000000, v8;
	s0 =	sadd.s32 $0x10, s0  }
0x99: {  	v9 =	vld [tilespmem:s0+$0x0];
	vm1 =	veq.f32 v5, v4;
	v5 =	vbroadcast v7, $0x0  }
0x9a: {  	s22 =	simm.s32 $0x1;
	vm1 =	vmand vm0, vm1  }
0x9b: {  	s24 =	simm.s32 $0x2;
	v7 =	vmov s22;
	v5 =	vnsel vm1, $0x81000000, v5  }
0x9c: {  	v7 =	vxor.u32 $0x80000000, v7;
	vm2 =	veq.f32 v6, v4;
	v6 =	vmov s24;
	(xrf0) =	vmin.scan.msk.u32 $0xffff, v5  }
0x9d: {  	v7 =	vbroadcast v7, $0x0;
	v6 =	vxor.u32 $0x80000000, v6  }
0x9e: {  	vm1 =	vmand vm0, vm2;
	vm2 =	veq.f32 v9, v4;
	v6 =	vbroadcast v6, $0x0  }
0x9f: {  	v7 =	vnsel vm1, $0x81000000, v7;
	vm1 =	vmand vm0, vm2  }
0xa0: {  	s0 =	sadd.s32 $0x10, s0;
	(xrf0) =	vmin.scan.msk.u32 $0xffff, v7;
	v6 =	vnsel vm1, $0x81000000, v6  }
0xa1: {  	s30 =	simm.s32 $0x3;
	v5 =	vld [tilespmem:s0+$0x0];
	(xrf0) =	vmin.scan.msk.u32 $0xffff, v6  }
0xa2: {  	v6 =	vmov s30;
	v62, _, _ =	vpop (xrf0)  }
0xa3: {  	v6 =	vxor.u32 $0x80000000, v6;
	(v2sf) =	vpush v62, $0xF;
	_ =	sdelay $0x2  }
0xa4: {  	vm1 =	veq.f32 v5, v4;
	v5 =	vbroadcast v6, $0x0;
	v6, _, _ =	vpop (xrf0)  }
0xa5: {  	(v2sf) =	vpush v6, $0xF;
	v6, _, _ =	vpop (xrf0)  }
0xa6: {  	(v2sf) =	vpush v6, $0xF;
	_ =	sdelay $0x1  }
0xa7: {  	s0 =	sadd.s32 $0x10, s0  }
0xa8: {  	v7 =	vld [tilespmem:s0+$0x0]  }
0xa9: {  	vm1 =	vmand vm0, vm1  }
0xaa: {  	s31 =	simm.s32 $0x4;
	v5 =	vnsel vm1, $0x81000000, v5  }
0xab: {  	v63 =	vmov s31;
	(xrf0) =	vmin.scan.msk.u32 $0xffff, v5  }
0xac: {  	s25 =	simm.s32 $0x1000000;
	v8 =	vxor.u32 $0x80000000, v63  }
0xad: {  	s22 =	sshll.u32 s23, $0x4;
	s24 =	simm.s32 $0x5;
	s26 =	sadd.s32 $0x10, s0;
	vm1 =	veq.f32 v7, v4;
	v5 =	vbroadcast v8, $0x0  }
.LBB2_6:
0xae: {  	s0 =	smov.u32 s25;
	p1 =	sne.s32 s24, $0xF  }
0xaf: {  	vm1 =	vmand vm0, vm1;
	s28 =	smov.u32 s24;
	s24 =	sadd.s32 $0x1, s24;
	v6 =	vld [tilespmem:s26+$0x0];
	s25 =	spop (v2sf)  }
.Ltmp1:
0xb0: {  	v7 =	vnsel vm1, $0x81000000, v5;
	s25 =	sxor.u32 $0x80000000, s25;
	(pc) =	sbr.rel @p1 .LBB2_6-.Ltmp1, $4  }
0xb1: {  	(xrf0) =	vmin.scan.msk.u32 $0xffff, v7;
	v5, _, _ =	vpop (xrf0);
	p2 =	slt.s32 s0, s25  }
0xb2: {  	v7 =	vmov s28;
	(v2sf) =	vpush v5, $0xF;
	s25 =	smov.u32 @p2 s0  }
0xb3: {  	v5 =	vxor.u32 $0x80000000, v7  }
0xb4: {  	s26 =	sadd.s32 $0x10, s26;
	v5 =	vbroadcast v5, $0x0;
	vm1 =	veq.f32 v6, v4  }
0xb5: {  	vm1 =	vmand vm0, vm1  }
0xb6: {  	v5 =	vnsel vm1, $0x81000000, v5  }
0xb7: {  	(xrf0) =	vmin.scan.msk.u32 $0xffff, v5;
	_ =	sdelay $0x3  }
0xb8: {  	v5, _, _ =	vpop (xrf0)  }
0xb9: {  	(v2sf) =	vpush v5, $0xF  }
0xba: {  	v5, _, _ =	vpop (xrf0)  }
0xbb: {  	(v2sf) =	vpush v5, $0xF;
	_ =	sdelay $0x6  }
0xbc: {  	s0 =	spop (v2sf)  }
0xbd: {  	s0 =	sxor.u32 $0x80000000, s0  }
0xbe: {  	s24 =	spop (v2sf);
	p1 =	slt.s32 s25, s0  }
0xbf: {  	s24 =	sxor.u32 $0x80000000, s24;
	s0 =	smov.u32 @p1 s25  }
0xc0: {  	p1 =	slt.s32 s0, s24;
	s2 =	spop (v2sf)  }
0xc1: {  	s24 =	smov.u32 @p1 s0;
	s0 =	sxor.u32 $0x80000000, s2  }
0xc2: {  	p1 =	slt.s32 s24, s0;
	s7 =	spop (v2sf)  }
0xc3: {  	s0 =	smov.u32 @p1 s24;
	s24 =	sxor.u32 $0x80000000, s7  }
0xc4: {  	p1 =	slt.s32 s0, s24;
	s14 =	spop (v2sf)  }
0xc5: {  	s24 =	smov.u32 @p1 s0;
	s0 =	sadd.s32 $0x80000000, s14  }
0xc6: {  	p1 =	slt.s32 s24, s0  }
0xc7: {  	s0 =	smov.u32 @p1 s24  }
0xc8: {  	s23 =	sshll.u32 s23, $0xE;
	s0 =	sshll.u32 s0, $0xA  }
0xc9: {  	s23 =	sshra.s32 s23, $0x2;
	s0 =	sshra.s32 s0, $0x2  }
0xca: {  	s0 =	sadd.s32 s0, s23  }
0xcb: {  	v5 =	vld [tilespmem:s0+$0x0];
	_ =	sdelay $0x1  }
0xcc: {  	s26 =	simm.s32 $0x0;
	s0 =	sadd.s32 $0x10, s0  }
0xcd: {  	v7 =	vmov s26;
	v6 =	vld [tilespmem:s0+$0x0]  }
0xce: {  	v7 =	vxor.u32 $0x80000000, v7;
	s0 =	sadd.s32 $0x10, s0  }
0xcf: {  	v8 =	vld [tilespmem:s0+$0x0];
	vm1 =	veq.f32 v5, v4;
	v5 =	vbroadcast v7, $0x0  }
0xd0: {  	s29 =	simm.s32 $0x1;
	vm1 =	vmand vm0, vm1  }
0xd1: {  	s26 =	simm.s32 $0x2;
	v7 =	vmov s29;
	v5 =	vnsel vm1, $0x81000000, v5  }
0xd2: {  	v7 =	vxor.u32 $0x80000000, v7;
	vm2 =	veq.f32 v6, v4;
	v6 =	vmov s26;
	(xrf0) =	vmin.scan.msk.u32 $0xffff, v5  }
0xd3: {  	v7 =	vbroadcast v7, $0x0;
	v6 =	vxor.u32 $0x80000000, v6  }
0xd4: {  	vm1 =	vmand vm0, vm2;
	vm2 =	veq.f32 v8, v4;
	v6 =	vbroadcast v6, $0x0  }
0xd5: {  	v7 =	vnsel vm1, $0x81000000, v7;
	vm1 =	vmand vm0, vm2  }
0xd6: {  	s0 =	sadd.s32 $0x10, s0;
	(xrf0) =	vmin.scan.msk.u32 $0xffff, v7;
	v6 =	vnsel vm1, $0x81000000, v6  }
0xd7: {  	s30 =	simm.s32 $0x3;
	v5 =	vld [tilespmem:s0+$0x0];
	(xrf0) =	vmin.scan.msk.u32 $0xffff, v6  }
0xd8: {  	v6 =	vmov s30;
	v62, _, _ =	vpop (xrf0)  }
0xd9: {  	v6 =	vxor.u32 $0x80000000, v6;
	(v2sf) =	vpush v62, $0xF;
	_ =	sdelay $0x2  }
0xda: {  	vm1 =	veq.f32 v5, v4;
	v5 =	vbroadcast v6, $0x0;
	v6, _, _ =	vpop (xrf0)  }
0xdb: {  	(v2sf) =	vpush v6, $0xF;
	v6, _, _ =	vpop (xrf0)  }
0xdc: {  	(v2sf) =	vpush v6, $0xF;
	_ =	sdelay $0x1  }
0xdd: {  	s0 =	sadd.s32 $0x10, s0  }
0xde: {  	v7 =	vld [tilespmem:s0+$0x0]  }
0xdf: {  	s25 =	sxor.u32 $0x80000000, s14;
	vm1 =	vmand vm0, vm1  }
0xe0: {  	s31 =	simm.s32 $0x4;
	p1 =	slt.s32 s24, s25;
	v5 =	vnsel vm1, $0x81000000, v5  }
0xe1: {  	v63 =	vmov s31;
	s25 =	smov.u32 @p1 s24;
	(xrf0) =	vmin.scan.msk.u32 $0xffff, v5  }
0xe2: {  	s24 =	sadd.s32 s22, s25;
	s25 =	simm.s32 $0x5;
	v8 =	vxor.u32 $0x80000000, v63  }
0xe3: {  	s23 =	sshll.u32 s24, $0x4;
	s26 =	simm.s32 $0x1000000;
	s28 =	sadd.s32 $0x10, s0;
	vm1 =	veq.f32 v7, v4;
	v5 =	vbroadcast v8, $0x0  }
.LBB2_8:
0xe4: {  	s0 =	smov.u32 s26;
	p1 =	sne.s32 s25, $0xF  }
0xe5: {  	vm1 =	vmand vm0, vm1;
	s29 =	smov.u32 s25;
	s25 =	sadd.s32 $0x1, s25;
	v6 =	vld [tilespmem:s28+$0x0];
	s26 =	spop (v2sf)  }
.Ltmp2:
0xe6: {  	v7 =	vnsel vm1, $0x81000000, v5;
	s26 =	sxor.u32 $0x80000000, s26;
	(pc) =	sbr.rel @p1 .LBB2_8-.Ltmp2, $4  }
0xe7: {  	(xrf0) =	vmin.scan.msk.u32 $0xffff, v7;
	v5, _, _ =	vpop (xrf0);
	p2 =	slt.s32 s0, s26  }
0xe8: {  	v7 =	vmov s29;
	(v2sf) =	vpush v5, $0xF;
	s26 =	smov.u32 @p2 s0  }
0xe9: {  	v5 =	vxor.u32 $0x80000000, v7  }
0xea: {  	s28 =	sadd.s32 $0x10, s28;
	v5 =	vbroadcast v5, $0x0;
	vm1 =	veq.f32 v6, v4  }
0xeb: {  	vm1 =	vmand vm0, vm1  }
0xec: {  	v4 =	vnsel vm1, $0x81000000, v5  }
0xed: {  	(xrf0) =	vmin.scan.msk.u32 $0xffff, v4;
	_ =	sdelay $0x3  }
0xee: {  	v4, _, _ =	vpop (xrf0)  }
0xef: {  	(v2sf) =	vpush v4, $0xF  }
0xf0: {  	v4, _, _ =	vpop (xrf0)  }
0xf1: {  	(v2sf) =	vpush v4, $0xF;
	_ =	sdelay $0x6  }
0xf2: {  	s0 =	spop (v2sf)  }
0xf3: {  	s0 =	sxor.u32 $0x80000000, s0  }
0xf4: {  	s25 =	spop (v2sf);
	p1 =	slt.s32 s26, s0  }
0xf5: {  	s25 =	sxor.u32 $0x80000000, s25;
	s0 =	smov.u32 @p1 s26  }
0xf6: {  	p1 =	slt.s32 s0, s25;
	s30 =	spop (v2sf)  }
0xf7: {  	s25 =	smov.u32 @p1 s0;
	s0 =	sxor.u32 $0x80000000, s30  }
0xf8: {  	p1 =	slt.s32 s25, s0;
	s31 =	spop (v2sf)  }
0xf9: {  	s0 =	smov.u32 @p1 s25;
	s25 =	sxor.u32 $0x80000000, s31  }
0xfa: {  	p1 =	slt.s32 s0, s25;
	s2 =	spop (v2sf)  }
0xfb: {  	s25 =	smov.u32 @p1 s0;
	s0 =	sxor.u32 $0x80000000, s2  }
0xfc: {  	p1 =	slt.s32 s25, s0  }
0xfd: {  	s0 =	smov.u32 @p1 s25  }
0xfe: {  	s25 =	sadd.s32 s23, s0  }
0xff: {  	s7 =	sshll.u32 s25, $0x4  }
0x100: {  	v4 =	vld [tilespmem:s7+$0x0];
	_ =	sdelay $0x4  }
0x101: {  	s14 =	sshll.u32 s24, $0xA;
	v4 =	vsel vm0, $0xFF800000, v4  }
0x102: {  	s0 =	sshra.s32 s14, $0x2;
	[tilespmem:s7+$0x0] =	vst v4  }
0x103: {  	v4 =	vld [tilespmem:s0+$0x0]  }
0x104: {  	v5 =	vld [tilespmem:s0+$0x10]  }
0x105: {  	v6 =	vld [tilespmem:s0+$0x20]  }
0x106: {  	v7 =	vld [tilespmem:s0+$0x30]  }
0x107: {  	v8 =	vld [tilespmem:s0+$0x40]  }
0x108: {  	v9 =	vld [tilespmem:s0+$0x50]  }
0x109: {  	v4 =	vmax.f32 v4, v5;
	v5 =	vld [tilespmem:s0+$0x60]  }
0x10a: {  	v4 =	vmax.f32 v4, v6;
	v6 =	vld [tilespmem:s0+$0x70]  }
0x10b: {  	v4 =	vmax.f32 v4, v7;
	v7 =	vld [tilespmem:s0+$0x80]  }
0x10c: {  	v54 =	vld [tilespmem:s0+$0x90];
	v4 =	vmax.f32 v4, v8  }
0x10d: {  	v55 =	vld [tilespmem:s0+$0xA0];
	v4 =	vmax.f32 v4, v9  }
0x10e: {  	v4 =	vmax.f32 v4, v5;
	v5 =	vld [tilespmem:s0+$0xB0]  }
0x10f: {  	v4 =	vmax.f32 v4, v6;
	v6 =	vld [tilespmem:s0+$0xC0]  }
0x110: {  	v4 =	vmax.f32 v4, v7;
	v7 =	vld [tilespmem:s0+$0xD0]  }
0x111: {  	v56 =	vld [tilespmem:s0+$0xE0];
	v4 =	vmax.f32 v4, v54  }
0x112: {  	v57 =	vld [tilespmem:s0+$0xF0];
	v4 =	vmax.f32 v4, v55  }
0x113: {  	v4 =	vmax.f32 v4, v5  }
0x114: {  	v4 =	vmax.f32 v4, v6  }
0x115: {  	v4 =	vmax.f32 v4, v7  }
0x116: {  	v4 =	vmax.f32 v4, v56  }
0x117: {  	v4 =	vmax.f32 v4, v57  }
0x118: {  	[tilespmem:s23+$0x2000] =	vst v4  }
0x119: {  	v4 =	vld [tilespmem:s21+$0x2000]  }
0x11a: {  	v5 =	vld [tilespmem:s21+$0x2010]  }
0x11b: {  	v6 =	vld [tilespmem:s21+$0x2020]  }
0x11c: {  	v7 =	vld [tilespmem:s21+$0x2030]  }
0x11d: {  	v58 =	vld [tilespmem:s21+$0x2040]  }
0x11e: {  	v59 =	vld [tilespmem:s21+$0x2050]  }
0x11f: {  	v4 =	vmax.f32 v4, v5;
	v5 =	vld [tilespmem:s21+$0x2060]  }
0x120: {  	v4 =	vmax.f32 v4, v6;
	v6 =	vld [tilespmem:s21+$0x2070]  }
0x121: {  	v4 =	vmax.f32 v4, v7;
	v7 =	vld [tilespmem:s21+$0x2080]  }
0x122: {  	v60 =	vld [tilespmem:s21+$0x2090];
	v4 =	vmax.f32 v4, v58  }
0x123: {  	v61 =	vld [tilespmem:s21+$0x20A0];
	v4 =	vmax.f32 v4, v59  }
0x124: {  	v4 =	vmax.f32 v4, v5;
	v5 =	vld [tilespmem:s21+$0x20B0]  }
0x125: {  	v4 =	vmax.f32 v4, v6;
	v6 =	vld [tilespmem:s21+$0x20C0]  }
0x126: {  	v4 =	vmax.f32 v4, v7;
	v7 =	vld [tilespmem:s21+$0x20D0]  }
0x127: {  	v62 =	vld [tilespmem:s21+$0x20E0];
	v4 =	vmax.f32 v4, v60  }
0x128: {  	v63 =	vld [tilespmem:s21+$0x20F0];
	v4 =	vmax.f32 v4, v61  }
0x129: {  	v4 =	vmax.f32 v4, v5  }
0x12a: {  	v4 =	vmax.f32 v4, v6  }
0x12b: {  	v4 =	vmax.f32 v4, v7  }
0x12c: {  	v4 =	vmax.f32 v4, v62  }
0x12d: {  	v4 =	vmax.f32 v4, v63  }
0x12e: {  	s24 =	sand.u32 $0x30, s19;
	[tilespmem:s22+$0x2200] =	vst v4  }
0x12f: {  	v4 =	vld [tilespmem:s24+$0x4280];
	_ =	sdelay $0x1  }
0x130: {  	s28 =	sand.u32 $0xF, s19  }
0x131: {  	s31 =	sor.u32 s20, s7;
	v5 =	vmov s28  }
0x132: {  	s29 =	sshll.u32 s20, $0x7;
	s20 =	sadd.s32 s16, s31;
	vm14 =	veq.s32 v5, v0  }
0x133: {  	s30 =	sshll.u32 s25, $0xB;
	v4 =	vsel vm14, s20, v4  }
0x134: {  	s0 =	sor.u32 s30, s29;
	[tilespmem:s24+$0x4280] =	vst v4;
	v4 =	vmov s18  }
0x135: {  	v5 =	vor.u32 s0, v0  }
0x136: {  	vm15 =	vlt.s32 v5, $0xF4240  }
0x137: {  	s21 =	simm.s32 $0x0;
	v5 =	vnsel vm15, $0xFFFFFFFF, v5;
	s20 =	simm.s32 $0x40  }
.LBB2_10:
0x138: {  	p1 =	sne.s32 s20, $0x1C0  }
0x139: {  	[tilespmem:v4+s21+$0x0 ss:$0x1] =	vst.idx.msk $0xffff, v5;
	s0 =	sadd.s32 $0x10, s0;
	s21 =	smov.u32 s20;
	s20 =	sadd.s32 $0x40, s20  }
.Ltmp3:
0x13a: {  	(pc) =	sbr.rel @p1 .LBB2_10-.Ltmp3, $4  }
0x13b: {  	_ = 	snop  }
0x13c: {  	v5 =	vor.u32 s0, v0  }
0x13d: {  	vm0 =	vlt.s32 v5, $0xF4240  }
0x13e: {  	s21 =	sshra.s32 s21, $0x2;
	v5 =	vnsel vm0, $0xFFFFFFFF, v5  }
0x13f: {  	s19 =	sadd.s32 $0x1, s19  }
0x140: {  	p1 =	sne.s32 s19, $0x40  }
.Ltmp4:
0x141: {  	_ = 	snop;
	(pc) =	sbr.rel @p1 .LBB2_5-.Ltmp4, $2  }
0x142: {  	_ =	sdelay $0x2  }
0x143: {  	[tilespmem:v4+s21+$0x0 ss:$0x1] =	vst.idx.msk $0xffff, v5;
	s18 =	sadd.s32 $0x80, s18  }
0x144: {  	[tilespmem:s12], [sflag:$0x1] =	stream.indirect.gather [hbm4b:s4+s10], $0x80, s11, s10, $0xb8;
	[tilespmem:$0x6600] =	vst v63  }
0x145: {  	s16 =	simm.s32 $0x0;
	_ =	swait.ge [sflag:s9], $0x2000  }
0x146: {  	s18 =	simm.s32 $0x0;
	s0 =	sand.u32 $0x7E00, s16;
	[sflag:s9] =	ssyncset.done $0x0  }
0x147: {  	s17 =	sand.u32 $0x70, s16;
	s0 =	sshrl.u32 s0, $0x2;
	[sflag:s9] =	ssyncadd.s32 $0xFFFFE000  }
0x148: {  	s17 =	sor.u32 s17, s0;
	v4 =	vld [tilespmem:s18+$0x2280]  }
0x149: {  	v5 =	vld [tilespmem:s17+$0x4300];
	_ =	sdelay $0x3  }
0x14a: {  	s31 =	simm.s32 $0x10;
	s18 =	simm.s32 $0x40;
	vm0 =	vgt.s32 v4, $0xFFFFFFFF  }
0x14b: {  	s19 =	sand.u32 $0x70, s31;
	s0 =	simm.s32 $0x20;
	s20 =	sand.u32 $0x7E00, s18;
	v4 =	vnsel vm0, $0xFF800000, v5  }
.LBB2_13:
0x14c: {  	p1 =	sne.s32 s0, $0x1FF0;
	s21 =	sshra.s32 s18, $0x2;
	s20 =	sshrl.u32 s20, $0x2;
	[tilespmem:s17+$0x4300] =	vst v4  }
0x14d: {  	v4 =	vld [tilespmem:s21+$0x2280];
	s17 =	sor.u32 s19, s20  }
0x14e: {  	v5 =	vld [tilespmem:s17+$0x4300]  }
.Ltmp5:
0x14f: {  	(pc) =	sbr.rel @p1 .LBB2_13-.Ltmp5, $3  }
0x150: {  	_ =	sdelay $0x1  }
0x151: {  	s18 =	sadd.s32 $0x40, s18;
	vm0 =	vgt.s32 v4, $0xFFFFFFFF  }
0x152: {  	s19 =	sand.u32 $0x70, s0;
	s20 =	sand.u32 $0x7E00, s18;
	s0 =	sadd.s32 $0x10, s0;
	v4 =	vnsel vm0, $0xFF800000, v5  }
0x153: {  	s0 =	sshra.s32 s18, $0x2;
	s30 =	sshrl.u32 s20, $0x2;
	[tilespmem:s17+$0x4300] =	vst v4  }
0x154: {  	v4 =	vld [tilespmem:s0+$0x2280];
	s31 =	sor.u32 s19, s30  }
0x155: {  	v5 =	vld [tilespmem:s31+$0x4300];
	_ =	sdelay $0x3  }
0x156: {  	vm0 =	vgt.s32 v4, $0xFFFFFFFF  }
0x157: {  	v4 =	vnsel vm0, $0xFF800000, v5  }
0x158: {  	s17 =	simm.s32 $0x0;
	[tilespmem:s31+$0x4300] =	vst v4  }
.LBB2_15:
0x159: {  	s0 =	simm.s32 $0x0  }
0x15a: {  	s18 =	sadd.s32 $0x0, s16;
	s19 =	sand.u32 $0x7, s0  }
0x15b: {  	p1 =	seq.s32 s18, $0x0;
	p2 =	sne.s32 s19, $0x0  }
0x15c: {  	s22 =	simm.s32 $0x10;
	s20 =	simm.s32 $0x1;
	p1 =	por !p1, !p2  }
0x15d: {  	s21 =	sadd.s32 $0x1, s16;
	s19 =	simm.s32 $0x1;
	p1 =	por !p1, !p1  }
0x15e: {  	s18 =	sshrl.u32 s18, $0x3;
	s0 =	sand.u32 $0x70, s0;
	s19 =	simm.s32 @!p1 $0x0  }
0x15f: {  	s30 =	sand.u32 $0x7, s20;
	p5 =	seq.s32 s21, $0x0;
	s18 =	ssub.s32 s18, s19  }
0x160: {  	s20 =	simm.s32 $0x1;
	p6 =	sne.s32 s30, $0x0;
	s18 =	sshll.u32 s18, $0x9  }
0x161: {  	s21 =	sshrl.u32 s21, $0x3;
	p1 =	por !p5, !p6;
	s31 =	sshra.s32 s18, $0x2  }
0x162: {  	p1 =	por !p1, !p1;
	s19 =	simm.s32 $0x2;
	s0 =	sor.u32 s0, s31  }
0x163: {  	v4 =	vimm.f32 $-Inf;
	s20 =	simm.s32 @!p1 $0x0;
	s18 =	simm.s32 $0x20;
	v5 =	vld [tilespmem:s0+$0x4300];
	s0 =	sand.u32 $0x70, s22  }
.LBB2_16:
0x164: {  	s22 =	sadd.s32 s19, s16;
	s23 =	sand.u32 $0x7, s19  }
0x165: {  	s20 =	ssub.s32 s21, s20;
	s24 =	smov.u32 s18;
	p1 =	sne.s32 s18, $0xF0  }
.Ltmp6:
0x166: {  	s18 =	sadd.s32 $0x10, s18;
	s20 =	sshll.u32 s20, $0x9;
	(pc) =	sbr.rel @p1 .LBB2_16-.Ltmp6, $4  }
0x167: {  	p2 =	seq.s32 s22, $0x0;
	p3 =	sne.s32 s23, $0x0;
	s20 =	sshra.s32 s20, $0x2  }
0x168: {  	p2 =	por !p2, !p3;
	s0 =	sor.u32 s0, s20;
	v4 =	vmax.f32 v4, v5  }
0x169: {  	s19 =	sadd.s32 $0x1, s19;
	p2 =	por !p2, !p2;
	s20 =	simm.s32 $0x1;
	v5 =	vld [tilespmem:s0+$0x4300]  }
0x16a: {  	s21 =	sshrl.u32 s22, $0x3;
	s20 =	simm.s32 @!p2 $0x0;
	s0 =	sand.u32 $0x70, s24  }
0x16b: {  	s18 =	ssub.s32 s21, s20  }
0x16c: {  	s18 =	sshll.u32 s18, $0x9  }
0x16d: {  	s18 =	sshra.s32 s18, $0x2  }
0x16e: {  	s0 =	sor.u32 s0, s18  }
0x16f: {  	s31 =	sshll.u32 s17, $0x4;
	s17 =	sadd.s32 $0x1, s17;
	v6 =	vld [tilespmem:s0+$0x4300]  }
0x170: {  	p1 =	sne.s32 s17, $0x20  }
.Ltmp7:
0x171: {  	_ = 	snop;
	(pc) =	sbr.rel @p1 .LBB2_15-.Ltmp7, $4  }
0x172: {  	_ = 	snop  }
0x173: {  	v4 =	vmax.f32 v4, v5  }
0x174: {  	s0 =	sand.u32 $0x3FFFFFF0, s31;
	v4 =	vmax.f32 v4, v6  }
0x175: {  	s16 =	sadd.s32 $0x10, s16;
	[tilespmem:s0+$0x6300] =	vst v4  }
0x176: {  	v4 =	vld [tilespmem:$0x6300]  }
0x177: {  	v5 =	vld [tilespmem:$0x6310]  }
0x178: {  	v6 =	vld [tilespmem:$0x6320]  }
0x179: {  	v7 =	vld [tilespmem:$0x6330]  }
0x17a: {  	v8 =	vld [tilespmem:$0x6340]  }
0x17b: {  	v9 =	vld [tilespmem:$0x6350]  }
0x17c: {  	v10 =	vld [tilespmem:$0x6360]  }
0x17d: {  	v11 =	vld [tilespmem:$0x6370]  }
0x17e: {  	v12 =	vld [tilespmem:$0x6380]  }
0x17f: {  	v13 =	vld [tilespmem:$0x6390]  }
0x180: {  	v14 =	vld [tilespmem:$0x63A0]  }
0x181: {  	v15 =	vld [tilespmem:$0x63B0]  }
0x182: {  	v16 =	vld [tilespmem:$0x63C0]  }
0x183: {  	v17 =	vld [tilespmem:$0x63D0]  }
0x184: {  	v18 =	vld [tilespmem:$0x63E0]  }
0x185: {  	v19 =	vld [tilespmem:$0x63F0]  }
0x186: {  	v20 =	vld [tilespmem:$0x6400]  }
0x187: {  	v21 =	vld [tilespmem:$0x6410]  }
0x188: {  	v22 =	vld [tilespmem:$0x6420]  }
0x189: {  	v23 =	vld [tilespmem:$0x6430]  }
0x18a: {  	v24 =	vld [tilespmem:$0x6440]  }
0x18b: {  	v4 =	vmax.f32 v4, v5;
	v5 =	vld [tilespmem:$0x6450]  }
0x18c: {  	v54 =	vld [tilespmem:$0x6460];
	v53 =	vmax.f32 v20, v21;
	v4 =	vmax.f32 v4, v6  }
0x18d: {  	v55 =	vld [tilespmem:$0x6470];
	v6 =	vmax.f32 v53, v22;
	v4 =	vmax.f32 v4, v7  }
0x18e: {  	v56 =	vld [tilespmem:$0x6480];
	v6 =	vmax.f32 v6, v23;
	v4 =	vmax.f32 v4, v8  }
0x18f: {  	v57 =	vld [tilespmem:$0x6490];
	v6 =	vmax.f32 v6, v24;
	v4 =	vmax.f32 v4, v9  }
0x190: {  	v58 =	vld [tilespmem:$0x64A0];
	v4 =	vmax.f32 v4, v10;
	v5 =	vmax.f32 v6, v5  }
0x191: {  	v59 =	vld [tilespmem:$0x64B0];
	v4 =	vmax.f32 v4, v11;
	v5 =	vmax.f32 v5, v54  }
0x192: {  	v60 =	vld [tilespmem:$0x64C0];
	v4 =	vmax.f32 v4, v12;
	v5 =	vmax.f32 v5, v55  }
0x193: {  	v61 =	vld [tilespmem:$0x64D0];
	v4 =	vmax.f32 v4, v13;
	v5 =	vmax.f32 v5, v56  }
0x194: {  	v62 =	vld [tilespmem:$0x64E0];
	v4 =	vmax.f32 v4, v14;
	v5 =	vmax.f32 v5, v57  }
0x195: {  	v63 =	vld [tilespmem:$0x64F0];
	v4 =	vmax.f32 v4, v15;
	v5 =	vmax.f32 v5, v58  }
0x196: {  	v4 =	vmax.f32 v4, v16;
	v5 =	vmax.f32 v5, v59  }
0x197: {  	v4 =	vmax.f32 v4, v17;
	v5 =	vmax.f32 v5, v60  }
0x198: {  	v4 =	vmax.f32 v4, v18;
	v5 =	vmax.f32 v5, v61  }
0x199: {  	v4 =	vmax.f32 v4, v19;
	v5 =	vmax.f32 v5, v62  }
0x19a: {  	[tilespmem:$0x6500] =	vst v4;
	v4 =	vmax.f32 v5, v63  }
0x19b: {  	s16 =	simm.s32 $0x0;
	s17 =	simm.s32 $0x0;
	[tilespmem:$0x6510] =	vst v4  }
.LBB2_19:
0x19c: {  	v5 =	vld [tilespmem:$0x6500]  }
0x19d: {  	v6 =	vld [tilespmem:$0x6510];
	_ =	sdelay $0x4  }
0x19e: {  	v4 =	vmax.f32 v5, v6  }
0x19f: {  	(xrf0) =	vmax.scan.msk.f32 $0xffff, v4;
	_ =	sdelay $0x5  }
0x1a0: {  	v4, _, _ =	vpop (xrf0)  }
0x1a1: {  	v4 =	vbroadcast v4, $0xF;
	_ =	sdelay $0x1  }
0x1a2: {  	vm0 =	veq.f32 v5, v4  }
0x1a3: {  	v5 =	vnsel vm0, $0x81000000, v2;
	vm0 =	veq.f32 v6, v4  }
0x1a4: {  	(xrf0) =	vmin.scan.msk.u32 $0xffff, v5;
	v5 =	vnsel vm0, $0x81000000, v3  }
0x1a5: {  	(xrf0) =	vmin.scan.msk.u32 $0xffff, v5;
	_ =	sdelay $0x4  }
0x1a6: {  	v5, _, _ =	vpop (xrf0)  }
0x1a7: {  	(v2sf) =	vpush v5, $0xF;
	v5, _, _ =	vpop (xrf0)  }
0x1a8: {  	(v2sf) =	vpush v5, $0xF;
	_ =	sdelay $0xd  }
0x1a9: {  	s0 =	spop (v2sf)  }
0x1aa: {  	s18 =	spop (v2sf)  }
0x1ab: {  	s0 =	sxor.u32 $0x80000000, s0;
	s19 =	sxor.u32 $0x80000000, s18  }
0x1ac: {  	p1 =	slt.s32 s0, s19  }
0x1ad: {  	s19 =	smov.u32 @p1 s0  }
0x1ae: {  	p1 =	slt.s32 s19, $0x1000000  }
0x1af: {  	p2 =	slt.s32 s19, $0x1;
	s19 =	simm.s32 @!p1 $0x1000000  }
0x1b0: {  	s28 =	sshra.s32 s19, $0x1F  }
0x1b1: {  	s0 =	sshrl.u32 s28, $0x1C  }
0x1b2: {  	s0 =	sadd.s32 s0, s19  }
0x1b3: {  	s29 =	sand.u32 $0xFFFFFFF0, s0  }
0x1b4: {  	p1 =	sne.s32 s19, s29  }
0x1b5: {  	p1 =	por !p2, !p1  }
0x1b6: {  	s18 =	simm.s32 $0x1;
	p1 =	por !p1, !p1  }
0x1b7: {  	s21 =	sshra.s32 s0, $0x4;
	s18 =	simm.s32 @!p1 $0x0  }
0x1b8: {  	s0 =	ssub.s32 s21, s18  }
0x1b9: {  	s18 =	sshll.u32 s0, $0xA  }
0x1ba: {  	s18 =	sshra.s32 s18, $0x2  }
0x1bb: {  	s20 =	sadd.s32 $0x6300, s18  }
0x1bc: {  	v5 =	vld [tilespmem:s20+$0x0];
	_ =	sdelay $0x1  }
0x1bd: {  	s19 =	sand.u32 $0xF, s19;
	s20 =	sadd.s32 $0x10, s20  }
0x1be: {  	v8 =	vmov s16;
	v7 =	vmov s19;
	v6 =	vld [tilespmem:s20+$0x0]  }
0x1bf: {  	vm0 =	veq.s32 v7, v0;
	v7 =	vxor.u32 $0x80000000, v8;
	s20 =	sadd.s32 $0x10, s20  }
0x1c0: {  	v9 =	vld [tilespmem:s20+$0x0];
	vm1 =	veq.f32 v5, v4;
	v5 =	vbroadcast v7, $0x0  }
0x1c1: {  	s22 =	simm.s32 $0x1;
	vm1 =	vmand vm0, vm1  }
0x1c2: {  	s23 =	simm.s32 $0x2;
	v7 =	vmov s22;
	v5 =	vnsel vm1, $0x81000000, v5  }
0x1c3: {  	v7 =	vxor.u32 $0x80000000, v7;
	vm2 =	veq.f32 v6, v4;
	v6 =	vmov s23;
	(xrf0) =	vmin.scan.msk.u32 $0xffff, v5  }
0x1c4: {  	v7 =	vbroadcast v7, $0x0;
	v6 =	vxor.u32 $0x80000000, v6  }
0x1c5: {  	vm1 =	vmand vm0, vm2;
	vm2 =	veq.f32 v9, v4;
	v6 =	vbroadcast v6, $0x0  }
0x1c6: {  	v7 =	vnsel vm1, $0x81000000, v7;
	vm1 =	vmand vm0, vm2  }
0x1c7: {  	s20 =	sadd.s32 $0x10, s20;
	(xrf0) =	vmin.scan.msk.u32 $0xffff, v7;
	v6 =	vnsel vm1, $0x81000000, v6  }
0x1c8: {  	s30 =	simm.s32 $0x3;
	v5 =	vld [tilespmem:s20+$0x0];
	(xrf0) =	vmin.scan.msk.u32 $0xffff, v6  }
0x1c9: {  	v6 =	vmov s30;
	v62, _, _ =	vpop (xrf0)  }
0x1ca: {  	v6 =	vxor.u32 $0x80000000, v6;
	(v2sf) =	vpush v62, $0xF;
	_ =	sdelay $0x2  }
0x1cb: {  	vm1 =	veq.f32 v5, v4;
	v5 =	vbroadcast v6, $0x0;
	v6, _, _ =	vpop (xrf0)  }
0x1cc: {  	(v2sf) =	vpush v6, $0xF;
	v6, _, _ =	vpop (xrf0)  }
0x1cd: {  	(v2sf) =	vpush v6, $0xF;
	_ =	sdelay $0x1  }
0x1ce: {  	s25 =	sadd.s32 $0x10, s20  }
0x1cf: {  	v7 =	vld [tilespmem:s25+$0x0]  }
0x1d0: {  	vm1 =	vmand vm0, vm1  }
0x1d1: {  	s31 =	simm.s32 $0x4;
	v5 =	vnsel vm1, $0x81000000, v5  }
0x1d2: {  	v63 =	vmov s31;
	(xrf0) =	vmin.scan.msk.u32 $0xffff, v5  }
0x1d3: {  	s24 =	simm.s32 $0x1000000;
	v8 =	vxor.u32 $0x80000000, v63;
	s22 =	simm.s32 $0x5;
	s23 =	simm.s32 $0xFFFFFFFF  }
0x1d4: {  	s23 =	simm.s32 @!p1 $0x0;
	s20 =	sshll.u32 s0, $0x4;
	s25 =	sadd.s32 $0x10, s25;
	vm1 =	veq.f32 v7, v4;
	v5 =	vbroadcast v8, $0x0  }
.LBB2_20:
0x1d5: {  	s0 =	smov.u32 s24;
	p1 =	sne.s32 s22, $0xF  }
0x1d6: {  	vm1 =	vmand vm0, vm1;
	s26 =	smov.u32 s22;
	s22 =	sadd.s32 $0x1, s22;
	v6 =	vld [tilespmem:s25+$0x0];
	s24 =	spop (v2sf)  }
.Ltmp8:
0x1d7: {  	v7 =	vnsel vm1, $0x81000000, v5;
	s24 =	sxor.u32 $0x80000000, s24;
	(pc) =	sbr.rel @p1 .LBB2_20-.Ltmp8, $4  }
0x1d8: {  	(xrf0) =	vmin.scan.msk.u32 $0xffff, v7;
	v5, _, _ =	vpop (xrf0);
	p2 =	slt.s32 s0, s24  }
0x1d9: {  	v7 =	vmov s26;
	(v2sf) =	vpush v5, $0xF;
	s24 =	smov.u32 @p2 s0  }
0x1da: {  	v5 =	vxor.u32 $0x80000000, v7  }
0x1db: {  	s25 =	sadd.s32 $0x10, s25;
	v5 =	vbroadcast v5, $0x0;
	vm1 =	veq.f32 v6, v4  }
0x1dc: {  	vm1 =	vmand vm0, vm1  }
0x1dd: {  	v5 =	vnsel vm1, $0x81000000, v5  }
0x1de: {  	(xrf0) =	vmin.scan.msk.u32 $0xffff, v5;
	_ =	sdelay $0x3  }
0x1df: {  	v5, _, _ =	vpop (xrf0)  }
0x1e0: {  	(v2sf) =	vpush v5, $0xF  }
0x1e1: {  	v5, _, _ =	vpop (xrf0)  }
0x1e2: {  	(v2sf) =	vpush v5, $0xF;
	_ =	sdelay $0x6  }
0x1e3: {  	s0 =	spop (v2sf)  }
0x1e4: {  	s0 =	sxor.u32 $0x80000000, s0  }
0x1e5: {  	s22 =	spop (v2sf);
	p1 =	slt.s32 s24, s0  }
0x1e6: {  	s22 =	sxor.u32 $0x80000000, s22;
	s0 =	smov.u32 @p1 s24  }
0x1e7: {  	p1 =	slt.s32 s0, s22;
	s7 =	spop (v2sf)  }
0x1e8: {  	s22 =	smov.u32 @p1 s0;
	s0 =	sxor.u32 $0x80000000, s7  }
0x1e9: {  	p1 =	slt.s32 s22, s0;
	s14 =	spop (v2sf)  }
0x1ea: {  	s0 =	smov.u32 @p1 s22;
	s22 =	sxor.u32 $0x80000000, s14  }
0x1eb: {  	p1 =	slt.s32 s0, s22;
	s24 =	spop (v2sf)  }
0x1ec: {  	s22 =	smov.u32 @p1 s0;
	s0 =	sadd.s32 $0x80000000, s24  }
0x1ed: {  	p1 =	slt.s32 s22, s0  }
0x1ee: {  	s21 =	sshll.u32 s21, $0x8;
	s23 =	sshll.u32 s23, $0x8;
	s0 =	smov.u32 @p1 s22  }
0x1ef: {  	s21 =	sadd.s32 s23, s21;
	s0 =	sshll.u32 s0, $0x4  }
0x1f0: {  	s21 =	sadd.s32 s0, s21  }
0x1f1: {  	s0 =	sadd.s32 $0x0, s21  }
0x1f2: {  	s25 =	sshra.s32 s0, $0x1F  }
0x1f3: {  	s23 =	sshrl.u32 s25, $0x1D  }
0x1f4: {  	s23 =	sadd.s32 s23, s0  }
0x1f5: {  	s25 =	sand.u32 $0xFFFFFFF8, s23  }
0x1f6: {  	p6 =	slt.s32 s0, $0x1;
	p2 =	sne.s32 s0, s25  }
0x1f7: {  	p1 =	por !p6, !p2  }
0x1f8: {  	s25 =	simm.s32 $0x1;
	p1 =	por !p1, !p1  }
0x1f9: {  	s23 =	sshrl.u32 s23, $0x3;
	s25 =	simm.s32 @!p1 $0x0  }
0x1fa: {  	s0 =	sshll.u32 s0, $0x4;
	s23 =	ssub.s32 s23, s25  }
0x1fb: {  	s0 =	sadd.s32 $0x80, s0;
	s23 =	sshll.u32 s23, $0x9  }
0x1fc: {  	s0 =	sand.u32 $0x70, s0;
	s23 =	sshra.s32 s23, $0x2  }
0x1fd: {  	s0 =	sor.u32 s0, s23  }
0x1fe: {  	v5 =	vld [tilespmem:s0+$0x4300];
	_ =	sdelay $0x1  }
0x1ff: {  	s2 =	simm.s32 $0x0;
	s23 =	sadd.s32 $0x1, s21  }
0x200: {  	v6 =	vmov s2;
	s26 =	sshra.s32 s23, $0x1F  }
0x201: {  	v6 =	vxor.u32 $0x80000000, v6;
	s0 =	sshrl.u32 s26, $0x1D  }
0x202: {  	s0 =	sadd.s32 s0, s23;
	vm1 =	veq.f32 v5, v4;
	v5 =	vbroadcast v6, $0x0  }
0x203: {  	s7 =	sand.u32 $0xFFFFFFF8, s0;
	vm1 =	vmand vm0, vm1  }
0x204: {  	p3 =	slt.s32 s23, $0x1;
	p4 =	sne.s32 s23, s7;
	v5 =	vnsel vm1, $0x81000000, v5  }
0x205: {  	s28 =	simm.s32 $0x1;
	s26 =	sadd.s32 $0x2, s21;
	p1 =	por !p3, !p4;
	(xrf0) =	vmin.scan.msk.u32 $0xffff, v5  }
0x206: {  	s14 =	sshra.s32 s26, $0x1F;
	p5 =	slt.s32 s26, $0x1;
	p1 =	por !p1, !p1  }
0x207: {  	s25 =	sshrl.u32 s14, $0x1D;
	s0 =	sshrl.u32 s0, $0x3;
	s28 =	simm.s32 @!p1 $0x0  }
0x208: {  	s23 =	sshll.u32 s23, $0x4;
	s25 =	sadd.s32 s25, s26;
	s0 =	ssub.s32 s0, s28  }
0x209: {  	s29 =	sand.u32 $0xFFFFFFF8, s25;
	s23 =	sadd.s32 $0x80, s23;
	s0 =	sshll.u32 s0, $0x9  }
0x20a: {  	p6 =	sne.s32 s26, s29;
	s23 =	sand.u32 $0x70, s23;
	s0 =	sshra.s32 s0, $0x2  }
0x20b: {  	p2 =	por !p5, !p6;
	s0 =	sor.u32 s23, s0;
	v5, _, _ =	vpop (xrf0)  }
0x20c: {  	p2 =	por !p2, !p2;
	s28 =	simm.s32 $0x1;
	(v2sf) =	vpush v5, $0xF;
	v5 =	vld [tilespmem:s0+$0x4300]  }
0x20d: {  	s2 =	sshrl.u32 s25, $0x3;
	s28 =	simm.s32 @!p2 $0x0  }
0x20e: {  	s23 =	ssub.s32 s2, s28;
	s2 =	simm.s32 $0x1  }
0x20f: {  	s24 =	sxor.u32 $0x80000000, s24;
	s25 =	sadd.s32 $0x3, s21;
	s26 =	sshll.u32 s26, $0x4;
	v7 =	vmov s2  }
0x210: {  	s26 =	sadd.s32 $0x80, s26;
	s28 =	sshra.s32 s25, $0x1F;
	s23 =	sshll.u32 s23, $0x9;
	v7 =	vxor.u32 $0x80000000, v7  }
0x211: {  	s26 =	sand.u32 $0x70, s26;
	s28 =	sshrl.u32 s28, $0x1D;
	s23 =	sshra.s32 s23, $0x2;
	vm1 =	veq.f32 v5, v4;
	v5 =	vbroadcast v7, $0x0  }
0x212: {  	p1 =	slt.s32 s22, s24;
	s7 =	sor.u32 s26, s23;
	s0 =	sadd.s32 s28, s25;
	vm1 =	vmand vm0, vm1  }
0x213: {  	s24 =	smov.u32 @p1 s22;
	v6 =	vld [tilespmem:s7+$0x4300];
	s26 =	sand.u32 $0xFFFFFFF8, s0;
	v5 =	vnsel vm1, $0x81000000, v5  }
0x214: {  	p3 =	slt.s32 s25, $0x1;
	s14 =	sadd.s32 s20, s24;
	p4 =	sne.s32 s25, s26;
	(xrf0) =	vmin.scan.msk.u32 $0xffff, v5  }
0x215: {  	s24 =	simm.s32 $0x1;
	s7 =	simm.s32 $0x2;
	p1 =	por !p3, !p4  }
0x216: {  	s22 =	sshll.u32 s14, $0x4;
	s14 =	sadd.s32 $0x4, s21;
	v8 =	vmov s7;
	p1 =	por !p1, !p1  }
0x217: {  	p5 =	slt.s32 s14, $0x1;
	s0 =	sshrl.u32 s0, $0x3;
	s24 =	simm.s32 @!p1 $0x0;
	v7 =	vxor.u32 $0x80000000, v8  }
0x218: {  	s28 =	sshra.s32 s14, $0x1F;
	s25 =	sshll.u32 s25, $0x4;
	vm2 =	veq.f32 v6, v4;
	s0 =	ssub.s32 s0, s24;
	v6 =	vbroadcast v7, $0x0  }
0x219: {  	s7 =	sshrl.u32 s28, $0x1D;
	s2 =	sadd.s32 $0x80, s25;
	s0 =	sshll.u32 s0, $0x9;
	vm1 =	vmand vm0, vm2  }
0x21a: {  	s28 =	sadd.s32 $0x5, s21;
	s24 =	sand.u32 $0x70, s2;
	s0 =	sshra.s32 s0, $0x2;
	v5 =	vnsel vm1, $0x81000000, v6;
	v7, _, _ =	vpop (xrf0)  }
0x21b: {  	s30 =	sadd.s32 s7, s14;
	s0 =	sor.u32 s24, s0;
	(xrf0) =	vmin.scan.msk.u32 $0xffff, v5;
	s26 =	spop (v2sf);
	(v2sf) =	vpush v7, $0xF  }
0x21c: {  	s23 =	simm.s32 $0x1000000;
	s31 =	sshra.s32 s28, $0x1F;
	s25 =	sand.u32 $0xFFFFFFF8, s30;
	v5 =	vld [tilespmem:s0+$0x4300]  }
0x21d: {  	s7 =	sshrl.u32 s30, $0x3;
	s30 =	simm.s32 $0x6;
	p6 =	sne.s32 s14, s25  }
0x21e: {  	s25 =	simm.s32 $0x5;
	p1 =	por !p5, !p6;
	s2 =	simm.s32 $0x3  }
0x21f: {  	s14 =	sshll.u32 s14, $0x4;
	p1 =	por !p1, !p1;
	v6 =	vmov s2;
	s2 =	simm.s32 $0x1  }
0x220: {  	s29 =	sadd.s32 $0x80, s14;
	s2 =	simm.s32 @!p1 $0x0;
	v6 =	vxor.u32 $0x80000000, v6;
	s26 =	sxor.u32 $0x80000000, s26  }
0x221: {  	s24 =	simm.s32 $0x4;
	s0 =	ssub.s32 s7, s2;
	v6 =	vbroadcast v6, $0x0;
	vm1 =	veq.f32 v5, v4;
	v5, _, _ =	vpop (xrf0);
	p1 =	sgt.s32 s26, $0x1000000  }
.LBB2_22:
0x222: {  	s2 =	smov.u32 s23;
	p2 =	sne.s32 s30, $0xF  }
0x223: {  	s0 =	sshll.u32 s0, $0x9;
	s23 =	smov.u32 s26;
	s7 =	smov.u32 s24  }
0x224: {  	vm1 =	vmand vm0, vm1;
	s24 =	smov.u32 s25;
	(v2sf) =	vpush v5, $0xF;
	s23 =	smov.u32 @p1 s2;
	s2 =	smov.u32 s28  }
0x225: {  	s25 =	sshrl.u32 s31, $0x1D;
	s26 =	sand.u32 $0x70, s29;
	s0 =	sshra.s32 s0, $0x2;
	v5 =	vnsel vm1, $0x81000000, v6  }
0x226: {  	s14 =	sadd.s32 s25, s2;
	s0 =	sor.u32 s26, s0;
	s25 =	smov.u32 s30;
	(xrf0) =	vmin.scan.msk.u32 $0xffff, v5  }
0x227: {  	s28 =	sadd.s32 s30, s21;
	v6 =	vmov s7;
	s7 =	simm.s32 $0x1;
	s26 =	sand.u32 $0xFFFFFFF8, s14;
	v5 =	vld [tilespmem:s0+$0x4300]  }
.Ltmp9:
0x228: {  	p1 =	slt.s32 s2, $0x1;
	p3 =	sne.s32 s2, s26;
	(pc) =	sbr.rel @p2 .LBB2_22-.Ltmp9, $4  }
0x229: {  	s31 =	sshra.s32 s28, $0x1F;
	s0 =	sshll.u32 s2, $0x4;
	p1 =	por !p1, !p3  }
0x22a: {  	s29 =	sadd.s32 $0x80, s0;
	p1 =	por !p1, !p1;
	s0 =	spop (v2sf)  }
0x22b: {  	v6 =	vxor.u32 $0x80000000, v6;
	s2 =	sshrl.u32 s14, $0x3;
	s7 =	simm.s32 @!p1 $0x0;
	s26 =	sxor.u32 $0x80000000, s0  }
0x22c: {  	s30 =	sadd.s32 $0x1, s30;
	v6 =	vbroadcast v6, $0x0;
	s0 =	ssub.s32 s2, s7;
	vm1 =	veq.f32 v5, v4;
	v5, _, _ =	vpop (xrf0);
	p1 =	slt.s32 s23, s26  }
0x22d: {  	s2 =	sshrl.u32 s31, $0x1D  }
0x22e: {  	s2 =	sadd.s32 s2, s28  }
0x22f: {  	s7 =	sand.u32 $0xFFFFFFF8, s2  }
0x230: {  	p2 =	slt.s32 s28, $0x1;
	p3 =	sne.s32 s28, s7  }
0x231: {  	p2 =	por !p2, !p3  }
0x232: {  	s0 =	sshll.u32 s0, $0x9;
	s7 =	simm.s32 $0x1;
	p2 =	por !p2, !p2  }
0x233: {  	s30 =	sand.u32 $0x70, s29;
	s2 =	sshrl.u32 s2, $0x3;
	s7 =	simm.s32 @!p2 $0x0  }
0x234: {  	s14 =	sshll.u32 s28, $0x4;
	s0 =	sshra.s32 s0, $0x2;
	s2 =	ssub.s32 s2, s7  }
0x235: {  	s31 =	sadd.s32 $0x80, s14;
	s0 =	sor.u32 s30, s0;
	s2 =	sshll.u32 s2, $0x9  }
0x236: {  	v7 =	vld [tilespmem:s0+$0x4300];
	s7 =	sand.u32 $0x70, s31;
	s2 =	sshra.s32 s2, $0x2  }
0x237: {  	s0 =	sor.u32 s7, s2  }
0x238: {  	v8 =	vld [tilespmem:s0+$0x4300]  }
0x239: {  	v9 =	vmov s24  }
0x23a: {  	vm1 =	vmand vm0, vm1;
	v63 =	vmov s25;
	v9 =	vxor.u32 $0x80000000, v9  }
0x23b: {  	v6 =	vnsel vm1, $0x81000000, v6;
	vm1 =	veq.f32 v7, v4;
	v7 =	vbroadcast v9, $0x0  }
0x23c: {  	(xrf0) =	vmin.scan.msk.u32 $0xffff, v6;
	v6 =	vxor.u32 $0x80000000, v63;
	vm1 =	vmand vm0, vm1  }
0x23d: {  	v7 =	vnsel vm1, $0x81000000, v7;
	vm1 =	veq.f32 v8, v4;
	v4 =	vbroadcast v6, $0x0  }
0x23e: {  	(xrf0) =	vmin.scan.msk.u32 $0xffff, v7;
	vm1 =	vmand vm0, vm1  }
0x23f: {  	v4 =	vnsel vm1, $0x81000000, v4  }
0x240: {  	(xrf0) =	vmin.scan.msk.u32 $0xffff, v4  }
0x241: {  	(v2sf) =	vpush v5, $0xF  }
0x242: {  	v4, _, _ =	vpop (xrf0)  }
0x243: {  	(v2sf) =	vpush v4, $0xF  }
0x244: {  	v4, _, _ =	vpop (xrf0)  }
0x245: {  	(v2sf) =	vpush v4, $0xF  }
0x246: {  	v4, _, _ =	vpop (xrf0)  }
0x247: {  	(v2sf) =	vpush v4, $0xF;
	_ =	sdelay $0x6  }
0x248: {  	s14 =	spop (v2sf)  }
0x249: {  	s26 =	smov.u32 @p1 s23;
	s0 =	sxor.u32 $0x80000000, s14  }
0x24a: {  	p1 =	slt.s32 s26, s0;
	s23 =	spop (v2sf)  }
0x24b: {  	s0 =	smov.u32 @p1 s26;
	s2 =	sxor.u32 $0x80000000, s23  }
0x24c: {  	p1 =	slt.s32 s0, s2;
	s24 =	spop (v2sf)  }
0x24d: {  	s2 =	smov.u32 @p1 s0;
	s0 =	sxor.u32 $0x80000000, s24  }
0x24e: {  	s25 =	spop (v2sf);
	p1 =	slt.s32 s2, s0  }
0x24f: {  	s0 =	smov.u32 @p1 s2;
	s2 =	sxor.u32 $0x80000000, s25  }
0x250: {  	p1 =	slt.s32 s0, s2;
	s26 =	spop (v2sf)  }
0x251: {  	s2 =	smov.u32 @p1 s0;
	s0 =	sxor.u32 $0x80000000, s26  }
0x252: {  	p1 =	slt.s32 s2, s0  }
0x253: {  	s0 =	smov.u32 @p1 s2  }
0x254: {  	s0 =	sadd.s32 s22, s0  }
0x255: {  	s29 =	sshra.s32 s0, $0x1F  }
0x256: {  	s2 =	sshrl.u32 s29, $0x1D  }
0x257: {  	s2 =	sadd.s32 s2, s0  }
0x258: {  	s30 =	sand.u32 $0xFFFFFFF8, s2  }
0x259: {  	p5 =	slt.s32 s0, $0x1;
	p6 =	sne.s32 s0, s30  }
0x25a: {  	p1 =	por !p5, !p6  }
0x25b: {  	s7 =	simm.s32 $0x1;
	p1 =	por !p1, !p1  }
0x25c: {  	s31 =	sadd.s32 $0x0, s21;
	s2 =	sshrl.u32 s2, $0x3;
	s7 =	simm.s32 @!p1 $0x0  }
0x25d: {  	s2 =	ssub.s32 s2, s7;
	s7 =	sshra.s32 s31, $0x1F  }
0x25e: {  	s23 =	sshll.u32 s0, $0x4;
	s0 =	sshll.u32 s2, $0x9;
	s2 =	sshrl.u32 s7, $0x1D  }
0x25f: {  	s24 =	sadd.s32 $0x80, s23;
	s2 =	sadd.s32 s2, s31  }
0x260: {  	s7 =	sand.u32 $0x70, s24;
	s0 =	sshra.s32 s0, $0x2;
	s25 =	sand.u32 $0xFFFFFFF8, s2  }
0x261: {  	p3 =	slt.s32 s31, $0x1;
	s0 =	sor.u32 s7, s0;
	p4 =	sne.s32 s31, s25  }
0x262: {  	s14 =	sshll.u32 s31, $0x4;
	s25 =	sadd.s32 $0x1, s21;
	v4 =	vld [tilespmem:s0+$0x4300];
	p1 =	por !p3, !p4  }
0x263: {  	s24 =	simm.s32 $0x1;
	s26 =	sshra.s32 s25, $0x1F;
	p1 =	por !p1, !p1  }
0x264: {  	s2 =	sshrl.u32 s2, $0x3;
	s7 =	sshrl.u32 s26, $0x1D;
	s24 =	simm.s32 @!p1 $0x0  }
0x265: {  	s29 =	sadd.s32 $0x80, s14;
	s26 =	sadd.s32 s7, s25;
	s2 =	ssub.s32 s2, s24  }
0x266: {  	p5 =	slt.s32 s25, $0x1;
	s30 =	sand.u32 $0xFFFFFFF8, s26;
	s2 =	sshll.u32 s2, $0x9  }
0x267: {  	s7 =	sand.u32 $0x70, s29;
	v4 =	vsel vm0, $0xFF800000, v4;
	p6 =	sne.s32 s25, s30;
	s2 =	sshra.s32 s2, $0x2  }
0x268: {  	s24 =	sadd.s32 $0x2, s21;
	[tilespmem:s0+$0x4300] =	vst v4;
	p1 =	por !p5, !p6;
	s31 =	sor.u32 s7, s2  }
0x269: {  	s28 =	simm.s32 $0x3;
	v4 =	vimm.f32 $-Inf;
	s0 =	sshra.s32 s24, $0x1F;
	p2 =	por !p1, !p1;
	v5 =	vld [tilespmem:s31+$0x4300]  }
.LBB2_24:
0x26a: {  	p1 =	sne.s32 s28, $0xF;
	s7 =	simm.s32 $0x1  }
0x26b: {  	s2 =	sshrl.u32 s26, $0x3;
	s0 =	sshrl.u32 s0, $0x1D;
	s7 =	simm.s32 @!p2 $0x0  }
0x26c: {  	s14 =	sshll.u32 s25, $0x4;
	s26 =	sadd.s32 s0, s24;
	s2 =	ssub.s32 s2, s7  }
.Ltmp10:
0x26d: {  	s0 =	sadd.s32 $0x80, s14;
	s2 =	sshll.u32 s2, $0x9;
	(pc) =	sbr.rel @p1 .LBB2_24-.Ltmp10, $4  }
0x26e: {  	s7 =	sand.u32 $0xFFFFFFF8, s26;
	s0 =	sand.u32 $0x70, s0;
	v4 =	vmax.f32 v4, v5;
	s2 =	sshra.s32 s2, $0x2  }
0x26f: {  	p2 =	slt.s32 s24, $0x1;
	p3 =	sne.s32 s24, s7;
	s0 =	sor.u32 s0, s2  }
0x270: {  	s25 =	smov.u32 s24;
	s24 =	sadd.s32 s28, s21;
	p2 =	por !p2, !p3;
	v5 =	vld [tilespmem:s0+$0x4300]  }
0x271: {  	s28 =	sadd.s32 $0x1, s28;
	p2 =	por !p2, !p2;
	s0 =	sshra.s32 s24, $0x1F  }
0x272: {  	s0 =	sshrl.u32 s0, $0x1D  }
0x273: {  	s0 =	sadd.s32 s0, s24  }
0x274: {  	s7 =	sshrl.u32 s26, $0x3;
	p4 =	slt.s32 s24, $0x1;
	s2 =	sand.u32 $0xFFFFFFF8, s0  }
0x275: {  	s14 =	sshll.u32 s25, $0x4;
	s21 =	sshll.u32 s24, $0x4;
	p1 =	sne.s32 s24, s2  }
0x276: {  	s30 =	sadd.s32 $0x80, s14;
	s2 =	simm.s32 $0x1;
	p1 =	por !p4, !p1  }
0x277: {  	s14 =	simm.s32 $0x1;
	s2 =	simm.s32 @!p2 $0x0;
	p1 =	por !p1, !p1  }
0x278: {  	s0 =	sshrl.u32 s0, $0x3;
	s2 =	ssub.s32 s7, s2;
	s14 =	simm.s32 @!p1 $0x0  }
0x279: {  	s31 =	sadd.s32 $0x80, s21;
	s2 =	sshll.u32 s2, $0x9;
	s0 =	ssub.s32 s0, s14  }
0x27a: {  	s7 =	sand.u32 $0x70, s30;
	s2 =	sshra.s32 s2, $0x2;
	s0 =	sshll.u32 s0, $0x9  }
0x27b: {  	s21 =	sand.u32 $0x70, s31;
	s2 =	sor.u32 s7, s2;
	s0 =	sshra.s32 s0, $0x2  }
0x27c: {  	v6 =	vld [tilespmem:s2+$0x4300];
	s0 =	sor.u32 s21, s0  }
0x27d: {  	v7 =	vld [tilespmem:s0+$0x4300];
	_ =	sdelay $0x2  }
0x27e: {  	v4 =	vmax.f32 v4, v5  }
0x27f: {  	v4 =	vmax.f32 v4, v6  }
0x280: {  	v4 =	vmax.f32 v4, v7  }
0x281: {  	[tilespmem:s22+$0x6300] =	vst v4  }
0x282: {  	v4 =	vld [tilespmem:s18+$0x6300]  }
0x283: {  	v5 =	vld [tilespmem:s18+$0x6310]  }
0x284: {  	v54 =	vld [tilespmem:s18+$0x6320]  }
0x285: {  	v55 =	vld [tilespmem:s18+$0x6330]  }
0x286: {  	v8 =	vld [tilespmem:s18+$0x6340]  }
0x287: {  	v9 =	vld [tilespmem:s18+$0x6350]  }
0x288: {  	v4 =	vmax.f32 v4, v5;
	v5 =	vld [tilespmem:s18+$0x6360]  }
0x289: {  	v56 =	vld [tilespmem:s18+$0x6370];
	v4 =	vmax.f32 v4, v54  }
0x28a: {  	v57 =	vld [tilespmem:s18+$0x6380];
	v4 =	vmax.f32 v4, v55  }
0x28b: {  	v58 =	vld [tilespmem:s18+$0x6390];
	v4 =	vmax.f32 v4, v8  }
0x28c: {  	v59 =	vld [tilespmem:s18+$0x63A0];
	v4 =	vmax.f32 v4, v9  }
0x28d: {  	s22 =	sor.u32 s19, s23;
	s23 =	sshra.s32 s23, $0x1F;
	v4 =	vmax.f32 v4, v5;
	v5 =	vld [tilespmem:s18+$0x63B0]  }
0x28e: {  	s14 =	simm.s32 $0x1;
	v60 =	vld [tilespmem:s18+$0x63C0];
	s24 =	sshrl.u32 s23, $0x1C;
	p1 =	sgt.s32 s22, $0x0;
	v4 =	vmax.f32 v4, v56  }
0x28f: {  	v61 =	vld [tilespmem:s18+$0x63D0];
	s7 =	sadd.s32 s24, s22;
	s14 =	simm.s32 @!p1 $0x0;
	v4 =	vmax.f32 v4, v57  }
0x290: {  	v62 =	vld [tilespmem:s18+$0x63E0];
	s2 =	sadd.s32 s14, s23;
	s25 =	sand.u32 $0xFFFFFFF0, s7;
	v4 =	vmax.f32 v4, v58  }
0x291: {  	v63 =	vld [tilespmem:s18+$0x63F0];
	p5 =	sne.s32 s2, $0x1;
	p6 =	sne.s32 s22, s25;
	v4 =	vmax.f32 v4, v59  }
0x292: {  	p1 =	por !p6, !p5;
	v4 =	vmax.f32 v4, v5  }
0x293: {  	s0 =	simm.s32 $0x1;
	p1 =	por !p1, !p1;
	v4 =	vmax.f32 v4, v60  }
0x294: {  	s26 =	sshrl.u32 s7, $0x4;
	s0 =	simm.s32 @!p1 $0x0;
	v4 =	vmax.f32 v4, v61  }
0x295: {  	s0 =	ssub.s32 s26, s0;
	v4 =	vmax.f32 v4, v62  }
0x296: {  	s0 =	sshll.u32 s0, $0x6;
	v4 =	vmax.f32 v4, v63  }
0x297: {  	s0 =	sshra.s32 s0, $0x2;
	[tilespmem:s20+$0x6500] =	vst v4  }
0x298: {  	v4 =	vld [tilespmem:s0+$0x2280];
	_ =	sdelay $0x4  }
0x299: {  	v4 =	vxor.u32 $0x80000000, v4  }
0x29a: {  	v4 =	vnsel vm0, $0x40000000, v4  }
0x29b: {  	(xrf0) =	vmax.scan.msk.u32 $0xffff, v4;
	_ =	sdelay $0x5  }
0x29c: {  	v4, _, _ =	vpop (xrf0)  }
0x29d: {  	(v2sf) =	vpush v4, $0xF;
	_ =	sdelay $0xa  }
0x29e: {  	s28 =	sand.u32 $0x30, s17  }
0x29f: {  	s29 =	sand.u32 $0xF, s17;
	s17 =	sadd.s32 $0x1, s17;
	v4 =	vld [tilespmem:s28+$0x6580]  }
0x2a0: {  	p1 =	sne.s32 s17, $0x40  }
.Ltmp11:
0x2a1: {  	_ = 	snop;
	(pc) =	sbr.rel @p1 .LBB2_19-.Ltmp11, $4  }
0x2a2: {  	v5 =	vmov s29;
	s30 =	spop (v2sf)  }
0x2a3: {  	vm15 =	veq.s32 v5, v0;
	s31 =	sxor.u32 $0x80000000, s30  }
0x2a4: {  	v4 =	vsel vm15, s31, v4  }
0x2a5: {  	[tilespmem:s28+$0x6580] =	vst v4  }
0x2a6: {  	s0 =	sshll.u32 s15, $0x3  }
.Ltmp12:
0x2a7: {  	s0 =	sadd.s32 s5, s0;
	(pc) =	sbr.rel @p0 .LBB2_2-.Ltmp12, $4  }
0x2a8: {  	[hbm4b:s0+s1] =	stream.linear.scatter [tilespmem:s13], [sflag:$0x2], $0x40, $0x38;
	[tilespmem:$0x6600] =	vst v63  }
0x2a9: {  	_ =	swait.ge [sflag:s8], $0x40  }
0x2aa: {  	[sflag:s8] =	ssyncset.done $0x0  }
0x2ab: {  	p1 =	por $0x0, $0x0;
	s0 =	simm.s32 $0x1;
	[sflag:s8] =	ssyncadd.s32 $0xFFFFFFC0  }
0x2ac: {  	s2 =	rddreg [dreg:$0x3]  }
0x2ad: {  	s0 =	rddreg [dreg:$0x2];
	s2 =	sadd.s32 $0x1, s2  }
0x2ae: {  	p0 =	sne.s32 s2, s0  }
.Ltmp13:
0x2af: {  	_ = 	snop;
	(pc) =	sbr.rel @p0 .LBB2_1-.Ltmp13, $1  }
0x2b0: {  	_ =	sdelay $0x3  }
0x2b1: {  	_ =	sfence.sel $0x180000  }
0x2b2: {  	[bflag:$0x0] =	sbarrier.arrive $0xFFFF  }
0x2b3: {  	_ =	strace $0x9000004A  }
0x2b4: {  	s0 =	stileid.u32;
	[bflag:$0x2] =	sbarrier.arrive $0xFFFF  }
0x2b5: {  	p0 =	sne.s32 s0, $0x0;
	s0 =	rddreg [dreg:$0x1]  }
0x2b6: {  	s0 =	sadd.s32 @!p0 $0x100000, s0  }
0x2b7: {  	[sflag:s0] =	ssyncadd.tile.s32 @!p0 $0x1;
	_ =	shalt  }
.Lfunc_end2:
_tile_overlayer_lowered:
.L_overlay_start_2:
0x2b8: {  	(tag) =	ssettag $0x2  }
0x2b9: {  	s0 =	rddreg [dreg:$0x0];
	s2 =	stileid.u32  }
0x2ba: {  	s1 =	rddreg [dreg:$0x1];
	p0 =	sne.s32 s2, $0x0  }
0x2bb: {  	s3 =	rddreg [dreg:$0x2];
	[bflag:$0x3] =	sbarrier.arrive $0xFFFF;
	s2 =	simm.s32 @!p0 $0x1C02  }
0x2bc: {  	[timem:s3], [sflag:s2] =	dma.local @!p0 [hbm:s0], s1  }
0x2bd: {  	s0 =	simm.s32 @!p0 $0x2  }
0x2be: {  	_ =	swait.ge @!p0 [sflag:s0], s1  }
0x2bf: {  	s1 =	ssub.s32 @!p0 $0x0, s1;
	[sflag:s0] =	ssyncset.done @!p0 $0x0  }
0x2c0: {  	[sflag:s0] =	ssyncadd.s32 @!p0 s1  }
0x2c1: {  	[bflag:$0x3] =	sbarrier.arrive $0xFFFF  }
0x2c2: {  	_ =	shalt  }

</sc_bundles>
